<compile_context>
chip_gen: v7x
topology: tpu7x:2x2x1
jax: 0.10.2.dev20260603
libtpu: 0.0.44.dev20260713+nightly
codegen_flags: <defaults>
</compile_context>

<pallas_src>
import functools

import jax
import jax.numpy as jnp
from jax import lax
from jax.experimental import pallas as pl
from jax.experimental.pallas import tpu as pltpu
from jax.experimental.pallas import tpu_sc as plsc

_K = 36
_V = 768
_NW = 32
_R = 64


def _sc_counts(xT, B):
    rows_per_w = B // _NW
    prows_per_w = rows_per_w // 2
    n_super = prows_per_w // (2 * _R)
    mesh = plsc.VectorSubcoreMesh(core_axis_name="c", subcore_axis_name="s")

    @functools.partial(
        pl.kernel,
        mesh=mesh,
        out_type=jax.ShapeDtypeStruct((B // 2, _V), jnp.int32),
        compiler_params=pltpu.CompilerParams(needs_layout_passes=False),
        scratch_types=[
            pltpu.VMEM((_K, rows_per_w), jnp.int32),
            pltpu.VMEM((_R, _V), jnp.int32),
            pltpu.VMEM((_R, _V), jnp.int32),
            pltpu.SemaphoreType.DMA,
            pltpu.SemaphoreType.DMA,
        ],
    )
    def k(x_hbm, c_hbm, x_v, c_v0, c_v1, sem0, sem1):
        wid = lax.axis_index("s") * 2 + lax.axis_index("c")
        lanes = lax.iota(jnp.int32, 16)
        zeros = jnp.zeros((16,), jnp.int32)

        pltpu.sync_copy(x_hbm.at[:, pl.ds(wid * rows_per_w, rows_per_w)], x_v)

        def zbody(j, carry):
            for u in range(8):
                off = (j * 8 + u) * 16
                r = off // _V
                c = off % _V
                c_v0[r, pl.ds(c, 16)] = zeros
                c_v1[r, pl.ds(c, 16)] = zeros
            return carry

        lax.fori_loop(0, _R * _V // (16 * 8), zbody, 0)

        def scatter_chunk(ch, buf, sign):
            v_lo = jnp.full((16,), sign, jnp.int32)
            v_hi = jnp.full((16,), sign * 65536, jnp.int32)

            def gbody(g, carry):
                rp_local = g * 16 + lanes
                rp_w = ch * _R + rp_local
                for i in range(_K):
                    icol = jnp.full((16,), i, jnp.int32)
                    idx_lo = plsc.load_gather(x_v, [icol, 2 * rp_w])
                    plsc.addupdate_scatter(
                        buf, [rp_local, idx_lo], v_lo, mask=idx_lo < _V)
                    idx_hi = plsc.load_gather(x_v, [icol, 2 * rp_w + 1])
                    plsc.addupdate_scatter(
                        buf, [rp_local, idx_hi], v_hi, mask=idx_hi < _V)
                return carry

            lax.fori_loop(0, _R // 16, gbody, 0)

        def out_dma(ch, buf, sem):
            row0 = wid * prows_per_w + ch * _R
            return pltpu.async_copy(buf, c_hbm.at[pl.ds(row0, _R)], sem)

        def super_body(t, carry):
            ch0 = 2 * t
            ch1 = 2 * t + 1
            scatter_chunk(ch0, c_v0, 1)
            d0 = out_dma(ch0, c_v0, sem0)
            scatter_chunk(ch1, c_v1, 1)
            d1 = out_dma(ch1, c_v1, sem1)
            d0.wait()
            scatter_chunk(ch0, c_v0, -1)
            d1.wait()
            scatter_chunk(ch1, c_v1, -1)
            return carry

        lax.fori_loop(0, n_super, super_body, 0)

    return k(xT)


def _tc_repack(t3):

    RM = 96

    def body(t_ref, o_ref):
        t = t_ref[...].reshape(RM, 64, 12)
        t = jnp.swapaxes(t, 1, 2)
        o_ref[...] = t.reshape(RM, _V).astype(jnp.bfloat16)

    return pl.pallas_call(
        body,
        grid=(_V // RM,),
        in_specs=[pl.BlockSpec((RM * 64, 12), lambda i: (i, 0))],
        out_specs=pl.BlockSpec((RM, _V), lambda i: (i, 0)),
        out_shape=jax.ShapeDtypeStruct((_V, _V), jnp.bfloat16),
    )(t3)


def _tc_reduce(Cp, Sb, turn_lo, turn_hi, scal, B):
    H = B // 2
    BM = 512

    def stream_out(Cs, P, u, s_ref):
        q = jnp.sum(Cs * P, axis=1, keepdims=True)
        n = jnp.sum(Cs, axis=1, keepdims=True)
        c3 = Cs[:, 3:4]
        c443 = Cs[:, 443:444]
        p3 = P[:, 3:4]
        p443 = P[:, 443:444]
        t33 = s_ref[0, 0]
        t443 = s_ref[0, 1]
        t440_3 = s_ref[0, 2]
        outw = q - 2.0 * c3 * p3 + c3 * c3 * t33
        outb = (q - 2.0 * c443 * p443 + c443 * c443 * t443
                + (float(_K * _K) - n * n) * t440_3)
        return jnp.where(u == 1, outw, outb)

    def body(c_ref, t_ref, ul_ref, uh_ref, s_ref, ol_ref, oh_ref):
        w = c_ref[...]
        Clo = jnp.bitwise_and(w, 0xFFFF).astype(jnp.float32)
        Chi = jnp.right_shift(w, 16).astype(jnp.float32)
        Sbv = t_ref[...]
        P_lo = jnp.dot(Clo.astype(jnp.bfloat16), Sbv,
                       preferred_element_type=jnp.float32)
        P_hi = jnp.dot(Chi.astype(jnp.bfloat16), Sbv,
                       preferred_element_type=jnp.float32)
        ol_ref[...] = stream_out(Clo, P_lo, ul_ref[...], s_ref)
        oh_ref[...] = stream_out(Chi, P_hi, uh_ref[...], s_ref)

    return pl.pallas_call(
        body,
        grid=(H // BM,),
        in_specs=[
            pl.BlockSpec((BM, _V), lambda i: (i, 0)),
            pl.BlockSpec((_V, _V), lambda i: (0, 0)),
            pl.BlockSpec((BM, 1), lambda i: (i, 0)),
            pl.BlockSpec((BM, 1), lambda i: (i, 0)),
            pl.BlockSpec((1, 128), lambda i: (0, 0)),
        ],
        out_specs=[
            pl.BlockSpec((BM, 1), lambda i: (i, 0)),
            pl.BlockSpec((BM, 1), lambda i: (i, 0)),
        ],
        out_shape=[
            jax.ShapeDtypeStruct((H, 1), jnp.float32),
            jax.ShapeDtypeStruct((H, 1), jnp.float32),
        ],
    )(Cp, Sb, turn_lo, turn_hi, scal)


def kernel(x, turn, tiles, zeros_param):
    B = x.shape[0]
    xT = x.astype(jnp.int32).T
    Cp = _sc_counts(xT, B)

    t3 = jnp.transpose(tiles, (0, 1, 2, 4, 5, 6, 3)).reshape(49152, 12)
    T2b = _tc_repack(t3)

    Sb = ((T2b + T2b.T) * jnp.bfloat16(0.5))
    scal = jnp.pad(
        jnp.stack([T2b[3, 3], T2b[443, 443], T2b[440, 3]]).astype(
            jnp.float32)[None, :],
        ((0, 0), (0, 125)))

    turn32 = turn.astype(jnp.int32)
    out_lo, out_hi = _tc_reduce(
        Cp, Sb, turn32[0::2], turn32[1::2], scal, B)
    out = jnp.concatenate([out_lo, out_hi], axis=1).reshape(B, 1)
    return (out, jnp.zeros((1,), dtype=out.dtype))

# --- scband reference (transcript-rebuilt; emitter-appended) ---
"""Pipeline reference for scband-nnue-67748814127512 (READ-ONLY COPY).

The authoritative reference and input builder live on the scoring server;
editing this copy changes nothing except your own understanding.
"""

import jax, jax.numpy as jnp
import numpy as np

kMaxNumOnesInInput = 36


def _make_weight(tiles, zeros_param, vertically_flipped):
    if vertically_flipped:
        tiles = jnp.flip(tiles, axis=1)
        tiles = jnp.flip(tiles, axis=4)
        tiles = jnp.roll(tiles, 6, axis=0)
        tiles = jnp.roll(tiles, 6, axis=3)
    # emulate torch's in-place zeroing under no_grad: forward sees zeros,
    # backward passes gradient straight through to `tiles`
    tz = tiles.at[0, 0, 3, :].set(0.0)
    tz = tz.at[:, :, :, 0, 0, 3, :].set(0.0)
    tiles = tiles + jax.lax.stop_gradient(tz - tiles)
    dout = tiles.shape[-1]
    return jnp.concatenate([tiles.reshape(768 * 768, dout), zeros_param], axis=0)


def _emb_forward(tiles, zeros_param, x, vertically_flipped):
    W = _make_weight(tiles, zeros_param, vertically_flipped)
    return jnp.take(W, x.astype(jnp.int32), axis=0).sum(axis=1)


def _compute_x_black(x_white):
    mask = x_white < 768
    piece = x_white // 64
    square = x_white % 64
    rank = square // 8
    file = square % 8
    x_black = ((piece + 6) % 12) * 64 + (7 - rank) * 8 + file
    return jnp.where(mask, x_black, jnp.asarray(768, dtype=x_white.dtype))


def _compute_x2(x_white):
    x_black = _compute_x_black(x_white)
    xw = x_white.astype(jnp.int32)
    xb = x_black.astype(jnp.int32)
    x2_white = (xw.reshape(-1, 1, 36) + xw.reshape(-1, 36, 1) * 768).reshape(-1, 36 * 36)
    x2_black = (xb.reshape(-1, 1, 36) + xb.reshape(-1, 36, 1) * 768).reshape(-1, 36 * 36)
    m_w = (xw.reshape(-1, 1, 36) < 768) & (xw.reshape(-1, 36, 1) < 768)
    m_b = (xb.reshape(-1, 1, 36) < 768) & (xb.reshape(-1, 36, 1) < 768)
    m_w = m_w.reshape(-1, 36 * 36)
    m_b = m_b.reshape(-1, 36 * 36)
    x2_white = jnp.where(m_w, x2_white, 3)
    x2_black = jnp.where(m_b, x2_black, 443)
    return x2_white, x2_black


def setup_inputs(seed: int = 0) -> dict:
    key = jax.random.key(seed)
    k1, k2, k3 = jax.random.split(key, 3)
    B = 16384
    dout = 1
    x = jax.random.randint(k1, (B, 36), 0, 769)
    turn = jax.random.randint(k2, (B, 1), 0, 2)
    s = (1.0 / (kMaxNumOnesInInput * kMaxNumOnesInInput)) ** 0.5
    tiles = jax.random.normal(k3, (12, 8, 8, 12, 8, 8, dout), dtype=jnp.float32) * s
    zeros_param = jnp.zeros((1, dout), dtype=jnp.float32)
    return {"x": x, "turn": turn, "tiles": tiles, "zeros_param": zeros_param}


def reference(x, turn, tiles, zeros_param):
    x2_white, x2_black = _compute_x2(x)
    z = _emb_forward(tiles, zeros_param, x2_white, False)
    z_flipped = _emb_forward(tiles, zeros_param, x2_black, True)
    z = jnp.where(turn == 1, z, z_flipped)
    out = z.sum(axis=1, keepdims=True)
    return (out, jnp.zeros((1,), dtype=out.dtype))

if __name__ == "__main__":
    import jax
    _d = setup_inputs()
    print(jax.jit(kernel)(*tuple(_d.values())))

</pallas_src>

<mosaic_0001>
#map = affine_map<(d0, d1) -> (0, 0)>
module attributes {stable_mosaic.version = 14 : i64} {
  func.func @k(%arg0: i32, %arg1: i32, %arg2: memref<36x16384xi32, #tpu.memory_space<hbm>>, %arg3: memref<8192x768xi32, #tpu.memory_space<hbm>>, %arg4: memref<36x512xi32, #tpu.memory_space<vmem>>, %arg5: memref<64x768xi32, #tpu.memory_space<vmem>>, %arg6: memref<64x768xi32, #tpu.memory_space<vmem>>, %arg7: memref<!tpu.dma_semaphore, #tpu.memory_space<semaphore_mem>>, %arg8: memref<!tpu.dma_semaphore, #tpu.memory_space<semaphore_mem>>) attributes {dimension_semantics = [#tpu.dimension_semantics<core_parallel>, #tpu.dimension_semantics<subcore_parallel>], iteration_bounds = array<i64: 2, 16>, scalar_prefetch = 0 : i64, scratch_operands = 5 : i64, tpu.core_type = #tpu.core_type<sc_vector_subcore>, window_params = [{transform_indices = #map}, {transform_indices = #map}]} {
    %mul3A = arith.constant 2 : i32
    %mul3A_0 = arith.muli %arg1, %mul3A : i32
    %add3A = arith.addi %mul3A_0, %arg0 : i32
    %iota3A = tpu.iota {dimensions = array<i32: 0>} : vector<16xi32>
    %broadcast_in_dim3A = arith.constant 0 : i32
    %broadcast_in_dim3A_1 = vector.broadcast %broadcast_in_dim3A : i32 to vector<16xi32>
    %mul3A_2 = arith.constant 512 : i32
    %mul3A_3 = arith.muli %add3A, %mul3A_2 : i32
    "tpu.region"() ({
      %run_scoped3A = tpu.sem_alloc : memref<!tpu.dma_semaphore, #tpu.memory_space<semaphore_mem>>
      %dma_start3A = arith.constant 0 : i32
      %dma_start3A_15 = tpu.memref_slice %arg2[%dma_start3A, %mul3A_3] : memref<36x16384xi32, #tpu.memory_space<hbm>> -> memref<36x512xi32, #tpu.memory_space<hbm>>
      %dma_start3A_16 = arith.constant 0 : i32
      %dma_start3A_17 = tpu.memref_slice %arg2[%dma_start3A_16, %mul3A_3] : memref<36x16384xi32, #tpu.memory_space<hbm>> -> memref<36x512xi32, #tpu.memory_space<hbm>>
      tpu.enqueue_dma source(%dma_start3A_17 : memref<36x512xi32, #tpu.memory_space<hbm>>) target(%arg4 : memref<36x512xi32, #tpu.memory_space<vmem>>) target_semaphore(%run_scoped3A : memref<!tpu.dma_semaphore, #tpu.memory_space<semaphore_mem>>)
      %dma_wait3A = arith.constant 0 : i32
      %dma_wait3A_18 = tpu.memref_slice %arg2[%dma_wait3A, %mul3A_3] : memref<36x16384xi32, #tpu.memory_space<hbm>> -> memref<36x512xi32, #tpu.memory_space<hbm>>
      %dma_wait3A_19 = arith.constant 0 : i32
      %dma_wait3A_20 = tpu.memref_slice %arg2[%dma_wait3A_19, %mul3A_3] : memref<36x16384xi32, #tpu.memory_space<hbm>> -> memref<36x512xi32, #tpu.memory_space<hbm>>
      tpu.wait_dma2 semaphore(%run_scoped3A : memref<!tpu.dma_semaphore, #tpu.memory_space<semaphore_mem>>) src(%dma_wait3A_20 : memref<36x512xi32, #tpu.memory_space<hbm>>) dst(%arg4 : memref<36x512xi32, #tpu.memory_space<vmem>>)
      tpu.yield
    }) : () -> ()
    %scan3A = arith.constant 0 : i32
    %scan3A_4 = arith.constant 0 : i32
    %scan3A_5 = arith.constant 384 : i32
    %scan3A_6 = arith.addi %scan3A_4, %scan3A_5 : i32
    %scan3A_7 = arith.constant 1 : i32
    scf.for %scan3A_15 = %scan3A_4 to %scan3A_6 step %scan3A_7  : i32 {
      %mul3A_16 = arith.constant 8 : i32
      %mul3A_17 = arith.muli %scan3A_15, %mul3A_16 : i32
      %add3A_18 = arith.constant 0 : i32
      %add3A_19 = arith.addi %mul3A_17, %add3A_18 : i32
      %mul3A_20 = arith.constant 16 : i32
      %mul3A_21 = arith.muli %add3A_19, %mul3A_20 : i32
      %jit3A = arith.constant 768 : i32
      %div3A = arith.divsi %mul3A_21, %jit3A : i32
      %sign3A = arith.constant 0 : i32
      %sign3A_22 = arith.cmpi sgt, %mul3A_21, %sign3A : i32
      %sign3A_23 = arith.extui %sign3A_22 : i1 to i32
      %sign3A_24 = arith.constant 0 : i32
      %sign3A_25 = arith.cmpi slt, %mul3A_21, %sign3A_24 : i32
      %sign3A_26 = arith.extui %sign3A_25 : i1 to i32
      %sign3A_27 = arith.subi %sign3A_23, %sign3A_26 : i32
      %sign3A_28 = arith.constant 0 : i32
      %sign3A_29 = arith.cmpi sgt, %jit3A, %sign3A_28 : i32
      %sign3A_30 = arith.extui %sign3A_29 : i1 to i32
      %sign3A_31 = arith.constant 0 : i32
      %sign3A_32 = arith.cmpi slt, %jit3A, %sign3A_31 : i32
      %sign3A_33 = arith.extui %sign3A_32 : i1 to i32
      %sign3A_34 = arith.subi %sign3A_30, %sign3A_33 : i32
      %ne3A = arith.cmpi ne, %sign3A_27, %sign3A_34 : i32
      %rem3A = arith.remsi %mul3A_21, %jit3A : i32
      %ne3A_35 = arith.constant 0 : i32
      %ne3A_36 = arith.cmpi ne, %rem3A, %ne3A_35 : i32
      %and3A = arith.andi %ne3A, %ne3A_36 : i1
      %sub3A = arith.constant 1 : i32
      %sub3A_37 = arith.subi %div3A, %sub3A : i32
      %select_n3A = arith.select %and3A, %sub3A_37, %div3A : i32
      %jit3A_38 = arith.constant 768 : i32
      %eq3A = arith.constant 0 : i32
      %eq3A_39 = arith.cmpi eq, %jit3A_38, %eq3A : i32
      %jit3A_40 = arith.constant 1 : i32
      %select_n3A_41 = arith.select %eq3A_39, %jit3A_40, %jit3A_38 : i32
      %rem3A_42 = arith.remsi %mul3A_21, %select_n3A_41 : i32
      %ne3A_43 = arith.constant 0 : i32
      %ne3A_44 = arith.cmpi ne, %rem3A_42, %ne3A_43 : i32
      %lt3A = arith.constant 0 : i32
      %lt3A_45 = arith.cmpi slt, %rem3A_42, %lt3A : i32
      %lt3A_46 = arith.constant 0 : i32
      %lt3A_47 = arith.cmpi slt, %select_n3A_41, %lt3A_46 : i32
      %ne3A_48 = arith.xori %lt3A_45, %lt3A_47 : i1
      %and3A_49 = arith.andi %ne3A_48, %ne3A_44 : i1
      %add3A_50 = arith.addi %rem3A_42, %select_n3A_41 : i32
      %select_n3A_51 = arith.select %and3A_49, %add3A_50, %rem3A_42 : i32
      %swap3A = arith.index_cast %select_n3A : i32 to index
      %swap3A_52 = arith.index_cast %select_n3A_51 : i32 to index
      %swap3A_53 = tpu.vector_load %arg5[%swap3A, %swap3A_52] {strides = array<i32>} : memref<64x768xi32, #tpu.memory_space<vmem>>, vector<16xi32>,
      tpu.vector_store %arg5[%swap3A, %swap3A_52], %broadcast_in_dim3A_1 {strides = array<i32>} : memref<64x768xi32, #tpu.memory_space<vmem>>, vector<16xi32>,
      %swap3A_54 = arith.index_cast %select_n3A : i32 to index
      %swap3A_55 = arith.index_cast %select_n3A_51 : i32 to index
      %swap3A_56 = tpu.vector_load %arg6[%swap3A_54, %swap3A_55] {strides = array<i32>} : memref<64x768xi32, #tpu.memory_space<vmem>>, vector<16xi32>,
      tpu.vector_store %arg6[%swap3A_54, %swap3A_55], %broadcast_in_dim3A_1 {strides = array<i32>} : memref<64x768xi32, #tpu.memory_space<vmem>>, vector<16xi32>,
      %mul3A_57 = arith.constant 8 : i32
      %mul3A_58 = arith.muli %scan3A_15, %mul3A_57 : i32
      %add3A_59 = arith.constant 1 : i32
      %add3A_60 = arith.addi %mul3A_58, %add3A_59 : i32
      %mul3A_61 = arith.constant 16 : i32
      %mul3A_62 = arith.muli %add3A_60, %mul3A_61 : i32
      %jit3A_63 = arith.constant 768 : i32
      %div3A_64 = arith.divsi %mul3A_62, %jit3A_63 : i32
      %sign3A_65 = arith.constant 0 : i32
      %sign3A_66 = arith.cmpi sgt, %mul3A_62, %sign3A_65 : i32
      %sign3A_67 = arith.extui %sign3A_66 : i1 to i32
      %sign3A_68 = arith.constant 0 : i32
      %sign3A_69 = arith.cmpi slt, %mul3A_62, %sign3A_68 : i32
      %sign3A_70 = arith.extui %sign3A_69 : i1 to i32
      %sign3A_71 = arith.subi %sign3A_67, %sign3A_70 : i32
      %sign3A_72 = arith.constant 0 : i32
      %sign3A_73 = arith.cmpi sgt, %jit3A_63, %sign3A_72 : i32
      %sign3A_74 = arith.extui %sign3A_73 : i1 to i32
      %sign3A_75 = arith.constant 0 : i32
      %sign3A_76 = arith.cmpi slt, %jit3A_63, %sign3A_75 : i32
      %sign3A_77 = arith.extui %sign3A_76 : i1 to i32
      %sign3A_78 = arith.subi %sign3A_74, %sign3A_77 : i32
      %ne3A_79 = arith.cmpi ne, %sign3A_71, %sign3A_78 : i32
      %rem3A_80 = arith.remsi %mul3A_62, %jit3A_63 : i32
      %ne3A_81 = arith.constant 0 : i32
      %ne3A_82 = arith.cmpi ne, %rem3A_80, %ne3A_81 : i32
      %and3A_83 = arith.andi %ne3A_79, %ne3A_82 : i1
      %sub3A_84 = arith.constant 1 : i32
      %sub3A_85 = arith.subi %div3A_64, %sub3A_84 : i32
      %select_n3A_86 = arith.select %and3A_83, %sub3A_85, %div3A_64 : i32
      %jit3A_87 = arith.constant 768 : i32
      %eq3A_88 = arith.constant 0 : i32
      %eq3A_89 = arith.cmpi eq, %jit3A_87, %eq3A_88 : i32
      %jit3A_90 = arith.constant 1 : i32
      %select_n3A_91 = arith.select %eq3A_89, %jit3A_90, %jit3A_87 : i32
      %rem3A_92 = arith.remsi %mul3A_62, %select_n3A_91 : i32
      %ne3A_93 = arith.constant 0 : i32
      %ne3A_94 = arith.cmpi ne, %rem3A_92, %ne3A_93 : i32
      %lt3A_95 = arith.constant 0 : i32
      %lt3A_96 = arith.cmpi slt, %rem3A_92, %lt3A_95 : i32
      %lt3A_97 = arith.constant 0 : i32
      %lt3A_98 = arith.cmpi slt, %select_n3A_91, %lt3A_97 : i32
      %ne3A_99 = arith.xori %lt3A_96, %lt3A_98 : i1
      %and3A_100 = arith.andi %ne3A_99, %ne3A_94 : i1
      %add3A_101 = arith.addi %rem3A_92, %select_n3A_91 : i32
      %select_n3A_102 = arith.select %and3A_100, %add3A_101, %rem3A_92 : i32
      %swap3A_103 = arith.index_cast %select_n3A_86 : i32 to index
      %swap3A_104 = arith.index_cast %select_n3A_102 : i32 to index
      %swap3A_105 = tpu.vector_load %arg5[%swap3A_103, %swap3A_104] {strides = array<i32>} : memref<64x768xi32, #tpu.memory_space<vmem>>, vector<16xi32>,
      tpu.vector_store %arg5[%swap3A_103, %swap3A_104], %broadcast_in_dim3A_1 {strides = array<i32>} : memref<64x768xi32, #tpu.memory_space<vmem>>, vector<16xi32>,
      %swap3A_106 = arith.index_cast %select_n3A_86 : i32 to index
      %swap3A_107 = arith.index_cast %select_n3A_102 : i32 to index
      %swap3A_108 = tpu.vector_load %arg6[%swap3A_106, %swap3A_107] {strides = array<i32>} : memref<64x768xi32, #tpu.memory_space<vmem>>, vector<16xi32>,
      tpu.vector_store %arg6[%swap3A_106, %swap3A_107], %broadcast_in_dim3A_1 {strides = array<i32>} : memref<64x768xi32, #tpu.memory_space<vmem>>, vector<16xi32>,
      %mul3A_109 = arith.constant 8 : i32
      %mul3A_110 = arith.muli %scan3A_15, %mul3A_109 : i32
      %add3A_111 = arith.constant 2 : i32
      %add3A_112 = arith.addi %mul3A_110, %add3A_111 : i32
      %mul3A_113 = arith.constant 16 : i32
      %mul3A_114 = arith.muli %add3A_112, %mul3A_113 : i32
      %jit3A_115 = arith.constant 768 : i32
      %div3A_116 = arith.divsi %mul3A_114, %jit3A_115 : i32
      %sign3A_117 = arith.constant 0 : i32
      %sign3A_118 = arith.cmpi sgt, %mul3A_114, %sign3A_117 : i32
      %sign3A_119 = arith.extui %sign3A_118 : i1 to i32
      %sign3A_120 = arith.constant 0 : i32
      %sign3A_121 = arith.cmpi slt, %mul3A_114, %sign3A_120 : i32
      %sign3A_122 = arith.extui %sign3A_121 : i1 to i32
      %sign3A_123 = arith.subi %sign3A_119, %sign3A_122 : i32
      %sign3A_124 = arith.constant 0 : i32
      %sign3A_125 = arith.cmpi sgt, %jit3A_115, %sign3A_124 : i32
      %sign3A_126 = arith.extui %sign3A_125 : i1 to i32
      %sign3A_127 = arith.constant 0 : i32
      %sign3A_128 = arith.cmpi slt, %jit3A_115, %sign3A_127 : i32
      %sign3A_129 = arith.extui %sign3A_128 : i1 to i32
      %sign3A_130 = arith.subi %sign3A_126, %sign3A_129 : i32
      %ne3A_131 = arith.cmpi ne, %sign3A_123, %sign3A_130 : i32
      %rem3A_132 = arith.remsi %mul3A_114, %jit3A_115 : i32
      %ne3A_133 = arith.constant 0 : i32
      %ne3A_134 = arith.cmpi ne, %rem3A_132, %ne3A_133 : i32
      %and3A_135 = arith.andi %ne3A_131, %ne3A_134 : i1
      %sub3A_136 = arith.constant 1 : i32
      %sub3A_137 = arith.subi %div3A_116, %sub3A_136 : i32
      %select_n3A_138 = arith.select %and3A_135, %sub3A_137, %div3A_116 : i32
      %jit3A_139 = arith.constant 768 : i32
      %eq3A_140 = arith.constant 0 : i32
      %eq3A_141 = arith.cmpi eq, %jit3A_139, %eq3A_140 : i32
      %jit3A_142 = arith.constant 1 : i32
      %select_n3A_143 = arith.select %eq3A_141, %jit3A_142, %jit3A_139 : i32
      %rem3A_144 = arith.remsi %mul3A_114, %select_n3A_143 : i32
      %ne3A_145 = arith.constant 0 : i32
      %ne3A_146 = arith.cmpi ne, %rem3A_144, %ne3A_145 : i32
      %lt3A_147 = arith.constant 0 : i32
      %lt3A_148 = arith.cmpi slt, %rem3A_144, %lt3A_147 : i32
      %lt3A_149 = arith.constant 0 : i32
      %lt3A_150 = arith.cmpi slt, %select_n3A_143, %lt3A_149 : i32
      %ne3A_151 = arith.xori %lt3A_148, %lt3A_150 : i1
      %and3A_152 = arith.andi %ne3A_151, %ne3A_146 : i1
      %add3A_153 = arith.addi %rem3A_144, %select_n3A_143 : i32
      %select_n3A_154 = arith.select %and3A_152, %add3A_153, %rem3A_144 : i32
      %swap3A_155 = arith.index_cast %select_n3A_138 : i32 to index
      %swap3A_156 = arith.index_cast %select_n3A_154 : i32 to index
      %swap3A_157 = tpu.vector_load %arg5[%swap3A_155, %swap3A_156] {strides = array<i32>} : memref<64x768xi32, #tpu.memory_space<vmem>>, vector<16xi32>,
      tpu.vector_store %arg5[%swap3A_155, %swap3A_156], %broadcast_in_dim3A_1 {strides = array<i32>} : memref<64x768xi32, #tpu.memory_space<vmem>>, vector<16xi32>,
      %swap3A_158 = arith.index_cast %select_n3A_138 : i32 to index
      %swap3A_159 = arith.index_cast %select_n3A_154 : i32 to index
      %swap3A_160 = tpu.vector_load %arg6[%swap3A_158, %swap3A_159] {strides = array<i32>} : memref<64x768xi32, #tpu.memory_space<vmem>>, vector<16xi32>,
      tpu.vector_store %arg6[%swap3A_158, %swap3A_159], %broadcast_in_dim3A_1 {strides = array<i32>} : memref<64x768xi32, #tpu.memory_space<vmem>>, vector<16xi32>,
      %mul3A_161 = arith.constant 8 : i32
      %mul3A_162 = arith.muli %scan3A_15, %mul3A_161 : i32
      %add3A_163 = arith.constant 3 : i32
      %add3A_164 = arith.addi %mul3A_162, %add3A_163 : i32
      %mul3A_165 = arith.constant 16 : i32
      %mul3A_166 = arith.muli %add3A_164, %mul3A_165 : i32
      %jit3A_167 = arith.constant 768 : i32
      %div3A_168 = arith.divsi %mul3A_166, %jit3A_167 : i32
      %sign3A_169 = arith.constant 0 : i32
      %sign3A_170 = arith.cmpi sgt, %mul3A_166, %sign3A_169 : i32
      %sign3A_171 = arith.extui %sign3A_170 : i1 to i32
      %sign3A_172 = arith.constant 0 : i32
      %sign3A_173 = arith.cmpi slt, %mul3A_166, %sign3A_172 : i32
      %sign3A_174 = arith.extui %sign3A_173 : i1 to i32
      %sign3A_175 = arith.subi %sign3A_171, %sign3A_174 : i32
      %sign3A_176 = arith.constant 0 : i32
      %sign3A_177 = arith.cmpi sgt, %jit3A_167, %sign3A_176 : i32
      %sign3A_178 = arith.extui %sign3A_177 : i1 to i32
      %sign3A_179 = arith.constant 0 : i32
      %sign3A_180 = arith.cmpi slt, %jit3A_167, %sign3A_179 : i32
      %sign3A_181 = arith.extui %sign3A_180 : i1 to i32
      %sign3A_182 = arith.subi %sign3A_178, %sign3A_181 : i32
      %ne3A_183 = arith.cmpi ne, %sign3A_175, %sign3A_182 : i32
      %rem3A_184 = arith.remsi %mul3A_166, %jit3A_167 : i32
      %ne3A_185 = arith.constant 0 : i32
      %ne3A_186 = arith.cmpi ne, %rem3A_184, %ne3A_185 : i32
      %and3A_187 = arith.andi %ne3A_183, %ne3A_186 : i1
      %sub3A_188 = arith.constant 1 : i32
      %sub3A_189 = arith.subi %div3A_168, %sub3A_188 : i32
      %select_n3A_190 = arith.select %and3A_187, %sub3A_189, %div3A_168 : i32
      %jit3A_191 = arith.constant 768 : i32
      %eq3A_192 = arith.constant 0 : i32
      %eq3A_193 = arith.cmpi eq, %jit3A_191, %eq3A_192 : i32
      %jit3A_194 = arith.constant 1 : i32
      %select_n3A_195 = arith.select %eq3A_193, %jit3A_194, %jit3A_191 : i32
      %rem3A_196 = arith.remsi %mul3A_166, %select_n3A_195 : i32
      %ne3A_197 = arith.constant 0 : i32
      %ne3A_198 = arith.cmpi ne, %rem3A_196, %ne3A_197 : i32
      %lt3A_199 = arith.constant 0 : i32
      %lt3A_200 = arith.cmpi slt, %rem3A_196, %lt3A_199 : i32
      %lt3A_201 = arith.constant 0 : i32
      %lt3A_202 = arith.cmpi slt, %select_n3A_195, %lt3A_201 : i32
      %ne3A_203 = arith.xori %lt3A_200, %lt3A_202 : i1
      %and3A_204 = arith.andi %ne3A_203, %ne3A_198 : i1
      %add3A_205 = arith.addi %rem3A_196, %select_n3A_195 : i32
      %select_n3A_206 = arith.select %and3A_204, %add3A_205, %rem3A_196 : i32
      %swap3A_207 = arith.index_cast %select_n3A_190 : i32 to index
      %swap3A_208 = arith.index_cast %select_n3A_206 : i32 to index
      %swap3A_209 = tpu.vector_load %arg5[%swap3A_207, %swap3A_208] {strides = array<i32>} : memref<64x768xi32, #tpu.memory_space<vmem>>, vector<16xi32>,
      tpu.vector_store %arg5[%swap3A_207, %swap3A_208], %broadcast_in_dim3A_1 {strides = array<i32>} : memref<64x768xi32, #tpu.memory_space<vmem>>, vector<16xi32>,
      %swap3A_210 = arith.index_cast %select_n3A_190 : i32 to index
      %swap3A_211 = arith.index_cast %select_n3A_206 : i32 to index
      %swap3A_212 = tpu.vector_load %arg6[%swap3A_210, %swap3A_211] {strides = array<i32>} : memref<64x768xi32, #tpu.memory_space<vmem>>, vector<16xi32>,
      tpu.vector_store %arg6[%swap3A_210, %swap3A_211], %broadcast_in_dim3A_1 {strides = array<i32>} : memref<64x768xi32, #tpu.memory_space<vmem>>, vector<16xi32>,
      %mul3A_213 = arith.constant 8 : i32
      %mul3A_214 = arith.muli %scan3A_15, %mul3A_213 : i32
      %add3A_215 = arith.constant 4 : i32
      %add3A_216 = arith.addi %mul3A_214, %add3A_215 : i32
      %mul3A_217 = arith.constant 16 : i32
      %mul3A_218 = arith.muli %add3A_216, %mul3A_217 : i32
      %jit3A_219 = arith.constant 768 : i32
      %div3A_220 = arith.divsi %mul3A_218, %jit3A_219 : i32
      %sign3A_221 = arith.constant 0 : i32
      %sign3A_222 = arith.cmpi sgt, %mul3A_218, %sign3A_221 : i32
      %sign3A_223 = arith.extui %sign3A_222 : i1 to i32
      %sign3A_224 = arith.constant 0 : i32
      %sign3A_225 = arith.cmpi slt, %mul3A_218, %sign3A_224 : i32
      %sign3A_226 = arith.extui %sign3A_225 : i1 to i32
      %sign3A_227 = arith.subi %sign3A_223, %sign3A_226 : i32
      %sign3A_228 = arith.constant 0 : i32
      %sign3A_229 = arith.cmpi sgt, %jit3A_219, %sign3A_228 : i32
      %sign3A_230 = arith.extui %sign3A_229 : i1 to i32
      %sign3A_231 = arith.constant 0 : i32
      %sign3A_232 = arith.cmpi slt, %jit3A_219, %sign3A_231 : i32
      %sign3A_233 = arith.extui %sign3A_232 : i1 to i32
      %sign3A_234 = arith.subi %sign3A_230, %sign3A_233 : i32
      %ne3A_235 = arith.cmpi ne, %sign3A_227, %sign3A_234 : i32
      %rem3A_236 = arith.remsi %mul3A_218, %jit3A_219 : i32
      %ne3A_237 = arith.constant 0 : i32
      %ne3A_238 = arith.cmpi ne, %rem3A_236, %ne3A_237 : i32
      %and3A_239 = arith.andi %ne3A_235, %ne3A_238 : i1
      %sub3A_240 = arith.constant 1 : i32
      %sub3A_241 = arith.subi %div3A_220, %sub3A_240 : i32
      %select_n3A_242 = arith.select %and3A_239, %sub3A_241, %div3A_220 : i32
      %jit3A_243 = arith.constant 768 : i32
      %eq3A_244 = arith.constant 0 : i32
      %eq3A_245 = arith.cmpi eq, %jit3A_243, %eq3A_244 : i32
      %jit3A_246 = arith.constant 1 : i32
      %select_n3A_247 = arith.select %eq3A_245, %jit3A_246, %jit3A_243 : i32
      %rem3A_248 = arith.remsi %mul3A_218, %select_n3A_247 : i32
      %ne3A_249 = arith.constant 0 : i32
      %ne3A_250 = arith.cmpi ne, %rem3A_248, %ne3A_249 : i32
      %lt3A_251 = arith.constant 0 : i32
      %lt3A_252 = arith.cmpi slt, %rem3A_248, %lt3A_251 : i32
      %lt3A_253 = arith.constant 0 : i32
      %lt3A_254 = arith.cmpi slt, %select_n3A_247, %lt3A_253 : i32
      %ne3A_255 = arith.xori %lt3A_252, %lt3A_254 : i1
      %and3A_256 = arith.andi %ne3A_255, %ne3A_250 : i1
      %add3A_257 = arith.addi %rem3A_248, %select_n3A_247 : i32
      %select_n3A_258 = arith.select %and3A_256, %add3A_257, %rem3A_248 : i32
      %swap3A_259 = arith.index_cast %select_n3A_242 : i32 to index
      %swap3A_260 = arith.index_cast %select_n3A_258 : i32 to index
      %swap3A_261 = tpu.vector_load %arg5[%swap3A_259, %swap3A_260] {strides = array<i32>} : memref<64x768xi32, #tpu.memory_space<vmem>>, vector<16xi32>,
      tpu.vector_store %arg5[%swap3A_259, %swap3A_260], %broadcast_in_dim3A_1 {strides = array<i32>} : memref<64x768xi32, #tpu.memory_space<vmem>>, vector<16xi32>,
      %swap3A_262 = arith.index_cast %select_n3A_242 : i32 to index
      %swap3A_263 = arith.index_cast %select_n3A_258 : i32 to index
      %swap3A_264 = tpu.vector_load %arg6[%swap3A_262, %swap3A_263] {strides = array<i32>} : memref<64x768xi32, #tpu.memory_space<vmem>>, vector<16xi32>,
      tpu.vector_store %arg6[%swap3A_262, %swap3A_263], %broadcast_in_dim3A_1 {strides = array<i32>} : memref<64x768xi32, #tpu.memory_space<vmem>>, vector<16xi32>,
      %mul3A_265 = arith.constant 8 : i32
      %mul3A_266 = arith.muli %scan3A_15, %mul3A_265 : i32
      %add3A_267 = arith.constant 5 : i32
      %add3A_268 = arith.addi %mul3A_266, %add3A_267 : i32
      %mul3A_269 = arith.constant 16 : i32
      %mul3A_270 = arith.muli %add3A_268, %mul3A_269 : i32
      %jit3A_271 = arith.constant 768 : i32
      %div3A_272 = arith.divsi %mul3A_270, %jit3A_271 : i32
      %sign3A_273 = arith.constant 0 : i32
      %sign3A_274 = arith.cmpi sgt, %mul3A_270, %sign3A_273 : i32
      %sign3A_275 = arith.extui %sign3A_274 : i1 to i32
      %sign3A_276 = arith.constant 0 : i32
      %sign3A_277 = arith.cmpi slt, %mul3A_270, %sign3A_276 : i32
      %sign3A_278 = arith.extui %sign3A_277 : i1 to i32
      %sign3A_279 = arith.subi %sign3A_275, %sign3A_278 : i32
      %sign3A_280 = arith.constant 0 : i32
      %sign3A_281 = arith.cmpi sgt, %jit3A_271, %sign3A_280 : i32
      %sign3A_282 = arith.extui %sign3A_281 : i1 to i32
      %sign3A_283 = arith.constant 0 : i32
      %sign3A_284 = arith.cmpi slt, %jit3A_271, %sign3A_283 : i32
      %sign3A_285 = arith.extui %sign3A_284 : i1 to i32
      %sign3A_286 = arith.subi %sign3A_282, %sign3A_285 : i32
      %ne3A_287 = arith.cmpi ne, %sign3A_279, %sign3A_286 : i32
      %rem3A_288 = arith.remsi %mul3A_270, %jit3A_271 : i32
      %ne3A_289 = arith.constant 0 : i32
      %ne3A_290 = arith.cmpi ne, %rem3A_288, %ne3A_289 : i32
      %and3A_291 = arith.andi %ne3A_287, %ne3A_290 : i1
      %sub3A_292 = arith.constant 1 : i32
      %sub3A_293 = arith.subi %div3A_272, %sub3A_292 : i32
      %select_n3A_294 = arith.select %and3A_291, %sub3A_293, %div3A_272 : i32
      %jit3A_295 = arith.constant 768 : i32
      %eq3A_296 = arith.constant 0 : i32
      %eq3A_297 = arith.cmpi eq, %jit3A_295, %eq3A_296 : i32
      %jit3A_298 = arith.constant 1 : i32
      %select_n3A_299 = arith.select %eq3A_297, %jit3A_298, %jit3A_295 : i32
      %rem3A_300 = arith.remsi %mul3A_270, %select_n3A_299 : i32
      %ne3A_301 = arith.constant 0 : i32
      %ne3A_302 = arith.cmpi ne, %rem3A_300, %ne3A_301 : i32
      %lt3A_303 = arith.constant 0 : i32
      %lt3A_304 = arith.cmpi slt, %rem3A_300, %lt3A_303 : i32
      %lt3A_305 = arith.constant 0 : i32
      %lt3A_306 = arith.cmpi slt, %select_n3A_299, %lt3A_305 : i32
      %ne3A_307 = arith.xori %lt3A_304, %lt3A_306 : i1
      %and3A_308 = arith.andi %ne3A_307, %ne3A_302 : i1
      %add3A_309 = arith.addi %rem3A_300, %select_n3A_299 : i32
      %select_n3A_310 = arith.select %and3A_308, %add3A_309, %rem3A_300 : i32
      %swap3A_311 = arith.index_cast %select_n3A_294 : i32 to index
      %swap3A_312 = arith.index_cast %select_n3A_310 : i32 to index
      %swap3A_313 = tpu.vector_load %arg5[%swap3A_311, %swap3A_312] {strides = array<i32>} : memref<64x768xi32, #tpu.memory_space<vmem>>, vector<16xi32>,
      tpu.vector_store %arg5[%swap3A_311, %swap3A_312], %broadcast_in_dim3A_1 {strides = array<i32>} : memref<64x768xi32, #tpu.memory_space<vmem>>, vector<16xi32>,
      %swap3A_314 = arith.index_cast %select_n3A_294 : i32 to index
      %swap3A_315 = arith.index_cast %select_n3A_310 : i32 to index
      %swap3A_316 = tpu.vector_load %arg6[%swap3A_314, %swap3A_315] {strides = array<i32>} : memref<64x768xi32, #tpu.memory_space<vmem>>, vector<16xi32>,
      tpu.vector_store %arg6[%swap3A_314, %swap3A_315], %broadcast_in_dim3A_1 {strides = array<i32>} : memref<64x768xi32, #tpu.memory_space<vmem>>, vector<16xi32>,
      %mul3A_317 = arith.constant 8 : i32
      %mul3A_318 = arith.muli %scan3A_15, %mul3A_317 : i32
      %add3A_319 = arith.constant 6 : i32
      %add3A_320 = arith.addi %mul3A_318, %add3A_319 : i32
      %mul3A_321 = arith.constant 16 : i32
      %mul3A_322 = arith.muli %add3A_320, %mul3A_321 : i32
      %jit3A_323 = arith.constant 768 : i32
      %div3A_324 = arith.divsi %mul3A_322, %jit3A_323 : i32
      %sign3A_325 = arith.constant 0 : i32
      %sign3A_326 = arith.cmpi sgt, %mul3A_322, %sign3A_325 : i32
      %sign3A_327 = arith.extui %sign3A_326 : i1 to i32
      %sign3A_328 = arith.constant 0 : i32
      %sign3A_329 = arith.cmpi slt, %mul3A_322, %sign3A_328 : i32
      %sign3A_330 = arith.extui %sign3A_329 : i1 to i32
      %sign3A_331 = arith.subi %sign3A_327, %sign3A_330 : i32
      %sign3A_332 = arith.constant 0 : i32
      %sign3A_333 = arith.cmpi sgt, %jit3A_323, %sign3A_332 : i32
      %sign3A_334 = arith.extui %sign3A_333 : i1 to i32
      %sign3A_335 = arith.constant 0 : i32
      %sign3A_336 = arith.cmpi slt, %jit3A_323, %sign3A_335 : i32
      %sign3A_337 = arith.extui %sign3A_336 : i1 to i32
      %sign3A_338 = arith.subi %sign3A_334, %sign3A_337 : i32
      %ne3A_339 = arith.cmpi ne, %sign3A_331, %sign3A_338 : i32
      %rem3A_340 = arith.remsi %mul3A_322, %jit3A_323 : i32
      %ne3A_341 = arith.constant 0 : i32
      %ne3A_342 = arith.cmpi ne, %rem3A_340, %ne3A_341 : i32
      %and3A_343 = arith.andi %ne3A_339, %ne3A_342 : i1
      %sub3A_344 = arith.constant 1 : i32
      %sub3A_345 = arith.subi %div3A_324, %sub3A_344 : i32
      %select_n3A_346 = arith.select %and3A_343, %sub3A_345, %div3A_324 : i32
      %jit3A_347 = arith.constant 768 : i32
      %eq3A_348 = arith.constant 0 : i32
      %eq3A_349 = arith.cmpi eq, %jit3A_347, %eq3A_348 : i32
      %jit3A_350 = arith.constant 1 : i32
      %select_n3A_351 = arith.select %eq3A_349, %jit3A_350, %jit3A_347 : i32
      %rem3A_352 = arith.remsi %mul3A_322, %select_n3A_351 : i32
      %ne3A_353 = arith.constant 0 : i32
      %ne3A_354 = arith.cmpi ne, %rem3A_352, %ne3A_353 : i32
      %lt3A_355 = arith.constant 0 : i32
      %lt3A_356 = arith.cmpi slt, %rem3A_352, %lt3A_355 : i32
      %lt3A_357 = arith.constant 0 : i32
      %lt3A_358 = arith.cmpi slt, %select_n3A_351, %lt3A_357 : i32
      %ne3A_359 = arith.xori %lt3A_356, %lt3A_358 : i1
      %and3A_360 = arith.andi %ne3A_359, %ne3A_354 : i1
      %add3A_361 = arith.addi %rem3A_352, %select_n3A_351 : i32
      %select_n3A_362 = arith.select %and3A_360, %add3A_361, %rem3A_352 : i32
      %swap3A_363 = arith.index_cast %select_n3A_346 : i32 to index
      %swap3A_364 = arith.index_cast %select_n3A_362 : i32 to index
      %swap3A_365 = tpu.vector_load %arg5[%swap3A_363, %swap3A_364] {strides = array<i32>} : memref<64x768xi32, #tpu.memory_space<vmem>>, vector<16xi32>,
      tpu.vector_store %arg5[%swap3A_363, %swap3A_364], %broadcast_in_dim3A_1 {strides = array<i32>} : memref<64x768xi32, #tpu.memory_space<vmem>>, vector<16xi32>,
      %swap3A_366 = arith.index_cast %select_n3A_346 : i32 to index
      %swap3A_367 = arith.index_cast %select_n3A_362 : i32 to index
      %swap3A_368 = tpu.vector_load %arg6[%swap3A_366, %swap3A_367] {strides = array<i32>} : memref<64x768xi32, #tpu.memory_space<vmem>>, vector<16xi32>,
      tpu.vector_store %arg6[%swap3A_366, %swap3A_367], %broadcast_in_dim3A_1 {strides = array<i32>} : memref<64x768xi32, #tpu.memory_space<vmem>>, vector<16xi32>,
      %mul3A_369 = arith.constant 8 : i32
      %mul3A_370 = arith.muli %scan3A_15, %mul3A_369 : i32
      %add3A_371 = arith.constant 7 : i32
      %add3A_372 = arith.addi %mul3A_370, %add3A_371 : i32
      %mul3A_373 = arith.constant 16 : i32
      %mul3A_374 = arith.muli %add3A_372, %mul3A_373 : i32
      %jit3A_375 = arith.constant 768 : i32
      %div3A_376 = arith.divsi %mul3A_374, %jit3A_375 : i32
      %sign3A_377 = arith.constant 0 : i32
      %sign3A_378 = arith.cmpi sgt, %mul3A_374, %sign3A_377 : i32
      %sign3A_379 = arith.extui %sign3A_378 : i1 to i32
      %sign3A_380 = arith.constant 0 : i32
      %sign3A_381 = arith.cmpi slt, %mul3A_374, %sign3A_380 : i32
      %sign3A_382 = arith.extui %sign3A_381 : i1 to i32
      %sign3A_383 = arith.subi %sign3A_379, %sign3A_382 : i32
      %sign3A_384 = arith.constant 0 : i32
      %sign3A_385 = arith.cmpi sgt, %jit3A_375, %sign3A_384 : i32
      %sign3A_386 = arith.extui %sign3A_385 : i1 to i32
      %sign3A_387 = arith.constant 0 : i32
      %sign3A_388 = arith.cmpi slt, %jit3A_375, %sign3A_387 : i32
      %sign3A_389 = arith.extui %sign3A_388 : i1 to i32
      %sign3A_390 = arith.subi %sign3A_386, %sign3A_389 : i32
      %ne3A_391 = arith.cmpi ne, %sign3A_383, %sign3A_390 : i32
      %rem3A_392 = arith.remsi %mul3A_374, %jit3A_375 : i32
      %ne3A_393 = arith.constant 0 : i32
      %ne3A_394 = arith.cmpi ne, %rem3A_392, %ne3A_393 : i32
      %and3A_395 = arith.andi %ne3A_391, %ne3A_394 : i1
      %sub3A_396 = arith.constant 1 : i32
      %sub3A_397 = arith.subi %div3A_376, %sub3A_396 : i32
      %select_n3A_398 = arith.select %and3A_395, %sub3A_397, %div3A_376 : i32
      %jit3A_399 = arith.constant 768 : i32
      %eq3A_400 = arith.constant 0 : i32
      %eq3A_401 = arith.cmpi eq, %jit3A_399, %eq3A_400 : i32
      %jit3A_402 = arith.constant 1 : i32
      %select_n3A_403 = arith.select %eq3A_401, %jit3A_402, %jit3A_399 : i32
      %rem3A_404 = arith.remsi %mul3A_374, %select_n3A_403 : i32
      %ne3A_405 = arith.constant 0 : i32
      %ne3A_406 = arith.cmpi ne, %rem3A_404, %ne3A_405 : i32
      %lt3A_407 = arith.constant 0 : i32
      %lt3A_408 = arith.cmpi slt, %rem3A_404, %lt3A_407 : i32
      %lt3A_409 = arith.constant 0 : i32
      %lt3A_410 = arith.cmpi slt, %select_n3A_403, %lt3A_409 : i32
      %ne3A_411 = arith.xori %lt3A_408, %lt3A_410 : i1
      %and3A_412 = arith.andi %ne3A_411, %ne3A_406 : i1
      %add3A_413 = arith.addi %rem3A_404, %select_n3A_403 : i32
      %select_n3A_414 = arith.select %and3A_412, %add3A_413, %rem3A_404 : i32
      %swap3A_415 = arith.index_cast %select_n3A_398 : i32 to index
      %swap3A_416 = arith.index_cast %select_n3A_414 : i32 to index
      %swap3A_417 = tpu.vector_load %arg5[%swap3A_415, %swap3A_416] {strides = array<i32>} : memref<64x768xi32, #tpu.memory_space<vmem>>, vector<16xi32>,
      tpu.vector_store %arg5[%swap3A_415, %swap3A_416], %broadcast_in_dim3A_1 {strides = array<i32>} : memref<64x768xi32, #tpu.memory_space<vmem>>, vector<16xi32>,
      %swap3A_418 = arith.index_cast %select_n3A_398 : i32 to index
      %swap3A_419 = arith.index_cast %select_n3A_414 : i32 to index
      %swap3A_420 = tpu.vector_load %arg6[%swap3A_418, %swap3A_419] {strides = array<i32>} : memref<64x768xi32, #tpu.memory_space<vmem>>, vector<16xi32>,
      tpu.vector_store %arg6[%swap3A_418, %swap3A_419], %broadcast_in_dim3A_1 {strides = array<i32>} : memref<64x768xi32, #tpu.memory_space<vmem>>, vector<16xi32>,
    }
    %scan3A_8 = arith.constant 384 : i32
    %scan3A_9 = arith.constant 0 : i32
    %scan3A_10 = arith.constant 0 : i32
    %scan3A_11 = arith.constant 2 : i32
    %scan3A_12 = arith.addi %scan3A_10, %scan3A_11 : i32
    %scan3A_13 = arith.constant 1 : i32
    scf.for %scan3A_15 = %scan3A_10 to %scan3A_12 step %scan3A_13  : i32 {
      %mul3A_16 = arith.constant 2 : i32
      %mul3A_17 = arith.muli %mul3A_16, %scan3A_15 : i32
      %mul3A_18 = arith.constant 2 : i32
      %mul3A_19 = arith.muli %mul3A_18, %scan3A_15 : i32
      %add3A_20 = arith.constant 1 : i32
      %add3A_21 = arith.addi %mul3A_19, %add3A_20 : i32
      %broadcast_in_dim3A_22 = arith.constant 1 : i32
      %broadcast_in_dim3A_23 = vector.broadcast %broadcast_in_dim3A_22 : i32 to vector<16xi32>
      %broadcast_in_dim3A_24 = arith.constant 65536 : i32
      %broadcast_in_dim3A_25 = vector.broadcast %broadcast_in_dim3A_24 : i32 to vector<16xi32>
      %scan3A_26 = arith.constant 0 : i32
      %scan3A_27 = arith.constant 0 : i32
      %scan3A_28 = arith.constant 4 : i32
      %scan3A_29 = arith.addi %scan3A_27, %scan3A_28 : i32
      %scan3A_30 = arith.constant 1 : i32
      scf.for %scan3A_86 = %scan3A_27 to %scan3A_29 step %scan3A_30  : i32 {
        %mul3A_87 = arith.constant 16 : i32
        %mul3A_88 = arith.muli %scan3A_86, %mul3A_87 : i32
        %add3A_89 = vector.broadcast %mul3A_88 : i32 to vector<16xi32>
        %add3A_90 = arith.addi %add3A_89, %iota3A : vector<16xi32>
        %mul3A_91 = arith.constant 64 : i32
        %mul3A_92 = arith.muli %mul3A_17, %mul3A_91 : i32
        %add3A_93 = vector.broadcast %mul3A_92 : i32 to vector<16xi32>
        %add3A_94 = arith.addi %add3A_93, %add3A_90 : vector<16xi32>
        %broadcast_in_dim3A_95 = arith.constant 0 : i32
        %broadcast_in_dim3A_96 = vector.broadcast %broadcast_in_dim3A_95 : i32 to vector<16xi32>
        %mul3A_97 = arith.constant 2 : i32
        %mul3A_98 = vector.broadcast %mul3A_97 : i32 to vector<16xi32>
        %mul3A_99 = arith.muli %mul3A_98, %add3A_94 : vector<16xi32>
        %gather3A = tpu.vector_load_idx %arg4[%broadcast_in_dim3A_96, %mul3A_99] : memref<36x512xi32, #tpu.memory_space<vmem>>[vector<16xi32>, vector<16xi32>], vector<16xi32>,
        %lt3A = arith.constant 768 : i32
        %lt3A_100 = vector.broadcast %lt3A : i32 to vector<16xi32>
        %lt3A_101 = arith.cmpi slt, %gather3A, %lt3A_100 : vector<16xi32>
        tpu.vector_store_idx %arg5[%add3A_90, %gather3A], %broadcast_in_dim3A_23 masked %lt3A_101 {add = true} : memref<64x768xi32, #tpu.memory_space<vmem>>[vector<16xi32>, vector<16xi32>], vector<16xi32>, vector<16xi1>
        %mul3A_102 = arith.constant 2 : i32
        %mul3A_103 = vector.broadcast %mul3A_102 : i32 to vector<16xi32>
        %mul3A_104 = arith.muli %mul3A_103, %add3A_94 : vector<16xi32>
        %add3A_105 = arith.constant 1 : i32
        %add3A_106 = vector.broadcast %add3A_105 : i32 to vector<16xi32>
        %add3A_107 = arith.addi %mul3A_104, %add3A_106 : vector<16xi32>
        %gather3A_108 = tpu.vector_load_idx %arg4[%broadcast_in_dim3A_96, %add3A_107] : memref<36x512xi32, #tpu.memory_space<vmem>>[vector<16xi32>, vector<16xi32>], vector<16xi32>,
        %lt3A_109 = arith.constant 768 : i32
        %lt3A_110 = vector.broadcast %lt3A_109 : i32 to vector<16xi32>
        %lt3A_111 = arith.cmpi slt, %gather3A_108, %lt3A_110 : vector<16xi32>
        tpu.vector_store_idx %arg5[%add3A_90, %gather3A_108], %broadcast_in_dim3A_25 masked %lt3A_111 {add = true} : memref<64x768xi32, #tpu.memory_space<vmem>>[vector<16xi32>, vector<16xi32>], vector<16xi32>, vector<16xi1>
        %broadcast_in_dim3A_112 = arith.constant 1 : i32
        %broadcast_in_dim3A_113 = vector.broadcast %broadcast_in_dim3A_112 : i32 to vector<16xi32>
        %mul3A_114 = arith.constant 2 : i32
        %mul3A_115 = vector.broadcast %mul3A_114 : i32 to vector<16xi32>
        %mul3A_116 = arith.muli %mul3A_115, %add3A_94 : vector<16xi32>
        %gather3A_117 = tpu.vector_load_idx %arg4[%broadcast_in_dim3A_113, %mul3A_116] : memref<36x512xi32, #tpu.memory_space<vmem>>[vector<16xi32>, vector<16xi32>], vector<16xi32>,
        %lt3A_118 = arith.constant 768 : i32
        %lt3A_119 = vector.broadcast %lt3A_118 : i32 to vector<16xi32>
        %lt3A_120 = arith.cmpi slt, %gather3A_117, %lt3A_119 : vector<16xi32>
        tpu.vector_store_idx %arg5[%add3A_90, %gather3A_117], %broadcast_in_dim3A_23 masked %lt3A_120 {add = true} : memref<64x768xi32, #tpu.memory_space<vmem>>[vector<16xi32>, vector<16xi32>], vector<16xi32>, vector<16xi1>
        %mul3A_121 = arith.constant 2 : i32
        %mul3A_122 = vector.broadcast %mul3A_121 : i32 to vector<16xi32>
        %mul3A_123 = arith.muli %mul3A_122, %add3A_94 : vector<16xi32>
        %add3A_124 = arith.constant 1 : i32
        %add3A_125 = vector.broadcast %add3A_124 : i32 to vector<16xi32>
        %add3A_126 = arith.addi %mul3A_123, %add3A_125 : vector<16xi32>
        %gather3A_127 = tpu.vector_load_idx %arg4[%broadcast_in_dim3A_113, %add3A_126] : memref<36x512xi32, #tpu.memory_space<vmem>>[vector<16xi32>, vector<16xi32>], vector<16xi32>,
        %lt3A_128 = arith.constant 768 : i32
        %lt3A_129 = vector.broadcast %lt3A_128 : i32 to vector<16xi32>
        %lt3A_130 = arith.cmpi slt, %gather3A_127, %lt3A_129 : vector<16xi32>
        tpu.vector_store_idx %arg5[%add3A_90, %gather3A_127], %broadcast_in_dim3A_25 masked %lt3A_130 {add = true} : memref<64x768xi32, #tpu.memory_space<vmem>>[vector<16xi32>, vector<16xi32>], vector<16xi32>, vector<16xi1>
        %broadcast_in_dim3A_131 = arith.constant 2 : i32
        %broadcast_in_dim3A_132 = vector.broadcast %broadcast_in_dim3A_131 : i32 to vector<16xi32>
        %mul3A_133 = arith.constant 2 : i32
        %mul3A_134 = vector.broadcast %mul3A_133 : i32 to vector<16xi32>
        %mul3A_135 = arith.muli %mul3A_134, %add3A_94 : vector<16xi32>
        %gather3A_136 = tpu.vector_load_idx %arg4[%broadcast_in_dim3A_132, %mul3A_135] : memref<36x512xi32, #tpu.memory_space<vmem>>[vector<16xi32>, vector<16xi32>], vector<16xi32>,
        %lt3A_137 = arith.constant 768 : i32
        %lt3A_138 = vector.broadcast %lt3A_137 : i32 to vector<16xi32>
        %lt3A_139 = arith.cmpi slt, %gather3A_136, %lt3A_138 : vector<16xi32>
        tpu.vector_store_idx %arg5[%add3A_90, %gather3A_136], %broadcast_in_dim3A_23 masked %lt3A_139 {add = true} : memref<64x768xi32, #tpu.memory_space<vmem>>[vector<16xi32>, vector<16xi32>], vector<16xi32>, vector<16xi1>
        %mul3A_140 = arith.constant 2 : i32
        %mul3A_141 = vector.broadcast %mul3A_140 : i32 to vector<16xi32>
        %mul3A_142 = arith.muli %mul3A_141, %add3A_94 : vector<16xi32>
        %add3A_143 = arith.constant 1 : i32
        %add3A_144 = vector.broadcast %add3A_143 : i32 to vector<16xi32>
        %add3A_145 = arith.addi %mul3A_142, %add3A_144 : vector<16xi32>
        %gather3A_146 = tpu.vector_load_idx %arg4[%broadcast_in_dim3A_132, %add3A_145] : memref<36x512xi32, #tpu.memory_space<vmem>>[vector<16xi32>, vector<16xi32>], vector<16xi32>,
        %lt3A_147 = arith.constant 768 : i32
        %lt3A_148 = vector.broadcast %lt3A_147 : i32 to vector<16xi32>
        %lt3A_149 = arith.cmpi slt, %gather3A_146, %lt3A_148 : vector<16xi32>
        tpu.vector_store_idx %arg5[%add3A_90, %gather3A_146], %broadcast_in_dim3A_25 masked %lt3A_149 {add = true} : memref<64x768xi32, #tpu.memory_space<vmem>>[vector<16xi32>, vector<16xi32>], vector<16xi32>, vector<16xi1>
        %broadcast_in_dim3A_150 = arith.constant 3 : i32
        %broadcast_in_dim3A_151 = vector.broadcast %broadcast_in_dim3A_150 : i32 to vector<16xi32>
        %mul3A_152 = arith.constant 2 : i32
        %mul3A_153 = vector.broadcast %mul3A_152 : i32 to vector<16xi32>
        %mul3A_154 = arith.muli %mul3A_153, %add3A_94 : vector<16xi32>
        %gather3A_155 = tpu.vector_load_idx %arg4[%broadcast_in_dim3A_151, %mul3A_154] : memref<36x512xi32, #tpu.memory_space<vmem>>[vector<16xi32>, vector<16xi32>], vector<16xi32>,
        %lt3A_156 = arith.constant 768 : i32
        %lt3A_157 = vector.broadcast %lt3A_156 : i32 to vector<16xi32>
        %lt3A_158 = arith.cmpi slt, %gather3A_155, %lt3A_157 : vector<16xi32>
        tpu.vector_store_idx %arg5[%add3A_90, %gather3A_155], %broadcast_in_dim3A_23 masked %lt3A_158 {add = true} : memref<64x768xi32, #tpu.memory_space<vmem>>[vector<16xi32>, vector<16xi32>], vector<16xi32>, vector<16xi1>
        %mul3A_159 = arith.constant 2 : i32
        %mul3A_160 = vector.broadcast %mul3A_159 : i32 to vector<16xi32>
        %mul3A_161 = arith.muli %mul3A_160, %add3A_94 : vector<16xi32>
        %add3A_162 = arith.constant 1 : i32
        %add3A_163 = vector.broadcast %add3A_162 : i32 to vector<16xi32>
        %add3A_164 = arith.addi %mul3A_161, %add3A_163 : vector<16xi32>
        %gather3A_165 = tpu.vector_load_idx %arg4[%broadcast_in_dim3A_151, %add3A_164] : memref<36x512xi32, #tpu.memory_space<vmem>>[vector<16xi32>, vector<16xi32>], vector<16xi32>,
        %lt3A_166 = arith.constant 768 : i32
        %lt3A_167 = vector.broadcast %lt3A_166 : i32 to vector<16xi32>
        %lt3A_168 = arith.cmpi slt, %gather3A_165, %lt3A_167 : vector<16xi32>
        tpu.vector_store_idx %arg5[%add3A_90, %gather3A_165], %broadcast_in_dim3A_25 masked %lt3A_168 {add = true} : memref<64x768xi32, #tpu.memory_space<vmem>>[vector<16xi32>, vector<16xi32>], vector<16xi32>, vector<16xi1>
        %broadcast_in_dim3A_169 = arith.constant 4 : i32
        %broadcast_in_dim3A_170 = vector.broadcast %broadcast_in_dim3A_169 : i32 to vector<16xi32>
        %mul3A_171 = arith.constant 2 : i32
        %mul3A_172 = vector.broadcast %mul3A_171 : i32 to vector<16xi32>
        %mul3A_173 = arith.muli %mul3A_172, %add3A_94 : vector<16xi32>
        %gather3A_174 = tpu.vector_load_idx %arg4[%broadcast_in_dim3A_170, %mul3A_173] : memref<36x512xi32, #tpu.memory_space<vmem>>[vector<16xi32>, vector<16xi32>], vector<16xi32>,
        %lt3A_175 = arith.constant 768 : i32
        %lt3A_176 = vector.broadcast %lt3A_175 : i32 to vector<16xi32>
        %lt3A_177 = arith.cmpi slt, %gather3A_174, %lt3A_176 : vector<16xi32>
        tpu.vector_store_idx %arg5[%add3A_90, %gather3A_174], %broadcast_in_dim3A_23 masked %lt3A_177 {add = true} : memref<64x768xi32, #tpu.memory_space<vmem>>[vector<16xi32>, vector<16xi32>], vector<16xi32>, vector<16xi1>
        %mul3A_178 = arith.constant 2 : i32
        %mul3A_179 = vector.broadcast %mul3A_178 : i32 to vector<16xi32>
        %mul3A_180 = arith.muli %mul3A_179, %add3A_94 : vector<16xi32>
        %add3A_181 = arith.constant 1 : i32
        %add3A_182 = vector.broadcast %add3A_181 : i32 to vector<16xi32>
        %add3A_183 = arith.addi %mul3A_180, %add3A_182 : vector<16xi32>
        %gather3A_184 = tpu.vector_load_idx %arg4[%broadcast_in_dim3A_170, %add3A_183] : memref<36x512xi32, #tpu.memory_space<vmem>>[vector<16xi32>, vector<16xi32>], vector<16xi32>,
        %lt3A_185 = arith.constant 768 : i32
        %lt3A_186 = vector.broadcast %lt3A_185 : i32 to vector<16xi32>
        %lt3A_187 = arith.cmpi slt, %gather3A_184, %lt3A_186 : vector<16xi32>
        tpu.vector_store_idx %arg5[%add3A_90, %gather3A_184], %broadcast_in_dim3A_25 masked %lt3A_187 {add = true} : memref<64x768xi32, #tpu.memory_space<vmem>>[vector<16xi32>, vector<16xi32>], vector<16xi32>, vector<16xi1>
        %broadcast_in_dim3A_188 = arith.constant 5 : i32
        %broadcast_in_dim3A_189 = vector.broadcast %broadcast_in_dim3A_188 : i32 to vector<16xi32>
        %mul3A_190 = arith.constant 2 : i32
        %mul3A_191 = vector.broadcast %mul3A_190 : i32 to vector<16xi32>
        %mul3A_192 = arith.muli %mul3A_191, %add3A_94 : vector<16xi32>
        %gather3A_193 = tpu.vector_load_idx %arg4[%broadcast_in_dim3A_189, %mul3A_192] : memref<36x512xi32, #tpu.memory_space<vmem>>[vector<16xi32>, vector<16xi32>], vector<16xi32>,
        %lt3A_194 = arith.constant 768 : i32
        %lt3A_195 = vector.broadcast %lt3A_194 : i32 to vector<16xi32>
        %lt3A_196 = arith.cmpi slt, %gather3A_193, %lt3A_195 : vector<16xi32>
        tpu.vector_store_idx %arg5[%add3A_90, %gather3A_193], %broadcast_in_dim3A_23 masked %lt3A_196 {add = true} : memref<64x768xi32, #tpu.memory_space<vmem>>[vector<16xi32>, vector<16xi32>], vector<16xi32>, vector<16xi1>
        %mul3A_197 = arith.constant 2 : i32
        %mul3A_198 = vector.broadcast %mul3A_197 : i32 to vector<16xi32>
        %mul3A_199 = arith.muli %mul3A_198, %add3A_94 : vector<16xi32>
        %add3A_200 = arith.constant 1 : i32
        %add3A_201 = vector.broadcast %add3A_200 : i32 to vector<16xi32>
        %add3A_202 = arith.addi %mul3A_199, %add3A_201 : vector<16xi32>
        %gather3A_203 = tpu.vector_load_idx %arg4[%broadcast_in_dim3A_189, %add3A_202] : memref<36x512xi32, #tpu.memory_space<vmem>>[vector<16xi32>, vector<16xi32>], vector<16xi32>,
        %lt3A_204 = arith.constant 768 : i32
        %lt3A_205 = vector.broadcast %lt3A_204 : i32 to vector<16xi32>
        %lt3A_206 = arith.cmpi slt, %gather3A_203, %lt3A_205 : vector<16xi32>
        tpu.vector_store_idx %arg5[%add3A_90, %gather3A_203], %broadcast_in_dim3A_25 masked %lt3A_206 {add = true} : memref<64x768xi32, #tpu.memory_space<vmem>>[vector<16xi32>, vector<16xi32>], vector<16xi32>, vector<16xi1>
        %broadcast_in_dim3A_207 = arith.constant 6 : i32
        %broadcast_in_dim3A_208 = vector.broadcast %broadcast_in_dim3A_207 : i32 to vector<16xi32>
        %mul3A_209 = arith.constant 2 : i32
        %mul3A_210 = vector.broadcast %mul3A_209 : i32 to vector<16xi32>
        %mul3A_211 = arith.muli %mul3A_210, %add3A_94 : vector<16xi32>
        %gather3A_212 = tpu.vector_load_idx %arg4[%broadcast_in_dim3A_208, %mul3A_211] : memref<36x512xi32, #tpu.memory_space<vmem>>[vector<16xi32>, vector<16xi32>], vector<16xi32>,
        %lt3A_213 = arith.constant 768 : i32
        %lt3A_214 = vector.broadcast %lt3A_213 : i32 to vector<16xi32>
        %lt3A_215 = arith.cmpi slt, %gather3A_212, %lt3A_214 : vector<16xi32>
        tpu.vector_store_idx %arg5[%add3A_90, %gather3A_212], %broadcast_in_dim3A_23 masked %lt3A_215 {add = true} : memref<64x768xi32, #tpu.memory_space<vmem>>[vector<16xi32>, vector<16xi32>], vector<16xi32>, vector<16xi1>
        %mul3A_216 = arith.constant 2 : i32
        %mul3A_217 = vector.broadcast %mul3A_216 : i32 to vector<16xi32>
        %mul3A_218 = arith.muli %mul3A_217, %add3A_94 : vector<16xi32>
        %add3A_219 = arith.constant 1 : i32
        %add3A_220 = vector.broadcast %add3A_219 : i32 to vector<16xi32>
        %add3A_221 = arith.addi %mul3A_218, %add3A_220 : vector<16xi32>
        %gather3A_222 = tpu.vector_load_idx %arg4[%broadcast_in_dim3A_208, %add3A_221] : memref<36x512xi32, #tpu.memory_space<vmem>>[vector<16xi32>, vector<16xi32>], vector<16xi32>,
        %lt3A_223 = arith.constant 768 : i32
        %lt3A_224 = vector.broadcast %lt3A_223 : i32 to vector<16xi32>
        %lt3A_225 = arith.cmpi slt, %gather3A_222, %lt3A_224 : vector<16xi32>
        tpu.vector_store_idx %arg5[%add3A_90, %gather3A_222], %broadcast_in_dim3A_25 masked %lt3A_225 {add = true} : memref<64x768xi32, #tpu.memory_space<vmem>>[vector<16xi32>, vector<16xi32>], vector<16xi32>, vector<16xi1>
        %broadcast_in_dim3A_226 = arith.constant 7 : i32
        %broadcast_in_dim3A_227 = vector.broadcast %broadcast_in_dim3A_226 : i32 to vector<16xi32>
        %mul3A_228 = arith.constant 2 : i32
        %mul3A_229 = vector.broadcast %mul3A_228 : i32 to vector<16xi32>
        %mul3A_230 = arith.muli %mul3A_229, %add3A_94 : vector<16xi32>
        %gather3A_231 = tpu.vector_load_idx %arg4[%broadcast_in_dim3A_227, %mul3A_230] : memref<36x512xi32, #tpu.memory_space<vmem>>[vector<16xi32>, vector<16xi32>], vector<16xi32>,
        %lt3A_232 = arith.constant 768 : i32
        %lt3A_233 = vector.broadcast %lt3A_232 : i32 to vector<16xi32>
        %lt3A_234 = arith.cmpi slt, %gather3A_231, %lt3A_233 : vector<16xi32>
        tpu.vector_store_idx %arg5[%add3A_90, %gather3A_231], %broadcast_in_dim3A_23 masked %lt3A_234 {add = true} : memref<64x768xi32, #tpu.memory_space<vmem>>[vector<16xi32>, vector<16xi32>], vector<16xi32>, vector<16xi1>
        %mul3A_235 = arith.constant 2 : i32
        %mul3A_236 = vector.broadcast %mul3A_235 : i32 to vector<16xi32>
        %mul3A_237 = arith.muli %mul3A_236, %add3A_94 : vector<16xi32>
        %add3A_238 = arith.constant 1 : i32
        %add3A_239 = vector.broadcast %add3A_238 : i32 to vector<16xi32>
        %add3A_240 = arith.addi %mul3A_237, %add3A_239 : vector<16xi32>
        %gather3A_241 = tpu.vector_load_idx %arg4[%broadcast_in_dim3A_227, %add3A_240] : memref<36x512xi32, #tpu.memory_space<vmem>>[vector<16xi32>, vector<16xi32>], vector<16xi32>,
        %lt3A_242 = arith.constant 768 : i32
        %lt3A_243 = vector.broadcast %lt3A_242 : i32 to vector<16xi32>
        %lt3A_244 = arith.cmpi slt, %gather3A_241, %lt3A_243 : vector<16xi32>
        tpu.vector_store_idx %arg5[%add3A_90, %gather3A_241], %broadcast_in_dim3A_25 masked %lt3A_244 {add = true} : memref<64x768xi32, #tpu.memory_space<vmem>>[vector<16xi32>, vector<16xi32>], vector<16xi32>, vector<16xi1>
        %broadcast_in_dim3A_245 = arith.constant 8 : i32
        %broadcast_in_dim3A_246 = vector.broadcast %broadcast_in_dim3A_245 : i32 to vector<16xi32>
        %mul3A_247 = arith.constant 2 : i32
        %mul3A_248 = vector.broadcast %mul3A_247 : i32 to vector<16xi32>
        %mul3A_249 = arith.muli %mul3A_248, %add3A_94 : vector<16xi32>
        %gather3A_250 = tpu.vector_load_idx %arg4[%broadcast_in_dim3A_246, %mul3A_249] : memref<36x512xi32, #tpu.memory_space<vmem>>[vector<16xi32>, vector<16xi32>], vector<16xi32>,
        %lt3A_251 = arith.constant 768 : i32
        %lt3A_252 = vector.broadcast %lt3A_251 : i32 to vector<16xi32>
        %lt3A_253 = arith.cmpi slt, %gather3A_250, %lt3A_252 : vector<16xi32>
        tpu.vector_store_idx %arg5[%add3A_90, %gather3A_250], %broadcast_in_dim3A_23 masked %lt3A_253 {add = true} : memref<64x768xi32, #tpu.memory_space<vmem>>[vector<16xi32>, vector<16xi32>], vector<16xi32>, vector<16xi1>
        %mul3A_254 = arith.constant 2 : i32
        %mul3A_255 = vector.broadcast %mul3A_254 : i32 to vector<16xi32>
        %mul3A_256 = arith.muli %mul3A_255, %add3A_94 : vector<16xi32>
        %add3A_257 = arith.constant 1 : i32
        %add3A_258 = vector.broadcast %add3A_257 : i32 to vector<16xi32>
        %add3A_259 = arith.addi %mul3A_256, %add3A_258 : vector<16xi32>
        %gather3A_260 = tpu.vector_load_idx %arg4[%broadcast_in_dim3A_246, %add3A_259] : memref<36x512xi32, #tpu.memory_space<vmem>>[vector<16xi32>, vector<16xi32>], vector<16xi32>,
        %lt3A_261 = arith.constant 768 : i32
        %lt3A_262 = vector.broadcast %lt3A_261 : i32 to vector<16xi32>
        %lt3A_263 = arith.cmpi slt, %gather3A_260, %lt3A_262 : vector<16xi32>
        tpu.vector_store_idx %arg5[%add3A_90, %gather3A_260], %broadcast_in_dim3A_25 masked %lt3A_263 {add = true} : memref<64x768xi32, #tpu.memory_space<vmem>>[vector<16xi32>, vector<16xi32>], vector<16xi32>, vector<16xi1>
        %broadcast_in_dim3A_264 = arith.constant 9 : i32
        %broadcast_in_dim3A_265 = vector.broadcast %broadcast_in_dim3A_264 : i32 to vector<16xi32>
        %mul3A_266 = arith.constant 2 : i32
        %mul3A_267 = vector.broadcast %mul3A_266 : i32 to vector<16xi32>
        %mul3A_268 = arith.muli %mul3A_267, %add3A_94 : vector<16xi32>
        %gather3A_269 = tpu.vector_load_idx %arg4[%broadcast_in_dim3A_265, %mul3A_268] : memref<36x512xi32, #tpu.memory_space<vmem>>[vector<16xi32>, vector<16xi32>], vector<16xi32>,
        %lt3A_270 = arith.constant 768 : i32
        %lt3A_271 = vector.broadcast %lt3A_270 : i32 to vector<16xi32>
        %lt3A_272 = arith.cmpi slt, %gather3A_269, %lt3A_271 : vector<16xi32>
        tpu.vector_store_idx %arg5[%add3A_90, %gather3A_269], %broadcast_in_dim3A_23 masked %lt3A_272 {add = true} : memref<64x768xi32, #tpu.memory_space<vmem>>[vector<16xi32>, vector<16xi32>], vector<16xi32>, vector<16xi1>
        %mul3A_273 = arith.constant 2 : i32
        %mul3A_274 = vector.broadcast %mul3A_273 : i32 to vector<16xi32>
        %mul3A_275 = arith.muli %mul3A_274, %add3A_94 : vector<16xi32>
        %add3A_276 = arith.constant 1 : i32
        %add3A_277 = vector.broadcast %add3A_276 : i32 to vector<16xi32>
        %add3A_278 = arith.addi %mul3A_275, %add3A_277 : vector<16xi32>
        %gather3A_279 = tpu.vector_load_idx %arg4[%broadcast_in_dim3A_265, %add3A_278] : memref<36x512xi32, #tpu.memory_space<vmem>>[vector<16xi32>, vector<16xi32>], vector<16xi32>,
        %lt3A_280 = arith.constant 768 : i32
        %lt3A_281 = vector.broadcast %lt3A_280 : i32 to vector<16xi32>
        %lt3A_282 = arith.cmpi slt, %gather3A_279, %lt3A_281 : vector<16xi32>
        tpu.vector_store_idx %arg5[%add3A_90, %gather3A_279], %broadcast_in_dim3A_25 masked %lt3A_282 {add = true} : memref<64x768xi32, #tpu.memory_space<vmem>>[vector<16xi32>, vector<16xi32>], vector<16xi32>, vector<16xi1>
        %broadcast_in_dim3A_283 = arith.constant 10 : i32
        %broadcast_in_dim3A_284 = vector.broadcast %broadcast_in_dim3A_283 : i32 to vector<16xi32>
        %mul3A_285 = arith.constant 2 : i32
        %mul3A_286 = vector.broadcast %mul3A_285 : i32 to vector<16xi32>
        %mul3A_287 = arith.muli %mul3A_286, %add3A_94 : vector<16xi32>
        %gather3A_288 = tpu.vector_load_idx %arg4[%broadcast_in_dim3A_284, %mul3A_287] : memref<36x512xi32, #tpu.memory_space<vmem>>[vector<16xi32>, vector<16xi32>], vector<16xi32>,
        %lt3A_289 = arith.constant 768 : i32
        %lt3A_290 = vector.broadcast %lt3A_289 : i32 to vector<16xi32>
        %lt3A_291 = arith.cmpi slt, %gather3A_288, %lt3A_290 : vector<16xi32>
        tpu.vector_store_idx %arg5[%add3A_90, %gather3A_288], %broadcast_in_dim3A_23 masked %lt3A_291 {add = true} : memref<64x768xi32, #tpu.memory_space<vmem>>[vector<16xi32>, vector<16xi32>], vector<16xi32>, vector<16xi1>
        %mul3A_292 = arith.constant 2 : i32
        %mul3A_293 = vector.broadcast %mul3A_292 : i32 to vector<16xi32>
        %mul3A_294 = arith.muli %mul3A_293, %add3A_94 : vector<16xi32>
        %add3A_295 = arith.constant 1 : i32
        %add3A_296 = vector.broadcast %add3A_295 : i32 to vector<16xi32>
        %add3A_297 = arith.addi %mul3A_294, %add3A_296 : vector<16xi32>
        %gather3A_298 = tpu.vector_load_idx %arg4[%broadcast_in_dim3A_284, %add3A_297] : memref<36x512xi32, #tpu.memory_space<vmem>>[vector<16xi32>, vector<16xi32>], vector<16xi32>,
        %lt3A_299 = arith.constant 768 : i32
        %lt3A_300 = vector.broadcast %lt3A_299 : i32 to vector<16xi32>
        %lt3A_301 = arith.cmpi slt, %gather3A_298, %lt3A_300 : vector<16xi32>
        tpu.vector_store_idx %arg5[%add3A_90, %gather3A_298], %broadcast_in_dim3A_25 masked %lt3A_301 {add = true} : memref<64x768xi32, #tpu.memory_space<vmem>>[vector<16xi32>, vector<16xi32>], vector<16xi32>, vector<16xi1>
        %broadcast_in_dim3A_302 = arith.constant 11 : i32
        %broadcast_in_dim3A_303 = vector.broadcast %broadcast_in_dim3A_302 : i32 to vector<16xi32>
        %mul3A_304 = arith.constant 2 : i32
        %mul3A_305 = vector.broadcast %mul3A_304 : i32 to vector<16xi32>
        %mul3A_306 = arith.muli %mul3A_305, %add3A_94 : vector<16xi32>
        %gather3A_307 = tpu.vector_load_idx %arg4[%broadcast_in_dim3A_303, %mul3A_306] : memref<36x512xi32, #tpu.memory_space<vmem>>[vector<16xi32>, vector<16xi32>], vector<16xi32>,
        %lt3A_308 = arith.constant 768 : i32
        %lt3A_309 = vector.broadcast %lt3A_308 : i32 to vector<16xi32>
        %lt3A_310 = arith.cmpi slt, %gather3A_307, %lt3A_309 : vector<16xi32>
        tpu.vector_store_idx %arg5[%add3A_90, %gather3A_307], %broadcast_in_dim3A_23 masked %lt3A_310 {add = true} : memref<64x768xi32, #tpu.memory_space<vmem>>[vector<16xi32>, vector<16xi32>], vector<16xi32>, vector<16xi1>
        %mul3A_311 = arith.constant 2 : i32
        %mul3A_312 = vector.broadcast %mul3A_311 : i32 to vector<16xi32>
        %mul3A_313 = arith.muli %mul3A_312, %add3A_94 : vector<16xi32>
        %add3A_314 = arith.constant 1 : i32
        %add3A_315 = vector.broadcast %add3A_314 : i32 to vector<16xi32>
        %add3A_316 = arith.addi %mul3A_313, %add3A_315 : vector<16xi32>
        %gather3A_317 = tpu.vector_load_idx %arg4[%broadcast_in_dim3A_303, %add3A_316] : memref<36x512xi32, #tpu.memory_space<vmem>>[vector<16xi32>, vector<16xi32>], vector<16xi32>,
        %lt3A_318 = arith.constant 768 : i32
        %lt3A_319 = vector.broadcast %lt3A_318 : i32 to vector<16xi32>
        %lt3A_320 = arith.cmpi slt, %gather3A_317, %lt3A_319 : vector<16xi32>
        tpu.vector_store_idx %arg5[%add3A_90, %gather3A_317], %broadcast_in_dim3A_25 masked %lt3A_320 {add = true} : memref<64x768xi32, #tpu.memory_space<vmem>>[vector<16xi32>, vector<16xi32>], vector<16xi32>, vector<16xi1>
        %broadcast_in_dim3A_321 = arith.constant 12 : i32
        %broadcast_in_dim3A_322 = vector.broadcast %broadcast_in_dim3A_321 : i32 to vector<16xi32>
        %mul3A_323 = arith.constant 2 : i32
        %mul3A_324 = vector.broadcast %mul3A_323 : i32 to vector<16xi32>
        %mul3A_325 = arith.muli %mul3A_324, %add3A_94 : vector<16xi32>
        %gather3A_326 = tpu.vector_load_idx %arg4[%broadcast_in_dim3A_322, %mul3A_325] : memref<36x512xi32, #tpu.memory_space<vmem>>[vector<16xi32>, vector<16xi32>], vector<16xi32>,
        %lt3A_327 = arith.constant 768 : i32
        %lt3A_328 = vector.broadcast %lt3A_327 : i32 to vector<16xi32>
        %lt3A_329 = arith.cmpi slt, %gather3A_326, %lt3A_328 : vector<16xi32>
        tpu.vector_store_idx %arg5[%add3A_90, %gather3A_326], %broadcast_in_dim3A_23 masked %lt3A_329 {add = true} : memref<64x768xi32, #tpu.memory_space<vmem>>[vector<16xi32>, vector<16xi32>], vector<16xi32>, vector<16xi1>
        %mul3A_330 = arith.constant 2 : i32
        %mul3A_331 = vector.broadcast %mul3A_330 : i32 to vector<16xi32>
        %mul3A_332 = arith.muli %mul3A_331, %add3A_94 : vector<16xi32>
        %add3A_333 = arith.constant 1 : i32
        %add3A_334 = vector.broadcast %add3A_333 : i32 to vector<16xi32>
        %add3A_335 = arith.addi %mul3A_332, %add3A_334 : vector<16xi32>
        %gather3A_336 = tpu.vector_load_idx %arg4[%broadcast_in_dim3A_322, %add3A_335] : memref<36x512xi32, #tpu.memory_space<vmem>>[vector<16xi32>, vector<16xi32>], vector<16xi32>,
        %lt3A_337 = arith.constant 768 : i32
        %lt3A_338 = vector.broadcast %lt3A_337 : i32 to vector<16xi32>
        %lt3A_339 = arith.cmpi slt, %gather3A_336, %lt3A_338 : vector<16xi32>
        tpu.vector_store_idx %arg5[%add3A_90, %gather3A_336], %broadcast_in_dim3A_25 masked %lt3A_339 {add = true} : memref<64x768xi32, #tpu.memory_space<vmem>>[vector<16xi32>, vector<16xi32>], vector<16xi32>, vector<16xi1>
        %broadcast_in_dim3A_340 = arith.constant 13 : i32
        %broadcast_in_dim3A_341 = vector.broadcast %broadcast_in_dim3A_340 : i32 to vector<16xi32>
        %mul3A_342 = arith.constant 2 : i32
        %mul3A_343 = vector.broadcast %mul3A_342 : i32 to vector<16xi32>
        %mul3A_344 = arith.muli %mul3A_343, %add3A_94 : vector<16xi32>
        %gather3A_345 = tpu.vector_load_idx %arg4[%broadcast_in_dim3A_341, %mul3A_344] : memref<36x512xi32, #tpu.memory_space<vmem>>[vector<16xi32>, vector<16xi32>], vector<16xi32>,
        %lt3A_346 = arith.constant 768 : i32
        %lt3A_347 = vector.broadcast %lt3A_346 : i32 to vector<16xi32>
        %lt3A_348 = arith.cmpi slt, %gather3A_345, %lt3A_347 : vector<16xi32>
        tpu.vector_store_idx %arg5[%add3A_90, %gather3A_345], %broadcast_in_dim3A_23 masked %lt3A_348 {add = true} : memref<64x768xi32, #tpu.memory_space<vmem>>[vector<16xi32>, vector<16xi32>], vector<16xi32>, vector<16xi1>
        %mul3A_349 = arith.constant 2 : i32
        %mul3A_350 = vector.broadcast %mul3A_349 : i32 to vector<16xi32>
        %mul3A_351 = arith.muli %mul3A_350, %add3A_94 : vector<16xi32>
        %add3A_352 = arith.constant 1 : i32
        %add3A_353 = vector.broadcast %add3A_352 : i32 to vector<16xi32>
        %add3A_354 = arith.addi %mul3A_351, %add3A_353 : vector<16xi32>
        %gather3A_355 = tpu.vector_load_idx %arg4[%broadcast_in_dim3A_341, %add3A_354] : memref<36x512xi32, #tpu.memory_space<vmem>>[vector<16xi32>, vector<16xi32>], vector<16xi32>,
        %lt3A_356 = arith.constant 768 : i32
        %lt3A_357 = vector.broadcast %lt3A_356 : i32 to vector<16xi32>
        %lt3A_358 = arith.cmpi slt, %gather3A_355, %lt3A_357 : vector<16xi32>
        tpu.vector_store_idx %arg5[%add3A_90, %gather3A_355], %broadcast_in_dim3A_25 masked %lt3A_358 {add = true} : memref<64x768xi32, #tpu.memory_space<vmem>>[vector<16xi32>, vector<16xi32>], vector<16xi32>, vector<16xi1>
        %broadcast_in_dim3A_359 = arith.constant 14 : i32
        %broadcast_in_dim3A_360 = vector.broadcast %broadcast_in_dim3A_359 : i32 to vector<16xi32>
        %mul3A_361 = arith.constant 2 : i32
        %mul3A_362 = vector.broadcast %mul3A_361 : i32 to vector<16xi32>
        %mul3A_363 = arith.muli %mul3A_362, %add3A_94 : vector<16xi32>
        %gather3A_364 = tpu.vector_load_idx %arg4[%broadcast_in_dim3A_360, %mul3A_363] : memref<36x512xi32, #tpu.memory_space<vmem>>[vector<16xi32>, vector<16xi32>], vector<16xi32>,
        %lt3A_365 = arith.constant 768 : i32
        %lt3A_366 = vector.broadcast %lt3A_365 : i32 to vector<16xi32>
        %lt3A_367 = arith.cmpi slt, %gather3A_364, %lt3A_366 : vector<16xi32>
        tpu.vector_store_idx %arg5[%add3A_90, %gather3A_364], %broadcast_in_dim3A_23 masked %lt3A_367 {add = true} : memref<64x768xi32, #tpu.memory_space<vmem>>[vector<16xi32>, vector<16xi32>], vector<16xi32>, vector<16xi1>
        %mul3A_368 = arith.constant 2 : i32
        %mul3A_369 = vector.broadcast %mul3A_368 : i32 to vector<16xi32>
        %mul3A_370 = arith.muli %mul3A_369, %add3A_94 : vector<16xi32>
        %add3A_371 = arith.constant 1 : i32
        %add3A_372 = vector.broadcast %add3A_371 : i32 to vector<16xi32>
        %add3A_373 = arith.addi %mul3A_370, %add3A_372 : vector<16xi32>
        %gather3A_374 = tpu.vector_load_idx %arg4[%broadcast_in_dim3A_360, %add3A_373] : memref<36x512xi32, #tpu.memory_space<vmem>>[vector<16xi32>, vector<16xi32>], vector<16xi32>,
        %lt3A_375 = arith.constant 768 : i32
        %lt3A_376 = vector.broadcast %lt3A_375 : i32 to vector<16xi32>
        %lt3A_377 = arith.cmpi slt, %gather3A_374, %lt3A_376 : vector<16xi32>
        tpu.vector_store_idx %arg5[%add3A_90, %gather3A_374], %broadcast_in_dim3A_25 masked %lt3A_377 {add = true} : memref<64x768xi32, #tpu.memory_space<vmem>>[vector<16xi32>, vector<16xi32>], vector<16xi32>, vector<16xi1>
        %broadcast_in_dim3A_378 = arith.constant 15 : i32
        %broadcast_in_dim3A_379 = vector.broadcast %broadcast_in_dim3A_378 : i32 to vector<16xi32>
        %mul3A_380 = arith.constant 2 : i32
        %mul3A_381 = vector.broadcast %mul3A_380 : i32 to vector<16xi32>
        %mul3A_382 = arith.muli %mul3A_381, %add3A_94 : vector<16xi32>
        %gather3A_383 = tpu.vector_load_idx %arg4[%broadcast_in_dim3A_379, %mul3A_382] : memref<36x512xi32, #tpu.memory_space<vmem>>[vector<16xi32>, vector<16xi32>], vector<16xi32>,
        %lt3A_384 = arith.constant 768 : i32
        %lt3A_385 = vector.broadcast %lt3A_384 : i32 to vector<16xi32>
        %lt3A_386 = arith.cmpi slt, %gather3A_383, %lt3A_385 : vector<16xi32>
        tpu.vector_store_idx %arg5[%add3A_90, %gather3A_383], %broadcast_in_dim3A_23 masked %lt3A_386 {add = true} : memref<64x768xi32, #tpu.memory_space<vmem>>[vector<16xi32>, vector<16xi32>], vector<16xi32>, vector<16xi1>
        %mul3A_387 = arith.constant 2 : i32
        %mul3A_388 = vector.broadcast %mul3A_387 : i32 to vector<16xi32>
        %mul3A_389 = arith.muli %mul3A_388, %add3A_94 : vector<16xi32>
        %add3A_390 = arith.constant 1 : i32
        %add3A_391 = vector.broadcast %add3A_390 : i32 to vector<16xi32>
        %add3A_392 = arith.addi %mul3A_389, %add3A_391 : vector<16xi32>
        %gather3A_393 = tpu.vector_load_idx %arg4[%broadcast_in_dim3A_379, %add3A_392] : memref<36x512xi32, #tpu.memory_space<vmem>>[vector<16xi32>, vector<16xi32>], vector<16xi32>,
        %lt3A_394 = arith.constant 768 : i32
        %lt3A_395 = vector.broadcast %lt3A_394 : i32 to vector<16xi32>
        %lt3A_396 = arith.cmpi slt, %gather3A_393, %lt3A_395 : vector<16xi32>
        tpu.vector_store_idx %arg5[%add3A_90, %gather3A_393], %broadcast_in_dim3A_25 masked %lt3A_396 {add = true} : memref<64x768xi32, #tpu.memory_space<vmem>>[vector<16xi32>, vector<16xi32>], vector<16xi32>, vector<16xi1>
        %broadcast_in_dim3A_397 = arith.constant 16 : i32
        %broadcast_in_dim3A_398 = vector.broadcast %broadcast_in_dim3A_397 : i32 to vector<16xi32>
        %mul3A_399 = arith.constant 2 : i32
        %mul3A_400 = vector.broadcast %mul3A_399 : i32 to vector<16xi32>
        %mul3A_401 = arith.muli %mul3A_400, %add3A_94 : vector<16xi32>
        %gather3A_402 = tpu.vector_load_idx %arg4[%broadcast_in_dim3A_398, %mul3A_401] : memref<36x512xi32, #tpu.memory_space<vmem>>[vector<16xi32>, vector<16xi32>], vector<16xi32>,
        %lt3A_403 = arith.constant 768 : i32
        %lt3A_404 = vector.broadcast %lt3A_403 : i32 to vector<16xi32>
        %lt3A_405 = arith.cmpi slt, %gather3A_402, %lt3A_404 : vector<16xi32>
        tpu.vector_store_idx %arg5[%add3A_90, %gather3A_402], %broadcast_in_dim3A_23 masked %lt3A_405 {add = true} : memref<64x768xi32, #tpu.memory_space<vmem>>[vector<16xi32>, vector<16xi32>], vector<16xi32>, vector<16xi1>
        %mul3A_406 = arith.constant 2 : i32
        %mul3A_407 = vector.broadcast %mul3A_406 : i32 to vector<16xi32>
        %mul3A_408 = arith.muli %mul3A_407, %add3A_94 : vector<16xi32>
        %add3A_409 = arith.constant 1 : i32
        %add3A_410 = vector.broadcast %add3A_409 : i32 to vector<16xi32>
        %add3A_411 = arith.addi %mul3A_408, %add3A_410 : vector<16xi32>
        %gather3A_412 = tpu.vector_load_idx %arg4[%broadcast_in_dim3A_398, %add3A_411] : memref<36x512xi32, #tpu.memory_space<vmem>>[vector<16xi32>, vector<16xi32>], vector<16xi32>,
        %lt3A_413 = arith.constant 768 : i32
        %lt3A_414 = vector.broadcast %lt3A_413 : i32 to vector<16xi32>
        %lt3A_415 = arith.cmpi slt, %gather3A_412, %lt3A_414 : vector<16xi32>
        tpu.vector_store_idx %arg5[%add3A_90, %gather3A_412], %broadcast_in_dim3A_25 masked %lt3A_415 {add = true} : memref<64x768xi32, #tpu.memory_space<vmem>>[vector<16xi32>, vector<16xi32>], vector<16xi32>, vector<16xi1>
        %broadcast_in_dim3A_416 = arith.constant 17 : i32
        %broadcast_in_dim3A_417 = vector.broadcast %broadcast_in_dim3A_416 : i32 to vector<16xi32>
        %mul3A_418 = arith.constant 2 : i32
        %mul3A_419 = vector.broadcast %mul3A_418 : i32 to vector<16xi32>
        %mul3A_420 = arith.muli %mul3A_419, %add3A_94 : vector<16xi32>
        %gather3A_421 = tpu.vector_load_idx %arg4[%broadcast_in_dim3A_417, %mul3A_420] : memref<36x512xi32, #tpu.memory_space<vmem>>[vector<16xi32>, vector<16xi32>], vector<16xi32>,
        %lt3A_422 = arith.constant 768 : i32
        %lt3A_423 = vector.broadcast %lt3A_422 : i32 to vector<16xi32>
        %lt3A_424 = arith.cmpi slt, %gather3A_421, %lt3A_423 : vector<16xi32>
        tpu.vector_store_idx %arg5[%add3A_90, %gather3A_421], %broadcast_in_dim3A_23 masked %lt3A_424 {add = true} : memref<64x768xi32, #tpu.memory_space<vmem>>[vector<16xi32>, vector<16xi32>], vector<16xi32>, vector<16xi1>
        %mul3A_425 = arith.constant 2 : i32
        %mul3A_426 = vector.broadcast %mul3A_425 : i32 to vector<16xi32>
        %mul3A_427 = arith.muli %mul3A_426, %add3A_94 : vector<16xi32>
        %add3A_428 = arith.constant 1 : i32
        %add3A_429 = vector.broadcast %add3A_428 : i32 to vector<16xi32>
        %add3A_430 = arith.addi %mul3A_427, %add3A_429 : vector<16xi32>
        %gather3A_431 = tpu.vector_load_idx %arg4[%broadcast_in_dim3A_417, %add3A_430] : memref<36x512xi32, #tpu.memory_space<vmem>>[vector<16xi32>, vector<16xi32>], vector<16xi32>,
        %lt3A_432 = arith.constant 768 : i32
        %lt3A_433 = vector.broadcast %lt3A_432 : i32 to vector<16xi32>
        %lt3A_434 = arith.cmpi slt, %gather3A_431, %lt3A_433 : vector<16xi32>
        tpu.vector_store_idx %arg5[%add3A_90, %gather3A_431], %broadcast_in_dim3A_25 masked %lt3A_434 {add = true} : memref<64x768xi32, #tpu.memory_space<vmem>>[vector<16xi32>, vector<16xi32>], vector<16xi32>, vector<16xi1>
        %broadcast_in_dim3A_435 = arith.constant 18 : i32
        %broadcast_in_dim3A_436 = vector.broadcast %broadcast_in_dim3A_435 : i32 to vector<16xi32>
        %mul3A_437 = arith.constant 2 : i32
        %mul3A_438 = vector.broadcast %mul3A_437 : i32 to vector<16xi32>
        %mul3A_439 = arith.muli %mul3A_438, %add3A_94 : vector<16xi32>
        %gather3A_440 = tpu.vector_load_idx %arg4[%broadcast_in_dim3A_436, %mul3A_439] : memref<36x512xi32, #tpu.memory_space<vmem>>[vector<16xi32>, vector<16xi32>], vector<16xi32>,
        %lt3A_441 = arith.constant 768 : i32
        %lt3A_442 = vector.broadcast %lt3A_441 : i32 to vector<16xi32>
        %lt3A_443 = arith.cmpi slt, %gather3A_440, %lt3A_442 : vector<16xi32>
        tpu.vector_store_idx %arg5[%add3A_90, %gather3A_440], %broadcast_in_dim3A_23 masked %lt3A_443 {add = true} : memref<64x768xi32, #tpu.memory_space<vmem>>[vector<16xi32>, vector<16xi32>], vector<16xi32>, vector<16xi1>
        %mul3A_444 = arith.constant 2 : i32
        %mul3A_445 = vector.broadcast %mul3A_444 : i32 to vector<16xi32>
        %mul3A_446 = arith.muli %mul3A_445, %add3A_94 : vector<16xi32>
        %add3A_447 = arith.constant 1 : i32
        %add3A_448 = vector.broadcast %add3A_447 : i32 to vector<16xi32>
        %add3A_449 = arith.addi %mul3A_446, %add3A_448 : vector<16xi32>
        %gather3A_450 = tpu.vector_load_idx %arg4[%broadcast_in_dim3A_436, %add3A_449] : memref<36x512xi32, #tpu.memory_space<vmem>>[vector<16xi32>, vector<16xi32>], vector<16xi32>,
        %lt3A_451 = arith.constant 768 : i32
        %lt3A_452 = vector.broadcast %lt3A_451 : i32 to vector<16xi32>
        %lt3A_453 = arith.cmpi slt, %gather3A_450, %lt3A_452 : vector<16xi32>
        tpu.vector_store_idx %arg5[%add3A_90, %gather3A_450], %broadcast_in_dim3A_25 masked %lt3A_453 {add = true} : memref<64x768xi32, #tpu.memory_space<vmem>>[vector<16xi32>, vector<16xi32>], vector<16xi32>, vector<16xi1>
        %broadcast_in_dim3A_454 = arith.constant 19 : i32
        %broadcast_in_dim3A_455 = vector.broadcast %broadcast_in_dim3A_454 : i32 to vector<16xi32>
        %mul3A_456 = arith.constant 2 : i32
        %mul3A_457 = vector.broadcast %mul3A_456 : i32 to vector<16xi32>
        %mul3A_458 = arith.muli %mul3A_457, %add3A_94 : vector<16xi32>
        %gather3A_459 = tpu.vector_load_idx %arg4[%broadcast_in_dim3A_455, %mul3A_458] : memref<36x512xi32, #tpu.memory_space<vmem>>[vector<16xi32>, vector<16xi32>], vector<16xi32>,
        %lt3A_460 = arith.constant 768 : i32
        %lt3A_461 = vector.broadcast %lt3A_460 : i32 to vector<16xi32>
        %lt3A_462 = arith.cmpi slt, %gather3A_459, %lt3A_461 : vector<16xi32>
        tpu.vector_store_idx %arg5[%add3A_90, %gather3A_459], %broadcast_in_dim3A_23 masked %lt3A_462 {add = true} : memref<64x768xi32, #tpu.memory_space<vmem>>[vector<16xi32>, vector<16xi32>], vector<16xi32>, vector<16xi1>
        %mul3A_463 = arith.constant 2 : i32
        %mul3A_464 = vector.broadcast %mul3A_463 : i32 to vector<16xi32>
        %mul3A_465 = arith.muli %mul3A_464, %add3A_94 : vector<16xi32>
        %add3A_466 = arith.constant 1 : i32
        %add3A_467 = vector.broadcast %add3A_466 : i32 to vector<16xi32>
        %add3A_468 = arith.addi %mul3A_465, %add3A_467 : vector<16xi32>
        %gather3A_469 = tpu.vector_load_idx %arg4[%broadcast_in_dim3A_455, %add3A_468] : memref<36x512xi32, #tpu.memory_space<vmem>>[vector<16xi32>, vector<16xi32>], vector<16xi32>,
        %lt3A_470 = arith.constant 768 : i32
        %lt3A_471 = vector.broadcast %lt3A_470 : i32 to vector<16xi32>
        %lt3A_472 = arith.cmpi slt, %gather3A_469, %lt3A_471 : vector<16xi32>
        tpu.vector_store_idx %arg5[%add3A_90, %gather3A_469], %broadcast_in_dim3A_25 masked %lt3A_472 {add = true} : memref<64x768xi32, #tpu.memory_space<vmem>>[vector<16xi32>, vector<16xi32>], vector<16xi32>, vector<16xi1>
        %broadcast_in_dim3A_473 = arith.constant 20 : i32
        %broadcast_in_dim3A_474 = vector.broadcast %broadcast_in_dim3A_473 : i32 to vector<16xi32>
        %mul3A_475 = arith.constant 2 : i32
        %mul3A_476 = vector.broadcast %mul3A_475 : i32 to vector<16xi32>
        %mul3A_477 = arith.muli %mul3A_476, %add3A_94 : vector<16xi32>
        %gather3A_478 = tpu.vector_load_idx %arg4[%broadcast_in_dim3A_474, %mul3A_477] : memref<36x512xi32, #tpu.memory_space<vmem>>[vector<16xi32>, vector<16xi32>], vector<16xi32>,
        %lt3A_479 = arith.constant 768 : i32
        %lt3A_480 = vector.broadcast %lt3A_479 : i32 to vector<16xi32>
        %lt3A_481 = arith.cmpi slt, %gather3A_478, %lt3A_480 : vector<16xi32>
        tpu.vector_store_idx %arg5[%add3A_90, %gather3A_478], %broadcast_in_dim3A_23 masked %lt3A_481 {add = true} : memref<64x768xi32, #tpu.memory_space<vmem>>[vector<16xi32>, vector<16xi32>], vector<16xi32>, vector<16xi1>
        %mul3A_482 = arith.constant 2 : i32
        %mul3A_483 = vector.broadcast %mul3A_482 : i32 to vector<16xi32>
        %mul3A_484 = arith.muli %mul3A_483, %add3A_94 : vector<16xi32>
        %add3A_485 = arith.constant 1 : i32
        %add3A_486 = vector.broadcast %add3A_485 : i32 to vector<16xi32>
        %add3A_487 = arith.addi %mul3A_484, %add3A_486 : vector<16xi32>
        %gather3A_488 = tpu.vector_load_idx %arg4[%broadcast_in_dim3A_474, %add3A_487] : memref<36x512xi32, #tpu.memory_space<vmem>>[vector<16xi32>, vector<16xi32>], vector<16xi32>,
        %lt3A_489 = arith.constant 768 : i32
        %lt3A_490 = vector.broadcast %lt3A_489 : i32 to vector<16xi32>
        %lt3A_491 = arith.cmpi slt, %gather3A_488, %lt3A_490 : vector<16xi32>
        tpu.vector_store_idx %arg5[%add3A_90, %gather3A_488], %broadcast_in_dim3A_25 masked %lt3A_491 {add = true} : memref<64x768xi32, #tpu.memory_space<vmem>>[vector<16xi32>, vector<16xi32>], vector<16xi32>, vector<16xi1>
        %broadcast_in_dim3A_492 = arith.constant 21 : i32
        %broadcast_in_dim3A_493 = vector.broadcast %broadcast_in_dim3A_492 : i32 to vector<16xi32>
        %mul3A_494 = arith.constant 2 : i32
        %mul3A_495 = vector.broadcast %mul3A_494 : i32 to vector<16xi32>
        %mul3A_496 = arith.muli %mul3A_495, %add3A_94 : vector<16xi32>
        %gather3A_497 = tpu.vector_load_idx %arg4[%broadcast_in_dim3A_493, %mul3A_496] : memref<36x512xi32, #tpu.memory_space<vmem>>[vector<16xi32>, vector<16xi32>], vector<16xi32>,
        %lt3A_498 = arith.constant 768 : i32
        %lt3A_499 = vector.broadcast %lt3A_498 : i32 to vector<16xi32>
        %lt3A_500 = arith.cmpi slt, %gather3A_497, %lt3A_499 : vector<16xi32>
        tpu.vector_store_idx %arg5[%add3A_90, %gather3A_497], %broadcast_in_dim3A_23 masked %lt3A_500 {add = true} : memref<64x768xi32, #tpu.memory_space<vmem>>[vector<16xi32>, vector<16xi32>], vector<16xi32>, vector<16xi1>
        %mul3A_501 = arith.constant 2 : i32
        %mul3A_502 = vector.broadcast %mul3A_501 : i32 to vector<16xi32>
        %mul3A_503 = arith.muli %mul3A_502, %add3A_94 : vector<16xi32>
        %add3A_504 = arith.constant 1 : i32
        %add3A_505 = vector.broadcast %add3A_504 : i32 to vector<16xi32>
        %add3A_506 = arith.addi %mul3A_503, %add3A_505 : vector<16xi32>
        %gather3A_507 = tpu.vector_load_idx %arg4[%broadcast_in_dim3A_493, %add3A_506] : memref<36x512xi32, #tpu.memory_space<vmem>>[vector<16xi32>, vector<16xi32>], vector<16xi32>,
        %lt3A_508 = arith.constant 768 : i32
        %lt3A_509 = vector.broadcast %lt3A_508 : i32 to vector<16xi32>
        %lt3A_510 = arith.cmpi slt, %gather3A_507, %lt3A_509 : vector<16xi32>
        tpu.vector_store_idx %arg5[%add3A_90, %gather3A_507], %broadcast_in_dim3A_25 masked %lt3A_510 {add = true} : memref<64x768xi32, #tpu.memory_space<vmem>>[vector<16xi32>, vector<16xi32>], vector<16xi32>, vector<16xi1>
        %broadcast_in_dim3A_511 = arith.constant 22 : i32
        %broadcast_in_dim3A_512 = vector.broadcast %broadcast_in_dim3A_511 : i32 to vector<16xi32>
        %mul3A_513 = arith.constant 2 : i32
        %mul3A_514 = vector.broadcast %mul3A_513 : i32 to vector<16xi32>
        %mul3A_515 = arith.muli %mul3A_514, %add3A_94 : vector<16xi32>
        %gather3A_516 = tpu.vector_load_idx %arg4[%broadcast_in_dim3A_512, %mul3A_515] : memref<36x512xi32, #tpu.memory_space<vmem>>[vector<16xi32>, vector<16xi32>], vector<16xi32>,
        %lt3A_517 = arith.constant 768 : i32
        %lt3A_518 = vector.broadcast %lt3A_517 : i32 to vector<16xi32>
        %lt3A_519 = arith.cmpi slt, %gather3A_516, %lt3A_518 : vector<16xi32>
        tpu.vector_store_idx %arg5[%add3A_90, %gather3A_516], %broadcast_in_dim3A_23 masked %lt3A_519 {add = true} : memref<64x768xi32, #tpu.memory_space<vmem>>[vector<16xi32>, vector<16xi32>], vector<16xi32>, vector<16xi1>
        %mul3A_520 = arith.constant 2 : i32
        %mul3A_521 = vector.broadcast %mul3A_520 : i32 to vector<16xi32>
        %mul3A_522 = arith.muli %mul3A_521, %add3A_94 : vector<16xi32>
        %add3A_523 = arith.constant 1 : i32
        %add3A_524 = vector.broadcast %add3A_523 : i32 to vector<16xi32>
        %add3A_525 = arith.addi %mul3A_522, %add3A_524 : vector<16xi32>
        %gather3A_526 = tpu.vector_load_idx %arg4[%broadcast_in_dim3A_512, %add3A_525] : memref<36x512xi32, #tpu.memory_space<vmem>>[vector<16xi32>, vector<16xi32>], vector<16xi32>,
        %lt3A_527 = arith.constant 768 : i32
        %lt3A_528 = vector.broadcast %lt3A_527 : i32 to vector<16xi32>
        %lt3A_529 = arith.cmpi slt, %gather3A_526, %lt3A_528 : vector<16xi32>
        tpu.vector_store_idx %arg5[%add3A_90, %gather3A_526], %broadcast_in_dim3A_25 masked %lt3A_529 {add = true} : memref<64x768xi32, #tpu.memory_space<vmem>>[vector<16xi32>, vector<16xi32>], vector<16xi32>, vector<16xi1>
        %broadcast_in_dim3A_530 = arith.constant 23 : i32
        %broadcast_in_dim3A_531 = vector.broadcast %broadcast_in_dim3A_530 : i32 to vector<16xi32>
        %mul3A_532 = arith.constant 2 : i32
        %mul3A_533 = vector.broadcast %mul3A_532 : i32 to vector<16xi32>
        %mul3A_534 = arith.muli %mul3A_533, %add3A_94 : vector<16xi32>
        %gather3A_535 = tpu.vector_load_idx %arg4[%broadcast_in_dim3A_531, %mul3A_534] : memref<36x512xi32, #tpu.memory_space<vmem>>[vector<16xi32>, vector<16xi32>], vector<16xi32>,
        %lt3A_536 = arith.constant 768 : i32
        %lt3A_537 = vector.broadcast %lt3A_536 : i32 to vector<16xi32>
        %lt3A_538 = arith.cmpi slt, %gather3A_535, %lt3A_537 : vector<16xi32>
        tpu.vector_store_idx %arg5[%add3A_90, %gather3A_535], %broadcast_in_dim3A_23 masked %lt3A_538 {add = true} : memref<64x768xi32, #tpu.memory_space<vmem>>[vector<16xi32>, vector<16xi32>], vector<16xi32>, vector<16xi1>
        %mul3A_539 = arith.constant 2 : i32
        %mul3A_540 = vector.broadcast %mul3A_539 : i32 to vector<16xi32>
        %mul3A_541 = arith.muli %mul3A_540, %add3A_94 : vector<16xi32>
        %add3A_542 = arith.constant 1 : i32
        %add3A_543 = vector.broadcast %add3A_542 : i32 to vector<16xi32>
        %add3A_544 = arith.addi %mul3A_541, %add3A_543 : vector<16xi32>
        %gather3A_545 = tpu.vector_load_idx %arg4[%broadcast_in_dim3A_531, %add3A_544] : memref<36x512xi32, #tpu.memory_space<vmem>>[vector<16xi32>, vector<16xi32>], vector<16xi32>,
        %lt3A_546 = arith.constant 768 : i32
        %lt3A_547 = vector.broadcast %lt3A_546 : i32 to vector<16xi32>
        %lt3A_548 = arith.cmpi slt, %gather3A_545, %lt3A_547 : vector<16xi32>
        tpu.vector_store_idx %arg5[%add3A_90, %gather3A_545], %broadcast_in_dim3A_25 masked %lt3A_548 {add = true} : memref<64x768xi32, #tpu.memory_space<vmem>>[vector<16xi32>, vector<16xi32>], vector<16xi32>, vector<16xi1>
        %broadcast_in_dim3A_549 = arith.constant 24 : i32
        %broadcast_in_dim3A_550 = vector.broadcast %broadcast_in_dim3A_549 : i32 to vector<16xi32>
        %mul3A_551 = arith.constant 2 : i32
        %mul3A_552 = vector.broadcast %mul3A_551 : i32 to vector<16xi32>
        %mul3A_553 = arith.muli %mul3A_552, %add3A_94 : vector<16xi32>
        %gather3A_554 = tpu.vector_load_idx %arg4[%broadcast_in_dim3A_550, %mul3A_553] : memref<36x512xi32, #tpu.memory_space<vmem>>[vector<16xi32>, vector<16xi32>], vector<16xi32>,
        %lt3A_555 = arith.constant 768 : i32
        %lt3A_556 = vector.broadcast %lt3A_555 : i32 to vector<16xi32>
        %lt3A_557 = arith.cmpi slt, %gather3A_554, %lt3A_556 : vector<16xi32>
        tpu.vector_store_idx %arg5[%add3A_90, %gather3A_554], %broadcast_in_dim3A_23 masked %lt3A_557 {add = true} : memref<64x768xi32, #tpu.memory_space<vmem>>[vector<16xi32>, vector<16xi32>], vector<16xi32>, vector<16xi1>
        %mul3A_558 = arith.constant 2 : i32
        %mul3A_559 = vector.broadcast %mul3A_558 : i32 to vector<16xi32>
        %mul3A_560 = arith.muli %mul3A_559, %add3A_94 : vector<16xi32>
        %add3A_561 = arith.constant 1 : i32
        %add3A_562 = vector.broadcast %add3A_561 : i32 to vector<16xi32>
        %add3A_563 = arith.addi %mul3A_560, %add3A_562 : vector<16xi32>
        %gather3A_564 = tpu.vector_load_idx %arg4[%broadcast_in_dim3A_550, %add3A_563] : memref<36x512xi32, #tpu.memory_space<vmem>>[vector<16xi32>, vector<16xi32>], vector<16xi32>,
        %lt3A_565 = arith.constant 768 : i32
        %lt3A_566 = vector.broadcast %lt3A_565 : i32 to vector<16xi32>
        %lt3A_567 = arith.cmpi slt, %gather3A_564, %lt3A_566 : vector<16xi32>
        tpu.vector_store_idx %arg5[%add3A_90, %gather3A_564], %broadcast_in_dim3A_25 masked %lt3A_567 {add = true} : memref<64x768xi32, #tpu.memory_space<vmem>>[vector<16xi32>, vector<16xi32>], vector<16xi32>, vector<16xi1>
        %broadcast_in_dim3A_568 = arith.constant 25 : i32
        %broadcast_in_dim3A_569 = vector.broadcast %broadcast_in_dim3A_568 : i32 to vector<16xi32>
        %mul3A_570 = arith.constant 2 : i32
        %mul3A_571 = vector.broadcast %mul3A_570 : i32 to vector<16xi32>
        %mul3A_572 = arith.muli %mul3A_571, %add3A_94 : vector<16xi32>
        %gather3A_573 = tpu.vector_load_idx %arg4[%broadcast_in_dim3A_569, %mul3A_572] : memref<36x512xi32, #tpu.memory_space<vmem>>[vector<16xi32>, vector<16xi32>], vector<16xi32>,
        %lt3A_574 = arith.constant 768 : i32
        %lt3A_575 = vector.broadcast %lt3A_574 : i32 to vector<16xi32>
        %lt3A_576 = arith.cmpi slt, %gather3A_573, %lt3A_575 : vector<16xi32>
        tpu.vector_store_idx %arg5[%add3A_90, %gather3A_573], %broadcast_in_dim3A_23 masked %lt3A_576 {add = true} : memref<64x768xi32, #tpu.memory_space<vmem>>[vector<16xi32>, vector<16xi32>], vector<16xi32>, vector<16xi1>
        %mul3A_577 = arith.constant 2 : i32
        %mul3A_578 = vector.broadcast %mul3A_577 : i32 to vector<16xi32>
        %mul3A_579 = arith.muli %mul3A_578, %add3A_94 : vector<16xi32>
        %add3A_580 = arith.constant 1 : i32
        %add3A_581 = vector.broadcast %add3A_580 : i32 to vector<16xi32>
        %add3A_582 = arith.addi %mul3A_579, %add3A_581 : vector<16xi32>
        %gather3A_583 = tpu.vector_load_idx %arg4[%broadcast_in_dim3A_569, %add3A_582] : memref<36x512xi32, #tpu.memory_space<vmem>>[vector<16xi32>, vector<16xi32>], vector<16xi32>,
        %lt3A_584 = arith.constant 768 : i32
        %lt3A_585 = vector.broadcast %lt3A_584 : i32 to vector<16xi32>
        %lt3A_586 = arith.cmpi slt, %gather3A_583, %lt3A_585 : vector<16xi32>
        tpu.vector_store_idx %arg5[%add3A_90, %gather3A_583], %broadcast_in_dim3A_25 masked %lt3A_586 {add = true} : memref<64x768xi32, #tpu.memory_space<vmem>>[vector<16xi32>, vector<16xi32>], vector<16xi32>, vector<16xi1>
        %broadcast_in_dim3A_587 = arith.constant 26 : i32
        %broadcast_in_dim3A_588 = vector.broadcast %broadcast_in_dim3A_587 : i32 to vector<16xi32>
        %mul3A_589 = arith.constant 2 : i32
        %mul3A_590 = vector.broadcast %mul3A_589 : i32 to vector<16xi32>
        %mul3A_591 = arith.muli %mul3A_590, %add3A_94 : vector<16xi32>
        %gather3A_592 = tpu.vector_load_idx %arg4[%broadcast_in_dim3A_588, %mul3A_591] : memref<36x512xi32, #tpu.memory_space<vmem>>[vector<16xi32>, vector<16xi32>], vector<16xi32>,
        %lt3A_593 = arith.constant 768 : i32
        %lt3A_594 = vector.broadcast %lt3A_593 : i32 to vector<16xi32>
        %lt3A_595 = arith.cmpi slt, %gather3A_592, %lt3A_594 : vector<16xi32>
        tpu.vector_store_idx %arg5[%add3A_90, %gather3A_592], %broadcast_in_dim3A_23 masked %lt3A_595 {add = true} : memref<64x768xi32, #tpu.memory_space<vmem>>[vector<16xi32>, vector<16xi32>], vector<16xi32>, vector<16xi1>
        %mul3A_596 = arith.constant 2 : i32
        %mul3A_597 = vector.broadcast %mul3A_596 : i32 to vector<16xi32>
        %mul3A_598 = arith.muli %mul3A_597, %add3A_94 : vector<16xi32>
        %add3A_599 = arith.constant 1 : i32
        %add3A_600 = vector.broadcast %add3A_599 : i32 to vector<16xi32>
        %add3A_601 = arith.addi %mul3A_598, %add3A_600 : vector<16xi32>
        %gather3A_602 = tpu.vector_load_idx %arg4[%broadcast_in_dim3A_588, %add3A_601] : memref<36x512xi32, #tpu.memory_space<vmem>>[vector<16xi32>, vector<16xi32>], vector<16xi32>,
        %lt3A_603 = arith.constant 768 : i32
        %lt3A_604 = vector.broadcast %lt3A_603 : i32 to vector<16xi32>
        %lt3A_605 = arith.cmpi slt, %gather3A_602, %lt3A_604 : vector<16xi32>
        tpu.vector_store_idx %arg5[%add3A_90, %gather3A_602], %broadcast_in_dim3A_25 masked %lt3A_605 {add = true} : memref<64x768xi32, #tpu.memory_space<vmem>>[vector<16xi32>, vector<16xi32>], vector<16xi32>, vector<16xi1>
        %broadcast_in_dim3A_606 = arith.constant 27 : i32
        %broadcast_in_dim3A_607 = vector.broadcast %broadcast_in_dim3A_606 : i32 to vector<16xi32>
        %mul3A_608 = arith.constant 2 : i32
        %mul3A_609 = vector.broadcast %mul3A_608 : i32 to vector<16xi32>
        %mul3A_610 = arith.muli %mul3A_609, %add3A_94 : vector<16xi32>
        %gather3A_611 = tpu.vector_load_idx %arg4[%broadcast_in_dim3A_607, %mul3A_610] : memref<36x512xi32, #tpu.memory_space<vmem>>[vector<16xi32>, vector<16xi32>], vector<16xi32>,
        %lt3A_612 = arith.constant 768 : i32
        %lt3A_613 = vector.broadcast %lt3A_612 : i32 to vector<16xi32>
        %lt3A_614 = arith.cmpi slt, %gather3A_611, %lt3A_613 : vector<16xi32>
        tpu.vector_store_idx %arg5[%add3A_90, %gather3A_611], %broadcast_in_dim3A_23 masked %lt3A_614 {add = true} : memref<64x768xi32, #tpu.memory_space<vmem>>[vector<16xi32>, vector<16xi32>], vector<16xi32>, vector<16xi1>
        %mul3A_615 = arith.constant 2 : i32
        %mul3A_616 = vector.broadcast %mul3A_615 : i32 to vector<16xi32>
        %mul3A_617 = arith.muli %mul3A_616, %add3A_94 : vector<16xi32>
        %add3A_618 = arith.constant 1 : i32
        %add3A_619 = vector.broadcast %add3A_618 : i32 to vector<16xi32>
        %add3A_620 = arith.addi %mul3A_617, %add3A_619 : vector<16xi32>
        %gather3A_621 = tpu.vector_load_idx %arg4[%broadcast_in_dim3A_607, %add3A_620] : memref<36x512xi32, #tpu.memory_space<vmem>>[vector<16xi32>, vector<16xi32>], vector<16xi32>,
        %lt3A_622 = arith.constant 768 : i32
        %lt3A_623 = vector.broadcast %lt3A_622 : i32 to vector<16xi32>
        %lt3A_624 = arith.cmpi slt, %gather3A_621, %lt3A_623 : vector<16xi32>
        tpu.vector_store_idx %arg5[%add3A_90, %gather3A_621], %broadcast_in_dim3A_25 masked %lt3A_624 {add = true} : memref<64x768xi32, #tpu.memory_space<vmem>>[vector<16xi32>, vector<16xi32>], vector<16xi32>, vector<16xi1>
        %broadcast_in_dim3A_625 = arith.constant 28 : i32
        %broadcast_in_dim3A_626 = vector.broadcast %broadcast_in_dim3A_625 : i32 to vector<16xi32>
        %mul3A_627 = arith.constant 2 : i32
        %mul3A_628 = vector.broadcast %mul3A_627 : i32 to vector<16xi32>
        %mul3A_629 = arith.muli %mul3A_628, %add3A_94 : vector<16xi32>
        %gather3A_630 = tpu.vector_load_idx %arg4[%broadcast_in_dim3A_626, %mul3A_629] : memref<36x512xi32, #tpu.memory_space<vmem>>[vector<16xi32>, vector<16xi32>], vector<16xi32>,
        %lt3A_631 = arith.constant 768 : i32
        %lt3A_632 = vector.broadcast %lt3A_631 : i32 to vector<16xi32>
        %lt3A_633 = arith.cmpi slt, %gather3A_630, %lt3A_632 : vector<16xi32>
        tpu.vector_store_idx %arg5[%add3A_90, %gather3A_630], %broadcast_in_dim3A_23 masked %lt3A_633 {add = true} : memref<64x768xi32, #tpu.memory_space<vmem>>[vector<16xi32>, vector<16xi32>], vector<16xi32>, vector<16xi1>
        %mul3A_634 = arith.constant 2 : i32
        %mul3A_635 = vector.broadcast %mul3A_634 : i32 to vector<16xi32>
        %mul3A_636 = arith.muli %mul3A_635, %add3A_94 : vector<16xi32>
        %add3A_637 = arith.constant 1 : i32
        %add3A_638 = vector.broadcast %add3A_637 : i32 to vector<16xi32>
        %add3A_639 = arith.addi %mul3A_636, %add3A_638 : vector<16xi32>
        %gather3A_640 = tpu.vector_load_idx %arg4[%broadcast_in_dim3A_626, %add3A_639] : memref<36x512xi32, #tpu.memory_space<vmem>>[vector<16xi32>, vector<16xi32>], vector<16xi32>,
        %lt3A_641 = arith.constant 768 : i32
        %lt3A_642 = vector.broadcast %lt3A_641 : i32 to vector<16xi32>
        %lt3A_643 = arith.cmpi slt, %gather3A_640, %lt3A_642 : vector<16xi32>
        tpu.vector_store_idx %arg5[%add3A_90, %gather3A_640], %broadcast_in_dim3A_25 masked %lt3A_643 {add = true} : memref<64x768xi32, #tpu.memory_space<vmem>>[vector<16xi32>, vector<16xi32>], vector<16xi32>, vector<16xi1>
        %broadcast_in_dim3A_644 = arith.constant 29 : i32
        %broadcast_in_dim3A_645 = vector.broadcast %broadcast_in_dim3A_644 : i32 to vector<16xi32>
        %mul3A_646 = arith.constant 2 : i32
        %mul3A_647 = vector.broadcast %mul3A_646 : i32 to vector<16xi32>
        %mul3A_648 = arith.muli %mul3A_647, %add3A_94 : vector<16xi32>
        %gather3A_649 = tpu.vector_load_idx %arg4[%broadcast_in_dim3A_645, %mul3A_648] : memref<36x512xi32, #tpu.memory_space<vmem>>[vector<16xi32>, vector<16xi32>], vector<16xi32>,
        %lt3A_650 = arith.constant 768 : i32
        %lt3A_651 = vector.broadcast %lt3A_650 : i32 to vector<16xi32>
        %lt3A_652 = arith.cmpi slt, %gather3A_649, %lt3A_651 : vector<16xi32>
        tpu.vector_store_idx %arg5[%add3A_90, %gather3A_649], %broadcast_in_dim3A_23 masked %lt3A_652 {add = true} : memref<64x768xi32, #tpu.memory_space<vmem>>[vector<16xi32>, vector<16xi32>], vector<16xi32>, vector<16xi1>
        %mul3A_653 = arith.constant 2 : i32
        %mul3A_654 = vector.broadcast %mul3A_653 : i32 to vector<16xi32>
        %mul3A_655 = arith.muli %mul3A_654, %add3A_94 : vector<16xi32>
        %add3A_656 = arith.constant 1 : i32
        %add3A_657 = vector.broadcast %add3A_656 : i32 to vector<16xi32>
        %add3A_658 = arith.addi %mul3A_655, %add3A_657 : vector<16xi32>
        %gather3A_659 = tpu.vector_load_idx %arg4[%broadcast_in_dim3A_645, %add3A_658] : memref<36x512xi32, #tpu.memory_space<vmem>>[vector<16xi32>, vector<16xi32>], vector<16xi32>,
        %lt3A_660 = arith.constant 768 : i32
        %lt3A_661 = vector.broadcast %lt3A_660 : i32 to vector<16xi32>
        %lt3A_662 = arith.cmpi slt, %gather3A_659, %lt3A_661 : vector<16xi32>
        tpu.vector_store_idx %arg5[%add3A_90, %gather3A_659], %broadcast_in_dim3A_25 masked %lt3A_662 {add = true} : memref<64x768xi32, #tpu.memory_space<vmem>>[vector<16xi32>, vector<16xi32>], vector<16xi32>, vector<16xi1>
        %broadcast_in_dim3A_663 = arith.constant 30 : i32
        %broadcast_in_dim3A_664 = vector.broadcast %broadcast_in_dim3A_663 : i32 to vector<16xi32>
        %mul3A_665 = arith.constant 2 : i32
        %mul3A_666 = vector.broadcast %mul3A_665 : i32 to vector<16xi32>
        %mul3A_667 = arith.muli %mul3A_666, %add3A_94 : vector<16xi32>
        %gather3A_668 = tpu.vector_load_idx %arg4[%broadcast_in_dim3A_664, %mul3A_667] : memref<36x512xi32, #tpu.memory_space<vmem>>[vector<16xi32>, vector<16xi32>], vector<16xi32>,
        %lt3A_669 = arith.constant 768 : i32
        %lt3A_670 = vector.broadcast %lt3A_669 : i32 to vector<16xi32>
        %lt3A_671 = arith.cmpi slt, %gather3A_668, %lt3A_670 : vector<16xi32>
        tpu.vector_store_idx %arg5[%add3A_90, %gather3A_668], %broadcast_in_dim3A_23 masked %lt3A_671 {add = true} : memref<64x768xi32, #tpu.memory_space<vmem>>[vector<16xi32>, vector<16xi32>], vector<16xi32>, vector<16xi1>
        %mul3A_672 = arith.constant 2 : i32
        %mul3A_673 = vector.broadcast %mul3A_672 : i32 to vector<16xi32>
        %mul3A_674 = arith.muli %mul3A_673, %add3A_94 : vector<16xi32>
        %add3A_675 = arith.constant 1 : i32
        %add3A_676 = vector.broadcast %add3A_675 : i32 to vector<16xi32>
        %add3A_677 = arith.addi %mul3A_674, %add3A_676 : vector<16xi32>
        %gather3A_678 = tpu.vector_load_idx %arg4[%broadcast_in_dim3A_664, %add3A_677] : memref<36x512xi32, #tpu.memory_space<vmem>>[vector<16xi32>, vector<16xi32>], vector<16xi32>,
        %lt3A_679 = arith.constant 768 : i32
        %lt3A_680 = vector.broadcast %lt3A_679 : i32 to vector<16xi32>
        %lt3A_681 = arith.cmpi slt, %gather3A_678, %lt3A_680 : vector<16xi32>
        tpu.vector_store_idx %arg5[%add3A_90, %gather3A_678], %broadcast_in_dim3A_25 masked %lt3A_681 {add = true} : memref<64x768xi32, #tpu.memory_space<vmem>>[vector<16xi32>, vector<16xi32>], vector<16xi32>, vector<16xi1>
        %broadcast_in_dim3A_682 = arith.constant 31 : i32
        %broadcast_in_dim3A_683 = vector.broadcast %broadcast_in_dim3A_682 : i32 to vector<16xi32>
        %mul3A_684 = arith.constant 2 : i32
        %mul3A_685 = vector.broadcast %mul3A_684 : i32 to vector<16xi32>
        %mul3A_686 = arith.muli %mul3A_685, %add3A_94 : vector<16xi32>
        %gather3A_687 = tpu.vector_load_idx %arg4[%broadcast_in_dim3A_683, %mul3A_686] : memref<36x512xi32, #tpu.memory_space<vmem>>[vector<16xi32>, vector<16xi32>], vector<16xi32>,
        %lt3A_688 = arith.constant 768 : i32
        %lt3A_689 = vector.broadcast %lt3A_688 : i32 to vector<16xi32>
        %lt3A_690 = arith.cmpi slt, %gather3A_687, %lt3A_689 : vector<16xi32>
        tpu.vector_store_idx %arg5[%add3A_90, %gather3A_687], %broadcast_in_dim3A_23 masked %lt3A_690 {add = true} : memref<64x768xi32, #tpu.memory_space<vmem>>[vector<16xi32>, vector<16xi32>], vector<16xi32>, vector<16xi1>
        %mul3A_691 = arith.constant 2 : i32
        %mul3A_692 = vector.broadcast %mul3A_691 : i32 to vector<16xi32>
        %mul3A_693 = arith.muli %mul3A_692, %add3A_94 : vector<16xi32>
        %add3A_694 = arith.constant 1 : i32
        %add3A_695 = vector.broadcast %add3A_694 : i32 to vector<16xi32>
        %add3A_696 = arith.addi %mul3A_693, %add3A_695 : vector<16xi32>
        %gather3A_697 = tpu.vector_load_idx %arg4[%broadcast_in_dim3A_683, %add3A_696] : memref<36x512xi32, #tpu.memory_space<vmem>>[vector<16xi32>, vector<16xi32>], vector<16xi32>,
        %lt3A_698 = arith.constant 768 : i32
        %lt3A_699 = vector.broadcast %lt3A_698 : i32 to vector<16xi32>
        %lt3A_700 = arith.cmpi slt, %gather3A_697, %lt3A_699 : vector<16xi32>
        tpu.vector_store_idx %arg5[%add3A_90, %gather3A_697], %broadcast_in_dim3A_25 masked %lt3A_700 {add = true} : memref<64x768xi32, #tpu.memory_space<vmem>>[vector<16xi32>, vector<16xi32>], vector<16xi32>, vector<16xi1>
        %broadcast_in_dim3A_701 = arith.constant 32 : i32
        %broadcast_in_dim3A_702 = vector.broadcast %broadcast_in_dim3A_701 : i32 to vector<16xi32>
        %mul3A_703 = arith.constant 2 : i32
        %mul3A_704 = vector.broadcast %mul3A_703 : i32 to vector<16xi32>
        %mul3A_705 = arith.muli %mul3A_704, %add3A_94 : vector<16xi32>
        %gather3A_706 = tpu.vector_load_idx %arg4[%broadcast_in_dim3A_702, %mul3A_705] : memref<36x512xi32, #tpu.memory_space<vmem>>[vector<16xi32>, vector<16xi32>], vector<16xi32>,
        %lt3A_707 = arith.constant 768 : i32
        %lt3A_708 = vector.broadcast %lt3A_707 : i32 to vector<16xi32>
        %lt3A_709 = arith.cmpi slt, %gather3A_706, %lt3A_708 : vector<16xi32>
        tpu.vector_store_idx %arg5[%add3A_90, %gather3A_706], %broadcast_in_dim3A_23 masked %lt3A_709 {add = true} : memref<64x768xi32, #tpu.memory_space<vmem>>[vector<16xi32>, vector<16xi32>], vector<16xi32>, vector<16xi1>
        %mul3A_710 = arith.constant 2 : i32
        %mul3A_711 = vector.broadcast %mul3A_710 : i32 to vector<16xi32>
        %mul3A_712 = arith.muli %mul3A_711, %add3A_94 : vector<16xi32>
        %add3A_713 = arith.constant 1 : i32
        %add3A_714 = vector.broadcast %add3A_713 : i32 to vector<16xi32>
        %add3A_715 = arith.addi %mul3A_712, %add3A_714 : vector<16xi32>
        %gather3A_716 = tpu.vector_load_idx %arg4[%broadcast_in_dim3A_702, %add3A_715] : memref<36x512xi32, #tpu.memory_space<vmem>>[vector<16xi32>, vector<16xi32>], vector<16xi32>,
        %lt3A_717 = arith.constant 768 : i32
        %lt3A_718 = vector.broadcast %lt3A_717 : i32 to vector<16xi32>
        %lt3A_719 = arith.cmpi slt, %gather3A_716, %lt3A_718 : vector<16xi32>
        tpu.vector_store_idx %arg5[%add3A_90, %gather3A_716], %broadcast_in_dim3A_25 masked %lt3A_719 {add = true} : memref<64x768xi32, #tpu.memory_space<vmem>>[vector<16xi32>, vector<16xi32>], vector<16xi32>, vector<16xi1>
        %broadcast_in_dim3A_720 = arith.constant 33 : i32
        %broadcast_in_dim3A_721 = vector.broadcast %broadcast_in_dim3A_720 : i32 to vector<16xi32>
        %mul3A_722 = arith.constant 2 : i32
        %mul3A_723 = vector.broadcast %mul3A_722 : i32 to vector<16xi32>
        %mul3A_724 = arith.muli %mul3A_723, %add3A_94 : vector<16xi32>
        %gather3A_725 = tpu.vector_load_idx %arg4[%broadcast_in_dim3A_721, %mul3A_724] : memref<36x512xi32, #tpu.memory_space<vmem>>[vector<16xi32>, vector<16xi32>], vector<16xi32>,
        %lt3A_726 = arith.constant 768 : i32
        %lt3A_727 = vector.broadcast %lt3A_726 : i32 to vector<16xi32>
        %lt3A_728 = arith.cmpi slt, %gather3A_725, %lt3A_727 : vector<16xi32>
        tpu.vector_store_idx %arg5[%add3A_90, %gather3A_725], %broadcast_in_dim3A_23 masked %lt3A_728 {add = true} : memref<64x768xi32, #tpu.memory_space<vmem>>[vector<16xi32>, vector<16xi32>], vector<16xi32>, vector<16xi1>
        %mul3A_729 = arith.constant 2 : i32
        %mul3A_730 = vector.broadcast %mul3A_729 : i32 to vector<16xi32>
        %mul3A_731 = arith.muli %mul3A_730, %add3A_94 : vector<16xi32>
        %add3A_732 = arith.constant 1 : i32
        %add3A_733 = vector.broadcast %add3A_732 : i32 to vector<16xi32>
        %add3A_734 = arith.addi %mul3A_731, %add3A_733 : vector<16xi32>
        %gather3A_735 = tpu.vector_load_idx %arg4[%broadcast_in_dim3A_721, %add3A_734] : memref<36x512xi32, #tpu.memory_space<vmem>>[vector<16xi32>, vector<16xi32>], vector<16xi32>,
        %lt3A_736 = arith.constant 768 : i32
        %lt3A_737 = vector.broadcast %lt3A_736 : i32 to vector<16xi32>
        %lt3A_738 = arith.cmpi slt, %gather3A_735, %lt3A_737 : vector<16xi32>
        tpu.vector_store_idx %arg5[%add3A_90, %gather3A_735], %broadcast_in_dim3A_25 masked %lt3A_738 {add = true} : memref<64x768xi32, #tpu.memory_space<vmem>>[vector<16xi32>, vector<16xi32>], vector<16xi32>, vector<16xi1>
        %broadcast_in_dim3A_739 = arith.constant 34 : i32
        %broadcast_in_dim3A_740 = vector.broadcast %broadcast_in_dim3A_739 : i32 to vector<16xi32>
        %mul3A_741 = arith.constant 2 : i32
        %mul3A_742 = vector.broadcast %mul3A_741 : i32 to vector<16xi32>
        %mul3A_743 = arith.muli %mul3A_742, %add3A_94 : vector<16xi32>
        %gather3A_744 = tpu.vector_load_idx %arg4[%broadcast_in_dim3A_740, %mul3A_743] : memref<36x512xi32, #tpu.memory_space<vmem>>[vector<16xi32>, vector<16xi32>], vector<16xi32>,
        %lt3A_745 = arith.constant 768 : i32
        %lt3A_746 = vector.broadcast %lt3A_745 : i32 to vector<16xi32>
        %lt3A_747 = arith.cmpi slt, %gather3A_744, %lt3A_746 : vector<16xi32>
        tpu.vector_store_idx %arg5[%add3A_90, %gather3A_744], %broadcast_in_dim3A_23 masked %lt3A_747 {add = true} : memref<64x768xi32, #tpu.memory_space<vmem>>[vector<16xi32>, vector<16xi32>], vector<16xi32>, vector<16xi1>
        %mul3A_748 = arith.constant 2 : i32
        %mul3A_749 = vector.broadcast %mul3A_748 : i32 to vector<16xi32>
        %mul3A_750 = arith.muli %mul3A_749, %add3A_94 : vector<16xi32>
        %add3A_751 = arith.constant 1 : i32
        %add3A_752 = vector.broadcast %add3A_751 : i32 to vector<16xi32>
        %add3A_753 = arith.addi %mul3A_750, %add3A_752 : vector<16xi32>
        %gather3A_754 = tpu.vector_load_idx %arg4[%broadcast_in_dim3A_740, %add3A_753] : memref<36x512xi32, #tpu.memory_space<vmem>>[vector<16xi32>, vector<16xi32>], vector<16xi32>,
        %lt3A_755 = arith.constant 768 : i32
        %lt3A_756 = vector.broadcast %lt3A_755 : i32 to vector<16xi32>
        %lt3A_757 = arith.cmpi slt, %gather3A_754, %lt3A_756 : vector<16xi32>
        tpu.vector_store_idx %arg5[%add3A_90, %gather3A_754], %broadcast_in_dim3A_25 masked %lt3A_757 {add = true} : memref<64x768xi32, #tpu.memory_space<vmem>>[vector<16xi32>, vector<16xi32>], vector<16xi32>, vector<16xi1>
        %broadcast_in_dim3A_758 = arith.constant 35 : i32
        %broadcast_in_dim3A_759 = vector.broadcast %broadcast_in_dim3A_758 : i32 to vector<16xi32>
        %mul3A_760 = arith.constant 2 : i32
        %mul3A_761 = vector.broadcast %mul3A_760 : i32 to vector<16xi32>
        %mul3A_762 = arith.muli %mul3A_761, %add3A_94 : vector<16xi32>
        %gather3A_763 = tpu.vector_load_idx %arg4[%broadcast_in_dim3A_759, %mul3A_762] : memref<36x512xi32, #tpu.memory_space<vmem>>[vector<16xi32>, vector<16xi32>], vector<16xi32>,
        %lt3A_764 = arith.constant 768 : i32
        %lt3A_765 = vector.broadcast %lt3A_764 : i32 to vector<16xi32>
        %lt3A_766 = arith.cmpi slt, %gather3A_763, %lt3A_765 : vector<16xi32>
        tpu.vector_store_idx %arg5[%add3A_90, %gather3A_763], %broadcast_in_dim3A_23 masked %lt3A_766 {add = true} : memref<64x768xi32, #tpu.memory_space<vmem>>[vector<16xi32>, vector<16xi32>], vector<16xi32>, vector<16xi1>
        %mul3A_767 = arith.constant 2 : i32
        %mul3A_768 = vector.broadcast %mul3A_767 : i32 to vector<16xi32>
        %mul3A_769 = arith.muli %mul3A_768, %add3A_94 : vector<16xi32>
        %add3A_770 = arith.constant 1 : i32
        %add3A_771 = vector.broadcast %add3A_770 : i32 to vector<16xi32>
        %add3A_772 = arith.addi %mul3A_769, %add3A_771 : vector<16xi32>
        %gather3A_773 = tpu.vector_load_idx %arg4[%broadcast_in_dim3A_759, %add3A_772] : memref<36x512xi32, #tpu.memory_space<vmem>>[vector<16xi32>, vector<16xi32>], vector<16xi32>,
        %lt3A_774 = arith.constant 768 : i32
        %lt3A_775 = vector.broadcast %lt3A_774 : i32 to vector<16xi32>
        %lt3A_776 = arith.cmpi slt, %gather3A_773, %lt3A_775 : vector<16xi32>
        tpu.vector_store_idx %arg5[%add3A_90, %gather3A_773], %broadcast_in_dim3A_25 masked %lt3A_776 {add = true} : memref<64x768xi32, #tpu.memory_space<vmem>>[vector<16xi32>, vector<16xi32>], vector<16xi32>, vector<16xi1>
      }
      %scan3A_31 = arith.constant 4 : i32
      %mul3A_32 = arith.constant 256 : i32
      %mul3A_33 = arith.muli %add3A, %mul3A_32 : i32
      %mul3A_34 = arith.constant 64 : i32
      %mul3A_35 = arith.muli %mul3A_17, %mul3A_34 : i32
      %add3A_36 = arith.addi %mul3A_33, %mul3A_35 : i32
      %dma_start3A = arith.constant 0 : i32
      %dma_start3A_37 = tpu.memref_slice %arg3[%add3A_36, %dma_start3A] : memref<8192x768xi32, #tpu.memory_space<hbm>> -> memref<64x768xi32, #tpu.memory_space<hbm>>
      %dma_start3A_38 = arith.constant 0 : i32
      %dma_start3A_39 = tpu.memref_slice %arg3[%add3A_36, %dma_start3A_38] : memref<8192x768xi32, #tpu.memory_space<hbm>> -> memref<64x768xi32, #tpu.memory_space<hbm>>
      tpu.enqueue_dma source(%arg5 : memref<64x768xi32, #tpu.memory_space<vmem>>) target(%dma_start3A_39 : memref<64x768xi32, #tpu.memory_space<hbm>>) target_semaphore(%arg7 : memref<!tpu.dma_semaphore, #tpu.memory_space<semaphore_mem>>)
      %broadcast_in_dim3A_40 = arith.constant 1 : i32
      %broadcast_in_dim3A_41 = vector.broadcast %broadcast_in_dim3A_40 : i32 to vector<16xi32>
      %broadcast_in_dim3A_42 = arith.constant 65536 : i32
      %broadcast_in_dim3A_43 = vector.broadcast %broadcast_in_dim3A_42 : i32 to vector<16xi32>
      %scan3A_44 = arith.constant 0 : i32
      %scan3A_45 = arith.constant 0 : i32
      %scan3A_46 = arith.constant 4 : i32
      %scan3A_47 = arith.addi %scan3A_45, %scan3A_46 : i32
      %scan3A_48 = arith.constant 1 : i32
      scf.for %scan3A_86 = %scan3A_45 to %scan3A_47 step %scan3A_48  : i32 {
        %mul3A_87 = arith.constant 16 : i32
        %mul3A_88 = arith.muli %scan3A_86, %mul3A_87 : i32
        %add3A_89 = vector.broadcast %mul3A_88 : i32 to vector<16xi32>
        %add3A_90 = arith.addi %add3A_89, %iota3A : vector<16xi32>
        %mul3A_91 = arith.constant 64 : i32
        %mul3A_92 = arith.muli %add3A_21, %mul3A_91 : i32
        %add3A_93 = vector.broadcast %mul3A_92 : i32 to vector<16xi32>
        %add3A_94 = arith.addi %add3A_93, %add3A_90 : vector<16xi32>
        %broadcast_in_dim3A_95 = arith.constant 0 : i32
        %broadcast_in_dim3A_96 = vector.broadcast %broadcast_in_dim3A_95 : i32 to vector<16xi32>
        %mul3A_97 = arith.constant 2 : i32
        %mul3A_98 = vector.broadcast %mul3A_97 : i32 to vector<16xi32>
        %mul3A_99 = arith.muli %mul3A_98, %add3A_94 : vector<16xi32>
        %gather3A = tpu.vector_load_idx %arg4[%broadcast_in_dim3A_96, %mul3A_99] : memref<36x512xi32, #tpu.memory_space<vmem>>[vector<16xi32>, vector<16xi32>], vector<16xi32>,
        %lt3A = arith.constant 768 : i32
        %lt3A_100 = vector.broadcast %lt3A : i32 to vector<16xi32>
        %lt3A_101 = arith.cmpi slt, %gather3A, %lt3A_100 : vector<16xi32>
        tpu.vector_store_idx %arg6[%add3A_90, %gather3A], %broadcast_in_dim3A_41 masked %lt3A_101 {add = true} : memref<64x768xi32, #tpu.memory_space<vmem>>[vector<16xi32>, vector<16xi32>], vector<16xi32>, vector<16xi1>
        %mul3A_102 = arith.constant 2 : i32
        %mul3A_103 = vector.broadcast %mul3A_102 : i32 to vector<16xi32>
        %mul3A_104 = arith.muli %mul3A_103, %add3A_94 : vector<16xi32>
        %add3A_105 = arith.constant 1 : i32
        %add3A_106 = vector.broadcast %add3A_105 : i32 to vector<16xi32>
        %add3A_107 = arith.addi %mul3A_104, %add3A_106 : vector<16xi32>
        %gather3A_108 = tpu.vector_load_idx %arg4[%broadcast_in_dim3A_96, %add3A_107] : memref<36x512xi32, #tpu.memory_space<vmem>>[vector<16xi32>, vector<16xi32>], vector<16xi32>,
        %lt3A_109 = arith.constant 768 : i32
        %lt3A_110 = vector.broadcast %lt3A_109 : i32 to vector<16xi32>
        %lt3A_111 = arith.cmpi slt, %gather3A_108, %lt3A_110 : vector<16xi32>
        tpu.vector_store_idx %arg6[%add3A_90, %gather3A_108], %broadcast_in_dim3A_43 masked %lt3A_111 {add = true} : memref<64x768xi32, #tpu.memory_space<vmem>>[vector<16xi32>, vector<16xi32>], vector<16xi32>, vector<16xi1>
        %broadcast_in_dim3A_112 = arith.constant 1 : i32
        %broadcast_in_dim3A_113 = vector.broadcast %broadcast_in_dim3A_112 : i32 to vector<16xi32>
        %mul3A_114 = arith.constant 2 : i32
        %mul3A_115 = vector.broadcast %mul3A_114 : i32 to vector<16xi32>
        %mul3A_116 = arith.muli %mul3A_115, %add3A_94 : vector<16xi32>
        %gather3A_117 = tpu.vector_load_idx %arg4[%broadcast_in_dim3A_113, %mul3A_116] : memref<36x512xi32, #tpu.memory_space<vmem>>[vector<16xi32>, vector<16xi32>], vector<16xi32>,
        %lt3A_118 = arith.constant 768 : i32
        %lt3A_119 = vector.broadcast %lt3A_118 : i32 to vector<16xi32>
        %lt3A_120 = arith.cmpi slt, %gather3A_117, %lt3A_119 : vector<16xi32>
        tpu.vector_store_idx %arg6[%add3A_90, %gather3A_117], %broadcast_in_dim3A_41 masked %lt3A_120 {add = true} : memref<64x768xi32, #tpu.memory_space<vmem>>[vector<16xi32>, vector<16xi32>], vector<16xi32>, vector<16xi1>
        %mul3A_121 = arith.constant 2 : i32
        %mul3A_122 = vector.broadcast %mul3A_121 : i32 to vector<16xi32>
        %mul3A_123 = arith.muli %mul3A_122, %add3A_94 : vector<16xi32>
        %add3A_124 = arith.constant 1 : i32
        %add3A_125 = vector.broadcast %add3A_124 : i32 to vector<16xi32>
        %add3A_126 = arith.addi %mul3A_123, %add3A_125 : vector<16xi32>
        %gather3A_127 = tpu.vector_load_idx %arg4[%broadcast_in_dim3A_113, %add3A_126] : memref<36x512xi32, #tpu.memory_space<vmem>>[vector<16xi32>, vector<16xi32>], vector<16xi32>,
        %lt3A_128 = arith.constant 768 : i32
        %lt3A_129 = vector.broadcast %lt3A_128 : i32 to vector<16xi32>
        %lt3A_130 = arith.cmpi slt, %gather3A_127, %lt3A_129 : vector<16xi32>
        tpu.vector_store_idx %arg6[%add3A_90, %gather3A_127], %broadcast_in_dim3A_43 masked %lt3A_130 {add = true} : memref<64x768xi32, #tpu.memory_space<vmem>>[vector<16xi32>, vector<16xi32>], vector<16xi32>, vector<16xi1>
        %broadcast_in_dim3A_131 = arith.constant 2 : i32
        %broadcast_in_dim3A_132 = vector.broadcast %broadcast_in_dim3A_131 : i32 to vector<16xi32>
        %mul3A_133 = arith.constant 2 : i32
        %mul3A_134 = vector.broadcast %mul3A_133 : i32 to vector<16xi32>
        %mul3A_135 = arith.muli %mul3A_134, %add3A_94 : vector<16xi32>
        %gather3A_136 = tpu.vector_load_idx %arg4[%broadcast_in_dim3A_132, %mul3A_135] : memref<36x512xi32, #tpu.memory_space<vmem>>[vector<16xi32>, vector<16xi32>], vector<16xi32>,
        %lt3A_137 = arith.constant 768 : i32
        %lt3A_138 = vector.broadcast %lt3A_137 : i32 to vector<16xi32>
        %lt3A_139 = arith.cmpi slt, %gather3A_136, %lt3A_138 : vector<16xi32>
        tpu.vector_store_idx %arg6[%add3A_90, %gather3A_136], %broadcast_in_dim3A_41 masked %lt3A_139 {add = true} : memref<64x768xi32, #tpu.memory_space<vmem>>[vector<16xi32>, vector<16xi32>], vector<16xi32>, vector<16xi1>
        %mul3A_140 = arith.constant 2 : i32
        %mul3A_141 = vector.broadcast %mul3A_140 : i32 to vector<16xi32>
        %mul3A_142 = arith.muli %mul3A_141, %add3A_94 : vector<16xi32>
        %add3A_143 = arith.constant 1 : i32
        %add3A_144 = vector.broadcast %add3A_143 : i32 to vector<16xi32>
        %add3A_145 = arith.addi %mul3A_142, %add3A_144 : vector<16xi32>
        %gather3A_146 = tpu.vector_load_idx %arg4[%broadcast_in_dim3A_132, %add3A_145] : memref<36x512xi32, #tpu.memory_space<vmem>>[vector<16xi32>, vector<16xi32>], vector<16xi32>,
        %lt3A_147 = arith.constant 768 : i32
        %lt3A_148 = vector.broadcast %lt3A_147 : i32 to vector<16xi32>
        %lt3A_149 = arith.cmpi slt, %gather3A_146, %lt3A_148 : vector<16xi32>
        tpu.vector_store_idx %arg6[%add3A_90, %gather3A_146], %broadcast_in_dim3A_43 masked %lt3A_149 {add = true} : memref<64x768xi32, #tpu.memory_space<vmem>>[vector<16xi32>, vector<16xi32>], vector<16xi32>, vector<16xi1>
        %broadcast_in_dim3A_150 = arith.constant 3 : i32
        %broadcast_in_dim3A_151 = vector.broadcast %broadcast_in_dim3A_150 : i32 to vector<16xi32>
        %mul3A_152 = arith.constant 2 : i32
        %mul3A_153 = vector.broadcast %mul3A_152 : i32 to vector<16xi32>
        %mul3A_154 = arith.muli %mul3A_153, %add3A_94 : vector<16xi32>
        %gather3A_155 = tpu.vector_load_idx %arg4[%broadcast_in_dim3A_151, %mul3A_154] : memref<36x512xi32, #tpu.memory_space<vmem>>[vector<16xi32>, vector<16xi32>], vector<16xi32>,
        %lt3A_156 = arith.constant 768 : i32
        %lt3A_157 = vector.broadcast %lt3A_156 : i32 to vector<16xi32>
        %lt3A_158 = arith.cmpi slt, %gather3A_155, %lt3A_157 : vector<16xi32>
        tpu.vector_store_idx %arg6[%add3A_90, %gather3A_155], %broadcast_in_dim3A_41 masked %lt3A_158 {add = true} : memref<64x768xi32, #tpu.memory_space<vmem>>[vector<16xi32>, vector<16xi32>], vector<16xi32>, vector<16xi1>
        %mul3A_159 = arith.constant 2 : i32
        %mul3A_160 = vector.broadcast %mul3A_159 : i32 to vector<16xi32>
        %mul3A_161 = arith.muli %mul3A_160, %add3A_94 : vector<16xi32>
        %add3A_162 = arith.constant 1 : i32
        %add3A_163 = vector.broadcast %add3A_162 : i32 to vector<16xi32>
        %add3A_164 = arith.addi %mul3A_161, %add3A_163 : vector<16xi32>
        %gather3A_165 = tpu.vector_load_idx %arg4[%broadcast_in_dim3A_151, %add3A_164] : memref<36x512xi32, #tpu.memory_space<vmem>>[vector<16xi32>, vector<16xi32>], vector<16xi32>,
        %lt3A_166 = arith.constant 768 : i32
        %lt3A_167 = vector.broadcast %lt3A_166 : i32 to vector<16xi32>
        %lt3A_168 = arith.cmpi slt, %gather3A_165, %lt3A_167 : vector<16xi32>
        tpu.vector_store_idx %arg6[%add3A_90, %gather3A_165], %broadcast_in_dim3A_43 masked %lt3A_168 {add = true} : memref<64x768xi32, #tpu.memory_space<vmem>>[vector<16xi32>, vector<16xi32>], vector<16xi32>, vector<16xi1>
        %broadcast_in_dim3A_169 = arith.constant 4 : i32
        %broadcast_in_dim3A_170 = vector.broadcast %broadcast_in_dim3A_169 : i32 to vector<16xi32>
        %mul3A_171 = arith.constant 2 : i32
        %mul3A_172 = vector.broadcast %mul3A_171 : i32 to vector<16xi32>
        %mul3A_173 = arith.muli %mul3A_172, %add3A_94 : vector<16xi32>
        %gather3A_174 = tpu.vector_load_idx %arg4[%broadcast_in_dim3A_170, %mul3A_173] : memref<36x512xi32, #tpu.memory_space<vmem>>[vector<16xi32>, vector<16xi32>], vector<16xi32>,
        %lt3A_175 = arith.constant 768 : i32
        %lt3A_176 = vector.broadcast %lt3A_175 : i32 to vector<16xi32>
        %lt3A_177 = arith.cmpi slt, %gather3A_174, %lt3A_176 : vector<16xi32>
        tpu.vector_store_idx %arg6[%add3A_90, %gather3A_174], %broadcast_in_dim3A_41 masked %lt3A_177 {add = true} : memref<64x768xi32, #tpu.memory_space<vmem>>[vector<16xi32>, vector<16xi32>], vector<16xi32>, vector<16xi1>
        %mul3A_178 = arith.constant 2 : i32
        %mul3A_179 = vector.broadcast %mul3A_178 : i32 to vector<16xi32>
        %mul3A_180 = arith.muli %mul3A_179, %add3A_94 : vector<16xi32>
        %add3A_181 = arith.constant 1 : i32
        %add3A_182 = vector.broadcast %add3A_181 : i32 to vector<16xi32>
        %add3A_183 = arith.addi %mul3A_180, %add3A_182 : vector<16xi32>
        %gather3A_184 = tpu.vector_load_idx %arg4[%broadcast_in_dim3A_170, %add3A_183] : memref<36x512xi32, #tpu.memory_space<vmem>>[vector<16xi32>, vector<16xi32>], vector<16xi32>,
        %lt3A_185 = arith.constant 768 : i32
        %lt3A_186 = vector.broadcast %lt3A_185 : i32 to vector<16xi32>
        %lt3A_187 = arith.cmpi slt, %gather3A_184, %lt3A_186 : vector<16xi32>
        tpu.vector_store_idx %arg6[%add3A_90, %gather3A_184], %broadcast_in_dim3A_43 masked %lt3A_187 {add = true} : memref<64x768xi32, #tpu.memory_space<vmem>>[vector<16xi32>, vector<16xi32>], vector<16xi32>, vector<16xi1>
        %broadcast_in_dim3A_188 = arith.constant 5 : i32
        %broadcast_in_dim3A_189 = vector.broadcast %broadcast_in_dim3A_188 : i32 to vector<16xi32>
        %mul3A_190 = arith.constant 2 : i32
        %mul3A_191 = vector.broadcast %mul3A_190 : i32 to vector<16xi32>
        %mul3A_192 = arith.muli %mul3A_191, %add3A_94 : vector<16xi32>
        %gather3A_193 = tpu.vector_load_idx %arg4[%broadcast_in_dim3A_189, %mul3A_192] : memref<36x512xi32, #tpu.memory_space<vmem>>[vector<16xi32>, vector<16xi32>], vector<16xi32>,
        %lt3A_194 = arith.constant 768 : i32
        %lt3A_195 = vector.broadcast %lt3A_194 : i32 to vector<16xi32>
        %lt3A_196 = arith.cmpi slt, %gather3A_193, %lt3A_195 : vector<16xi32>
        tpu.vector_store_idx %arg6[%add3A_90, %gather3A_193], %broadcast_in_dim3A_41 masked %lt3A_196 {add = true} : memref<64x768xi32, #tpu.memory_space<vmem>>[vector<16xi32>, vector<16xi32>], vector<16xi32>, vector<16xi1>
        %mul3A_197 = arith.constant 2 : i32
        %mul3A_198 = vector.broadcast %mul3A_197 : i32 to vector<16xi32>
        %mul3A_199 = arith.muli %mul3A_198, %add3A_94 : vector<16xi32>
        %add3A_200 = arith.constant 1 : i32
        %add3A_201 = vector.broadcast %add3A_200 : i32 to vector<16xi32>
        %add3A_202 = arith.addi %mul3A_199, %add3A_201 : vector<16xi32>
        %gather3A_203 = tpu.vector_load_idx %arg4[%broadcast_in_dim3A_189, %add3A_202] : memref<36x512xi32, #tpu.memory_space<vmem>>[vector<16xi32>, vector<16xi32>], vector<16xi32>,
        %lt3A_204 = arith.constant 768 : i32
        %lt3A_205 = vector.broadcast %lt3A_204 : i32 to vector<16xi32>
        %lt3A_206 = arith.cmpi slt, %gather3A_203, %lt3A_205 : vector<16xi32>
        tpu.vector_store_idx %arg6[%add3A_90, %gather3A_203], %broadcast_in_dim3A_43 masked %lt3A_206 {add = true} : memref<64x768xi32, #tpu.memory_space<vmem>>[vector<16xi32>, vector<16xi32>], vector<16xi32>, vector<16xi1>
        %broadcast_in_dim3A_207 = arith.constant 6 : i32
        %broadcast_in_dim3A_208 = vector.broadcast %broadcast_in_dim3A_207 : i32 to vector<16xi32>
        %mul3A_209 = arith.constant 2 : i32
        %mul3A_210 = vector.broadcast %mul3A_209 : i32 to vector<16xi32>
        %mul3A_211 = arith.muli %mul3A_210, %add3A_94 : vector<16xi32>
        %gather3A_212 = tpu.vector_load_idx %arg4[%broadcast_in_dim3A_208, %mul3A_211] : memref<36x512xi32, #tpu.memory_space<vmem>>[vector<16xi32>, vector<16xi32>], vector<16xi32>,
        %lt3A_213 = arith.constant 768 : i32
        %lt3A_214 = vector.broadcast %lt3A_213 : i32 to vector<16xi32>
        %lt3A_215 = arith.cmpi slt, %gather3A_212, %lt3A_214 : vector<16xi32>
        tpu.vector_store_idx %arg6[%add3A_90, %gather3A_212], %broadcast_in_dim3A_41 masked %lt3A_215 {add = true} : memref<64x768xi32, #tpu.memory_space<vmem>>[vector<16xi32>, vector<16xi32>], vector<16xi32>, vector<16xi1>
        %mul3A_216 = arith.constant 2 : i32
        %mul3A_217 = vector.broadcast %mul3A_216 : i32 to vector<16xi32>
        %mul3A_218 = arith.muli %mul3A_217, %add3A_94 : vector<16xi32>
        %add3A_219 = arith.constant 1 : i32
        %add3A_220 = vector.broadcast %add3A_219 : i32 to vector<16xi32>
        %add3A_221 = arith.addi %mul3A_218, %add3A_220 : vector<16xi32>
        %gather3A_222 = tpu.vector_load_idx %arg4[%broadcast_in_dim3A_208, %add3A_221] : memref<36x512xi32, #tpu.memory_space<vmem>>[vector<16xi32>, vector<16xi32>], vector<16xi32>,
        %lt3A_223 = arith.constant 768 : i32
        %lt3A_224 = vector.broadcast %lt3A_223 : i32 to vector<16xi32>
        %lt3A_225 = arith.cmpi slt, %gather3A_222, %lt3A_224 : vector<16xi32>
        tpu.vector_store_idx %arg6[%add3A_90, %gather3A_222], %broadcast_in_dim3A_43 masked %lt3A_225 {add = true} : memref<64x768xi32, #tpu.memory_space<vmem>>[vector<16xi32>, vector<16xi32>], vector<16xi32>, vector<16xi1>
        %broadcast_in_dim3A_226 = arith.constant 7 : i32
        %broadcast_in_dim3A_227 = vector.broadcast %broadcast_in_dim3A_226 : i32 to vector<16xi32>
        %mul3A_228 = arith.constant 2 : i32
        %mul3A_229 = vector.broadcast %mul3A_228 : i32 to vector<16xi32>
        %mul3A_230 = arith.muli %mul3A_229, %add3A_94 : vector<16xi32>
        %gather3A_231 = tpu.vector_load_idx %arg4[%broadcast_in_dim3A_227, %mul3A_230] : memref<36x512xi32, #tpu.memory_space<vmem>>[vector<16xi32>, vector<16xi32>], vector<16xi32>,
        %lt3A_232 = arith.constant 768 : i32
        %lt3A_233 = vector.broadcast %lt3A_232 : i32 to vector<16xi32>
        %lt3A_234 = arith.cmpi slt, %gather3A_231, %lt3A_233 : vector<16xi32>
        tpu.vector_store_idx %arg6[%add3A_90, %gather3A_231], %broadcast_in_dim3A_41 masked %lt3A_234 {add = true} : memref<64x768xi32, #tpu.memory_space<vmem>>[vector<16xi32>, vector<16xi32>], vector<16xi32>, vector<16xi1>
        %mul3A_235 = arith.constant 2 : i32
        %mul3A_236 = vector.broadcast %mul3A_235 : i32 to vector<16xi32>
        %mul3A_237 = arith.muli %mul3A_236, %add3A_94 : vector<16xi32>
        %add3A_238 = arith.constant 1 : i32
        %add3A_239 = vector.broadcast %add3A_238 : i32 to vector<16xi32>
        %add3A_240 = arith.addi %mul3A_237, %add3A_239 : vector<16xi32>
        %gather3A_241 = tpu.vector_load_idx %arg4[%broadcast_in_dim3A_227, %add3A_240] : memref<36x512xi32, #tpu.memory_space<vmem>>[vector<16xi32>, vector<16xi32>], vector<16xi32>,
        %lt3A_242 = arith.constant 768 : i32
        %lt3A_243 = vector.broadcast %lt3A_242 : i32 to vector<16xi32>
        %lt3A_244 = arith.cmpi slt, %gather3A_241, %lt3A_243 : vector<16xi32>
        tpu.vector_store_idx %arg6[%add3A_90, %gather3A_241], %broadcast_in_dim3A_43 masked %lt3A_244 {add = true} : memref<64x768xi32, #tpu.memory_space<vmem>>[vector<16xi32>, vector<16xi32>], vector<16xi32>, vector<16xi1>
        %broadcast_in_dim3A_245 = arith.constant 8 : i32
        %broadcast_in_dim3A_246 = vector.broadcast %broadcast_in_dim3A_245 : i32 to vector<16xi32>
        %mul3A_247 = arith.constant 2 : i32
        %mul3A_248 = vector.broadcast %mul3A_247 : i32 to vector<16xi32>
        %mul3A_249 = arith.muli %mul3A_248, %add3A_94 : vector<16xi32>
        %gather3A_250 = tpu.vector_load_idx %arg4[%broadcast_in_dim3A_246, %mul3A_249] : memref<36x512xi32, #tpu.memory_space<vmem>>[vector<16xi32>, vector<16xi32>], vector<16xi32>,
        %lt3A_251 = arith.constant 768 : i32
        %lt3A_252 = vector.broadcast %lt3A_251 : i32 to vector<16xi32>
        %lt3A_253 = arith.cmpi slt, %gather3A_250, %lt3A_252 : vector<16xi32>
        tpu.vector_store_idx %arg6[%add3A_90, %gather3A_250], %broadcast_in_dim3A_41 masked %lt3A_253 {add = true} : memref<64x768xi32, #tpu.memory_space<vmem>>[vector<16xi32>, vector<16xi32>], vector<16xi32>, vector<16xi1>
        %mul3A_254 = arith.constant 2 : i32
        %mul3A_255 = vector.broadcast %mul3A_254 : i32 to vector<16xi32>
        %mul3A_256 = arith.muli %mul3A_255, %add3A_94 : vector<16xi32>
        %add3A_257 = arith.constant 1 : i32
        %add3A_258 = vector.broadcast %add3A_257 : i32 to vector<16xi32>
        %add3A_259 = arith.addi %mul3A_256, %add3A_258 : vector<16xi32>
        %gather3A_260 = tpu.vector_load_idx %arg4[%broadcast_in_dim3A_246, %add3A_259] : memref<36x512xi32, #tpu.memory_space<vmem>>[vector<16xi32>, vector<16xi32>], vector<16xi32>,
        %lt3A_261 = arith.constant 768 : i32
        %lt3A_262 = vector.broadcast %lt3A_261 : i32 to vector<16xi32>
        %lt3A_263 = arith.cmpi slt, %gather3A_260, %lt3A_262 : vector<16xi32>
        tpu.vector_store_idx %arg6[%add3A_90, %gather3A_260], %broadcast_in_dim3A_43 masked %lt3A_263 {add = true} : memref<64x768xi32, #tpu.memory_space<vmem>>[vector<16xi32>, vector<16xi32>], vector<16xi32>, vector<16xi1>
        %broadcast_in_dim3A_264 = arith.constant 9 : i32
        %broadcast_in_dim3A_265 = vector.broadcast %broadcast_in_dim3A_264 : i32 to vector<16xi32>
        %mul3A_266 = arith.constant 2 : i32
        %mul3A_267 = vector.broadcast %mul3A_266 : i32 to vector<16xi32>
        %mul3A_268 = arith.muli %mul3A_267, %add3A_94 : vector<16xi32>
        %gather3A_269 = tpu.vector_load_idx %arg4[%broadcast_in_dim3A_265, %mul3A_268] : memref<36x512xi32, #tpu.memory_space<vmem>>[vector<16xi32>, vector<16xi32>], vector<16xi32>,
        %lt3A_270 = arith.constant 768 : i32
        %lt3A_271 = vector.broadcast %lt3A_270 : i32 to vector<16xi32>
        %lt3A_272 = arith.cmpi slt, %gather3A_269, %lt3A_271 : vector<16xi32>
        tpu.vector_store_idx %arg6[%add3A_90, %gather3A_269], %broadcast_in_dim3A_41 masked %lt3A_272 {add = true} : memref<64x768xi32, #tpu.memory_space<vmem>>[vector<16xi32>, vector<16xi32>], vector<16xi32>, vector<16xi1>
        %mul3A_273 = arith.constant 2 : i32
        %mul3A_274 = vector.broadcast %mul3A_273 : i32 to vector<16xi32>
        %mul3A_275 = arith.muli %mul3A_274, %add3A_94 : vector<16xi32>
        %add3A_276 = arith.constant 1 : i32
        %add3A_277 = vector.broadcast %add3A_276 : i32 to vector<16xi32>
        %add3A_278 = arith.addi %mul3A_275, %add3A_277 : vector<16xi32>
        %gather3A_279 = tpu.vector_load_idx %arg4[%broadcast_in_dim3A_265, %add3A_278] : memref<36x512xi32, #tpu.memory_space<vmem>>[vector<16xi32>, vector<16xi32>], vector<16xi32>,
        %lt3A_280 = arith.constant 768 : i32
        %lt3A_281 = vector.broadcast %lt3A_280 : i32 to vector<16xi32>
        %lt3A_282 = arith.cmpi slt, %gather3A_279, %lt3A_281 : vector<16xi32>
        tpu.vector_store_idx %arg6[%add3A_90, %gather3A_279], %broadcast_in_dim3A_43 masked %lt3A_282 {add = true} : memref<64x768xi32, #tpu.memory_space<vmem>>[vector<16xi32>, vector<16xi32>], vector<16xi32>, vector<16xi1>
        %broadcast_in_dim3A_283 = arith.constant 10 : i32
        %broadcast_in_dim3A_284 = vector.broadcast %broadcast_in_dim3A_283 : i32 to vector<16xi32>
        %mul3A_285 = arith.constant 2 : i32
        %mul3A_286 = vector.broadcast %mul3A_285 : i32 to vector<16xi32>
        %mul3A_287 = arith.muli %mul3A_286, %add3A_94 : vector<16xi32>
        %gather3A_288 = tpu.vector_load_idx %arg4[%broadcast_in_dim3A_284, %mul3A_287] : memref<36x512xi32, #tpu.memory_space<vmem>>[vector<16xi32>, vector<16xi32>], vector<16xi32>,
        %lt3A_289 = arith.constant 768 : i32
        %lt3A_290 = vector.broadcast %lt3A_289 : i32 to vector<16xi32>
        %lt3A_291 = arith.cmpi slt, %gather3A_288, %lt3A_290 : vector<16xi32>
        tpu.vector_store_idx %arg6[%add3A_90, %gather3A_288], %broadcast_in_dim3A_41 masked %lt3A_291 {add = true} : memref<64x768xi32, #tpu.memory_space<vmem>>[vector<16xi32>, vector<16xi32>], vector<16xi32>, vector<16xi1>
        %mul3A_292 = arith.constant 2 : i32
        %mul3A_293 = vector.broadcast %mul3A_292 : i32 to vector<16xi32>
        %mul3A_294 = arith.muli %mul3A_293, %add3A_94 : vector<16xi32>
        %add3A_295 = arith.constant 1 : i32
        %add3A_296 = vector.broadcast %add3A_295 : i32 to vector<16xi32>
        %add3A_297 = arith.addi %mul3A_294, %add3A_296 : vector<16xi32>
        %gather3A_298 = tpu.vector_load_idx %arg4[%broadcast_in_dim3A_284, %add3A_297] : memref<36x512xi32, #tpu.memory_space<vmem>>[vector<16xi32>, vector<16xi32>], vector<16xi32>,
        %lt3A_299 = arith.constant 768 : i32
        %lt3A_300 = vector.broadcast %lt3A_299 : i32 to vector<16xi32>
        %lt3A_301 = arith.cmpi slt, %gather3A_298, %lt3A_300 : vector<16xi32>
        tpu.vector_store_idx %arg6[%add3A_90, %gather3A_298], %broadcast_in_dim3A_43 masked %lt3A_301 {add = true} : memref<64x768xi32, #tpu.memory_space<vmem>>[vector<16xi32>, vector<16xi32>], vector<16xi32>, vector<16xi1>
        %broadcast_in_dim3A_302 = arith.constant 11 : i32
        %broadcast_in_dim3A_303 = vector.broadcast %broadcast_in_dim3A_302 : i32 to vector<16xi32>
        %mul3A_304 = arith.constant 2 : i32
        %mul3A_305 = vector.broadcast %mul3A_304 : i32 to vector<16xi32>
        %mul3A_306 = arith.muli %mul3A_305, %add3A_94 : vector<16xi32>
        %gather3A_307 = tpu.vector_load_idx %arg4[%broadcast_in_dim3A_303, %mul3A_306] : memref<36x512xi32, #tpu.memory_space<vmem>>[vector<16xi32>, vector<16xi32>], vector<16xi32>,
        %lt3A_308 = arith.constant 768 : i32
        %lt3A_309 = vector.broadcast %lt3A_308 : i32 to vector<16xi32>
        %lt3A_310 = arith.cmpi slt, %gather3A_307, %lt3A_309 : vector<16xi32>
        tpu.vector_store_idx %arg6[%add3A_90, %gather3A_307], %broadcast_in_dim3A_41 masked %lt3A_310 {add = true} : memref<64x768xi32, #tpu.memory_space<vmem>>[vector<16xi32>, vector<16xi32>], vector<16xi32>, vector<16xi1>
        %mul3A_311 = arith.constant 2 : i32
        %mul3A_312 = vector.broadcast %mul3A_311 : i32 to vector<16xi32>
        %mul3A_313 = arith.muli %mul3A_312, %add3A_94 : vector<16xi32>
        %add3A_314 = arith.constant 1 : i32
        %add3A_315 = vector.broadcast %add3A_314 : i32 to vector<16xi32>
        %add3A_316 = arith.addi %mul3A_313, %add3A_315 : vector<16xi32>
        %gather3A_317 = tpu.vector_load_idx %arg4[%broadcast_in_dim3A_303, %add3A_316] : memref<36x512xi32, #tpu.memory_space<vmem>>[vector<16xi32>, vector<16xi32>], vector<16xi32>,
        %lt3A_318 = arith.constant 768 : i32
        %lt3A_319 = vector.broadcast %lt3A_318 : i32 to vector<16xi32>
        %lt3A_320 = arith.cmpi slt, %gather3A_317, %lt3A_319 : vector<16xi32>
        tpu.vector_store_idx %arg6[%add3A_90, %gather3A_317], %broadcast_in_dim3A_43 masked %lt3A_320 {add = true} : memref<64x768xi32, #tpu.memory_space<vmem>>[vector<16xi32>, vector<16xi32>], vector<16xi32>, vector<16xi1>
        %broadcast_in_dim3A_321 = arith.constant 12 : i32
        %broadcast_in_dim3A_322 = vector.broadcast %broadcast_in_dim3A_321 : i32 to vector<16xi32>
        %mul3A_323 = arith.constant 2 : i32
        %mul3A_324 = vector.broadcast %mul3A_323 : i32 to vector<16xi32>
        %mul3A_325 = arith.muli %mul3A_324, %add3A_94 : vector<16xi32>
        %gather3A_326 = tpu.vector_load_idx %arg4[%broadcast_in_dim3A_322, %mul3A_325] : memref<36x512xi32, #tpu.memory_space<vmem>>[vector<16xi32>, vector<16xi32>], vector<16xi32>,
        %lt3A_327 = arith.constant 768 : i32
        %lt3A_328 = vector.broadcast %lt3A_327 : i32 to vector<16xi32>
        %lt3A_329 = arith.cmpi slt, %gather3A_326, %lt3A_328 : vector<16xi32>
        tpu.vector_store_idx %arg6[%add3A_90, %gather3A_326], %broadcast_in_dim3A_41 masked %lt3A_329 {add = true} : memref<64x768xi32, #tpu.memory_space<vmem>>[vector<16xi32>, vector<16xi32>], vector<16xi32>, vector<16xi1>
        %mul3A_330 = arith.constant 2 : i32
        %mul3A_331 = vector.broadcast %mul3A_330 : i32 to vector<16xi32>
        %mul3A_332 = arith.muli %mul3A_331, %add3A_94 : vector<16xi32>
        %add3A_333 = arith.constant 1 : i32
        %add3A_334 = vector.broadcast %add3A_333 : i32 to vector<16xi32>
        %add3A_335 = arith.addi %mul3A_332, %add3A_334 : vector<16xi32>
        %gather3A_336 = tpu.vector_load_idx %arg4[%broadcast_in_dim3A_322, %add3A_335] : memref<36x512xi32, #tpu.memory_space<vmem>>[vector<16xi32>, vector<16xi32>], vector<16xi32>,
        %lt3A_337 = arith.constant 768 : i32
        %lt3A_338 = vector.broadcast %lt3A_337 : i32 to vector<16xi32>
        %lt3A_339 = arith.cmpi slt, %gather3A_336, %lt3A_338 : vector<16xi32>
        tpu.vector_store_idx %arg6[%add3A_90, %gather3A_336], %broadcast_in_dim3A_43 masked %lt3A_339 {add = true} : memref<64x768xi32, #tpu.memory_space<vmem>>[vector<16xi32>, vector<16xi32>], vector<16xi32>, vector<16xi1>
        %broadcast_in_dim3A_340 = arith.constant 13 : i32
        %broadcast_in_dim3A_341 = vector.broadcast %broadcast_in_dim3A_340 : i32 to vector<16xi32>
        %mul3A_342 = arith.constant 2 : i32
        %mul3A_343 = vector.broadcast %mul3A_342 : i32 to vector<16xi32>
        %mul3A_344 = arith.muli %mul3A_343, %add3A_94 : vector<16xi32>
        %gather3A_345 = tpu.vector_load_idx %arg4[%broadcast_in_dim3A_341, %mul3A_344] : memref<36x512xi32, #tpu.memory_space<vmem>>[vector<16xi32>, vector<16xi32>], vector<16xi32>,
        %lt3A_346 = arith.constant 768 : i32
        %lt3A_347 = vector.broadcast %lt3A_346 : i32 to vector<16xi32>
        %lt3A_348 = arith.cmpi slt, %gather3A_345, %lt3A_347 : vector<16xi32>
        tpu.vector_store_idx %arg6[%add3A_90, %gather3A_345], %broadcast_in_dim3A_41 masked %lt3A_348 {add = true} : memref<64x768xi32, #tpu.memory_space<vmem>>[vector<16xi32>, vector<16xi32>], vector<16xi32>, vector<16xi1>
        %mul3A_349 = arith.constant 2 : i32
        %mul3A_350 = vector.broadcast %mul3A_349 : i32 to vector<16xi32>
        %mul3A_351 = arith.muli %mul3A_350, %add3A_94 : vector<16xi32>
        %add3A_352 = arith.constant 1 : i32
        %add3A_353 = vector.broadcast %add3A_352 : i32 to vector<16xi32>
        %add3A_354 = arith.addi %mul3A_351, %add3A_353 : vector<16xi32>
        %gather3A_355 = tpu.vector_load_idx %arg4[%broadcast_in_dim3A_341, %add3A_354] : memref<36x512xi32, #tpu.memory_space<vmem>>[vector<16xi32>, vector<16xi32>], vector<16xi32>,
        %lt3A_356 = arith.constant 768 : i32
        %lt3A_357 = vector.broadcast %lt3A_356 : i32 to vector<16xi32>
        %lt3A_358 = arith.cmpi slt, %gather3A_355, %lt3A_357 : vector<16xi32>
        tpu.vector_store_idx %arg6[%add3A_90, %gather3A_355], %broadcast_in_dim3A_43 masked %lt3A_358 {add = true} : memref<64x768xi32, #tpu.memory_space<vmem>>[vector<16xi32>, vector<16xi32>], vector<16xi32>, vector<16xi1>
        %broadcast_in_dim3A_359 = arith.constant 14 : i32
        %broadcast_in_dim3A_360 = vector.broadcast %broadcast_in_dim3A_359 : i32 to vector<16xi32>
        %mul3A_361 = arith.constant 2 : i32
        %mul3A_362 = vector.broadcast %mul3A_361 : i32 to vector<16xi32>
        %mul3A_363 = arith.muli %mul3A_362, %add3A_94 : vector<16xi32>
        %gather3A_364 = tpu.vector_load_idx %arg4[%broadcast_in_dim3A_360, %mul3A_363] : memref<36x512xi32, #tpu.memory_space<vmem>>[vector<16xi32>, vector<16xi32>], vector<16xi32>,
        %lt3A_365 = arith.constant 768 : i32
        %lt3A_366 = vector.broadcast %lt3A_365 : i32 to vector<16xi32>
        %lt3A_367 = arith.cmpi slt, %gather3A_364, %lt3A_366 : vector<16xi32>
        tpu.vector_store_idx %arg6[%add3A_90, %gather3A_364], %broadcast_in_dim3A_41 masked %lt3A_367 {add = true} : memref<64x768xi32, #tpu.memory_space<vmem>>[vector<16xi32>, vector<16xi32>], vector<16xi32>, vector<16xi1>
        %mul3A_368 = arith.constant 2 : i32
        %mul3A_369 = vector.broadcast %mul3A_368 : i32 to vector<16xi32>
        %mul3A_370 = arith.muli %mul3A_369, %add3A_94 : vector<16xi32>
        %add3A_371 = arith.constant 1 : i32
        %add3A_372 = vector.broadcast %add3A_371 : i32 to vector<16xi32>
        %add3A_373 = arith.addi %mul3A_370, %add3A_372 : vector<16xi32>
        %gather3A_374 = tpu.vector_load_idx %arg4[%broadcast_in_dim3A_360, %add3A_373] : memref<36x512xi32, #tpu.memory_space<vmem>>[vector<16xi32>, vector<16xi32>], vector<16xi32>,
        %lt3A_375 = arith.constant 768 : i32
        %lt3A_376 = vector.broadcast %lt3A_375 : i32 to vector<16xi32>
        %lt3A_377 = arith.cmpi slt, %gather3A_374, %lt3A_376 : vector<16xi32>
        tpu.vector_store_idx %arg6[%add3A_90, %gather3A_374], %broadcast_in_dim3A_43 masked %lt3A_377 {add = true} : memref<64x768xi32, #tpu.memory_space<vmem>>[vector<16xi32>, vector<16xi32>], vector<16xi32>, vector<16xi1>
        %broadcast_in_dim3A_378 = arith.constant 15 : i32
        %broadcast_in_dim3A_379 = vector.broadcast %broadcast_in_dim3A_378 : i32 to vector<16xi32>
        %mul3A_380 = arith.constant 2 : i32
        %mul3A_381 = vector.broadcast %mul3A_380 : i32 to vector<16xi32>
        %mul3A_382 = arith.muli %mul3A_381, %add3A_94 : vector<16xi32>
        %gather3A_383 = tpu.vector_load_idx %arg4[%broadcast_in_dim3A_379, %mul3A_382] : memref<36x512xi32, #tpu.memory_space<vmem>>[vector<16xi32>, vector<16xi32>], vector<16xi32>,
        %lt3A_384 = arith.constant 768 : i32
        %lt3A_385 = vector.broadcast %lt3A_384 : i32 to vector<16xi32>
        %lt3A_386 = arith.cmpi slt, %gather3A_383, %lt3A_385 : vector<16xi32>
        tpu.vector_store_idx %arg6[%add3A_90, %gather3A_383], %broadcast_in_dim3A_41 masked %lt3A_386 {add = true} : memref<64x768xi32, #tpu.memory_space<vmem>>[vector<16xi32>, vector<16xi32>], vector<16xi32>, vector<16xi1>
        %mul3A_387 = arith.constant 2 : i32
        %mul3A_388 = vector.broadcast %mul3A_387 : i32 to vector<16xi32>
        %mul3A_389 = arith.muli %mul3A_388, %add3A_94 : vector<16xi32>
        %add3A_390 = arith.constant 1 : i32
        %add3A_391 = vector.broadcast %add3A_390 : i32 to vector<16xi32>
        %add3A_392 = arith.addi %mul3A_389, %add3A_391 : vector<16xi32>
        %gather3A_393 = tpu.vector_load_idx %arg4[%broadcast_in_dim3A_379, %add3A_392] : memref<36x512xi32, #tpu.memory_space<vmem>>[vector<16xi32>, vector<16xi32>], vector<16xi32>,
        %lt3A_394 = arith.constant 768 : i32
        %lt3A_395 = vector.broadcast %lt3A_394 : i32 to vector<16xi32>
        %lt3A_396 = arith.cmpi slt, %gather3A_393, %lt3A_395 : vector<16xi32>
        tpu.vector_store_idx %arg6[%add3A_90, %gather3A_393], %broadcast_in_dim3A_43 masked %lt3A_396 {add = true} : memref<64x768xi32, #tpu.memory_space<vmem>>[vector<16xi32>, vector<16xi32>], vector<16xi32>, vector<16xi1>
        %broadcast_in_dim3A_397 = arith.constant 16 : i32
        %broadcast_in_dim3A_398 = vector.broadcast %broadcast_in_dim3A_397 : i32 to vector<16xi32>
        %mul3A_399 = arith.constant 2 : i32
        %mul3A_400 = vector.broadcast %mul3A_399 : i32 to vector<16xi32>
        %mul3A_401 = arith.muli %mul3A_400, %add3A_94 : vector<16xi32>
        %gather3A_402 = tpu.vector_load_idx %arg4[%broadcast_in_dim3A_398, %mul3A_401] : memref<36x512xi32, #tpu.memory_space<vmem>>[vector<16xi32>, vector<16xi32>], vector<16xi32>,
        %lt3A_403 = arith.constant 768 : i32
        %lt3A_404 = vector.broadcast %lt3A_403 : i32 to vector<16xi32>
        %lt3A_405 = arith.cmpi slt, %gather3A_402, %lt3A_404 : vector<16xi32>
        tpu.vector_store_idx %arg6[%add3A_90, %gather3A_402], %broadcast_in_dim3A_41 masked %lt3A_405 {add = true} : memref<64x768xi32, #tpu.memory_space<vmem>>[vector<16xi32>, vector<16xi32>], vector<16xi32>, vector<16xi1>
        %mul3A_406 = arith.constant 2 : i32
        %mul3A_407 = vector.broadcast %mul3A_406 : i32 to vector<16xi32>
        %mul3A_408 = arith.muli %mul3A_407, %add3A_94 : vector<16xi32>
        %add3A_409 = arith.constant 1 : i32
        %add3A_410 = vector.broadcast %add3A_409 : i32 to vector<16xi32>
        %add3A_411 = arith.addi %mul3A_408, %add3A_410 : vector<16xi32>
        %gather3A_412 = tpu.vector_load_idx %arg4[%broadcast_in_dim3A_398, %add3A_411] : memref<36x512xi32, #tpu.memory_space<vmem>>[vector<16xi32>, vector<16xi32>], vector<16xi32>,
        %lt3A_413 = arith.constant 768 : i32
        %lt3A_414 = vector.broadcast %lt3A_413 : i32 to vector<16xi32>
        %lt3A_415 = arith.cmpi slt, %gather3A_412, %lt3A_414 : vector<16xi32>
        tpu.vector_store_idx %arg6[%add3A_90, %gather3A_412], %broadcast_in_dim3A_43 masked %lt3A_415 {add = true} : memref<64x768xi32, #tpu.memory_space<vmem>>[vector<16xi32>, vector<16xi32>], vector<16xi32>, vector<16xi1>
        %broadcast_in_dim3A_416 = arith.constant 17 : i32
        %broadcast_in_dim3A_417 = vector.broadcast %broadcast_in_dim3A_416 : i32 to vector<16xi32>
        %mul3A_418 = arith.constant 2 : i32
        %mul3A_419 = vector.broadcast %mul3A_418 : i32 to vector<16xi32>
        %mul3A_420 = arith.muli %mul3A_419, %add3A_94 : vector<16xi32>
        %gather3A_421 = tpu.vector_load_idx %arg4[%broadcast_in_dim3A_417, %mul3A_420] : memref<36x512xi32, #tpu.memory_space<vmem>>[vector<16xi32>, vector<16xi32>], vector<16xi32>,
        %lt3A_422 = arith.constant 768 : i32
        %lt3A_423 = vector.broadcast %lt3A_422 : i32 to vector<16xi32>
        %lt3A_424 = arith.cmpi slt, %gather3A_421, %lt3A_423 : vector<16xi32>
        tpu.vector_store_idx %arg6[%add3A_90, %gather3A_421], %broadcast_in_dim3A_41 masked %lt3A_424 {add = true} : memref<64x768xi32, #tpu.memory_space<vmem>>[vector<16xi32>, vector<16xi32>], vector<16xi32>, vector<16xi1>
        %mul3A_425 = arith.constant 2 : i32
        %mul3A_426 = vector.broadcast %mul3A_425 : i32 to vector<16xi32>
        %mul3A_427 = arith.muli %mul3A_426, %add3A_94 : vector<16xi32>
        %add3A_428 = arith.constant 1 : i32
        %add3A_429 = vector.broadcast %add3A_428 : i32 to vector<16xi32>
        %add3A_430 = arith.addi %mul3A_427, %add3A_429 : vector<16xi32>
        %gather3A_431 = tpu.vector_load_idx %arg4[%broadcast_in_dim3A_417, %add3A_430] : memref<36x512xi32, #tpu.memory_space<vmem>>[vector<16xi32>, vector<16xi32>], vector<16xi32>,
        %lt3A_432 = arith.constant 768 : i32
        %lt3A_433 = vector.broadcast %lt3A_432 : i32 to vector<16xi32>
        %lt3A_434 = arith.cmpi slt, %gather3A_431, %lt3A_433 : vector<16xi32>
        tpu.vector_store_idx %arg6[%add3A_90, %gather3A_431], %broadcast_in_dim3A_43 masked %lt3A_434 {add = true} : memref<64x768xi32, #tpu.memory_space<vmem>>[vector<16xi32>, vector<16xi32>], vector<16xi32>, vector<16xi1>
        %broadcast_in_dim3A_435 = arith.constant 18 : i32
        %broadcast_in_dim3A_436 = vector.broadcast %broadcast_in_dim3A_435 : i32 to vector<16xi32>
        %mul3A_437 = arith.constant 2 : i32
        %mul3A_438 = vector.broadcast %mul3A_437 : i32 to vector<16xi32>
        %mul3A_439 = arith.muli %mul3A_438, %add3A_94 : vector<16xi32>
        %gather3A_440 = tpu.vector_load_idx %arg4[%broadcast_in_dim3A_436, %mul3A_439] : memref<36x512xi32, #tpu.memory_space<vmem>>[vector<16xi32>, vector<16xi32>], vector<16xi32>,
        %lt3A_441 = arith.constant 768 : i32
        %lt3A_442 = vector.broadcast %lt3A_441 : i32 to vector<16xi32>
        %lt3A_443 = arith.cmpi slt, %gather3A_440, %lt3A_442 : vector<16xi32>
        tpu.vector_store_idx %arg6[%add3A_90, %gather3A_440], %broadcast_in_dim3A_41 masked %lt3A_443 {add = true} : memref<64x768xi32, #tpu.memory_space<vmem>>[vector<16xi32>, vector<16xi32>], vector<16xi32>, vector<16xi1>
        %mul3A_444 = arith.constant 2 : i32
        %mul3A_445 = vector.broadcast %mul3A_444 : i32 to vector<16xi32>
        %mul3A_446 = arith.muli %mul3A_445, %add3A_94 : vector<16xi32>
        %add3A_447 = arith.constant 1 : i32
        %add3A_448 = vector.broadcast %add3A_447 : i32 to vector<16xi32>
        %add3A_449 = arith.addi %mul3A_446, %add3A_448 : vector<16xi32>
        %gather3A_450 = tpu.vector_load_idx %arg4[%broadcast_in_dim3A_436, %add3A_449] : memref<36x512xi32, #tpu.memory_space<vmem>>[vector<16xi32>, vector<16xi32>], vector<16xi32>,
        %lt3A_451 = arith.constant 768 : i32
        %lt3A_452 = vector.broadcast %lt3A_451 : i32 to vector<16xi32>
        %lt3A_453 = arith.cmpi slt, %gather3A_450, %lt3A_452 : vector<16xi32>
        tpu.vector_store_idx %arg6[%add3A_90, %gather3A_450], %broadcast_in_dim3A_43 masked %lt3A_453 {add = true} : memref<64x768xi32, #tpu.memory_space<vmem>>[vector<16xi32>, vector<16xi32>], vector<16xi32>, vector<16xi1>
        %broadcast_in_dim3A_454 = arith.constant 19 : i32
        %broadcast_in_dim3A_455 = vector.broadcast %broadcast_in_dim3A_454 : i32 to vector<16xi32>
        %mul3A_456 = arith.constant 2 : i32
        %mul3A_457 = vector.broadcast %mul3A_456 : i32 to vector<16xi32>
        %mul3A_458 = arith.muli %mul3A_457, %add3A_94 : vector<16xi32>
        %gather3A_459 = tpu.vector_load_idx %arg4[%broadcast_in_dim3A_455, %mul3A_458] : memref<36x512xi32, #tpu.memory_space<vmem>>[vector<16xi32>, vector<16xi32>], vector<16xi32>,
        %lt3A_460 = arith.constant 768 : i32
        %lt3A_461 = vector.broadcast %lt3A_460 : i32 to vector<16xi32>
        %lt3A_462 = arith.cmpi slt, %gather3A_459, %lt3A_461 : vector<16xi32>
        tpu.vector_store_idx %arg6[%add3A_90, %gather3A_459], %broadcast_in_dim3A_41 masked %lt3A_462 {add = true} : memref<64x768xi32, #tpu.memory_space<vmem>>[vector<16xi32>, vector<16xi32>], vector<16xi32>, vector<16xi1>
        %mul3A_463 = arith.constant 2 : i32
        %mul3A_464 = vector.broadcast %mul3A_463 : i32 to vector<16xi32>
        %mul3A_465 = arith.muli %mul3A_464, %add3A_94 : vector<16xi32>
        %add3A_466 = arith.constant 1 : i32
        %add3A_467 = vector.broadcast %add3A_466 : i32 to vector<16xi32>
        %add3A_468 = arith.addi %mul3A_465, %add3A_467 : vector<16xi32>
        %gather3A_469 = tpu.vector_load_idx %arg4[%broadcast_in_dim3A_455, %add3A_468] : memref<36x512xi32, #tpu.memory_space<vmem>>[vector<16xi32>, vector<16xi32>], vector<16xi32>,
        %lt3A_470 = arith.constant 768 : i32
        %lt3A_471 = vector.broadcast %lt3A_470 : i32 to vector<16xi32>
        %lt3A_472 = arith.cmpi slt, %gather3A_469, %lt3A_471 : vector<16xi32>
        tpu.vector_store_idx %arg6[%add3A_90, %gather3A_469], %broadcast_in_dim3A_43 masked %lt3A_472 {add = true} : memref<64x768xi32, #tpu.memory_space<vmem>>[vector<16xi32>, vector<16xi32>], vector<16xi32>, vector<16xi1>
        %broadcast_in_dim3A_473 = arith.constant 20 : i32
        %broadcast_in_dim3A_474 = vector.broadcast %broadcast_in_dim3A_473 : i32 to vector<16xi32>
        %mul3A_475 = arith.constant 2 : i32
        %mul3A_476 = vector.broadcast %mul3A_475 : i32 to vector<16xi32>
        %mul3A_477 = arith.muli %mul3A_476, %add3A_94 : vector<16xi32>
        %gather3A_478 = tpu.vector_load_idx %arg4[%broadcast_in_dim3A_474, %mul3A_477] : memref<36x512xi32, #tpu.memory_space<vmem>>[vector<16xi32>, vector<16xi32>], vector<16xi32>,
        %lt3A_479 = arith.constant 768 : i32
        %lt3A_480 = vector.broadcast %lt3A_479 : i32 to vector<16xi32>
        %lt3A_481 = arith.cmpi slt, %gather3A_478, %lt3A_480 : vector<16xi32>
        tpu.vector_store_idx %arg6[%add3A_90, %gather3A_478], %broadcast_in_dim3A_41 masked %lt3A_481 {add = true} : memref<64x768xi32, #tpu.memory_space<vmem>>[vector<16xi32>, vector<16xi32>], vector<16xi32>, vector<16xi1>
        %mul3A_482 = arith.constant 2 : i32
        %mul3A_483 = vector.broadcast %mul3A_482 : i32 to vector<16xi32>
        %mul3A_484 = arith.muli %mul3A_483, %add3A_94 : vector<16xi32>
        %add3A_485 = arith.constant 1 : i32
        %add3A_486 = vector.broadcast %add3A_485 : i32 to vector<16xi32>
        %add3A_487 = arith.addi %mul3A_484, %add3A_486 : vector<16xi32>
        %gather3A_488 = tpu.vector_load_idx %arg4[%broadcast_in_dim3A_474, %add3A_487] : memref<36x512xi32, #tpu.memory_space<vmem>>[vector<16xi32>, vector<16xi32>], vector<16xi32>,
        %lt3A_489 = arith.constant 768 : i32
        %lt3A_490 = vector.broadcast %lt3A_489 : i32 to vector<16xi32>
        %lt3A_491 = arith.cmpi slt, %gather3A_488, %lt3A_490 : vector<16xi32>
        tpu.vector_store_idx %arg6[%add3A_90, %gather3A_488], %broadcast_in_dim3A_43 masked %lt3A_491 {add = true} : memref<64x768xi32, #tpu.memory_space<vmem>>[vector<16xi32>, vector<16xi32>], vector<16xi32>, vector<16xi1>
        %broadcast_in_dim3A_492 = arith.constant 21 : i32
        %broadcast_in_dim3A_493 = vector.broadcast %broadcast_in_dim3A_492 : i32 to vector<16xi32>
        %mul3A_494 = arith.constant 2 : i32
        %mul3A_495 = vector.broadcast %mul3A_494 : i32 to vector<16xi32>
        %mul3A_496 = arith.muli %mul3A_495, %add3A_94 : vector<16xi32>
        %gather3A_497 = tpu.vector_load_idx %arg4[%broadcast_in_dim3A_493, %mul3A_496] : memref<36x512xi32, #tpu.memory_space<vmem>>[vector<16xi32>, vector<16xi32>], vector<16xi32>,
        %lt3A_498 = arith.constant 768 : i32
        %lt3A_499 = vector.broadcast %lt3A_498 : i32 to vector<16xi32>
        %lt3A_500 = arith.cmpi slt, %gather3A_497, %lt3A_499 : vector<16xi32>
        tpu.vector_store_idx %arg6[%add3A_90, %gather3A_497], %broadcast_in_dim3A_41 masked %lt3A_500 {add = true} : memref<64x768xi32, #tpu.memory_space<vmem>>[vector<16xi32>, vector<16xi32>], vector<16xi32>, vector<16xi1>
        %mul3A_501 = arith.constant 2 : i32
        %mul3A_502 = vector.broadcast %mul3A_501 : i32 to vector<16xi32>
        %mul3A_503 = arith.muli %mul3A_502, %add3A_94 : vector<16xi32>
        %add3A_504 = arith.constant 1 : i32
        %add3A_505 = vector.broadcast %add3A_504 : i32 to vector<16xi32>
        %add3A_506 = arith.addi %mul3A_503, %add3A_505 : vector<16xi32>
        %gather3A_507 = tpu.vector_load_idx %arg4[%broadcast_in_dim3A_493, %add3A_506] : memref<36x512xi32, #tpu.memory_space<vmem>>[vector<16xi32>, vector<16xi32>], vector<16xi32>,
        %lt3A_508 = arith.constant 768 : i32
        %lt3A_509 = vector.broadcast %lt3A_508 : i32 to vector<16xi32>
        %lt3A_510 = arith.cmpi slt, %gather3A_507, %lt3A_509 : vector<16xi32>
        tpu.vector_store_idx %arg6[%add3A_90, %gather3A_507], %broadcast_in_dim3A_43 masked %lt3A_510 {add = true} : memref<64x768xi32, #tpu.memory_space<vmem>>[vector<16xi32>, vector<16xi32>], vector<16xi32>, vector<16xi1>
        %broadcast_in_dim3A_511 = arith.constant 22 : i32
        %broadcast_in_dim3A_512 = vector.broadcast %broadcast_in_dim3A_511 : i32 to vector<16xi32>
        %mul3A_513 = arith.constant 2 : i32
        %mul3A_514 = vector.broadcast %mul3A_513 : i32 to vector<16xi32>
        %mul3A_515 = arith.muli %mul3A_514, %add3A_94 : vector<16xi32>
        %gather3A_516 = tpu.vector_load_idx %arg4[%broadcast_in_dim3A_512, %mul3A_515] : memref<36x512xi32, #tpu.memory_space<vmem>>[vector<16xi32>, vector<16xi32>], vector<16xi32>,
        %lt3A_517 = arith.constant 768 : i32
        %lt3A_518 = vector.broadcast %lt3A_517 : i32 to vector<16xi32>
        %lt3A_519 = arith.cmpi slt, %gather3A_516, %lt3A_518 : vector<16xi32>
        tpu.vector_store_idx %arg6[%add3A_90, %gather3A_516], %broadcast_in_dim3A_41 masked %lt3A_519 {add = true} : memref<64x768xi32, #tpu.memory_space<vmem>>[vector<16xi32>, vector<16xi32>], vector<16xi32>, vector<16xi1>
        %mul3A_520 = arith.constant 2 : i32
        %mul3A_521 = vector.broadcast %mul3A_520 : i32 to vector<16xi32>
        %mul3A_522 = arith.muli %mul3A_521, %add3A_94 : vector<16xi32>
        %add3A_523 = arith.constant 1 : i32
        %add3A_524 = vector.broadcast %add3A_523 : i32 to vector<16xi32>
        %add3A_525 = arith.addi %mul3A_522, %add3A_524 : vector<16xi32>
        %gather3A_526 = tpu.vector_load_idx %arg4[%broadcast_in_dim3A_512, %add3A_525] : memref<36x512xi32, #tpu.memory_space<vmem>>[vector<16xi32>, vector<16xi32>], vector<16xi32>,
        %lt3A_527 = arith.constant 768 : i32
        %lt3A_528 = vector.broadcast %lt3A_527 : i32 to vector<16xi32>
        %lt3A_529 = arith.cmpi slt, %gather3A_526, %lt3A_528 : vector<16xi32>
        tpu.vector_store_idx %arg6[%add3A_90, %gather3A_526], %broadcast_in_dim3A_43 masked %lt3A_529 {add = true} : memref<64x768xi32, #tpu.memory_space<vmem>>[vector<16xi32>, vector<16xi32>], vector<16xi32>, vector<16xi1>
        %broadcast_in_dim3A_530 = arith.constant 23 : i32
        %broadcast_in_dim3A_531 = vector.broadcast %broadcast_in_dim3A_530 : i32 to vector<16xi32>
        %mul3A_532 = arith.constant 2 : i32
        %mul3A_533 = vector.broadcast %mul3A_532 : i32 to vector<16xi32>
        %mul3A_534 = arith.muli %mul3A_533, %add3A_94 : vector<16xi32>
        %gather3A_535 = tpu.vector_load_idx %arg4[%broadcast_in_dim3A_531, %mul3A_534] : memref<36x512xi32, #tpu.memory_space<vmem>>[vector<16xi32>, vector<16xi32>], vector<16xi32>,
        %lt3A_536 = arith.constant 768 : i32
        %lt3A_537 = vector.broadcast %lt3A_536 : i32 to vector<16xi32>
        %lt3A_538 = arith.cmpi slt, %gather3A_535, %lt3A_537 : vector<16xi32>
        tpu.vector_store_idx %arg6[%add3A_90, %gather3A_535], %broadcast_in_dim3A_41 masked %lt3A_538 {add = true} : memref<64x768xi32, #tpu.memory_space<vmem>>[vector<16xi32>, vector<16xi32>], vector<16xi32>, vector<16xi1>
        %mul3A_539 = arith.constant 2 : i32
        %mul3A_540 = vector.broadcast %mul3A_539 : i32 to vector<16xi32>
        %mul3A_541 = arith.muli %mul3A_540, %add3A_94 : vector<16xi32>
        %add3A_542 = arith.constant 1 : i32
        %add3A_543 = vector.broadcast %add3A_542 : i32 to vector<16xi32>
        %add3A_544 = arith.addi %mul3A_541, %add3A_543 : vector<16xi32>
        %gather3A_545 = tpu.vector_load_idx %arg4[%broadcast_in_dim3A_531, %add3A_544] : memref<36x512xi32, #tpu.memory_space<vmem>>[vector<16xi32>, vector<16xi32>], vector<16xi32>,
        %lt3A_546 = arith.constant 768 : i32
        %lt3A_547 = vector.broadcast %lt3A_546 : i32 to vector<16xi32>
        %lt3A_548 = arith.cmpi slt, %gather3A_545, %lt3A_547 : vector<16xi32>
        tpu.vector_store_idx %arg6[%add3A_90, %gather3A_545], %broadcast_in_dim3A_43 masked %lt3A_548 {add = true} : memref<64x768xi32, #tpu.memory_space<vmem>>[vector<16xi32>, vector<16xi32>], vector<16xi32>, vector<16xi1>
        %broadcast_in_dim3A_549 = arith.constant 24 : i32
        %broadcast_in_dim3A_550 = vector.broadcast %broadcast_in_dim3A_549 : i32 to vector<16xi32>
        %mul3A_551 = arith.constant 2 : i32
        %mul3A_552 = vector.broadcast %mul3A_551 : i32 to vector<16xi32>
        %mul3A_553 = arith.muli %mul3A_552, %add3A_94 : vector<16xi32>
        %gather3A_554 = tpu.vector_load_idx %arg4[%broadcast_in_dim3A_550, %mul3A_553] : memref<36x512xi32, #tpu.memory_space<vmem>>[vector<16xi32>, vector<16xi32>], vector<16xi32>,
        %lt3A_555 = arith.constant 768 : i32
        %lt3A_556 = vector.broadcast %lt3A_555 : i32 to vector<16xi32>
        %lt3A_557 = arith.cmpi slt, %gather3A_554, %lt3A_556 : vector<16xi32>
        tpu.vector_store_idx %arg6[%add3A_90, %gather3A_554], %broadcast_in_dim3A_41 masked %lt3A_557 {add = true} : memref<64x768xi32, #tpu.memory_space<vmem>>[vector<16xi32>, vector<16xi32>], vector<16xi32>, vector<16xi1>
        %mul3A_558 = arith.constant 2 : i32
        %mul3A_559 = vector.broadcast %mul3A_558 : i32 to vector<16xi32>
        %mul3A_560 = arith.muli %mul3A_559, %add3A_94 : vector<16xi32>
        %add3A_561 = arith.constant 1 : i32
        %add3A_562 = vector.broadcast %add3A_561 : i32 to vector<16xi32>
        %add3A_563 = arith.addi %mul3A_560, %add3A_562 : vector<16xi32>
        %gather3A_564 = tpu.vector_load_idx %arg4[%broadcast_in_dim3A_550, %add3A_563] : memref<36x512xi32, #tpu.memory_space<vmem>>[vector<16xi32>, vector<16xi32>], vector<16xi32>,
        %lt3A_565 = arith.constant 768 : i32
        %lt3A_566 = vector.broadcast %lt3A_565 : i32 to vector<16xi32>
        %lt3A_567 = arith.cmpi slt, %gather3A_564, %lt3A_566 : vector<16xi32>
        tpu.vector_store_idx %arg6[%add3A_90, %gather3A_564], %broadcast_in_dim3A_43 masked %lt3A_567 {add = true} : memref<64x768xi32, #tpu.memory_space<vmem>>[vector<16xi32>, vector<16xi32>], vector<16xi32>, vector<16xi1>
        %broadcast_in_dim3A_568 = arith.constant 25 : i32
        %broadcast_in_dim3A_569 = vector.broadcast %broadcast_in_dim3A_568 : i32 to vector<16xi32>
        %mul3A_570 = arith.constant 2 : i32
        %mul3A_571 = vector.broadcast %mul3A_570 : i32 to vector<16xi32>
        %mul3A_572 = arith.muli %mul3A_571, %add3A_94 : vector<16xi32>
        %gather3A_573 = tpu.vector_load_idx %arg4[%broadcast_in_dim3A_569, %mul3A_572] : memref<36x512xi32, #tpu.memory_space<vmem>>[vector<16xi32>, vector<16xi32>], vector<16xi32>,
        %lt3A_574 = arith.constant 768 : i32
        %lt3A_575 = vector.broadcast %lt3A_574 : i32 to vector<16xi32>
        %lt3A_576 = arith.cmpi slt, %gather3A_573, %lt3A_575 : vector<16xi32>
        tpu.vector_store_idx %arg6[%add3A_90, %gather3A_573], %broadcast_in_dim3A_41 masked %lt3A_576 {add = true} : memref<64x768xi32, #tpu.memory_space<vmem>>[vector<16xi32>, vector<16xi32>], vector<16xi32>, vector<16xi1>
        %mul3A_577 = arith.constant 2 : i32
        %mul3A_578 = vector.broadcast %mul3A_577 : i32 to vector<16xi32>
        %mul3A_579 = arith.muli %mul3A_578, %add3A_94 : vector<16xi32>
        %add3A_580 = arith.constant 1 : i32
        %add3A_581 = vector.broadcast %add3A_580 : i32 to vector<16xi32>
        %add3A_582 = arith.addi %mul3A_579, %add3A_581 : vector<16xi32>
        %gather3A_583 = tpu.vector_load_idx %arg4[%broadcast_in_dim3A_569, %add3A_582] : memref<36x512xi32, #tpu.memory_space<vmem>>[vector<16xi32>, vector<16xi32>], vector<16xi32>,
        %lt3A_584 = arith.constant 768 : i32
        %lt3A_585 = vector.broadcast %lt3A_584 : i32 to vector<16xi32>
        %lt3A_586 = arith.cmpi slt, %gather3A_583, %lt3A_585 : vector<16xi32>
        tpu.vector_store_idx %arg6[%add3A_90, %gather3A_583], %broadcast_in_dim3A_43 masked %lt3A_586 {add = true} : memref<64x768xi32, #tpu.memory_space<vmem>>[vector<16xi32>, vector<16xi32>], vector<16xi32>, vector<16xi1>
        %broadcast_in_dim3A_587 = arith.constant 26 : i32
        %broadcast_in_dim3A_588 = vector.broadcast %broadcast_in_dim3A_587 : i32 to vector<16xi32>
        %mul3A_589 = arith.constant 2 : i32
        %mul3A_590 = vector.broadcast %mul3A_589 : i32 to vector<16xi32>
        %mul3A_591 = arith.muli %mul3A_590, %add3A_94 : vector<16xi32>
        %gather3A_592 = tpu.vector_load_idx %arg4[%broadcast_in_dim3A_588, %mul3A_591] : memref<36x512xi32, #tpu.memory_space<vmem>>[vector<16xi32>, vector<16xi32>], vector<16xi32>,
        %lt3A_593 = arith.constant 768 : i32
        %lt3A_594 = vector.broadcast %lt3A_593 : i32 to vector<16xi32>
        %lt3A_595 = arith.cmpi slt, %gather3A_592, %lt3A_594 : vector<16xi32>
        tpu.vector_store_idx %arg6[%add3A_90, %gather3A_592], %broadcast_in_dim3A_41 masked %lt3A_595 {add = true} : memref<64x768xi32, #tpu.memory_space<vmem>>[vector<16xi32>, vector<16xi32>], vector<16xi32>, vector<16xi1>
        %mul3A_596 = arith.constant 2 : i32
        %mul3A_597 = vector.broadcast %mul3A_596 : i32 to vector<16xi32>
        %mul3A_598 = arith.muli %mul3A_597, %add3A_94 : vector<16xi32>
        %add3A_599 = arith.constant 1 : i32
        %add3A_600 = vector.broadcast %add3A_599 : i32 to vector<16xi32>
        %add3A_601 = arith.addi %mul3A_598, %add3A_600 : vector<16xi32>
        %gather3A_602 = tpu.vector_load_idx %arg4[%broadcast_in_dim3A_588, %add3A_601] : memref<36x512xi32, #tpu.memory_space<vmem>>[vector<16xi32>, vector<16xi32>], vector<16xi32>,
        %lt3A_603 = arith.constant 768 : i32
        %lt3A_604 = vector.broadcast %lt3A_603 : i32 to vector<16xi32>
        %lt3A_605 = arith.cmpi slt, %gather3A_602, %lt3A_604 : vector<16xi32>
        tpu.vector_store_idx %arg6[%add3A_90, %gather3A_602], %broadcast_in_dim3A_43 masked %lt3A_605 {add = true} : memref<64x768xi32, #tpu.memory_space<vmem>>[vector<16xi32>, vector<16xi32>], vector<16xi32>, vector<16xi1>
        %broadcast_in_dim3A_606 = arith.constant 27 : i32
        %broadcast_in_dim3A_607 = vector.broadcast %broadcast_in_dim3A_606 : i32 to vector<16xi32>
        %mul3A_608 = arith.constant 2 : i32
        %mul3A_609 = vector.broadcast %mul3A_608 : i32 to vector<16xi32>
        %mul3A_610 = arith.muli %mul3A_609, %add3A_94 : vector<16xi32>
        %gather3A_611 = tpu.vector_load_idx %arg4[%broadcast_in_dim3A_607, %mul3A_610] : memref<36x512xi32, #tpu.memory_space<vmem>>[vector<16xi32>, vector<16xi32>], vector<16xi32>,
        %lt3A_612 = arith.constant 768 : i32
        %lt3A_613 = vector.broadcast %lt3A_612 : i32 to vector<16xi32>
        %lt3A_614 = arith.cmpi slt, %gather3A_611, %lt3A_613 : vector<16xi32>
        tpu.vector_store_idx %arg6[%add3A_90, %gather3A_611], %broadcast_in_dim3A_41 masked %lt3A_614 {add = true} : memref<64x768xi32, #tpu.memory_space<vmem>>[vector<16xi32>, vector<16xi32>], vector<16xi32>, vector<16xi1>
        %mul3A_615 = arith.constant 2 : i32
        %mul3A_616 = vector.broadcast %mul3A_615 : i32 to vector<16xi32>
        %mul3A_617 = arith.muli %mul3A_616, %add3A_94 : vector<16xi32>
        %add3A_618 = arith.constant 1 : i32
        %add3A_619 = vector.broadcast %add3A_618 : i32 to vector<16xi32>
        %add3A_620 = arith.addi %mul3A_617, %add3A_619 : vector<16xi32>
        %gather3A_621 = tpu.vector_load_idx %arg4[%broadcast_in_dim3A_607, %add3A_620] : memref<36x512xi32, #tpu.memory_space<vmem>>[vector<16xi32>, vector<16xi32>], vector<16xi32>,
        %lt3A_622 = arith.constant 768 : i32
        %lt3A_623 = vector.broadcast %lt3A_622 : i32 to vector<16xi32>
        %lt3A_624 = arith.cmpi slt, %gather3A_621, %lt3A_623 : vector<16xi32>
        tpu.vector_store_idx %arg6[%add3A_90, %gather3A_621], %broadcast_in_dim3A_43 masked %lt3A_624 {add = true} : memref<64x768xi32, #tpu.memory_space<vmem>>[vector<16xi32>, vector<16xi32>], vector<16xi32>, vector<16xi1>
        %broadcast_in_dim3A_625 = arith.constant 28 : i32
        %broadcast_in_dim3A_626 = vector.broadcast %broadcast_in_dim3A_625 : i32 to vector<16xi32>
        %mul3A_627 = arith.constant 2 : i32
        %mul3A_628 = vector.broadcast %mul3A_627 : i32 to vector<16xi32>
        %mul3A_629 = arith.muli %mul3A_628, %add3A_94 : vector<16xi32>
        %gather3A_630 = tpu.vector_load_idx %arg4[%broadcast_in_dim3A_626, %mul3A_629] : memref<36x512xi32, #tpu.memory_space<vmem>>[vector<16xi32>, vector<16xi32>], vector<16xi32>,
        %lt3A_631 = arith.constant 768 : i32
        %lt3A_632 = vector.broadcast %lt3A_631 : i32 to vector<16xi32>
        %lt3A_633 = arith.cmpi slt, %gather3A_630, %lt3A_632 : vector<16xi32>
        tpu.vector_store_idx %arg6[%add3A_90, %gather3A_630], %broadcast_in_dim3A_41 masked %lt3A_633 {add = true} : memref<64x768xi32, #tpu.memory_space<vmem>>[vector<16xi32>, vector<16xi32>], vector<16xi32>, vector<16xi1>
        %mul3A_634 = arith.constant 2 : i32
        %mul3A_635 = vector.broadcast %mul3A_634 : i32 to vector<16xi32>
        %mul3A_636 = arith.muli %mul3A_635, %add3A_94 : vector<16xi32>
        %add3A_637 = arith.constant 1 : i32
        %add3A_638 = vector.broadcast %add3A_637 : i32 to vector<16xi32>
        %add3A_639 = arith.addi %mul3A_636, %add3A_638 : vector<16xi32>
        %gather3A_640 = tpu.vector_load_idx %arg4[%broadcast_in_dim3A_626, %add3A_639] : memref<36x512xi32, #tpu.memory_space<vmem>>[vector<16xi32>, vector<16xi32>], vector<16xi32>,
        %lt3A_641 = arith.constant 768 : i32
        %lt3A_642 = vector.broadcast %lt3A_641 : i32 to vector<16xi32>
        %lt3A_643 = arith.cmpi slt, %gather3A_640, %lt3A_642 : vector<16xi32>
        tpu.vector_store_idx %arg6[%add3A_90, %gather3A_640], %broadcast_in_dim3A_43 masked %lt3A_643 {add = true} : memref<64x768xi32, #tpu.memory_space<vmem>>[vector<16xi32>, vector<16xi32>], vector<16xi32>, vector<16xi1>
        %broadcast_in_dim3A_644 = arith.constant 29 : i32
        %broadcast_in_dim3A_645 = vector.broadcast %broadcast_in_dim3A_644 : i32 to vector<16xi32>
        %mul3A_646 = arith.constant 2 : i32
        %mul3A_647 = vector.broadcast %mul3A_646 : i32 to vector<16xi32>
        %mul3A_648 = arith.muli %mul3A_647, %add3A_94 : vector<16xi32>
        %gather3A_649 = tpu.vector_load_idx %arg4[%broadcast_in_dim3A_645, %mul3A_648] : memref<36x512xi32, #tpu.memory_space<vmem>>[vector<16xi32>, vector<16xi32>], vector<16xi32>,
        %lt3A_650 = arith.constant 768 : i32
        %lt3A_651 = vector.broadcast %lt3A_650 : i32 to vector<16xi32>
        %lt3A_652 = arith.cmpi slt, %gather3A_649, %lt3A_651 : vector<16xi32>
        tpu.vector_store_idx %arg6[%add3A_90, %gather3A_649], %broadcast_in_dim3A_41 masked %lt3A_652 {add = true} : memref<64x768xi32, #tpu.memory_space<vmem>>[vector<16xi32>, vector<16xi32>], vector<16xi32>, vector<16xi1>
        %mul3A_653 = arith.constant 2 : i32
        %mul3A_654 = vector.broadcast %mul3A_653 : i32 to vector<16xi32>
        %mul3A_655 = arith.muli %mul3A_654, %add3A_94 : vector<16xi32>
        %add3A_656 = arith.constant 1 : i32
        %add3A_657 = vector.broadcast %add3A_656 : i32 to vector<16xi32>
        %add3A_658 = arith.addi %mul3A_655, %add3A_657 : vector<16xi32>
        %gather3A_659 = tpu.vector_load_idx %arg4[%broadcast_in_dim3A_645, %add3A_658] : memref<36x512xi32, #tpu.memory_space<vmem>>[vector<16xi32>, vector<16xi32>], vector<16xi32>,
        %lt3A_660 = arith.constant 768 : i32
        %lt3A_661 = vector.broadcast %lt3A_660 : i32 to vector<16xi32>
        %lt3A_662 = arith.cmpi slt, %gather3A_659, %lt3A_661 : vector<16xi32>
        tpu.vector_store_idx %arg6[%add3A_90, %gather3A_659], %broadcast_in_dim3A_43 masked %lt3A_662 {add = true} : memref<64x768xi32, #tpu.memory_space<vmem>>[vector<16xi32>, vector<16xi32>], vector<16xi32>, vector<16xi1>
        %broadcast_in_dim3A_663 = arith.constant 30 : i32
        %broadcast_in_dim3A_664 = vector.broadcast %broadcast_in_dim3A_663 : i32 to vector<16xi32>
        %mul3A_665 = arith.constant 2 : i32
        %mul3A_666 = vector.broadcast %mul3A_665 : i32 to vector<16xi32>
        %mul3A_667 = arith.muli %mul3A_666, %add3A_94 : vector<16xi32>
        %gather3A_668 = tpu.vector_load_idx %arg4[%broadcast_in_dim3A_664, %mul3A_667] : memref<36x512xi32, #tpu.memory_space<vmem>>[vector<16xi32>, vector<16xi32>], vector<16xi32>,
        %lt3A_669 = arith.constant 768 : i32
        %lt3A_670 = vector.broadcast %lt3A_669 : i32 to vector<16xi32>
        %lt3A_671 = arith.cmpi slt, %gather3A_668, %lt3A_670 : vector<16xi32>
        tpu.vector_store_idx %arg6[%add3A_90, %gather3A_668], %broadcast_in_dim3A_41 masked %lt3A_671 {add = true} : memref<64x768xi32, #tpu.memory_space<vmem>>[vector<16xi32>, vector<16xi32>], vector<16xi32>, vector<16xi1>
        %mul3A_672 = arith.constant 2 : i32
        %mul3A_673 = vector.broadcast %mul3A_672 : i32 to vector<16xi32>
        %mul3A_674 = arith.muli %mul3A_673, %add3A_94 : vector<16xi32>
        %add3A_675 = arith.constant 1 : i32
        %add3A_676 = vector.broadcast %add3A_675 : i32 to vector<16xi32>
        %add3A_677 = arith.addi %mul3A_674, %add3A_676 : vector<16xi32>
        %gather3A_678 = tpu.vector_load_idx %arg4[%broadcast_in_dim3A_664, %add3A_677] : memref<36x512xi32, #tpu.memory_space<vmem>>[vector<16xi32>, vector<16xi32>], vector<16xi32>,
        %lt3A_679 = arith.constant 768 : i32
        %lt3A_680 = vector.broadcast %lt3A_679 : i32 to vector<16xi32>
        %lt3A_681 = arith.cmpi slt, %gather3A_678, %lt3A_680 : vector<16xi32>
        tpu.vector_store_idx %arg6[%add3A_90, %gather3A_678], %broadcast_in_dim3A_43 masked %lt3A_681 {add = true} : memref<64x768xi32, #tpu.memory_space<vmem>>[vector<16xi32>, vector<16xi32>], vector<16xi32>, vector<16xi1>
        %broadcast_in_dim3A_682 = arith.constant 31 : i32
        %broadcast_in_dim3A_683 = vector.broadcast %broadcast_in_dim3A_682 : i32 to vector<16xi32>
        %mul3A_684 = arith.constant 2 : i32
        %mul3A_685 = vector.broadcast %mul3A_684 : i32 to vector<16xi32>
        %mul3A_686 = arith.muli %mul3A_685, %add3A_94 : vector<16xi32>
        %gather3A_687 = tpu.vector_load_idx %arg4[%broadcast_in_dim3A_683, %mul3A_686] : memref<36x512xi32, #tpu.memory_space<vmem>>[vector<16xi32>, vector<16xi32>], vector<16xi32>,
        %lt3A_688 = arith.constant 768 : i32
        %lt3A_689 = vector.broadcast %lt3A_688 : i32 to vector<16xi32>
        %lt3A_690 = arith.cmpi slt, %gather3A_687, %lt3A_689 : vector<16xi32>
        tpu.vector_store_idx %arg6[%add3A_90, %gather3A_687], %broadcast_in_dim3A_41 masked %lt3A_690 {add = true} : memref<64x768xi32, #tpu.memory_space<vmem>>[vector<16xi32>, vector<16xi32>], vector<16xi32>, vector<16xi1>
        %mul3A_691 = arith.constant 2 : i32
        %mul3A_692 = vector.broadcast %mul3A_691 : i32 to vector<16xi32>
        %mul3A_693 = arith.muli %mul3A_692, %add3A_94 : vector<16xi32>
        %add3A_694 = arith.constant 1 : i32
        %add3A_695 = vector.broadcast %add3A_694 : i32 to vector<16xi32>
        %add3A_696 = arith.addi %mul3A_693, %add3A_695 : vector<16xi32>
        %gather3A_697 = tpu.vector_load_idx %arg4[%broadcast_in_dim3A_683, %add3A_696] : memref<36x512xi32, #tpu.memory_space<vmem>>[vector<16xi32>, vector<16xi32>], vector<16xi32>,
        %lt3A_698 = arith.constant 768 : i32
        %lt3A_699 = vector.broadcast %lt3A_698 : i32 to vector<16xi32>
        %lt3A_700 = arith.cmpi slt, %gather3A_697, %lt3A_699 : vector<16xi32>
        tpu.vector_store_idx %arg6[%add3A_90, %gather3A_697], %broadcast_in_dim3A_43 masked %lt3A_700 {add = true} : memref<64x768xi32, #tpu.memory_space<vmem>>[vector<16xi32>, vector<16xi32>], vector<16xi32>, vector<16xi1>
        %broadcast_in_dim3A_701 = arith.constant 32 : i32
        %broadcast_in_dim3A_702 = vector.broadcast %broadcast_in_dim3A_701 : i32 to vector<16xi32>
        %mul3A_703 = arith.constant 2 : i32
        %mul3A_704 = vector.broadcast %mul3A_703 : i32 to vector<16xi32>
        %mul3A_705 = arith.muli %mul3A_704, %add3A_94 : vector<16xi32>
        %gather3A_706 = tpu.vector_load_idx %arg4[%broadcast_in_dim3A_702, %mul3A_705] : memref<36x512xi32, #tpu.memory_space<vmem>>[vector<16xi32>, vector<16xi32>], vector<16xi32>,
        %lt3A_707 = arith.constant 768 : i32
        %lt3A_708 = vector.broadcast %lt3A_707 : i32 to vector<16xi32>
        %lt3A_709 = arith.cmpi slt, %gather3A_706, %lt3A_708 : vector<16xi32>
        tpu.vector_store_idx %arg6[%add3A_90, %gather3A_706], %broadcast_in_dim3A_41 masked %lt3A_709 {add = true} : memref<64x768xi32, #tpu.memory_space<vmem>>[vector<16xi32>, vector<16xi32>], vector<16xi32>, vector<16xi1>
        %mul3A_710 = arith.constant 2 : i32
        %mul3A_711 = vector.broadcast %mul3A_710 : i32 to vector<16xi32>
        %mul3A_712 = arith.muli %mul3A_711, %add3A_94 : vector<16xi32>
        %add3A_713 = arith.constant 1 : i32
        %add3A_714 = vector.broadcast %add3A_713 : i32 to vector<16xi32>
        %add3A_715 = arith.addi %mul3A_712, %add3A_714 : vector<16xi32>
        %gather3A_716 = tpu.vector_load_idx %arg4[%broadcast_in_dim3A_702, %add3A_715] : memref<36x512xi32, #tpu.memory_space<vmem>>[vector<16xi32>, vector<16xi32>], vector<16xi32>,
        %lt3A_717 = arith.constant 768 : i32
        %lt3A_718 = vector.broadcast %lt3A_717 : i32 to vector<16xi32>
        %lt3A_719 = arith.cmpi slt, %gather3A_716, %lt3A_718 : vector<16xi32>
        tpu.vector_store_idx %arg6[%add3A_90, %gather3A_716], %broadcast_in_dim3A_43 masked %lt3A_719 {add = true} : memref<64x768xi32, #tpu.memory_space<vmem>>[vector<16xi32>, vector<16xi32>], vector<16xi32>, vector<16xi1>
        %broadcast_in_dim3A_720 = arith.constant 33 : i32
        %broadcast_in_dim3A_721 = vector.broadcast %broadcast_in_dim3A_720 : i32 to vector<16xi32>
        %mul3A_722 = arith.constant 2 : i32
        %mul3A_723 = vector.broadcast %mul3A_722 : i32 to vector<16xi32>
        %mul3A_724 = arith.muli %mul3A_723, %add3A_94 : vector<16xi32>
        %gather3A_725 = tpu.vector_load_idx %arg4[%broadcast_in_dim3A_721, %mul3A_724] : memref<36x512xi32, #tpu.memory_space<vmem>>[vector<16xi32>, vector<16xi32>], vector<16xi32>,
        %lt3A_726 = arith.constant 768 : i32
        %lt3A_727 = vector.broadcast %lt3A_726 : i32 to vector<16xi32>
        %lt3A_728 = arith.cmpi slt, %gather3A_725, %lt3A_727 : vector<16xi32>
        tpu.vector_store_idx %arg6[%add3A_90, %gather3A_725], %broadcast_in_dim3A_41 masked %lt3A_728 {add = true} : memref<64x768xi32, #tpu.memory_space<vmem>>[vector<16xi32>, vector<16xi32>], vector<16xi32>, vector<16xi1>
        %mul3A_729 = arith.constant 2 : i32
        %mul3A_730 = vector.broadcast %mul3A_729 : i32 to vector<16xi32>
        %mul3A_731 = arith.muli %mul3A_730, %add3A_94 : vector<16xi32>
        %add3A_732 = arith.constant 1 : i32
        %add3A_733 = vector.broadcast %add3A_732 : i32 to vector<16xi32>
        %add3A_734 = arith.addi %mul3A_731, %add3A_733 : vector<16xi32>
        %gather3A_735 = tpu.vector_load_idx %arg4[%broadcast_in_dim3A_721, %add3A_734] : memref<36x512xi32, #tpu.memory_space<vmem>>[vector<16xi32>, vector<16xi32>], vector<16xi32>,
        %lt3A_736 = arith.constant 768 : i32
        %lt3A_737 = vector.broadcast %lt3A_736 : i32 to vector<16xi32>
        %lt3A_738 = arith.cmpi slt, %gather3A_735, %lt3A_737 : vector<16xi32>
        tpu.vector_store_idx %arg6[%add3A_90, %gather3A_735], %broadcast_in_dim3A_43 masked %lt3A_738 {add = true} : memref<64x768xi32, #tpu.memory_space<vmem>>[vector<16xi32>, vector<16xi32>], vector<16xi32>, vector<16xi1>
        %broadcast_in_dim3A_739 = arith.constant 34 : i32
        %broadcast_in_dim3A_740 = vector.broadcast %broadcast_in_dim3A_739 : i32 to vector<16xi32>
        %mul3A_741 = arith.constant 2 : i32
        %mul3A_742 = vector.broadcast %mul3A_741 : i32 to vector<16xi32>
        %mul3A_743 = arith.muli %mul3A_742, %add3A_94 : vector<16xi32>
        %gather3A_744 = tpu.vector_load_idx %arg4[%broadcast_in_dim3A_740, %mul3A_743] : memref<36x512xi32, #tpu.memory_space<vmem>>[vector<16xi32>, vector<16xi32>], vector<16xi32>,
        %lt3A_745 = arith.constant 768 : i32
        %lt3A_746 = vector.broadcast %lt3A_745 : i32 to vector<16xi32>
        %lt3A_747 = arith.cmpi slt, %gather3A_744, %lt3A_746 : vector<16xi32>
        tpu.vector_store_idx %arg6[%add3A_90, %gather3A_744], %broadcast_in_dim3A_41 masked %lt3A_747 {add = true} : memref<64x768xi32, #tpu.memory_space<vmem>>[vector<16xi32>, vector<16xi32>], vector<16xi32>, vector<16xi1>
        %mul3A_748 = arith.constant 2 : i32
        %mul3A_749 = vector.broadcast %mul3A_748 : i32 to vector<16xi32>
        %mul3A_750 = arith.muli %mul3A_749, %add3A_94 : vector<16xi32>
        %add3A_751 = arith.constant 1 : i32
        %add3A_752 = vector.broadcast %add3A_751 : i32 to vector<16xi32>
        %add3A_753 = arith.addi %mul3A_750, %add3A_752 : vector<16xi32>
        %gather3A_754 = tpu.vector_load_idx %arg4[%broadcast_in_dim3A_740, %add3A_753] : memref<36x512xi32, #tpu.memory_space<vmem>>[vector<16xi32>, vector<16xi32>], vector<16xi32>,
        %lt3A_755 = arith.constant 768 : i32
        %lt3A_756 = vector.broadcast %lt3A_755 : i32 to vector<16xi32>
        %lt3A_757 = arith.cmpi slt, %gather3A_754, %lt3A_756 : vector<16xi32>
        tpu.vector_store_idx %arg6[%add3A_90, %gather3A_754], %broadcast_in_dim3A_43 masked %lt3A_757 {add = true} : memref<64x768xi32, #tpu.memory_space<vmem>>[vector<16xi32>, vector<16xi32>], vector<16xi32>, vector<16xi1>
        %broadcast_in_dim3A_758 = arith.constant 35 : i32
        %broadcast_in_dim3A_759 = vector.broadcast %broadcast_in_dim3A_758 : i32 to vector<16xi32>
        %mul3A_760 = arith.constant 2 : i32
        %mul3A_761 = vector.broadcast %mul3A_760 : i32 to vector<16xi32>
        %mul3A_762 = arith.muli %mul3A_761, %add3A_94 : vector<16xi32>
        %gather3A_763 = tpu.vector_load_idx %arg4[%broadcast_in_dim3A_759, %mul3A_762] : memref<36x512xi32, #tpu.memory_space<vmem>>[vector<16xi32>, vector<16xi32>], vector<16xi32>,
        %lt3A_764 = arith.constant 768 : i32
        %lt3A_765 = vector.broadcast %lt3A_764 : i32 to vector<16xi32>
        %lt3A_766 = arith.cmpi slt, %gather3A_763, %lt3A_765 : vector<16xi32>
        tpu.vector_store_idx %arg6[%add3A_90, %gather3A_763], %broadcast_in_dim3A_41 masked %lt3A_766 {add = true} : memref<64x768xi32, #tpu.memory_space<vmem>>[vector<16xi32>, vector<16xi32>], vector<16xi32>, vector<16xi1>
        %mul3A_767 = arith.constant 2 : i32
        %mul3A_768 = vector.broadcast %mul3A_767 : i32 to vector<16xi32>
        %mul3A_769 = arith.muli %mul3A_768, %add3A_94 : vector<16xi32>
        %add3A_770 = arith.constant 1 : i32
        %add3A_771 = vector.broadcast %add3A_770 : i32 to vector<16xi32>
        %add3A_772 = arith.addi %mul3A_769, %add3A_771 : vector<16xi32>
        %gather3A_773 = tpu.vector_load_idx %arg4[%broadcast_in_dim3A_759, %add3A_772] : memref<36x512xi32, #tpu.memory_space<vmem>>[vector<16xi32>, vector<16xi32>], vector<16xi32>,
        %lt3A_774 = arith.constant 768 : i32
        %lt3A_775 = vector.broadcast %lt3A_774 : i32 to vector<16xi32>
        %lt3A_776 = arith.cmpi slt, %gather3A_773, %lt3A_775 : vector<16xi32>
        tpu.vector_store_idx %arg6[%add3A_90, %gather3A_773], %broadcast_in_dim3A_43 masked %lt3A_776 {add = true} : memref<64x768xi32, #tpu.memory_space<vmem>>[vector<16xi32>, vector<16xi32>], vector<16xi32>, vector<16xi1>
      }
      %scan3A_49 = arith.constant 4 : i32
      %mul3A_50 = arith.constant 256 : i32
      %mul3A_51 = arith.muli %add3A, %mul3A_50 : i32
      %mul3A_52 = arith.constant 64 : i32
      %mul3A_53 = arith.muli %add3A_21, %mul3A_52 : i32
      %add3A_54 = arith.addi %mul3A_51, %mul3A_53 : i32
      %dma_start3A_55 = arith.constant 0 : i32
      %dma_start3A_56 = tpu.memref_slice %arg3[%add3A_54, %dma_start3A_55] : memref<8192x768xi32, #tpu.memory_space<hbm>> -> memref<64x768xi32, #tpu.memory_space<hbm>>
      %dma_start3A_57 = arith.constant 0 : i32
      %dma_start3A_58 = tpu.memref_slice %arg3[%add3A_54, %dma_start3A_57] : memref<8192x768xi32, #tpu.memory_space<hbm>> -> memref<64x768xi32, #tpu.memory_space<hbm>>
      tpu.enqueue_dma source(%arg6 : memref<64x768xi32, #tpu.memory_space<vmem>>) target(%dma_start3A_58 : memref<64x768xi32, #tpu.memory_space<hbm>>) target_semaphore(%arg8 : memref<!tpu.dma_semaphore, #tpu.memory_space<semaphore_mem>>)
      %dma_wait3A = arith.constant 0 : i32
      %dma_wait3A_59 = tpu.memref_slice %arg3[%add3A_36, %dma_wait3A] : memref<8192x768xi32, #tpu.memory_space<hbm>> -> memref<64x768xi32, #tpu.memory_space<hbm>>
      %dma_wait3A_60 = arith.constant 0 : i32
      %dma_wait3A_61 = tpu.memref_slice %arg3[%add3A_36, %dma_wait3A_60] : memref<8192x768xi32, #tpu.memory_space<hbm>> -> memref<64x768xi32, #tpu.memory_space<hbm>>
      tpu.wait_dma2 semaphore(%arg7 : memref<!tpu.dma_semaphore, #tpu.memory_space<semaphore_mem>>) src(%arg5 : memref<64x768xi32, #tpu.memory_space<vmem>>) dst(%dma_wait3A_61 : memref<64x768xi32, #tpu.memory_space<hbm>>)
      %broadcast_in_dim3A_62 = arith.constant -1 : i32
      %broadcast_in_dim3A_63 = vector.broadcast %broadcast_in_dim3A_62 : i32 to vector<16xi32>
      %broadcast_in_dim3A_64 = arith.constant -65536 : i32
      %broadcast_in_dim3A_65 = vector.broadcast %broadcast_in_dim3A_64 : i32 to vector<16xi32>
      %scan3A_66 = arith.constant 0 : i32
      %scan3A_67 = arith.constant 0 : i32
      %scan3A_68 = arith.constant 4 : i32
      %scan3A_69 = arith.addi %scan3A_67, %scan3A_68 : i32
      %scan3A_70 = arith.constant 1 : i32
      scf.for %scan3A_86 = %scan3A_67 to %scan3A_69 step %scan3A_70  : i32 {
        %mul3A_87 = arith.constant 16 : i32
        %mul3A_88 = arith.muli %scan3A_86, %mul3A_87 : i32
        %add3A_89 = vector.broadcast %mul3A_88 : i32 to vector<16xi32>
        %add3A_90 = arith.addi %add3A_89, %iota3A : vector<16xi32>
        %mul3A_91 = arith.constant 64 : i32
        %mul3A_92 = arith.muli %mul3A_17, %mul3A_91 : i32
        %add3A_93 = vector.broadcast %mul3A_92 : i32 to vector<16xi32>
        %add3A_94 = arith.addi %add3A_93, %add3A_90 : vector<16xi32>
        %broadcast_in_dim3A_95 = arith.constant 0 : i32
        %broadcast_in_dim3A_96 = vector.broadcast %broadcast_in_dim3A_95 : i32 to vector<16xi32>
        %mul3A_97 = arith.constant 2 : i32
        %mul3A_98 = vector.broadcast %mul3A_97 : i32 to vector<16xi32>
        %mul3A_99 = arith.muli %mul3A_98, %add3A_94 : vector<16xi32>
        %gather3A = tpu.vector_load_idx %arg4[%broadcast_in_dim3A_96, %mul3A_99] : memref<36x512xi32, #tpu.memory_space<vmem>>[vector<16xi32>, vector<16xi32>], vector<16xi32>,
        %lt3A = arith.constant 768 : i32
        %lt3A_100 = vector.broadcast %lt3A : i32 to vector<16xi32>
        %lt3A_101 = arith.cmpi slt, %gather3A, %lt3A_100 : vector<16xi32>
        tpu.vector_store_idx %arg5[%add3A_90, %gather3A], %broadcast_in_dim3A_63 masked %lt3A_101 {add = true} : memref<64x768xi32, #tpu.memory_space<vmem>>[vector<16xi32>, vector<16xi32>], vector<16xi32>, vector<16xi1>
        %mul3A_102 = arith.constant 2 : i32
        %mul3A_103 = vector.broadcast %mul3A_102 : i32 to vector<16xi32>
        %mul3A_104 = arith.muli %mul3A_103, %add3A_94 : vector<16xi32>
        %add3A_105 = arith.constant 1 : i32
        %add3A_106 = vector.broadcast %add3A_105 : i32 to vector<16xi32>
        %add3A_107 = arith.addi %mul3A_104, %add3A_106 : vector<16xi32>
        %gather3A_108 = tpu.vector_load_idx %arg4[%broadcast_in_dim3A_96, %add3A_107] : memref<36x512xi32, #tpu.memory_space<vmem>>[vector<16xi32>, vector<16xi32>], vector<16xi32>,
        %lt3A_109 = arith.constant 768 : i32
        %lt3A_110 = vector.broadcast %lt3A_109 : i32 to vector<16xi32>
        %lt3A_111 = arith.cmpi slt, %gather3A_108, %lt3A_110 : vector<16xi32>
        tpu.vector_store_idx %arg5[%add3A_90, %gather3A_108], %broadcast_in_dim3A_65 masked %lt3A_111 {add = true} : memref<64x768xi32, #tpu.memory_space<vmem>>[vector<16xi32>, vector<16xi32>], vector<16xi32>, vector<16xi1>
        %broadcast_in_dim3A_112 = arith.constant 1 : i32
        %broadcast_in_dim3A_113 = vector.broadcast %broadcast_in_dim3A_112 : i32 to vector<16xi32>
        %mul3A_114 = arith.constant 2 : i32
        %mul3A_115 = vector.broadcast %mul3A_114 : i32 to vector<16xi32>
        %mul3A_116 = arith.muli %mul3A_115, %add3A_94 : vector<16xi32>
        %gather3A_117 = tpu.vector_load_idx %arg4[%broadcast_in_dim3A_113, %mul3A_116] : memref<36x512xi32, #tpu.memory_space<vmem>>[vector<16xi32>, vector<16xi32>], vector<16xi32>,
        %lt3A_118 = arith.constant 768 : i32
        %lt3A_119 = vector.broadcast %lt3A_118 : i32 to vector<16xi32>
        %lt3A_120 = arith.cmpi slt, %gather3A_117, %lt3A_119 : vector<16xi32>
        tpu.vector_store_idx %arg5[%add3A_90, %gather3A_117], %broadcast_in_dim3A_63 masked %lt3A_120 {add = true} : memref<64x768xi32, #tpu.memory_space<vmem>>[vector<16xi32>, vector<16xi32>], vector<16xi32>, vector<16xi1>
        %mul3A_121 = arith.constant 2 : i32
        %mul3A_122 = vector.broadcast %mul3A_121 : i32 to vector<16xi32>
        %mul3A_123 = arith.muli %mul3A_122, %add3A_94 : vector<16xi32>
        %add3A_124 = arith.constant 1 : i32
        %add3A_125 = vector.broadcast %add3A_124 : i32 to vector<16xi32>
        %add3A_126 = arith.addi %mul3A_123, %add3A_125 : vector<16xi32>
        %gather3A_127 = tpu.vector_load_idx %arg4[%broadcast_in_dim3A_113, %add3A_126] : memref<36x512xi32, #tpu.memory_space<vmem>>[vector<16xi32>, vector<16xi32>], vector<16xi32>,
        %lt3A_128 = arith.constant 768 : i32
        %lt3A_129 = vector.broadcast %lt3A_128 : i32 to vector<16xi32>
        %lt3A_130 = arith.cmpi slt, %gather3A_127, %lt3A_129 : vector<16xi32>
        tpu.vector_store_idx %arg5[%add3A_90, %gather3A_127], %broadcast_in_dim3A_65 masked %lt3A_130 {add = true} : memref<64x768xi32, #tpu.memory_space<vmem>>[vector<16xi32>, vector<16xi32>], vector<16xi32>, vector<16xi1>
        %broadcast_in_dim3A_131 = arith.constant 2 : i32
        %broadcast_in_dim3A_132 = vector.broadcast %broadcast_in_dim3A_131 : i32 to vector<16xi32>
        %mul3A_133 = arith.constant 2 : i32
        %mul3A_134 = vector.broadcast %mul3A_133 : i32 to vector<16xi32>
        %mul3A_135 = arith.muli %mul3A_134, %add3A_94 : vector<16xi32>
        %gather3A_136 = tpu.vector_load_idx %arg4[%broadcast_in_dim3A_132, %mul3A_135] : memref<36x512xi32, #tpu.memory_space<vmem>>[vector<16xi32>, vector<16xi32>], vector<16xi32>,
        %lt3A_137 = arith.constant 768 : i32
        %lt3A_138 = vector.broadcast %lt3A_137 : i32 to vector<16xi32>
        %lt3A_139 = arith.cmpi slt, %gather3A_136, %lt3A_138 : vector<16xi32>
        tpu.vector_store_idx %arg5[%add3A_90, %gather3A_136], %broadcast_in_dim3A_63 masked %lt3A_139 {add = true} : memref<64x768xi32, #tpu.memory_space<vmem>>[vector<16xi32>, vector<16xi32>], vector<16xi32>, vector<16xi1>
        %mul3A_140 = arith.constant 2 : i32
        %mul3A_141 = vector.broadcast %mul3A_140 : i32 to vector<16xi32>
        %mul3A_142 = arith.muli %mul3A_141, %add3A_94 : vector<16xi32>
        %add3A_143 = arith.constant 1 : i32
        %add3A_144 = vector.broadcast %add3A_143 : i32 to vector<16xi32>
        %add3A_145 = arith.addi %mul3A_142, %add3A_144 : vector<16xi32>
        %gather3A_146 = tpu.vector_load_idx %arg4[%broadcast_in_dim3A_132, %add3A_145] : memref<36x512xi32, #tpu.memory_space<vmem>>[vector<16xi32>, vector<16xi32>], vector<16xi32>,
        %lt3A_147 = arith.constant 768 : i32
        %lt3A_148 = vector.broadcast %lt3A_147 : i32 to vector<16xi32>
        %lt3A_149 = arith.cmpi slt, %gather3A_146, %lt3A_148 : vector<16xi32>
        tpu.vector_store_idx %arg5[%add3A_90, %gather3A_146], %broadcast_in_dim3A_65 masked %lt3A_149 {add = true} : memref<64x768xi32, #tpu.memory_space<vmem>>[vector<16xi32>, vector<16xi32>], vector<16xi32>, vector<16xi1>
        %broadcast_in_dim3A_150 = arith.constant 3 : i32
        %broadcast_in_dim3A_151 = vector.broadcast %broadcast_in_dim3A_150 : i32 to vector<16xi32>
        %mul3A_152 = arith.constant 2 : i32
        %mul3A_153 = vector.broadcast %mul3A_152 : i32 to vector<16xi32>
        %mul3A_154 = arith.muli %mul3A_153, %add3A_94 : vector<16xi32>
        %gather3A_155 = tpu.vector_load_idx %arg4[%broadcast_in_dim3A_151, %mul3A_154] : memref<36x512xi32, #tpu.memory_space<vmem>>[vector<16xi32>, vector<16xi32>], vector<16xi32>,
        %lt3A_156 = arith.constant 768 : i32
        %lt3A_157 = vector.broadcast %lt3A_156 : i32 to vector<16xi32>
        %lt3A_158 = arith.cmpi slt, %gather3A_155, %lt3A_157 : vector<16xi32>
        tpu.vector_store_idx %arg5[%add3A_90, %gather3A_155], %broadcast_in_dim3A_63 masked %lt3A_158 {add = true} : memref<64x768xi32, #tpu.memory_space<vmem>>[vector<16xi32>, vector<16xi32>], vector<16xi32>, vector<16xi1>
        %mul3A_159 = arith.constant 2 : i32
        %mul3A_160 = vector.broadcast %mul3A_159 : i32 to vector<16xi32>
        %mul3A_161 = arith.muli %mul3A_160, %add3A_94 : vector<16xi32>
        %add3A_162 = arith.constant 1 : i32
        %add3A_163 = vector.broadcast %add3A_162 : i32 to vector<16xi32>
        %add3A_164 = arith.addi %mul3A_161, %add3A_163 : vector<16xi32>
        %gather3A_165 = tpu.vector_load_idx %arg4[%broadcast_in_dim3A_151, %add3A_164] : memref<36x512xi32, #tpu.memory_space<vmem>>[vector<16xi32>, vector<16xi32>], vector<16xi32>,
        %lt3A_166 = arith.constant 768 : i32
        %lt3A_167 = vector.broadcast %lt3A_166 : i32 to vector<16xi32>
        %lt3A_168 = arith.cmpi slt, %gather3A_165, %lt3A_167 : vector<16xi32>
        tpu.vector_store_idx %arg5[%add3A_90, %gather3A_165], %broadcast_in_dim3A_65 masked %lt3A_168 {add = true} : memref<64x768xi32, #tpu.memory_space<vmem>>[vector<16xi32>, vector<16xi32>], vector<16xi32>, vector<16xi1>
        %broadcast_in_dim3A_169 = arith.constant 4 : i32
        %broadcast_in_dim3A_170 = vector.broadcast %broadcast_in_dim3A_169 : i32 to vector<16xi32>
        %mul3A_171 = arith.constant 2 : i32
        %mul3A_172 = vector.broadcast %mul3A_171 : i32 to vector<16xi32>
        %mul3A_173 = arith.muli %mul3A_172, %add3A_94 : vector<16xi32>
        %gather3A_174 = tpu.vector_load_idx %arg4[%broadcast_in_dim3A_170, %mul3A_173] : memref<36x512xi32, #tpu.memory_space<vmem>>[vector<16xi32>, vector<16xi32>], vector<16xi32>,
        %lt3A_175 = arith.constant 768 : i32
        %lt3A_176 = vector.broadcast %lt3A_175 : i32 to vector<16xi32>
        %lt3A_177 = arith.cmpi slt, %gather3A_174, %lt3A_176 : vector<16xi32>
        tpu.vector_store_idx %arg5[%add3A_90, %gather3A_174], %broadcast_in_dim3A_63 masked %lt3A_177 {add = true} : memref<64x768xi32, #tpu.memory_space<vmem>>[vector<16xi32>, vector<16xi32>], vector<16xi32>, vector<16xi1>
        %mul3A_178 = arith.constant 2 : i32
        %mul3A_179 = vector.broadcast %mul3A_178 : i32 to vector<16xi32>
        %mul3A_180 = arith.muli %mul3A_179, %add3A_94 : vector<16xi32>
        %add3A_181 = arith.constant 1 : i32
        %add3A_182 = vector.broadcast %add3A_181 : i32 to vector<16xi32>
        %add3A_183 = arith.addi %mul3A_180, %add3A_182 : vector<16xi32>
        %gather3A_184 = tpu.vector_load_idx %arg4[%broadcast_in_dim3A_170, %add3A_183] : memref<36x512xi32, #tpu.memory_space<vmem>>[vector<16xi32>, vector<16xi32>], vector<16xi32>,
        %lt3A_185 = arith.constant 768 : i32
        %lt3A_186 = vector.broadcast %lt3A_185 : i32 to vector<16xi32>
        %lt3A_187 = arith.cmpi slt, %gather3A_184, %lt3A_186 : vector<16xi32>
        tpu.vector_store_idx %arg5[%add3A_90, %gather3A_184], %broadcast_in_dim3A_65 masked %lt3A_187 {add = true} : memref<64x768xi32, #tpu.memory_space<vmem>>[vector<16xi32>, vector<16xi32>], vector<16xi32>, vector<16xi1>
        %broadcast_in_dim3A_188 = arith.constant 5 : i32
        %broadcast_in_dim3A_189 = vector.broadcast %broadcast_in_dim3A_188 : i32 to vector<16xi32>
        %mul3A_190 = arith.constant 2 : i32
        %mul3A_191 = vector.broadcast %mul3A_190 : i32 to vector<16xi32>
        %mul3A_192 = arith.muli %mul3A_191, %add3A_94 : vector<16xi32>
        %gather3A_193 = tpu.vector_load_idx %arg4[%broadcast_in_dim3A_189, %mul3A_192] : memref<36x512xi32, #tpu.memory_space<vmem>>[vector<16xi32>, vector<16xi32>], vector<16xi32>,
        %lt3A_194 = arith.constant 768 : i32
        %lt3A_195 = vector.broadcast %lt3A_194 : i32 to vector<16xi32>
        %lt3A_196 = arith.cmpi slt, %gather3A_193, %lt3A_195 : vector<16xi32>
        tpu.vector_store_idx %arg5[%add3A_90, %gather3A_193], %broadcast_in_dim3A_63 masked %lt3A_196 {add = true} : memref<64x768xi32, #tpu.memory_space<vmem>>[vector<16xi32>, vector<16xi32>], vector<16xi32>, vector<16xi1>
        %mul3A_197 = arith.constant 2 : i32
        %mul3A_198 = vector.broadcast %mul3A_197 : i32 to vector<16xi32>
        %mul3A_199 = arith.muli %mul3A_198, %add3A_94 : vector<16xi32>
        %add3A_200 = arith.constant 1 : i32
        %add3A_201 = vector.broadcast %add3A_200 : i32 to vector<16xi32>
        %add3A_202 = arith.addi %mul3A_199, %add3A_201 : vector<16xi32>
        %gather3A_203 = tpu.vector_load_idx %arg4[%broadcast_in_dim3A_189, %add3A_202] : memref<36x512xi32, #tpu.memory_space<vmem>>[vector<16xi32>, vector<16xi32>], vector<16xi32>,
        %lt3A_204 = arith.constant 768 : i32
        %lt3A_205 = vector.broadcast %lt3A_204 : i32 to vector<16xi32>
        %lt3A_206 = arith.cmpi slt, %gather3A_203, %lt3A_205 : vector<16xi32>
        tpu.vector_store_idx %arg5[%add3A_90, %gather3A_203], %broadcast_in_dim3A_65 masked %lt3A_206 {add = true} : memref<64x768xi32, #tpu.memory_space<vmem>>[vector<16xi32>, vector<16xi32>], vector<16xi32>, vector<16xi1>
        %broadcast_in_dim3A_207 = arith.constant 6 : i32
        %broadcast_in_dim3A_208 = vector.broadcast %broadcast_in_dim3A_207 : i32 to vector<16xi32>
        %mul3A_209 = arith.constant 2 : i32
        %mul3A_210 = vector.broadcast %mul3A_209 : i32 to vector<16xi32>
        %mul3A_211 = arith.muli %mul3A_210, %add3A_94 : vector<16xi32>
        %gather3A_212 = tpu.vector_load_idx %arg4[%broadcast_in_dim3A_208, %mul3A_211] : memref<36x512xi32, #tpu.memory_space<vmem>>[vector<16xi32>, vector<16xi32>], vector<16xi32>,
        %lt3A_213 = arith.constant 768 : i32
        %lt3A_214 = vector.broadcast %lt3A_213 : i32 to vector<16xi32>
        %lt3A_215 = arith.cmpi slt, %gather3A_212, %lt3A_214 : vector<16xi32>
        tpu.vector_store_idx %arg5[%add3A_90, %gather3A_212], %broadcast_in_dim3A_63 masked %lt3A_215 {add = true} : memref<64x768xi32, #tpu.memory_space<vmem>>[vector<16xi32>, vector<16xi32>], vector<16xi32>, vector<16xi1>
        %mul3A_216 = arith.constant 2 : i32
        %mul3A_217 = vector.broadcast %mul3A_216 : i32 to vector<16xi32>
        %mul3A_218 = arith.muli %mul3A_217, %add3A_94 : vector<16xi32>
        %add3A_219 = arith.constant 1 : i32
        %add3A_220 = vector.broadcast %add3A_219 : i32 to vector<16xi32>
        %add3A_221 = arith.addi %mul3A_218, %add3A_220 : vector<16xi32>
        %gather3A_222 = tpu.vector_load_idx %arg4[%broadcast_in_dim3A_208, %add3A_221] : memref<36x512xi32, #tpu.memory_space<vmem>>[vector<16xi32>, vector<16xi32>], vector<16xi32>,
        %lt3A_223 = arith.constant 768 : i32
        %lt3A_224 = vector.broadcast %lt3A_223 : i32 to vector<16xi32>
        %lt3A_225 = arith.cmpi slt, %gather3A_222, %lt3A_224 : vector<16xi32>
        tpu.vector_store_idx %arg5[%add3A_90, %gather3A_222], %broadcast_in_dim3A_65 masked %lt3A_225 {add = true} : memref<64x768xi32, #tpu.memory_space<vmem>>[vector<16xi32>, vector<16xi32>], vector<16xi32>, vector<16xi1>
        %broadcast_in_dim3A_226 = arith.constant 7 : i32
        %broadcast_in_dim3A_227 = vector.broadcast %broadcast_in_dim3A_226 : i32 to vector<16xi32>
        %mul3A_228 = arith.constant 2 : i32
        %mul3A_229 = vector.broadcast %mul3A_228 : i32 to vector<16xi32>
        %mul3A_230 = arith.muli %mul3A_229, %add3A_94 : vector<16xi32>
        %gather3A_231 = tpu.vector_load_idx %arg4[%broadcast_in_dim3A_227, %mul3A_230] : memref<36x512xi32, #tpu.memory_space<vmem>>[vector<16xi32>, vector<16xi32>], vector<16xi32>,
        %lt3A_232 = arith.constant 768 : i32
        %lt3A_233 = vector.broadcast %lt3A_232 : i32 to vector<16xi32>
        %lt3A_234 = arith.cmpi slt, %gather3A_231, %lt3A_233 : vector<16xi32>
        tpu.vector_store_idx %arg5[%add3A_90, %gather3A_231], %broadcast_in_dim3A_63 masked %lt3A_234 {add = true} : memref<64x768xi32, #tpu.memory_space<vmem>>[vector<16xi32>, vector<16xi32>], vector<16xi32>, vector<16xi1>
        %mul3A_235 = arith.constant 2 : i32
        %mul3A_236 = vector.broadcast %mul3A_235 : i32 to vector<16xi32>
        %mul3A_237 = arith.muli %mul3A_236, %add3A_94 : vector<16xi32>
        %add3A_238 = arith.constant 1 : i32
        %add3A_239 = vector.broadcast %add3A_238 : i32 to vector<16xi32>
        %add3A_240 = arith.addi %mul3A_237, %add3A_239 : vector<16xi32>
        %gather3A_241 = tpu.vector_load_idx %arg4[%broadcast_in_dim3A_227, %add3A_240] : memref<36x512xi32, #tpu.memory_space<vmem>>[vector<16xi32>, vector<16xi32>], vector<16xi32>,
        %lt3A_242 = arith.constant 768 : i32
        %lt3A_243 = vector.broadcast %lt3A_242 : i32 to vector<16xi32>
        %lt3A_244 = arith.cmpi slt, %gather3A_241, %lt3A_243 : vector<16xi32>
        tpu.vector_store_idx %arg5[%add3A_90, %gather3A_241], %broadcast_in_dim3A_65 masked %lt3A_244 {add = true} : memref<64x768xi32, #tpu.memory_space<vmem>>[vector<16xi32>, vector<16xi32>], vector<16xi32>, vector<16xi1>
        %broadcast_in_dim3A_245 = arith.constant 8 : i32
        %broadcast_in_dim3A_246 = vector.broadcast %broadcast_in_dim3A_245 : i32 to vector<16xi32>
        %mul3A_247 = arith.constant 2 : i32
        %mul3A_248 = vector.broadcast %mul3A_247 : i32 to vector<16xi32>
        %mul3A_249 = arith.muli %mul3A_248, %add3A_94 : vector<16xi32>
        %gather3A_250 = tpu.vector_load_idx %arg4[%broadcast_in_dim3A_246, %mul3A_249] : memref<36x512xi32, #tpu.memory_space<vmem>>[vector<16xi32>, vector<16xi32>], vector<16xi32>,
        %lt3A_251 = arith.constant 768 : i32
        %lt3A_252 = vector.broadcast %lt3A_251 : i32 to vector<16xi32>
        %lt3A_253 = arith.cmpi slt, %gather3A_250, %lt3A_252 : vector<16xi32>
        tpu.vector_store_idx %arg5[%add3A_90, %gather3A_250], %broadcast_in_dim3A_63 masked %lt3A_253 {add = true} : memref<64x768xi32, #tpu.memory_space<vmem>>[vector<16xi32>, vector<16xi32>], vector<16xi32>, vector<16xi1>
        %mul3A_254 = arith.constant 2 : i32
        %mul3A_255 = vector.broadcast %mul3A_254 : i32 to vector<16xi32>
        %mul3A_256 = arith.muli %mul3A_255, %add3A_94 : vector<16xi32>
        %add3A_257 = arith.constant 1 : i32
        %add3A_258 = vector.broadcast %add3A_257 : i32 to vector<16xi32>
        %add3A_259 = arith.addi %mul3A_256, %add3A_258 : vector<16xi32>
        %gather3A_260 = tpu.vector_load_idx %arg4[%broadcast_in_dim3A_246, %add3A_259] : memref<36x512xi32, #tpu.memory_space<vmem>>[vector<16xi32>, vector<16xi32>], vector<16xi32>,
        %lt3A_261 = arith.constant 768 : i32
        %lt3A_262 = vector.broadcast %lt3A_261 : i32 to vector<16xi32>
        %lt3A_263 = arith.cmpi slt, %gather3A_260, %lt3A_262 : vector<16xi32>
        tpu.vector_store_idx %arg5[%add3A_90, %gather3A_260], %broadcast_in_dim3A_65 masked %lt3A_263 {add = true} : memref<64x768xi32, #tpu.memory_space<vmem>>[vector<16xi32>, vector<16xi32>], vector<16xi32>, vector<16xi1>
        %broadcast_in_dim3A_264 = arith.constant 9 : i32
        %broadcast_in_dim3A_265 = vector.broadcast %broadcast_in_dim3A_264 : i32 to vector<16xi32>
        %mul3A_266 = arith.constant 2 : i32
        %mul3A_267 = vector.broadcast %mul3A_266 : i32 to vector<16xi32>
        %mul3A_268 = arith.muli %mul3A_267, %add3A_94 : vector<16xi32>
        %gather3A_269 = tpu.vector_load_idx %arg4[%broadcast_in_dim3A_265, %mul3A_268] : memref<36x512xi32, #tpu.memory_space<vmem>>[vector<16xi32>, vector<16xi32>], vector<16xi32>,
        %lt3A_270 = arith.constant 768 : i32
        %lt3A_271 = vector.broadcast %lt3A_270 : i32 to vector<16xi32>
        %lt3A_272 = arith.cmpi slt, %gather3A_269, %lt3A_271 : vector<16xi32>
        tpu.vector_store_idx %arg5[%add3A_90, %gather3A_269], %broadcast_in_dim3A_63 masked %lt3A_272 {add = true} : memref<64x768xi32, #tpu.memory_space<vmem>>[vector<16xi32>, vector<16xi32>], vector<16xi32>, vector<16xi1>
        %mul3A_273 = arith.constant 2 : i32
        %mul3A_274 = vector.broadcast %mul3A_273 : i32 to vector<16xi32>
        %mul3A_275 = arith.muli %mul3A_274, %add3A_94 : vector<16xi32>
        %add3A_276 = arith.constant 1 : i32
        %add3A_277 = vector.broadcast %add3A_276 : i32 to vector<16xi32>
        %add3A_278 = arith.addi %mul3A_275, %add3A_277 : vector<16xi32>
        %gather3A_279 = tpu.vector_load_idx %arg4[%broadcast_in_dim3A_265, %add3A_278] : memref<36x512xi32, #tpu.memory_space<vmem>>[vector<16xi32>, vector<16xi32>], vector<16xi32>,
        %lt3A_280 = arith.constant 768 : i32
        %lt3A_281 = vector.broadcast %lt3A_280 : i32 to vector<16xi32>
        %lt3A_282 = arith.cmpi slt, %gather3A_279, %lt3A_281 : vector<16xi32>
        tpu.vector_store_idx %arg5[%add3A_90, %gather3A_279], %broadcast_in_dim3A_65 masked %lt3A_282 {add = true} : memref<64x768xi32, #tpu.memory_space<vmem>>[vector<16xi32>, vector<16xi32>], vector<16xi32>, vector<16xi1>
        %broadcast_in_dim3A_283 = arith.constant 10 : i32
        %broadcast_in_dim3A_284 = vector.broadcast %broadcast_in_dim3A_283 : i32 to vector<16xi32>
        %mul3A_285 = arith.constant 2 : i32
        %mul3A_286 = vector.broadcast %mul3A_285 : i32 to vector<16xi32>
        %mul3A_287 = arith.muli %mul3A_286, %add3A_94 : vector<16xi32>
        %gather3A_288 = tpu.vector_load_idx %arg4[%broadcast_in_dim3A_284, %mul3A_287] : memref<36x512xi32, #tpu.memory_space<vmem>>[vector<16xi32>, vector<16xi32>], vector<16xi32>,
        %lt3A_289 = arith.constant 768 : i32
        %lt3A_290 = vector.broadcast %lt3A_289 : i32 to vector<16xi32>
        %lt3A_291 = arith.cmpi slt, %gather3A_288, %lt3A_290 : vector<16xi32>
        tpu.vector_store_idx %arg5[%add3A_90, %gather3A_288], %broadcast_in_dim3A_63 masked %lt3A_291 {add = true} : memref<64x768xi32, #tpu.memory_space<vmem>>[vector<16xi32>, vector<16xi32>], vector<16xi32>, vector<16xi1>
        %mul3A_292 = arith.constant 2 : i32
        %mul3A_293 = vector.broadcast %mul3A_292 : i32 to vector<16xi32>
        %mul3A_294 = arith.muli %mul3A_293, %add3A_94 : vector<16xi32>
        %add3A_295 = arith.constant 1 : i32
        %add3A_296 = vector.broadcast %add3A_295 : i32 to vector<16xi32>
        %add3A_297 = arith.addi %mul3A_294, %add3A_296 : vector<16xi32>
        %gather3A_298 = tpu.vector_load_idx %arg4[%broadcast_in_dim3A_284, %add3A_297] : memref<36x512xi32, #tpu.memory_space<vmem>>[vector<16xi32>, vector<16xi32>], vector<16xi32>,
        %lt3A_299 = arith.constant 768 : i32
        %lt3A_300 = vector.broadcast %lt3A_299 : i32 to vector<16xi32>
        %lt3A_301 = arith.cmpi slt, %gather3A_298, %lt3A_300 : vector<16xi32>
        tpu.vector_store_idx %arg5[%add3A_90, %gather3A_298], %broadcast_in_dim3A_65 masked %lt3A_301 {add = true} : memref<64x768xi32, #tpu.memory_space<vmem>>[vector<16xi32>, vector<16xi32>], vector<16xi32>, vector<16xi1>
        %broadcast_in_dim3A_302 = arith.constant 11 : i32
        %broadcast_in_dim3A_303 = vector.broadcast %broadcast_in_dim3A_302 : i32 to vector<16xi32>
        %mul3A_304 = arith.constant 2 : i32
        %mul3A_305 = vector.broadcast %mul3A_304 : i32 to vector<16xi32>
        %mul3A_306 = arith.muli %mul3A_305, %add3A_94 : vector<16xi32>
        %gather3A_307 = tpu.vector_load_idx %arg4[%broadcast_in_dim3A_303, %mul3A_306] : memref<36x512xi32, #tpu.memory_space<vmem>>[vector<16xi32>, vector<16xi32>], vector<16xi32>,
        %lt3A_308 = arith.constant 768 : i32
        %lt3A_309 = vector.broadcast %lt3A_308 : i32 to vector<16xi32>
        %lt3A_310 = arith.cmpi slt, %gather3A_307, %lt3A_309 : vector<16xi32>
        tpu.vector_store_idx %arg5[%add3A_90, %gather3A_307], %broadcast_in_dim3A_63 masked %lt3A_310 {add = true} : memref<64x768xi32, #tpu.memory_space<vmem>>[vector<16xi32>, vector<16xi32>], vector<16xi32>, vector<16xi1>
        %mul3A_311 = arith.constant 2 : i32
        %mul3A_312 = vector.broadcast %mul3A_311 : i32 to vector<16xi32>
        %mul3A_313 = arith.muli %mul3A_312, %add3A_94 : vector<16xi32>
        %add3A_314 = arith.constant 1 : i32
        %add3A_315 = vector.broadcast %add3A_314 : i32 to vector<16xi32>
        %add3A_316 = arith.addi %mul3A_313, %add3A_315 : vector<16xi32>
        %gather3A_317 = tpu.vector_load_idx %arg4[%broadcast_in_dim3A_303, %add3A_316] : memref<36x512xi32, #tpu.memory_space<vmem>>[vector<16xi32>, vector<16xi32>], vector<16xi32>,
        %lt3A_318 = arith.constant 768 : i32
        %lt3A_319 = vector.broadcast %lt3A_318 : i32 to vector<16xi32>
        %lt3A_320 = arith.cmpi slt, %gather3A_317, %lt3A_319 : vector<16xi32>
        tpu.vector_store_idx %arg5[%add3A_90, %gather3A_317], %broadcast_in_dim3A_65 masked %lt3A_320 {add = true} : memref<64x768xi32, #tpu.memory_space<vmem>>[vector<16xi32>, vector<16xi32>], vector<16xi32>, vector<16xi1>
        %broadcast_in_dim3A_321 = arith.constant 12 : i32
        %broadcast_in_dim3A_322 = vector.broadcast %broadcast_in_dim3A_321 : i32 to vector<16xi32>
        %mul3A_323 = arith.constant 2 : i32
        %mul3A_324 = vector.broadcast %mul3A_323 : i32 to vector<16xi32>
        %mul3A_325 = arith.muli %mul3A_324, %add3A_94 : vector<16xi32>
        %gather3A_326 = tpu.vector_load_idx %arg4[%broadcast_in_dim3A_322, %mul3A_325] : memref<36x512xi32, #tpu.memory_space<vmem>>[vector<16xi32>, vector<16xi32>], vector<16xi32>,
        %lt3A_327 = arith.constant 768 : i32
        %lt3A_328 = vector.broadcast %lt3A_327 : i32 to vector<16xi32>
        %lt3A_329 = arith.cmpi slt, %gather3A_326, %lt3A_328 : vector<16xi32>
        tpu.vector_store_idx %arg5[%add3A_90, %gather3A_326], %broadcast_in_dim3A_63 masked %lt3A_329 {add = true} : memref<64x768xi32, #tpu.memory_space<vmem>>[vector<16xi32>, vector<16xi32>], vector<16xi32>, vector<16xi1>
        %mul3A_330 = arith.constant 2 : i32
        %mul3A_331 = vector.broadcast %mul3A_330 : i32 to vector<16xi32>
        %mul3A_332 = arith.muli %mul3A_331, %add3A_94 : vector<16xi32>
        %add3A_333 = arith.constant 1 : i32
        %add3A_334 = vector.broadcast %add3A_333 : i32 to vector<16xi32>
        %add3A_335 = arith.addi %mul3A_332, %add3A_334 : vector<16xi32>
        %gather3A_336 = tpu.vector_load_idx %arg4[%broadcast_in_dim3A_322, %add3A_335] : memref<36x512xi32, #tpu.memory_space<vmem>>[vector<16xi32>, vector<16xi32>], vector<16xi32>,
        %lt3A_337 = arith.constant 768 : i32
        %lt3A_338 = vector.broadcast %lt3A_337 : i32 to vector<16xi32>
        %lt3A_339 = arith.cmpi slt, %gather3A_336, %lt3A_338 : vector<16xi32>
        tpu.vector_store_idx %arg5[%add3A_90, %gather3A_336], %broadcast_in_dim3A_65 masked %lt3A_339 {add = true} : memref<64x768xi32, #tpu.memory_space<vmem>>[vector<16xi32>, vector<16xi32>], vector<16xi32>, vector<16xi1>
        %broadcast_in_dim3A_340 = arith.constant 13 : i32
        %broadcast_in_dim3A_341 = vector.broadcast %broadcast_in_dim3A_340 : i32 to vector<16xi32>
        %mul3A_342 = arith.constant 2 : i32
        %mul3A_343 = vector.broadcast %mul3A_342 : i32 to vector<16xi32>
        %mul3A_344 = arith.muli %mul3A_343, %add3A_94 : vector<16xi32>
        %gather3A_345 = tpu.vector_load_idx %arg4[%broadcast_in_dim3A_341, %mul3A_344] : memref<36x512xi32, #tpu.memory_space<vmem>>[vector<16xi32>, vector<16xi32>], vector<16xi32>,
        %lt3A_346 = arith.constant 768 : i32
        %lt3A_347 = vector.broadcast %lt3A_346 : i32 to vector<16xi32>
        %lt3A_348 = arith.cmpi slt, %gather3A_345, %lt3A_347 : vector<16xi32>
        tpu.vector_store_idx %arg5[%add3A_90, %gather3A_345], %broadcast_in_dim3A_63 masked %lt3A_348 {add = true} : memref<64x768xi32, #tpu.memory_space<vmem>>[vector<16xi32>, vector<16xi32>], vector<16xi32>, vector<16xi1>
        %mul3A_349 = arith.constant 2 : i32
        %mul3A_350 = vector.broadcast %mul3A_349 : i32 to vector<16xi32>
        %mul3A_351 = arith.muli %mul3A_350, %add3A_94 : vector<16xi32>
        %add3A_352 = arith.constant 1 : i32
        %add3A_353 = vector.broadcast %add3A_352 : i32 to vector<16xi32>
        %add3A_354 = arith.addi %mul3A_351, %add3A_353 : vector<16xi32>
        %gather3A_355 = tpu.vector_load_idx %arg4[%broadcast_in_dim3A_341, %add3A_354] : memref<36x512xi32, #tpu.memory_space<vmem>>[vector<16xi32>, vector<16xi32>], vector<16xi32>,
        %lt3A_356 = arith.constant 768 : i32
        %lt3A_357 = vector.broadcast %lt3A_356 : i32 to vector<16xi32>
        %lt3A_358 = arith.cmpi slt, %gather3A_355, %lt3A_357 : vector<16xi32>
        tpu.vector_store_idx %arg5[%add3A_90, %gather3A_355], %broadcast_in_dim3A_65 masked %lt3A_358 {add = true} : memref<64x768xi32, #tpu.memory_space<vmem>>[vector<16xi32>, vector<16xi32>], vector<16xi32>, vector<16xi1>
        %broadcast_in_dim3A_359 = arith.constant 14 : i32
        %broadcast_in_dim3A_360 = vector.broadcast %broadcast_in_dim3A_359 : i32 to vector<16xi32>
        %mul3A_361 = arith.constant 2 : i32
        %mul3A_362 = vector.broadcast %mul3A_361 : i32 to vector<16xi32>
        %mul3A_363 = arith.muli %mul3A_362, %add3A_94 : vector<16xi32>
        %gather3A_364 = tpu.vector_load_idx %arg4[%broadcast_in_dim3A_360, %mul3A_363] : memref<36x512xi32, #tpu.memory_space<vmem>>[vector<16xi32>, vector<16xi32>], vector<16xi32>,
        %lt3A_365 = arith.constant 768 : i32
        %lt3A_366 = vector.broadcast %lt3A_365 : i32 to vector<16xi32>
        %lt3A_367 = arith.cmpi slt, %gather3A_364, %lt3A_366 : vector<16xi32>
        tpu.vector_store_idx %arg5[%add3A_90, %gather3A_364], %broadcast_in_dim3A_63 masked %lt3A_367 {add = true} : memref<64x768xi32, #tpu.memory_space<vmem>>[vector<16xi32>, vector<16xi32>], vector<16xi32>, vector<16xi1>
        %mul3A_368 = arith.constant 2 : i32
        %mul3A_369 = vector.broadcast %mul3A_368 : i32 to vector<16xi32>
        %mul3A_370 = arith.muli %mul3A_369, %add3A_94 : vector<16xi32>
        %add3A_371 = arith.constant 1 : i32
        %add3A_372 = vector.broadcast %add3A_371 : i32 to vector<16xi32>
        %add3A_373 = arith.addi %mul3A_370, %add3A_372 : vector<16xi32>
        %gather3A_374 = tpu.vector_load_idx %arg4[%broadcast_in_dim3A_360, %add3A_373] : memref<36x512xi32, #tpu.memory_space<vmem>>[vector<16xi32>, vector<16xi32>], vector<16xi32>,
        %lt3A_375 = arith.constant 768 : i32
        %lt3A_376 = vector.broadcast %lt3A_375 : i32 to vector<16xi32>
        %lt3A_377 = arith.cmpi slt, %gather3A_374, %lt3A_376 : vector<16xi32>
        tpu.vector_store_idx %arg5[%add3A_90, %gather3A_374], %broadcast_in_dim3A_65 masked %lt3A_377 {add = true} : memref<64x768xi32, #tpu.memory_space<vmem>>[vector<16xi32>, vector<16xi32>], vector<16xi32>, vector<16xi1>
        %broadcast_in_dim3A_378 = arith.constant 15 : i32
        %broadcast_in_dim3A_379 = vector.broadcast %broadcast_in_dim3A_378 : i32 to vector<16xi32>
        %mul3A_380 = arith.constant 2 : i32
        %mul3A_381 = vector.broadcast %mul3A_380 : i32 to vector<16xi32>
        %mul3A_382 = arith.muli %mul3A_381, %add3A_94 : vector<16xi32>
        %gather3A_383 = tpu.vector_load_idx %arg4[%broadcast_in_dim3A_379, %mul3A_382] : memref<36x512xi32, #tpu.memory_space<vmem>>[vector<16xi32>, vector<16xi32>], vector<16xi32>,
        %lt3A_384 = arith.constant 768 : i32
        %lt3A_385 = vector.broadcast %lt3A_384 : i32 to vector<16xi32>
        %lt3A_386 = arith.cmpi slt, %gather3A_383, %lt3A_385 : vector<16xi32>
        tpu.vector_store_idx %arg5[%add3A_90, %gather3A_383], %broadcast_in_dim3A_63 masked %lt3A_386 {add = true} : memref<64x768xi32, #tpu.memory_space<vmem>>[vector<16xi32>, vector<16xi32>], vector<16xi32>, vector<16xi1>
        %mul3A_387 = arith.constant 2 : i32
        %mul3A_388 = vector.broadcast %mul3A_387 : i32 to vector<16xi32>
        %mul3A_389 = arith.muli %mul3A_388, %add3A_94 : vector<16xi32>
        %add3A_390 = arith.constant 1 : i32
        %add3A_391 = vector.broadcast %add3A_390 : i32 to vector<16xi32>
        %add3A_392 = arith.addi %mul3A_389, %add3A_391 : vector<16xi32>
        %gather3A_393 = tpu.vector_load_idx %arg4[%broadcast_in_dim3A_379, %add3A_392] : memref<36x512xi32, #tpu.memory_space<vmem>>[vector<16xi32>, vector<16xi32>], vector<16xi32>,
        %lt3A_394 = arith.constant 768 : i32
        %lt3A_395 = vector.broadcast %lt3A_394 : i32 to vector<16xi32>
        %lt3A_396 = arith.cmpi slt, %gather3A_393, %lt3A_395 : vector<16xi32>
        tpu.vector_store_idx %arg5[%add3A_90, %gather3A_393], %broadcast_in_dim3A_65 masked %lt3A_396 {add = true} : memref<64x768xi32, #tpu.memory_space<vmem>>[vector<16xi32>, vector<16xi32>], vector<16xi32>, vector<16xi1>
        %broadcast_in_dim3A_397 = arith.constant 16 : i32
        %broadcast_in_dim3A_398 = vector.broadcast %broadcast_in_dim3A_397 : i32 to vector<16xi32>
        %mul3A_399 = arith.constant 2 : i32
        %mul3A_400 = vector.broadcast %mul3A_399 : i32 to vector<16xi32>
        %mul3A_401 = arith.muli %mul3A_400, %add3A_94 : vector<16xi32>
        %gather3A_402 = tpu.vector_load_idx %arg4[%broadcast_in_dim3A_398, %mul3A_401] : memref<36x512xi32, #tpu.memory_space<vmem>>[vector<16xi32>, vector<16xi32>], vector<16xi32>,
        %lt3A_403 = arith.constant 768 : i32
        %lt3A_404 = vector.broadcast %lt3A_403 : i32 to vector<16xi32>
        %lt3A_405 = arith.cmpi slt, %gather3A_402, %lt3A_404 : vector<16xi32>
        tpu.vector_store_idx %arg5[%add3A_90, %gather3A_402], %broadcast_in_dim3A_63 masked %lt3A_405 {add = true} : memref<64x768xi32, #tpu.memory_space<vmem>>[vector<16xi32>, vector<16xi32>], vector<16xi32>, vector<16xi1>
        %mul3A_406 = arith.constant 2 : i32
        %mul3A_407 = vector.broadcast %mul3A_406 : i32 to vector<16xi32>
        %mul3A_408 = arith.muli %mul3A_407, %add3A_94 : vector<16xi32>
        %add3A_409 = arith.constant 1 : i32
        %add3A_410 = vector.broadcast %add3A_409 : i32 to vector<16xi32>
        %add3A_411 = arith.addi %mul3A_408, %add3A_410 : vector<16xi32>
        %gather3A_412 = tpu.vector_load_idx %arg4[%broadcast_in_dim3A_398, %add3A_411] : memref<36x512xi32, #tpu.memory_space<vmem>>[vector<16xi32>, vector<16xi32>], vector<16xi32>,
        %lt3A_413 = arith.constant 768 : i32
        %lt3A_414 = vector.broadcast %lt3A_413 : i32 to vector<16xi32>
        %lt3A_415 = arith.cmpi slt, %gather3A_412, %lt3A_414 : vector<16xi32>
        tpu.vector_store_idx %arg5[%add3A_90, %gather3A_412], %broadcast_in_dim3A_65 masked %lt3A_415 {add = true} : memref<64x768xi32, #tpu.memory_space<vmem>>[vector<16xi32>, vector<16xi32>], vector<16xi32>, vector<16xi1>
        %broadcast_in_dim3A_416 = arith.constant 17 : i32
        %broadcast_in_dim3A_417 = vector.broadcast %broadcast_in_dim3A_416 : i32 to vector<16xi32>
        %mul3A_418 = arith.constant 2 : i32
        %mul3A_419 = vector.broadcast %mul3A_418 : i32 to vector<16xi32>
        %mul3A_420 = arith.muli %mul3A_419, %add3A_94 : vector<16xi32>
        %gather3A_421 = tpu.vector_load_idx %arg4[%broadcast_in_dim3A_417, %mul3A_420] : memref<36x512xi32, #tpu.memory_space<vmem>>[vector<16xi32>, vector<16xi32>], vector<16xi32>,
        %lt3A_422 = arith.constant 768 : i32
        %lt3A_423 = vector.broadcast %lt3A_422 : i32 to vector<16xi32>
        %lt3A_424 = arith.cmpi slt, %gather3A_421, %lt3A_423 : vector<16xi32>
        tpu.vector_store_idx %arg5[%add3A_90, %gather3A_421], %broadcast_in_dim3A_63 masked %lt3A_424 {add = true} : memref<64x768xi32, #tpu.memory_space<vmem>>[vector<16xi32>, vector<16xi32>], vector<16xi32>, vector<16xi1>
        %mul3A_425 = arith.constant 2 : i32
        %mul3A_426 = vector.broadcast %mul3A_425 : i32 to vector<16xi32>
        %mul3A_427 = arith.muli %mul3A_426, %add3A_94 : vector<16xi32>
        %add3A_428 = arith.constant 1 : i32
        %add3A_429 = vector.broadcast %add3A_428 : i32 to vector<16xi32>
        %add3A_430 = arith.addi %mul3A_427, %add3A_429 : vector<16xi32>
        %gather3A_431 = tpu.vector_load_idx %arg4[%broadcast_in_dim3A_417, %add3A_430] : memref<36x512xi32, #tpu.memory_space<vmem>>[vector<16xi32>, vector<16xi32>], vector<16xi32>,
        %lt3A_432 = arith.constant 768 : i32
        %lt3A_433 = vector.broadcast %lt3A_432 : i32 to vector<16xi32>
        %lt3A_434 = arith.cmpi slt, %gather3A_431, %lt3A_433 : vector<16xi32>
        tpu.vector_store_idx %arg5[%add3A_90, %gather3A_431], %broadcast_in_dim3A_65 masked %lt3A_434 {add = true} : memref<64x768xi32, #tpu.memory_space<vmem>>[vector<16xi32>, vector<16xi32>], vector<16xi32>, vector<16xi1>
        %broadcast_in_dim3A_435 = arith.constant 18 : i32
        %broadcast_in_dim3A_436 = vector.broadcast %broadcast_in_dim3A_435 : i32 to vector<16xi32>
        %mul3A_437 = arith.constant 2 : i32
        %mul3A_438 = vector.broadcast %mul3A_437 : i32 to vector<16xi32>
        %mul3A_439 = arith.muli %mul3A_438, %add3A_94 : vector<16xi32>
        %gather3A_440 = tpu.vector_load_idx %arg4[%broadcast_in_dim3A_436, %mul3A_439] : memref<36x512xi32, #tpu.memory_space<vmem>>[vector<16xi32>, vector<16xi32>], vector<16xi32>,
        %lt3A_441 = arith.constant 768 : i32
        %lt3A_442 = vector.broadcast %lt3A_441 : i32 to vector<16xi32>
        %lt3A_443 = arith.cmpi slt, %gather3A_440, %lt3A_442 : vector<16xi32>
        tpu.vector_store_idx %arg5[%add3A_90, %gather3A_440], %broadcast_in_dim3A_63 masked %lt3A_443 {add = true} : memref<64x768xi32, #tpu.memory_space<vmem>>[vector<16xi32>, vector<16xi32>], vector<16xi32>, vector<16xi1>
        %mul3A_444 = arith.constant 2 : i32
        %mul3A_445 = vector.broadcast %mul3A_444 : i32 to vector<16xi32>
        %mul3A_446 = arith.muli %mul3A_445, %add3A_94 : vector<16xi32>
        %add3A_447 = arith.constant 1 : i32
        %add3A_448 = vector.broadcast %add3A_447 : i32 to vector<16xi32>
        %add3A_449 = arith.addi %mul3A_446, %add3A_448 : vector<16xi32>
        %gather3A_450 = tpu.vector_load_idx %arg4[%broadcast_in_dim3A_436, %add3A_449] : memref<36x512xi32, #tpu.memory_space<vmem>>[vector<16xi32>, vector<16xi32>], vector<16xi32>,
        %lt3A_451 = arith.constant 768 : i32
        %lt3A_452 = vector.broadcast %lt3A_451 : i32 to vector<16xi32>
        %lt3A_453 = arith.cmpi slt, %gather3A_450, %lt3A_452 : vector<16xi32>
        tpu.vector_store_idx %arg5[%add3A_90, %gather3A_450], %broadcast_in_dim3A_65 masked %lt3A_453 {add = true} : memref<64x768xi32, #tpu.memory_space<vmem>>[vector<16xi32>, vector<16xi32>], vector<16xi32>, vector<16xi1>
        %broadcast_in_dim3A_454 = arith.constant 19 : i32
        %broadcast_in_dim3A_455 = vector.broadcast %broadcast_in_dim3A_454 : i32 to vector<16xi32>
        %mul3A_456 = arith.constant 2 : i32
        %mul3A_457 = vector.broadcast %mul3A_456 : i32 to vector<16xi32>
        %mul3A_458 = arith.muli %mul3A_457, %add3A_94 : vector<16xi32>
        %gather3A_459 = tpu.vector_load_idx %arg4[%broadcast_in_dim3A_455, %mul3A_458] : memref<36x512xi32, #tpu.memory_space<vmem>>[vector<16xi32>, vector<16xi32>], vector<16xi32>,
        %lt3A_460 = arith.constant 768 : i32
        %lt3A_461 = vector.broadcast %lt3A_460 : i32 to vector<16xi32>
        %lt3A_462 = arith.cmpi slt, %gather3A_459, %lt3A_461 : vector<16xi32>
        tpu.vector_store_idx %arg5[%add3A_90, %gather3A_459], %broadcast_in_dim3A_63 masked %lt3A_462 {add = true} : memref<64x768xi32, #tpu.memory_space<vmem>>[vector<16xi32>, vector<16xi32>], vector<16xi32>, vector<16xi1>
        %mul3A_463 = arith.constant 2 : i32
        %mul3A_464 = vector.broadcast %mul3A_463 : i32 to vector<16xi32>
        %mul3A_465 = arith.muli %mul3A_464, %add3A_94 : vector<16xi32>
        %add3A_466 = arith.constant 1 : i32
        %add3A_467 = vector.broadcast %add3A_466 : i32 to vector<16xi32>
        %add3A_468 = arith.addi %mul3A_465, %add3A_467 : vector<16xi32>
        %gather3A_469 = tpu.vector_load_idx %arg4[%broadcast_in_dim3A_455, %add3A_468] : memref<36x512xi32, #tpu.memory_space<vmem>>[vector<16xi32>, vector<16xi32>], vector<16xi32>,
        %lt3A_470 = arith.constant 768 : i32
        %lt3A_471 = vector.broadcast %lt3A_470 : i32 to vector<16xi32>
        %lt3A_472 = arith.cmpi slt, %gather3A_469, %lt3A_471 : vector<16xi32>
        tpu.vector_store_idx %arg5[%add3A_90, %gather3A_469], %broadcast_in_dim3A_65 masked %lt3A_472 {add = true} : memref<64x768xi32, #tpu.memory_space<vmem>>[vector<16xi32>, vector<16xi32>], vector<16xi32>, vector<16xi1>
        %broadcast_in_dim3A_473 = arith.constant 20 : i32
        %broadcast_in_dim3A_474 = vector.broadcast %broadcast_in_dim3A_473 : i32 to vector<16xi32>
        %mul3A_475 = arith.constant 2 : i32
        %mul3A_476 = vector.broadcast %mul3A_475 : i32 to vector<16xi32>
        %mul3A_477 = arith.muli %mul3A_476, %add3A_94 : vector<16xi32>
        %gather3A_478 = tpu.vector_load_idx %arg4[%broadcast_in_dim3A_474, %mul3A_477] : memref<36x512xi32, #tpu.memory_space<vmem>>[vector<16xi32>, vector<16xi32>], vector<16xi32>,
        %lt3A_479 = arith.constant 768 : i32
        %lt3A_480 = vector.broadcast %lt3A_479 : i32 to vector<16xi32>
        %lt3A_481 = arith.cmpi slt, %gather3A_478, %lt3A_480 : vector<16xi32>
        tpu.vector_store_idx %arg5[%add3A_90, %gather3A_478], %broadcast_in_dim3A_63 masked %lt3A_481 {add = true} : memref<64x768xi32, #tpu.memory_space<vmem>>[vector<16xi32>, vector<16xi32>], vector<16xi32>, vector<16xi1>
        %mul3A_482 = arith.constant 2 : i32
        %mul3A_483 = vector.broadcast %mul3A_482 : i32 to vector<16xi32>
        %mul3A_484 = arith.muli %mul3A_483, %add3A_94 : vector<16xi32>
        %add3A_485 = arith.constant 1 : i32
        %add3A_486 = vector.broadcast %add3A_485 : i32 to vector<16xi32>
        %add3A_487 = arith.addi %mul3A_484, %add3A_486 : vector<16xi32>
        %gather3A_488 = tpu.vector_load_idx %arg4[%broadcast_in_dim3A_474, %add3A_487] : memref<36x512xi32, #tpu.memory_space<vmem>>[vector<16xi32>, vector<16xi32>], vector<16xi32>,
        %lt3A_489 = arith.constant 768 : i32
        %lt3A_490 = vector.broadcast %lt3A_489 : i32 to vector<16xi32>
        %lt3A_491 = arith.cmpi slt, %gather3A_488, %lt3A_490 : vector<16xi32>
        tpu.vector_store_idx %arg5[%add3A_90, %gather3A_488], %broadcast_in_dim3A_65 masked %lt3A_491 {add = true} : memref<64x768xi32, #tpu.memory_space<vmem>>[vector<16xi32>, vector<16xi32>], vector<16xi32>, vector<16xi1>
        %broadcast_in_dim3A_492 = arith.constant 21 : i32
        %broadcast_in_dim3A_493 = vector.broadcast %broadcast_in_dim3A_492 : i32 to vector<16xi32>
        %mul3A_494 = arith.constant 2 : i32
        %mul3A_495 = vector.broadcast %mul3A_494 : i32 to vector<16xi32>
        %mul3A_496 = arith.muli %mul3A_495, %add3A_94 : vector<16xi32>
        %gather3A_497 = tpu.vector_load_idx %arg4[%broadcast_in_dim3A_493, %mul3A_496] : memref<36x512xi32, #tpu.memory_space<vmem>>[vector<16xi32>, vector<16xi32>], vector<16xi32>,
        %lt3A_498 = arith.constant 768 : i32
        %lt3A_499 = vector.broadcast %lt3A_498 : i32 to vector<16xi32>
        %lt3A_500 = arith.cmpi slt, %gather3A_497, %lt3A_499 : vector<16xi32>
        tpu.vector_store_idx %arg5[%add3A_90, %gather3A_497], %broadcast_in_dim3A_63 masked %lt3A_500 {add = true} : memref<64x768xi32, #tpu.memory_space<vmem>>[vector<16xi32>, vector<16xi32>], vector<16xi32>, vector<16xi1>
        %mul3A_501 = arith.constant 2 : i32
        %mul3A_502 = vector.broadcast %mul3A_501 : i32 to vector<16xi32>
        %mul3A_503 = arith.muli %mul3A_502, %add3A_94 : vector<16xi32>
        %add3A_504 = arith.constant 1 : i32
        %add3A_505 = vector.broadcast %add3A_504 : i32 to vector<16xi32>
        %add3A_506 = arith.addi %mul3A_503, %add3A_505 : vector<16xi32>
        %gather3A_507 = tpu.vector_load_idx %arg4[%broadcast_in_dim3A_493, %add3A_506] : memref<36x512xi32, #tpu.memory_space<vmem>>[vector<16xi32>, vector<16xi32>], vector<16xi32>,
        %lt3A_508 = arith.constant 768 : i32
        %lt3A_509 = vector.broadcast %lt3A_508 : i32 to vector<16xi32>
        %lt3A_510 = arith.cmpi slt, %gather3A_507, %lt3A_509 : vector<16xi32>
        tpu.vector_store_idx %arg5[%add3A_90, %gather3A_507], %broadcast_in_dim3A_65 masked %lt3A_510 {add = true} : memref<64x768xi32, #tpu.memory_space<vmem>>[vector<16xi32>, vector<16xi32>], vector<16xi32>, vector<16xi1>
        %broadcast_in_dim3A_511 = arith.constant 22 : i32
        %broadcast_in_dim3A_512 = vector.broadcast %broadcast_in_dim3A_511 : i32 to vector<16xi32>
        %mul3A_513 = arith.constant 2 : i32
        %mul3A_514 = vector.broadcast %mul3A_513 : i32 to vector<16xi32>
        %mul3A_515 = arith.muli %mul3A_514, %add3A_94 : vector<16xi32>
        %gather3A_516 = tpu.vector_load_idx %arg4[%broadcast_in_dim3A_512, %mul3A_515] : memref<36x512xi32, #tpu.memory_space<vmem>>[vector<16xi32>, vector<16xi32>], vector<16xi32>,
        %lt3A_517 = arith.constant 768 : i32
        %lt3A_518 = vector.broadcast %lt3A_517 : i32 to vector<16xi32>
        %lt3A_519 = arith.cmpi slt, %gather3A_516, %lt3A_518 : vector<16xi32>
        tpu.vector_store_idx %arg5[%add3A_90, %gather3A_516], %broadcast_in_dim3A_63 masked %lt3A_519 {add = true} : memref<64x768xi32, #tpu.memory_space<vmem>>[vector<16xi32>, vector<16xi32>], vector<16xi32>, vector<16xi1>
        %mul3A_520 = arith.constant 2 : i32
        %mul3A_521 = vector.broadcast %mul3A_520 : i32 to vector<16xi32>
        %mul3A_522 = arith.muli %mul3A_521, %add3A_94 : vector<16xi32>
        %add3A_523 = arith.constant 1 : i32
        %add3A_524 = vector.broadcast %add3A_523 : i32 to vector<16xi32>
        %add3A_525 = arith.addi %mul3A_522, %add3A_524 : vector<16xi32>
        %gather3A_526 = tpu.vector_load_idx %arg4[%broadcast_in_dim3A_512, %add3A_525] : memref<36x512xi32, #tpu.memory_space<vmem>>[vector<16xi32>, vector<16xi32>], vector<16xi32>,
        %lt3A_527 = arith.constant 768 : i32
        %lt3A_528 = vector.broadcast %lt3A_527 : i32 to vector<16xi32>
        %lt3A_529 = arith.cmpi slt, %gather3A_526, %lt3A_528 : vector<16xi32>
        tpu.vector_store_idx %arg5[%add3A_90, %gather3A_526], %broadcast_in_dim3A_65 masked %lt3A_529 {add = true} : memref<64x768xi32, #tpu.memory_space<vmem>>[vector<16xi32>, vector<16xi32>], vector<16xi32>, vector<16xi1>
        %broadcast_in_dim3A_530 = arith.constant 23 : i32
        %broadcast_in_dim3A_531 = vector.broadcast %broadcast_in_dim3A_530 : i32 to vector<16xi32>
        %mul3A_532 = arith.constant 2 : i32
        %mul3A_533 = vector.broadcast %mul3A_532 : i32 to vector<16xi32>
        %mul3A_534 = arith.muli %mul3A_533, %add3A_94 : vector<16xi32>
        %gather3A_535 = tpu.vector_load_idx %arg4[%broadcast_in_dim3A_531, %mul3A_534] : memref<36x512xi32, #tpu.memory_space<vmem>>[vector<16xi32>, vector<16xi32>], vector<16xi32>,
        %lt3A_536 = arith.constant 768 : i32
        %lt3A_537 = vector.broadcast %lt3A_536 : i32 to vector<16xi32>
        %lt3A_538 = arith.cmpi slt, %gather3A_535, %lt3A_537 : vector<16xi32>
        tpu.vector_store_idx %arg5[%add3A_90, %gather3A_535], %broadcast_in_dim3A_63 masked %lt3A_538 {add = true} : memref<64x768xi32, #tpu.memory_space<vmem>>[vector<16xi32>, vector<16xi32>], vector<16xi32>, vector<16xi1>
        %mul3A_539 = arith.constant 2 : i32
        %mul3A_540 = vector.broadcast %mul3A_539 : i32 to vector<16xi32>
        %mul3A_541 = arith.muli %mul3A_540, %add3A_94 : vector<16xi32>
        %add3A_542 = arith.constant 1 : i32
        %add3A_543 = vector.broadcast %add3A_542 : i32 to vector<16xi32>
        %add3A_544 = arith.addi %mul3A_541, %add3A_543 : vector<16xi32>
        %gather3A_545 = tpu.vector_load_idx %arg4[%broadcast_in_dim3A_531, %add3A_544] : memref<36x512xi32, #tpu.memory_space<vmem>>[vector<16xi32>, vector<16xi32>], vector<16xi32>,
        %lt3A_546 = arith.constant 768 : i32
        %lt3A_547 = vector.broadcast %lt3A_546 : i32 to vector<16xi32>
        %lt3A_548 = arith.cmpi slt, %gather3A_545, %lt3A_547 : vector<16xi32>
        tpu.vector_store_idx %arg5[%add3A_90, %gather3A_545], %broadcast_in_dim3A_65 masked %lt3A_548 {add = true} : memref<64x768xi32, #tpu.memory_space<vmem>>[vector<16xi32>, vector<16xi32>], vector<16xi32>, vector<16xi1>
        %broadcast_in_dim3A_549 = arith.constant 24 : i32
        %broadcast_in_dim3A_550 = vector.broadcast %broadcast_in_dim3A_549 : i32 to vector<16xi32>
        %mul3A_551 = arith.constant 2 : i32
        %mul3A_552 = vector.broadcast %mul3A_551 : i32 to vector<16xi32>
        %mul3A_553 = arith.muli %mul3A_552, %add3A_94 : vector<16xi32>
        %gather3A_554 = tpu.vector_load_idx %arg4[%broadcast_in_dim3A_550, %mul3A_553] : memref<36x512xi32, #tpu.memory_space<vmem>>[vector<16xi32>, vector<16xi32>], vector<16xi32>,
        %lt3A_555 = arith.constant 768 : i32
        %lt3A_556 = vector.broadcast %lt3A_555 : i32 to vector<16xi32>
        %lt3A_557 = arith.cmpi slt, %gather3A_554, %lt3A_556 : vector<16xi32>
        tpu.vector_store_idx %arg5[%add3A_90, %gather3A_554], %broadcast_in_dim3A_63 masked %lt3A_557 {add = true} : memref<64x768xi32, #tpu.memory_space<vmem>>[vector<16xi32>, vector<16xi32>], vector<16xi32>, vector<16xi1>
        %mul3A_558 = arith.constant 2 : i32
        %mul3A_559 = vector.broadcast %mul3A_558 : i32 to vector<16xi32>
        %mul3A_560 = arith.muli %mul3A_559, %add3A_94 : vector<16xi32>
        %add3A_561 = arith.constant 1 : i32
        %add3A_562 = vector.broadcast %add3A_561 : i32 to vector<16xi32>
        %add3A_563 = arith.addi %mul3A_560, %add3A_562 : vector<16xi32>
        %gather3A_564 = tpu.vector_load_idx %arg4[%broadcast_in_dim3A_550, %add3A_563] : memref<36x512xi32, #tpu.memory_space<vmem>>[vector<16xi32>, vector<16xi32>], vector<16xi32>,
        %lt3A_565 = arith.constant 768 : i32
        %lt3A_566 = vector.broadcast %lt3A_565 : i32 to vector<16xi32>
        %lt3A_567 = arith.cmpi slt, %gather3A_564, %lt3A_566 : vector<16xi32>
        tpu.vector_store_idx %arg5[%add3A_90, %gather3A_564], %broadcast_in_dim3A_65 masked %lt3A_567 {add = true} : memref<64x768xi32, #tpu.memory_space<vmem>>[vector<16xi32>, vector<16xi32>], vector<16xi32>, vector<16xi1>
        %broadcast_in_dim3A_568 = arith.constant 25 : i32
        %broadcast_in_dim3A_569 = vector.broadcast %broadcast_in_dim3A_568 : i32 to vector<16xi32>
        %mul3A_570 = arith.constant 2 : i32
        %mul3A_571 = vector.broadcast %mul3A_570 : i32 to vector<16xi32>
        %mul3A_572 = arith.muli %mul3A_571, %add3A_94 : vector<16xi32>
        %gather3A_573 = tpu.vector_load_idx %arg4[%broadcast_in_dim3A_569, %mul3A_572] : memref<36x512xi32, #tpu.memory_space<vmem>>[vector<16xi32>, vector<16xi32>], vector<16xi32>,
        %lt3A_574 = arith.constant 768 : i32
        %lt3A_575 = vector.broadcast %lt3A_574 : i32 to vector<16xi32>
        %lt3A_576 = arith.cmpi slt, %gather3A_573, %lt3A_575 : vector<16xi32>
        tpu.vector_store_idx %arg5[%add3A_90, %gather3A_573], %broadcast_in_dim3A_63 masked %lt3A_576 {add = true} : memref<64x768xi32, #tpu.memory_space<vmem>>[vector<16xi32>, vector<16xi32>], vector<16xi32>, vector<16xi1>
        %mul3A_577 = arith.constant 2 : i32
        %mul3A_578 = vector.broadcast %mul3A_577 : i32 to vector<16xi32>
        %mul3A_579 = arith.muli %mul3A_578, %add3A_94 : vector<16xi32>
        %add3A_580 = arith.constant 1 : i32
        %add3A_581 = vector.broadcast %add3A_580 : i32 to vector<16xi32>
        %add3A_582 = arith.addi %mul3A_579, %add3A_581 : vector<16xi32>
        %gather3A_583 = tpu.vector_load_idx %arg4[%broadcast_in_dim3A_569, %add3A_582] : memref<36x512xi32, #tpu.memory_space<vmem>>[vector<16xi32>, vector<16xi32>], vector<16xi32>,
        %lt3A_584 = arith.constant 768 : i32
        %lt3A_585 = vector.broadcast %lt3A_584 : i32 to vector<16xi32>
        %lt3A_586 = arith.cmpi slt, %gather3A_583, %lt3A_585 : vector<16xi32>
        tpu.vector_store_idx %arg5[%add3A_90, %gather3A_583], %broadcast_in_dim3A_65 masked %lt3A_586 {add = true} : memref<64x768xi32, #tpu.memory_space<vmem>>[vector<16xi32>, vector<16xi32>], vector<16xi32>, vector<16xi1>
        %broadcast_in_dim3A_587 = arith.constant 26 : i32
        %broadcast_in_dim3A_588 = vector.broadcast %broadcast_in_dim3A_587 : i32 to vector<16xi32>
        %mul3A_589 = arith.constant 2 : i32
        %mul3A_590 = vector.broadcast %mul3A_589 : i32 to vector<16xi32>
        %mul3A_591 = arith.muli %mul3A_590, %add3A_94 : vector<16xi32>
        %gather3A_592 = tpu.vector_load_idx %arg4[%broadcast_in_dim3A_588, %mul3A_591] : memref<36x512xi32, #tpu.memory_space<vmem>>[vector<16xi32>, vector<16xi32>], vector<16xi32>,
        %lt3A_593 = arith.constant 768 : i32
        %lt3A_594 = vector.broadcast %lt3A_593 : i32 to vector<16xi32>
        %lt3A_595 = arith.cmpi slt, %gather3A_592, %lt3A_594 : vector<16xi32>
        tpu.vector_store_idx %arg5[%add3A_90, %gather3A_592], %broadcast_in_dim3A_63 masked %lt3A_595 {add = true} : memref<64x768xi32, #tpu.memory_space<vmem>>[vector<16xi32>, vector<16xi32>], vector<16xi32>, vector<16xi1>
        %mul3A_596 = arith.constant 2 : i32
        %mul3A_597 = vector.broadcast %mul3A_596 : i32 to vector<16xi32>
        %mul3A_598 = arith.muli %mul3A_597, %add3A_94 : vector<16xi32>
        %add3A_599 = arith.constant 1 : i32
        %add3A_600 = vector.broadcast %add3A_599 : i32 to vector<16xi32>
        %add3A_601 = arith.addi %mul3A_598, %add3A_600 : vector<16xi32>
        %gather3A_602 = tpu.vector_load_idx %arg4[%broadcast_in_dim3A_588, %add3A_601] : memref<36x512xi32, #tpu.memory_space<vmem>>[vector<16xi32>, vector<16xi32>], vector<16xi32>,
        %lt3A_603 = arith.constant 768 : i32
        %lt3A_604 = vector.broadcast %lt3A_603 : i32 to vector<16xi32>
        %lt3A_605 = arith.cmpi slt, %gather3A_602, %lt3A_604 : vector<16xi32>
        tpu.vector_store_idx %arg5[%add3A_90, %gather3A_602], %broadcast_in_dim3A_65 masked %lt3A_605 {add = true} : memref<64x768xi32, #tpu.memory_space<vmem>>[vector<16xi32>, vector<16xi32>], vector<16xi32>, vector<16xi1>
        %broadcast_in_dim3A_606 = arith.constant 27 : i32
        %broadcast_in_dim3A_607 = vector.broadcast %broadcast_in_dim3A_606 : i32 to vector<16xi32>
        %mul3A_608 = arith.constant 2 : i32
        %mul3A_609 = vector.broadcast %mul3A_608 : i32 to vector<16xi32>
        %mul3A_610 = arith.muli %mul3A_609, %add3A_94 : vector<16xi32>
        %gather3A_611 = tpu.vector_load_idx %arg4[%broadcast_in_dim3A_607, %mul3A_610] : memref<36x512xi32, #tpu.memory_space<vmem>>[vector<16xi32>, vector<16xi32>], vector<16xi32>,
        %lt3A_612 = arith.constant 768 : i32
        %lt3A_613 = vector.broadcast %lt3A_612 : i32 to vector<16xi32>
        %lt3A_614 = arith.cmpi slt, %gather3A_611, %lt3A_613 : vector<16xi32>
        tpu.vector_store_idx %arg5[%add3A_90, %gather3A_611], %broadcast_in_dim3A_63 masked %lt3A_614 {add = true} : memref<64x768xi32, #tpu.memory_space<vmem>>[vector<16xi32>, vector<16xi32>], vector<16xi32>, vector<16xi1>
        %mul3A_615 = arith.constant 2 : i32
        %mul3A_616 = vector.broadcast %mul3A_615 : i32 to vector<16xi32>
        %mul3A_617 = arith.muli %mul3A_616, %add3A_94 : vector<16xi32>
        %add3A_618 = arith.constant 1 : i32
        %add3A_619 = vector.broadcast %add3A_618 : i32 to vector<16xi32>
        %add3A_620 = arith.addi %mul3A_617, %add3A_619 : vector<16xi32>
        %gather3A_621 = tpu.vector_load_idx %arg4[%broadcast_in_dim3A_607, %add3A_620] : memref<36x512xi32, #tpu.memory_space<vmem>>[vector<16xi32>, vector<16xi32>], vector<16xi32>,
        %lt3A_622 = arith.constant 768 : i32
        %lt3A_623 = vector.broadcast %lt3A_622 : i32 to vector<16xi32>
        %lt3A_624 = arith.cmpi slt, %gather3A_621, %lt3A_623 : vector<16xi32>
        tpu.vector_store_idx %arg5[%add3A_90, %gather3A_621], %broadcast_in_dim3A_65 masked %lt3A_624 {add = true} : memref<64x768xi32, #tpu.memory_space<vmem>>[vector<16xi32>, vector<16xi32>], vector<16xi32>, vector<16xi1>
        %broadcast_in_dim3A_625 = arith.constant 28 : i32
        %broadcast_in_dim3A_626 = vector.broadcast %broadcast_in_dim3A_625 : i32 to vector<16xi32>
        %mul3A_627 = arith.constant 2 : i32
        %mul3A_628 = vector.broadcast %mul3A_627 : i32 to vector<16xi32>
        %mul3A_629 = arith.muli %mul3A_628, %add3A_94 : vector<16xi32>
        %gather3A_630 = tpu.vector_load_idx %arg4[%broadcast_in_dim3A_626, %mul3A_629] : memref<36x512xi32, #tpu.memory_space<vmem>>[vector<16xi32>, vector<16xi32>], vector<16xi32>,
        %lt3A_631 = arith.constant 768 : i32
        %lt3A_632 = vector.broadcast %lt3A_631 : i32 to vector<16xi32>
        %lt3A_633 = arith.cmpi slt, %gather3A_630, %lt3A_632 : vector<16xi32>
        tpu.vector_store_idx %arg5[%add3A_90, %gather3A_630], %broadcast_in_dim3A_63 masked %lt3A_633 {add = true} : memref<64x768xi32, #tpu.memory_space<vmem>>[vector<16xi32>, vector<16xi32>], vector<16xi32>, vector<16xi1>
        %mul3A_634 = arith.constant 2 : i32
        %mul3A_635 = vector.broadcast %mul3A_634 : i32 to vector<16xi32>
        %mul3A_636 = arith.muli %mul3A_635, %add3A_94 : vector<16xi32>
        %add3A_637 = arith.constant 1 : i32
        %add3A_638 = vector.broadcast %add3A_637 : i32 to vector<16xi32>
        %add3A_639 = arith.addi %mul3A_636, %add3A_638 : vector<16xi32>
        %gather3A_640 = tpu.vector_load_idx %arg4[%broadcast_in_dim3A_626, %add3A_639] : memref<36x512xi32, #tpu.memory_space<vmem>>[vector<16xi32>, vector<16xi32>], vector<16xi32>,
        %lt3A_641 = arith.constant 768 : i32
        %lt3A_642 = vector.broadcast %lt3A_641 : i32 to vector<16xi32>
        %lt3A_643 = arith.cmpi slt, %gather3A_640, %lt3A_642 : vector<16xi32>
        tpu.vector_store_idx %arg5[%add3A_90, %gather3A_640], %broadcast_in_dim3A_65 masked %lt3A_643 {add = true} : memref<64x768xi32, #tpu.memory_space<vmem>>[vector<16xi32>, vector<16xi32>], vector<16xi32>, vector<16xi1>
        %broadcast_in_dim3A_644 = arith.constant 29 : i32
        %broadcast_in_dim3A_645 = vector.broadcast %broadcast_in_dim3A_644 : i32 to vector<16xi32>
        %mul3A_646 = arith.constant 2 : i32
        %mul3A_647 = vector.broadcast %mul3A_646 : i32 to vector<16xi32>
        %mul3A_648 = arith.muli %mul3A_647, %add3A_94 : vector<16xi32>
        %gather3A_649 = tpu.vector_load_idx %arg4[%broadcast_in_dim3A_645, %mul3A_648] : memref<36x512xi32, #tpu.memory_space<vmem>>[vector<16xi32>, vector<16xi32>], vector<16xi32>,
        %lt3A_650 = arith.constant 768 : i32
        %lt3A_651 = vector.broadcast %lt3A_650 : i32 to vector<16xi32>
        %lt3A_652 = arith.cmpi slt, %gather3A_649, %lt3A_651 : vector<16xi32>
        tpu.vector_store_idx %arg5[%add3A_90, %gather3A_649], %broadcast_in_dim3A_63 masked %lt3A_652 {add = true} : memref<64x768xi32, #tpu.memory_space<vmem>>[vector<16xi32>, vector<16xi32>], vector<16xi32>, vector<16xi1>
        %mul3A_653 = arith.constant 2 : i32
        %mul3A_654 = vector.broadcast %mul3A_653 : i32 to vector<16xi32>
        %mul3A_655 = arith.muli %mul3A_654, %add3A_94 : vector<16xi32>
        %add3A_656 = arith.constant 1 : i32
        %add3A_657 = vector.broadcast %add3A_656 : i32 to vector<16xi32>
        %add3A_658 = arith.addi %mul3A_655, %add3A_657 : vector<16xi32>
        %gather3A_659 = tpu.vector_load_idx %arg4[%broadcast_in_dim3A_645, %add3A_658] : memref<36x512xi32, #tpu.memory_space<vmem>>[vector<16xi32>, vector<16xi32>], vector<16xi32>,
        %lt3A_660 = arith.constant 768 : i32
        %lt3A_661 = vector.broadcast %lt3A_660 : i32 to vector<16xi32>
        %lt3A_662 = arith.cmpi slt, %gather3A_659, %lt3A_661 : vector<16xi32>
        tpu.vector_store_idx %arg5[%add3A_90, %gather3A_659], %broadcast_in_dim3A_65 masked %lt3A_662 {add = true} : memref<64x768xi32, #tpu.memory_space<vmem>>[vector<16xi32>, vector<16xi32>], vector<16xi32>, vector<16xi1>
        %broadcast_in_dim3A_663 = arith.constant 30 : i32
        %broadcast_in_dim3A_664 = vector.broadcast %broadcast_in_dim3A_663 : i32 to vector<16xi32>
        %mul3A_665 = arith.constant 2 : i32
        %mul3A_666 = vector.broadcast %mul3A_665 : i32 to vector<16xi32>
        %mul3A_667 = arith.muli %mul3A_666, %add3A_94 : vector<16xi32>
        %gather3A_668 = tpu.vector_load_idx %arg4[%broadcast_in_dim3A_664, %mul3A_667] : memref<36x512xi32, #tpu.memory_space<vmem>>[vector<16xi32>, vector<16xi32>], vector<16xi32>,
        %lt3A_669 = arith.constant 768 : i32
        %lt3A_670 = vector.broadcast %lt3A_669 : i32 to vector<16xi32>
        %lt3A_671 = arith.cmpi slt, %gather3A_668, %lt3A_670 : vector<16xi32>
        tpu.vector_store_idx %arg5[%add3A_90, %gather3A_668], %broadcast_in_dim3A_63 masked %lt3A_671 {add = true} : memref<64x768xi32, #tpu.memory_space<vmem>>[vector<16xi32>, vector<16xi32>], vector<16xi32>, vector<16xi1>
        %mul3A_672 = arith.constant 2 : i32
        %mul3A_673 = vector.broadcast %mul3A_672 : i32 to vector<16xi32>
        %mul3A_674 = arith.muli %mul3A_673, %add3A_94 : vector<16xi32>
        %add3A_675 = arith.constant 1 : i32
        %add3A_676 = vector.broadcast %add3A_675 : i32 to vector<16xi32>
        %add3A_677 = arith.addi %mul3A_674, %add3A_676 : vector<16xi32>
        %gather3A_678 = tpu.vector_load_idx %arg4[%broadcast_in_dim3A_664, %add3A_677] : memref<36x512xi32, #tpu.memory_space<vmem>>[vector<16xi32>, vector<16xi32>], vector<16xi32>,
        %lt3A_679 = arith.constant 768 : i32
        %lt3A_680 = vector.broadcast %lt3A_679 : i32 to vector<16xi32>
        %lt3A_681 = arith.cmpi slt, %gather3A_678, %lt3A_680 : vector<16xi32>
        tpu.vector_store_idx %arg5[%add3A_90, %gather3A_678], %broadcast_in_dim3A_65 masked %lt3A_681 {add = true} : memref<64x768xi32, #tpu.memory_space<vmem>>[vector<16xi32>, vector<16xi32>], vector<16xi32>, vector<16xi1>
        %broadcast_in_dim3A_682 = arith.constant 31 : i32
        %broadcast_in_dim3A_683 = vector.broadcast %broadcast_in_dim3A_682 : i32 to vector<16xi32>
        %mul3A_684 = arith.constant 2 : i32
        %mul3A_685 = vector.broadcast %mul3A_684 : i32 to vector<16xi32>
        %mul3A_686 = arith.muli %mul3A_685, %add3A_94 : vector<16xi32>
        %gather3A_687 = tpu.vector_load_idx %arg4[%broadcast_in_dim3A_683, %mul3A_686] : memref<36x512xi32, #tpu.memory_space<vmem>>[vector<16xi32>, vector<16xi32>], vector<16xi32>,
        %lt3A_688 = arith.constant 768 : i32
        %lt3A_689 = vector.broadcast %lt3A_688 : i32 to vector<16xi32>
        %lt3A_690 = arith.cmpi slt, %gather3A_687, %lt3A_689 : vector<16xi32>
        tpu.vector_store_idx %arg5[%add3A_90, %gather3A_687], %broadcast_in_dim3A_63 masked %lt3A_690 {add = true} : memref<64x768xi32, #tpu.memory_space<vmem>>[vector<16xi32>, vector<16xi32>], vector<16xi32>, vector<16xi1>
        %mul3A_691 = arith.constant 2 : i32
        %mul3A_692 = vector.broadcast %mul3A_691 : i32 to vector<16xi32>
        %mul3A_693 = arith.muli %mul3A_692, %add3A_94 : vector<16xi32>
        %add3A_694 = arith.constant 1 : i32
        %add3A_695 = vector.broadcast %add3A_694 : i32 to vector<16xi32>
        %add3A_696 = arith.addi %mul3A_693, %add3A_695 : vector<16xi32>
        %gather3A_697 = tpu.vector_load_idx %arg4[%broadcast_in_dim3A_683, %add3A_696] : memref<36x512xi32, #tpu.memory_space<vmem>>[vector<16xi32>, vector<16xi32>], vector<16xi32>,
        %lt3A_698 = arith.constant 768 : i32
        %lt3A_699 = vector.broadcast %lt3A_698 : i32 to vector<16xi32>
        %lt3A_700 = arith.cmpi slt, %gather3A_697, %lt3A_699 : vector<16xi32>
        tpu.vector_store_idx %arg5[%add3A_90, %gather3A_697], %broadcast_in_dim3A_65 masked %lt3A_700 {add = true} : memref<64x768xi32, #tpu.memory_space<vmem>>[vector<16xi32>, vector<16xi32>], vector<16xi32>, vector<16xi1>
        %broadcast_in_dim3A_701 = arith.constant 32 : i32
        %broadcast_in_dim3A_702 = vector.broadcast %broadcast_in_dim3A_701 : i32 to vector<16xi32>
        %mul3A_703 = arith.constant 2 : i32
        %mul3A_704 = vector.broadcast %mul3A_703 : i32 to vector<16xi32>
        %mul3A_705 = arith.muli %mul3A_704, %add3A_94 : vector<16xi32>
        %gather3A_706 = tpu.vector_load_idx %arg4[%broadcast_in_dim3A_702, %mul3A_705] : memref<36x512xi32, #tpu.memory_space<vmem>>[vector<16xi32>, vector<16xi32>], vector<16xi32>,
        %lt3A_707 = arith.constant 768 : i32
        %lt3A_708 = vector.broadcast %lt3A_707 : i32 to vector<16xi32>
        %lt3A_709 = arith.cmpi slt, %gather3A_706, %lt3A_708 : vector<16xi32>
        tpu.vector_store_idx %arg5[%add3A_90, %gather3A_706], %broadcast_in_dim3A_63 masked %lt3A_709 {add = true} : memref<64x768xi32, #tpu.memory_space<vmem>>[vector<16xi32>, vector<16xi32>], vector<16xi32>, vector<16xi1>
        %mul3A_710 = arith.constant 2 : i32
        %mul3A_711 = vector.broadcast %mul3A_710 : i32 to vector<16xi32>
        %mul3A_712 = arith.muli %mul3A_711, %add3A_94 : vector<16xi32>
        %add3A_713 = arith.constant 1 : i32
        %add3A_714 = vector.broadcast %add3A_713 : i32 to vector<16xi32>
        %add3A_715 = arith.addi %mul3A_712, %add3A_714 : vector<16xi32>
        %gather3A_716 = tpu.vector_load_idx %arg4[%broadcast_in_dim3A_702, %add3A_715] : memref<36x512xi32, #tpu.memory_space<vmem>>[vector<16xi32>, vector<16xi32>], vector<16xi32>,
        %lt3A_717 = arith.constant 768 : i32
        %lt3A_718 = vector.broadcast %lt3A_717 : i32 to vector<16xi32>
        %lt3A_719 = arith.cmpi slt, %gather3A_716, %lt3A_718 : vector<16xi32>
        tpu.vector_store_idx %arg5[%add3A_90, %gather3A_716], %broadcast_in_dim3A_65 masked %lt3A_719 {add = true} : memref<64x768xi32, #tpu.memory_space<vmem>>[vector<16xi32>, vector<16xi32>], vector<16xi32>, vector<16xi1>
        %broadcast_in_dim3A_720 = arith.constant 33 : i32
        %broadcast_in_dim3A_721 = vector.broadcast %broadcast_in_dim3A_720 : i32 to vector<16xi32>
        %mul3A_722 = arith.constant 2 : i32
        %mul3A_723 = vector.broadcast %mul3A_722 : i32 to vector<16xi32>
        %mul3A_724 = arith.muli %mul3A_723, %add3A_94 : vector<16xi32>
        %gather3A_725 = tpu.vector_load_idx %arg4[%broadcast_in_dim3A_721, %mul3A_724] : memref<36x512xi32, #tpu.memory_space<vmem>>[vector<16xi32>, vector<16xi32>], vector<16xi32>,
        %lt3A_726 = arith.constant 768 : i32
        %lt3A_727 = vector.broadcast %lt3A_726 : i32 to vector<16xi32>
        %lt3A_728 = arith.cmpi slt, %gather3A_725, %lt3A_727 : vector<16xi32>
        tpu.vector_store_idx %arg5[%add3A_90, %gather3A_725], %broadcast_in_dim3A_63 masked %lt3A_728 {add = true} : memref<64x768xi32, #tpu.memory_space<vmem>>[vector<16xi32>, vector<16xi32>], vector<16xi32>, vector<16xi1>
        %mul3A_729 = arith.constant 2 : i32
        %mul3A_730 = vector.broadcast %mul3A_729 : i32 to vector<16xi32>
        %mul3A_731 = arith.muli %mul3A_730, %add3A_94 : vector<16xi32>
        %add3A_732 = arith.constant 1 : i32
        %add3A_733 = vector.broadcast %add3A_732 : i32 to vector<16xi32>
        %add3A_734 = arith.addi %mul3A_731, %add3A_733 : vector<16xi32>
        %gather3A_735 = tpu.vector_load_idx %arg4[%broadcast_in_dim3A_721, %add3A_734] : memref<36x512xi32, #tpu.memory_space<vmem>>[vector<16xi32>, vector<16xi32>], vector<16xi32>,
        %lt3A_736 = arith.constant 768 : i32
        %lt3A_737 = vector.broadcast %lt3A_736 : i32 to vector<16xi32>
        %lt3A_738 = arith.cmpi slt, %gather3A_735, %lt3A_737 : vector<16xi32>
        tpu.vector_store_idx %arg5[%add3A_90, %gather3A_735], %broadcast_in_dim3A_65 masked %lt3A_738 {add = true} : memref<64x768xi32, #tpu.memory_space<vmem>>[vector<16xi32>, vector<16xi32>], vector<16xi32>, vector<16xi1>
        %broadcast_in_dim3A_739 = arith.constant 34 : i32
        %broadcast_in_dim3A_740 = vector.broadcast %broadcast_in_dim3A_739 : i32 to vector<16xi32>
        %mul3A_741 = arith.constant 2 : i32
        %mul3A_742 = vector.broadcast %mul3A_741 : i32 to vector<16xi32>
        %mul3A_743 = arith.muli %mul3A_742, %add3A_94 : vector<16xi32>
        %gather3A_744 = tpu.vector_load_idx %arg4[%broadcast_in_dim3A_740, %mul3A_743] : memref<36x512xi32, #tpu.memory_space<vmem>>[vector<16xi32>, vector<16xi32>], vector<16xi32>,
        %lt3A_745 = arith.constant 768 : i32
        %lt3A_746 = vector.broadcast %lt3A_745 : i32 to vector<16xi32>
        %lt3A_747 = arith.cmpi slt, %gather3A_744, %lt3A_746 : vector<16xi32>
        tpu.vector_store_idx %arg5[%add3A_90, %gather3A_744], %broadcast_in_dim3A_63 masked %lt3A_747 {add = true} : memref<64x768xi32, #tpu.memory_space<vmem>>[vector<16xi32>, vector<16xi32>], vector<16xi32>, vector<16xi1>
        %mul3A_748 = arith.constant 2 : i32
        %mul3A_749 = vector.broadcast %mul3A_748 : i32 to vector<16xi32>
        %mul3A_750 = arith.muli %mul3A_749, %add3A_94 : vector<16xi32>
        %add3A_751 = arith.constant 1 : i32
        %add3A_752 = vector.broadcast %add3A_751 : i32 to vector<16xi32>
        %add3A_753 = arith.addi %mul3A_750, %add3A_752 : vector<16xi32>
        %gather3A_754 = tpu.vector_load_idx %arg4[%broadcast_in_dim3A_740, %add3A_753] : memref<36x512xi32, #tpu.memory_space<vmem>>[vector<16xi32>, vector<16xi32>], vector<16xi32>,
        %lt3A_755 = arith.constant 768 : i32
        %lt3A_756 = vector.broadcast %lt3A_755 : i32 to vector<16xi32>
        %lt3A_757 = arith.cmpi slt, %gather3A_754, %lt3A_756 : vector<16xi32>
        tpu.vector_store_idx %arg5[%add3A_90, %gather3A_754], %broadcast_in_dim3A_65 masked %lt3A_757 {add = true} : memref<64x768xi32, #tpu.memory_space<vmem>>[vector<16xi32>, vector<16xi32>], vector<16xi32>, vector<16xi1>
        %broadcast_in_dim3A_758 = arith.constant 35 : i32
        %broadcast_in_dim3A_759 = vector.broadcast %broadcast_in_dim3A_758 : i32 to vector<16xi32>
        %mul3A_760 = arith.constant 2 : i32
        %mul3A_761 = vector.broadcast %mul3A_760 : i32 to vector<16xi32>
        %mul3A_762 = arith.muli %mul3A_761, %add3A_94 : vector<16xi32>
        %gather3A_763 = tpu.vector_load_idx %arg4[%broadcast_in_dim3A_759, %mul3A_762] : memref<36x512xi32, #tpu.memory_space<vmem>>[vector<16xi32>, vector<16xi32>], vector<16xi32>,
        %lt3A_764 = arith.constant 768 : i32
        %lt3A_765 = vector.broadcast %lt3A_764 : i32 to vector<16xi32>
        %lt3A_766 = arith.cmpi slt, %gather3A_763, %lt3A_765 : vector<16xi32>
        tpu.vector_store_idx %arg5[%add3A_90, %gather3A_763], %broadcast_in_dim3A_63 masked %lt3A_766 {add = true} : memref<64x768xi32, #tpu.memory_space<vmem>>[vector<16xi32>, vector<16xi32>], vector<16xi32>, vector<16xi1>
        %mul3A_767 = arith.constant 2 : i32
        %mul3A_768 = vector.broadcast %mul3A_767 : i32 to vector<16xi32>
        %mul3A_769 = arith.muli %mul3A_768, %add3A_94 : vector<16xi32>
        %add3A_770 = arith.constant 1 : i32
        %add3A_771 = vector.broadcast %add3A_770 : i32 to vector<16xi32>
        %add3A_772 = arith.addi %mul3A_769, %add3A_771 : vector<16xi32>
        %gather3A_773 = tpu.vector_load_idx %arg4[%broadcast_in_dim3A_759, %add3A_772] : memref<36x512xi32, #tpu.memory_space<vmem>>[vector<16xi32>, vector<16xi32>], vector<16xi32>,
        %lt3A_774 = arith.constant 768 : i32
        %lt3A_775 = vector.broadcast %lt3A_774 : i32 to vector<16xi32>
        %lt3A_776 = arith.cmpi slt, %gather3A_773, %lt3A_775 : vector<16xi32>
        tpu.vector_store_idx %arg5[%add3A_90, %gather3A_773], %broadcast_in_dim3A_65 masked %lt3A_776 {add = true} : memref<64x768xi32, #tpu.memory_space<vmem>>[vector<16xi32>, vector<16xi32>], vector<16xi32>, vector<16xi1>
      }
      %scan3A_71 = arith.constant 4 : i32
      %dma_wait3A_72 = arith.constant 0 : i32
      %dma_wait3A_73 = tpu.memref_slice %arg3[%add3A_54, %dma_wait3A_72] : memref<8192x768xi32, #tpu.memory_space<hbm>> -> memref<64x768xi32, #tpu.memory_space<hbm>>
      %dma_wait3A_74 = arith.constant 0 : i32
      %dma_wait3A_75 = tpu.memref_slice %arg3[%add3A_54, %dma_wait3A_74] : memref<8192x768xi32, #tpu.memory_space<hbm>> -> memref<64x768xi32, #tpu.memory_space<hbm>>
      tpu.wait_dma2 semaphore(%arg8 : memref<!tpu.dma_semaphore, #tpu.memory_space<semaphore_mem>>) src(%arg6 : memref<64x768xi32, #tpu.memory_space<vmem>>) dst(%dma_wait3A_75 : memref<64x768xi32, #tpu.memory_space<hbm>>)
      %broadcast_in_dim3A_76 = arith.constant -1 : i32
      %broadcast_in_dim3A_77 = vector.broadcast %broadcast_in_dim3A_76 : i32 to vector<16xi32>
      %broadcast_in_dim3A_78 = arith.constant -65536 : i32
      %broadcast_in_dim3A_79 = vector.broadcast %broadcast_in_dim3A_78 : i32 to vector<16xi32>
      %scan3A_80 = arith.constant 0 : i32
      %scan3A_81 = arith.constant 0 : i32
      %scan3A_82 = arith.constant 4 : i32
      %scan3A_83 = arith.addi %scan3A_81, %scan3A_82 : i32
      %scan3A_84 = arith.constant 1 : i32
      scf.for %scan3A_86 = %scan3A_81 to %scan3A_83 step %scan3A_84  : i32 {
        %mul3A_87 = arith.constant 16 : i32
        %mul3A_88 = arith.muli %scan3A_86, %mul3A_87 : i32
        %add3A_89 = vector.broadcast %mul3A_88 : i32 to vector<16xi32>
        %add3A_90 = arith.addi %add3A_89, %iota3A : vector<16xi32>
        %mul3A_91 = arith.constant 64 : i32
        %mul3A_92 = arith.muli %add3A_21, %mul3A_91 : i32
        %add3A_93 = vector.broadcast %mul3A_92 : i32 to vector<16xi32>
        %add3A_94 = arith.addi %add3A_93, %add3A_90 : vector<16xi32>
        %broadcast_in_dim3A_95 = arith.constant 0 : i32
        %broadcast_in_dim3A_96 = vector.broadcast %broadcast_in_dim3A_95 : i32 to vector<16xi32>
        %mul3A_97 = arith.constant 2 : i32
        %mul3A_98 = vector.broadcast %mul3A_97 : i32 to vector<16xi32>
        %mul3A_99 = arith.muli %mul3A_98, %add3A_94 : vector<16xi32>
        %gather3A = tpu.vector_load_idx %arg4[%broadcast_in_dim3A_96, %mul3A_99] : memref<36x512xi32, #tpu.memory_space<vmem>>[vector<16xi32>, vector<16xi32>], vector<16xi32>,
        %lt3A = arith.constant 768 : i32
        %lt3A_100 = vector.broadcast %lt3A : i32 to vector<16xi32>
        %lt3A_101 = arith.cmpi slt, %gather3A, %lt3A_100 : vector<16xi32>
        tpu.vector_store_idx %arg6[%add3A_90, %gather3A], %broadcast_in_dim3A_77 masked %lt3A_101 {add = true} : memref<64x768xi32, #tpu.memory_space<vmem>>[vector<16xi32>, vector<16xi32>], vector<16xi32>, vector<16xi1>
        %mul3A_102 = arith.constant 2 : i32
        %mul3A_103 = vector.broadcast %mul3A_102 : i32 to vector<16xi32>
        %mul3A_104 = arith.muli %mul3A_103, %add3A_94 : vector<16xi32>
        %add3A_105 = arith.constant 1 : i32
        %add3A_106 = vector.broadcast %add3A_105 : i32 to vector<16xi32>
        %add3A_107 = arith.addi %mul3A_104, %add3A_106 : vector<16xi32>
        %gather3A_108 = tpu.vector_load_idx %arg4[%broadcast_in_dim3A_96, %add3A_107] : memref<36x512xi32, #tpu.memory_space<vmem>>[vector<16xi32>, vector<16xi32>], vector<16xi32>,
        %lt3A_109 = arith.constant 768 : i32
        %lt3A_110 = vector.broadcast %lt3A_109 : i32 to vector<16xi32>
        %lt3A_111 = arith.cmpi slt, %gather3A_108, %lt3A_110 : vector<16xi32>
        tpu.vector_store_idx %arg6[%add3A_90, %gather3A_108], %broadcast_in_dim3A_79 masked %lt3A_111 {add = true} : memref<64x768xi32, #tpu.memory_space<vmem>>[vector<16xi32>, vector<16xi32>], vector<16xi32>, vector<16xi1>
        %broadcast_in_dim3A_112 = arith.constant 1 : i32
        %broadcast_in_dim3A_113 = vector.broadcast %broadcast_in_dim3A_112 : i32 to vector<16xi32>
        %mul3A_114 = arith.constant 2 : i32
        %mul3A_115 = vector.broadcast %mul3A_114 : i32 to vector<16xi32>
        %mul3A_116 = arith.muli %mul3A_115, %add3A_94 : vector<16xi32>
        %gather3A_117 = tpu.vector_load_idx %arg4[%broadcast_in_dim3A_113, %mul3A_116] : memref<36x512xi32, #tpu.memory_space<vmem>>[vector<16xi32>, vector<16xi32>], vector<16xi32>,
        %lt3A_118 = arith.constant 768 : i32
        %lt3A_119 = vector.broadcast %lt3A_118 : i32 to vector<16xi32>
        %lt3A_120 = arith.cmpi slt, %gather3A_117, %lt3A_119 : vector<16xi32>
        tpu.vector_store_idx %arg6[%add3A_90, %gather3A_117], %broadcast_in_dim3A_77 masked %lt3A_120 {add = true} : memref<64x768xi32, #tpu.memory_space<vmem>>[vector<16xi32>, vector<16xi32>], vector<16xi32>, vector<16xi1>
        %mul3A_121 = arith.constant 2 : i32
        %mul3A_122 = vector.broadcast %mul3A_121 : i32 to vector<16xi32>
        %mul3A_123 = arith.muli %mul3A_122, %add3A_94 : vector<16xi32>
        %add3A_124 = arith.constant 1 : i32
        %add3A_125 = vector.broadcast %add3A_124 : i32 to vector<16xi32>
        %add3A_126 = arith.addi %mul3A_123, %add3A_125 : vector<16xi32>
        %gather3A_127 = tpu.vector_load_idx %arg4[%broadcast_in_dim3A_113, %add3A_126] : memref<36x512xi32, #tpu.memory_space<vmem>>[vector<16xi32>, vector<16xi32>], vector<16xi32>,
        %lt3A_128 = arith.constant 768 : i32
        %lt3A_129 = vector.broadcast %lt3A_128 : i32 to vector<16xi32>
        %lt3A_130 = arith.cmpi slt, %gather3A_127, %lt3A_129 : vector<16xi32>
        tpu.vector_store_idx %arg6[%add3A_90, %gather3A_127], %broadcast_in_dim3A_79 masked %lt3A_130 {add = true} : memref<64x768xi32, #tpu.memory_space<vmem>>[vector<16xi32>, vector<16xi32>], vector<16xi32>, vector<16xi1>
        %broadcast_in_dim3A_131 = arith.constant 2 : i32
        %broadcast_in_dim3A_132 = vector.broadcast %broadcast_in_dim3A_131 : i32 to vector<16xi32>
        %mul3A_133 = arith.constant 2 : i32
        %mul3A_134 = vector.broadcast %mul3A_133 : i32 to vector<16xi32>
        %mul3A_135 = arith.muli %mul3A_134, %add3A_94 : vector<16xi32>
        %gather3A_136 = tpu.vector_load_idx %arg4[%broadcast_in_dim3A_132, %mul3A_135] : memref<36x512xi32, #tpu.memory_space<vmem>>[vector<16xi32>, vector<16xi32>], vector<16xi32>,
        %lt3A_137 = arith.constant 768 : i32
        %lt3A_138 = vector.broadcast %lt3A_137 : i32 to vector<16xi32>
        %lt3A_139 = arith.cmpi slt, %gather3A_136, %lt3A_138 : vector<16xi32>
        tpu.vector_store_idx %arg6[%add3A_90, %gather3A_136], %broadcast_in_dim3A_77 masked %lt3A_139 {add = true} : memref<64x768xi32, #tpu.memory_space<vmem>>[vector<16xi32>, vector<16xi32>], vector<16xi32>, vector<16xi1>
        %mul3A_140 = arith.constant 2 : i32
        %mul3A_141 = vector.broadcast %mul3A_140 : i32 to vector<16xi32>
        %mul3A_142 = arith.muli %mul3A_141, %add3A_94 : vector<16xi32>
        %add3A_143 = arith.constant 1 : i32
        %add3A_144 = vector.broadcast %add3A_143 : i32 to vector<16xi32>
        %add3A_145 = arith.addi %mul3A_142, %add3A_144 : vector<16xi32>
        %gather3A_146 = tpu.vector_load_idx %arg4[%broadcast_in_dim3A_132, %add3A_145] : memref<36x512xi32, #tpu.memory_space<vmem>>[vector<16xi32>, vector<16xi32>], vector<16xi32>,
        %lt3A_147 = arith.constant 768 : i32
        %lt3A_148 = vector.broadcast %lt3A_147 : i32 to vector<16xi32>
        %lt3A_149 = arith.cmpi slt, %gather3A_146, %lt3A_148 : vector<16xi32>
        tpu.vector_store_idx %arg6[%add3A_90, %gather3A_146], %broadcast_in_dim3A_79 masked %lt3A_149 {add = true} : memref<64x768xi32, #tpu.memory_space<vmem>>[vector<16xi32>, vector<16xi32>], vector<16xi32>, vector<16xi1>
        %broadcast_in_dim3A_150 = arith.constant 3 : i32
        %broadcast_in_dim3A_151 = vector.broadcast %broadcast_in_dim3A_150 : i32 to vector<16xi32>
        %mul3A_152 = arith.constant 2 : i32
        %mul3A_153 = vector.broadcast %mul3A_152 : i32 to vector<16xi32>
        %mul3A_154 = arith.muli %mul3A_153, %add3A_94 : vector<16xi32>
        %gather3A_155 = tpu.vector_load_idx %arg4[%broadcast_in_dim3A_151, %mul3A_154] : memref<36x512xi32, #tpu.memory_space<vmem>>[vector<16xi32>, vector<16xi32>], vector<16xi32>,
        %lt3A_156 = arith.constant 768 : i32
        %lt3A_157 = vector.broadcast %lt3A_156 : i32 to vector<16xi32>
        %lt3A_158 = arith.cmpi slt, %gather3A_155, %lt3A_157 : vector<16xi32>
        tpu.vector_store_idx %arg6[%add3A_90, %gather3A_155], %broadcast_in_dim3A_77 masked %lt3A_158 {add = true} : memref<64x768xi32, #tpu.memory_space<vmem>>[vector<16xi32>, vector<16xi32>], vector<16xi32>, vector<16xi1>
        %mul3A_159 = arith.constant 2 : i32
        %mul3A_160 = vector.broadcast %mul3A_159 : i32 to vector<16xi32>
        %mul3A_161 = arith.muli %mul3A_160, %add3A_94 : vector<16xi32>
        %add3A_162 = arith.constant 1 : i32
        %add3A_163 = vector.broadcast %add3A_162 : i32 to vector<16xi32>
        %add3A_164 = arith.addi %mul3A_161, %add3A_163 : vector<16xi32>
        %gather3A_165 = tpu.vector_load_idx %arg4[%broadcast_in_dim3A_151, %add3A_164] : memref<36x512xi32, #tpu.memory_space<vmem>>[vector<16xi32>, vector<16xi32>], vector<16xi32>,
        %lt3A_166 = arith.constant 768 : i32
        %lt3A_167 = vector.broadcast %lt3A_166 : i32 to vector<16xi32>
        %lt3A_168 = arith.cmpi slt, %gather3A_165, %lt3A_167 : vector<16xi32>
        tpu.vector_store_idx %arg6[%add3A_90, %gather3A_165], %broadcast_in_dim3A_79 masked %lt3A_168 {add = true} : memref<64x768xi32, #tpu.memory_space<vmem>>[vector<16xi32>, vector<16xi32>], vector<16xi32>, vector<16xi1>
        %broadcast_in_dim3A_169 = arith.constant 4 : i32
        %broadcast_in_dim3A_170 = vector.broadcast %broadcast_in_dim3A_169 : i32 to vector<16xi32>
        %mul3A_171 = arith.constant 2 : i32
        %mul3A_172 = vector.broadcast %mul3A_171 : i32 to vector<16xi32>
        %mul3A_173 = arith.muli %mul3A_172, %add3A_94 : vector<16xi32>
        %gather3A_174 = tpu.vector_load_idx %arg4[%broadcast_in_dim3A_170, %mul3A_173] : memref<36x512xi32, #tpu.memory_space<vmem>>[vector<16xi32>, vector<16xi32>], vector<16xi32>,
        %lt3A_175 = arith.constant 768 : i32
        %lt3A_176 = vector.broadcast %lt3A_175 : i32 to vector<16xi32>
        %lt3A_177 = arith.cmpi slt, %gather3A_174, %lt3A_176 : vector<16xi32>
        tpu.vector_store_idx %arg6[%add3A_90, %gather3A_174], %broadcast_in_dim3A_77 masked %lt3A_177 {add = true} : memref<64x768xi32, #tpu.memory_space<vmem>>[vector<16xi32>, vector<16xi32>], vector<16xi32>, vector<16xi1>
        %mul3A_178 = arith.constant 2 : i32
        %mul3A_179 = vector.broadcast %mul3A_178 : i32 to vector<16xi32>
        %mul3A_180 = arith.muli %mul3A_179, %add3A_94 : vector<16xi32>
        %add3A_181 = arith.constant 1 : i32
        %add3A_182 = vector.broadcast %add3A_181 : i32 to vector<16xi32>
        %add3A_183 = arith.addi %mul3A_180, %add3A_182 : vector<16xi32>
        %gather3A_184 = tpu.vector_load_idx %arg4[%broadcast_in_dim3A_170, %add3A_183] : memref<36x512xi32, #tpu.memory_space<vmem>>[vector<16xi32>, vector<16xi32>], vector<16xi32>,
        %lt3A_185 = arith.constant 768 : i32
        %lt3A_186 = vector.broadcast %lt3A_185 : i32 to vector<16xi32>
        %lt3A_187 = arith.cmpi slt, %gather3A_184, %lt3A_186 : vector<16xi32>
        tpu.vector_store_idx %arg6[%add3A_90, %gather3A_184], %broadcast_in_dim3A_79 masked %lt3A_187 {add = true} : memref<64x768xi32, #tpu.memory_space<vmem>>[vector<16xi32>, vector<16xi32>], vector<16xi32>, vector<16xi1>
        %broadcast_in_dim3A_188 = arith.constant 5 : i32
        %broadcast_in_dim3A_189 = vector.broadcast %broadcast_in_dim3A_188 : i32 to vector<16xi32>
        %mul3A_190 = arith.constant 2 : i32
        %mul3A_191 = vector.broadcast %mul3A_190 : i32 to vector<16xi32>
        %mul3A_192 = arith.muli %mul3A_191, %add3A_94 : vector<16xi32>
        %gather3A_193 = tpu.vector_load_idx %arg4[%broadcast_in_dim3A_189, %mul3A_192] : memref<36x512xi32, #tpu.memory_space<vmem>>[vector<16xi32>, vector<16xi32>], vector<16xi32>,
        %lt3A_194 = arith.constant 768 : i32
        %lt3A_195 = vector.broadcast %lt3A_194 : i32 to vector<16xi32>
        %lt3A_196 = arith.cmpi slt, %gather3A_193, %lt3A_195 : vector<16xi32>
        tpu.vector_store_idx %arg6[%add3A_90, %gather3A_193], %broadcast_in_dim3A_77 masked %lt3A_196 {add = true} : memref<64x768xi32, #tpu.memory_space<vmem>>[vector<16xi32>, vector<16xi32>], vector<16xi32>, vector<16xi1>
        %mul3A_197 = arith.constant 2 : i32
        %mul3A_198 = vector.broadcast %mul3A_197 : i32 to vector<16xi32>
        %mul3A_199 = arith.muli %mul3A_198, %add3A_94 : vector<16xi32>
        %add3A_200 = arith.constant 1 : i32
        %add3A_201 = vector.broadcast %add3A_200 : i32 to vector<16xi32>
        %add3A_202 = arith.addi %mul3A_199, %add3A_201 : vector<16xi32>
        %gather3A_203 = tpu.vector_load_idx %arg4[%broadcast_in_dim3A_189, %add3A_202] : memref<36x512xi32, #tpu.memory_space<vmem>>[vector<16xi32>, vector<16xi32>], vector<16xi32>,
        %lt3A_204 = arith.constant 768 : i32
        %lt3A_205 = vector.broadcast %lt3A_204 : i32 to vector<16xi32>
        %lt3A_206 = arith.cmpi slt, %gather3A_203, %lt3A_205 : vector<16xi32>
        tpu.vector_store_idx %arg6[%add3A_90, %gather3A_203], %broadcast_in_dim3A_79 masked %lt3A_206 {add = true} : memref<64x768xi32, #tpu.memory_space<vmem>>[vector<16xi32>, vector<16xi32>], vector<16xi32>, vector<16xi1>
        %broadcast_in_dim3A_207 = arith.constant 6 : i32
        %broadcast_in_dim3A_208 = vector.broadcast %broadcast_in_dim3A_207 : i32 to vector<16xi32>
        %mul3A_209 = arith.constant 2 : i32
        %mul3A_210 = vector.broadcast %mul3A_209 : i32 to vector<16xi32>
        %mul3A_211 = arith.muli %mul3A_210, %add3A_94 : vector<16xi32>
        %gather3A_212 = tpu.vector_load_idx %arg4[%broadcast_in_dim3A_208, %mul3A_211] : memref<36x512xi32, #tpu.memory_space<vmem>>[vector<16xi32>, vector<16xi32>], vector<16xi32>,
        %lt3A_213 = arith.constant 768 : i32
        %lt3A_214 = vector.broadcast %lt3A_213 : i32 to vector<16xi32>
        %lt3A_215 = arith.cmpi slt, %gather3A_212, %lt3A_214 : vector<16xi32>
        tpu.vector_store_idx %arg6[%add3A_90, %gather3A_212], %broadcast_in_dim3A_77 masked %lt3A_215 {add = true} : memref<64x768xi32, #tpu.memory_space<vmem>>[vector<16xi32>, vector<16xi32>], vector<16xi32>, vector<16xi1>
        %mul3A_216 = arith.constant 2 : i32
        %mul3A_217 = vector.broadcast %mul3A_216 : i32 to vector<16xi32>
        %mul3A_218 = arith.muli %mul3A_217, %add3A_94 : vector<16xi32>
        %add3A_219 = arith.constant 1 : i32
        %add3A_220 = vector.broadcast %add3A_219 : i32 to vector<16xi32>
        %add3A_221 = arith.addi %mul3A_218, %add3A_220 : vector<16xi32>
        %gather3A_222 = tpu.vector_load_idx %arg4[%broadcast_in_dim3A_208, %add3A_221] : memref<36x512xi32, #tpu.memory_space<vmem>>[vector<16xi32>, vector<16xi32>], vector<16xi32>,
        %lt3A_223 = arith.constant 768 : i32
        %lt3A_224 = vector.broadcast %lt3A_223 : i32 to vector<16xi32>
        %lt3A_225 = arith.cmpi slt, %gather3A_222, %lt3A_224 : vector<16xi32>
        tpu.vector_store_idx %arg6[%add3A_90, %gather3A_222], %broadcast_in_dim3A_79 masked %lt3A_225 {add = true} : memref<64x768xi32, #tpu.memory_space<vmem>>[vector<16xi32>, vector<16xi32>], vector<16xi32>, vector<16xi1>
        %broadcast_in_dim3A_226 = arith.constant 7 : i32
        %broadcast_in_dim3A_227 = vector.broadcast %broadcast_in_dim3A_226 : i32 to vector<16xi32>
        %mul3A_228 = arith.constant 2 : i32
        %mul3A_229 = vector.broadcast %mul3A_228 : i32 to vector<16xi32>
        %mul3A_230 = arith.muli %mul3A_229, %add3A_94 : vector<16xi32>
        %gather3A_231 = tpu.vector_load_idx %arg4[%broadcast_in_dim3A_227, %mul3A_230] : memref<36x512xi32, #tpu.memory_space<vmem>>[vector<16xi32>, vector<16xi32>], vector<16xi32>,
        %lt3A_232 = arith.constant 768 : i32
        %lt3A_233 = vector.broadcast %lt3A_232 : i32 to vector<16xi32>
        %lt3A_234 = arith.cmpi slt, %gather3A_231, %lt3A_233 : vector<16xi32>
        tpu.vector_store_idx %arg6[%add3A_90, %gather3A_231], %broadcast_in_dim3A_77 masked %lt3A_234 {add = true} : memref<64x768xi32, #tpu.memory_space<vmem>>[vector<16xi32>, vector<16xi32>], vector<16xi32>, vector<16xi1>
        %mul3A_235 = arith.constant 2 : i32
        %mul3A_236 = vector.broadcast %mul3A_235 : i32 to vector<16xi32>
        %mul3A_237 = arith.muli %mul3A_236, %add3A_94 : vector<16xi32>
        %add3A_238 = arith.constant 1 : i32
        %add3A_239 = vector.broadcast %add3A_238 : i32 to vector<16xi32>
        %add3A_240 = arith.addi %mul3A_237, %add3A_239 : vector<16xi32>
        %gather3A_241 = tpu.vector_load_idx %arg4[%broadcast_in_dim3A_227, %add3A_240] : memref<36x512xi32, #tpu.memory_space<vmem>>[vector<16xi32>, vector<16xi32>], vector<16xi32>,
        %lt3A_242 = arith.constant 768 : i32
        %lt3A_243 = vector.broadcast %lt3A_242 : i32 to vector<16xi32>
        %lt3A_244 = arith.cmpi slt, %gather3A_241, %lt3A_243 : vector<16xi32>
        tpu.vector_store_idx %arg6[%add3A_90, %gather3A_241], %broadcast_in_dim3A_79 masked %lt3A_244 {add = true} : memref<64x768xi32, #tpu.memory_space<vmem>>[vector<16xi32>, vector<16xi32>], vector<16xi32>, vector<16xi1>
        %broadcast_in_dim3A_245 = arith.constant 8 : i32
        %broadcast_in_dim3A_246 = vector.broadcast %broadcast_in_dim3A_245 : i32 to vector<16xi32>
        %mul3A_247 = arith.constant 2 : i32
        %mul3A_248 = vector.broadcast %mul3A_247 : i32 to vector<16xi32>
        %mul3A_249 = arith.muli %mul3A_248, %add3A_94 : vector<16xi32>
        %gather3A_250 = tpu.vector_load_idx %arg4[%broadcast_in_dim3A_246, %mul3A_249] : memref<36x512xi32, #tpu.memory_space<vmem>>[vector<16xi32>, vector<16xi32>], vector<16xi32>,
        %lt3A_251 = arith.constant 768 : i32
        %lt3A_252 = vector.broadcast %lt3A_251 : i32 to vector<16xi32>
        %lt3A_253 = arith.cmpi slt, %gather3A_250, %lt3A_252 : vector<16xi32>
        tpu.vector_store_idx %arg6[%add3A_90, %gather3A_250], %broadcast_in_dim3A_77 masked %lt3A_253 {add = true} : memref<64x768xi32, #tpu.memory_space<vmem>>[vector<16xi32>, vector<16xi32>], vector<16xi32>, vector<16xi1>
        %mul3A_254 = arith.constant 2 : i32
        %mul3A_255 = vector.broadcast %mul3A_254 : i32 to vector<16xi32>
        %mul3A_256 = arith.muli %mul3A_255, %add3A_94 : vector<16xi32>
        %add3A_257 = arith.constant 1 : i32
        %add3A_258 = vector.broadcast %add3A_257 : i32 to vector<16xi32>
        %add3A_259 = arith.addi %mul3A_256, %add3A_258 : vector<16xi32>
        %gather3A_260 = tpu.vector_load_idx %arg4[%broadcast_in_dim3A_246, %add3A_259] : memref<36x512xi32, #tpu.memory_space<vmem>>[vector<16xi32>, vector<16xi32>], vector<16xi32>,
        %lt3A_261 = arith.constant 768 : i32
        %lt3A_262 = vector.broadcast %lt3A_261 : i32 to vector<16xi32>
        %lt3A_263 = arith.cmpi slt, %gather3A_260, %lt3A_262 : vector<16xi32>
        tpu.vector_store_idx %arg6[%add3A_90, %gather3A_260], %broadcast_in_dim3A_79 masked %lt3A_263 {add = true} : memref<64x768xi32, #tpu.memory_space<vmem>>[vector<16xi32>, vector<16xi32>], vector<16xi32>, vector<16xi1>
        %broadcast_in_dim3A_264 = arith.constant 9 : i32
        %broadcast_in_dim3A_265 = vector.broadcast %broadcast_in_dim3A_264 : i32 to vector<16xi32>
        %mul3A_266 = arith.constant 2 : i32
        %mul3A_267 = vector.broadcast %mul3A_266 : i32 to vector<16xi32>
        %mul3A_268 = arith.muli %mul3A_267, %add3A_94 : vector<16xi32>
        %gather3A_269 = tpu.vector_load_idx %arg4[%broadcast_in_dim3A_265, %mul3A_268] : memref<36x512xi32, #tpu.memory_space<vmem>>[vector<16xi32>, vector<16xi32>], vector<16xi32>,
        %lt3A_270 = arith.constant 768 : i32
        %lt3A_271 = vector.broadcast %lt3A_270 : i32 to vector<16xi32>
        %lt3A_272 = arith.cmpi slt, %gather3A_269, %lt3A_271 : vector<16xi32>
        tpu.vector_store_idx %arg6[%add3A_90, %gather3A_269], %broadcast_in_dim3A_77 masked %lt3A_272 {add = true} : memref<64x768xi32, #tpu.memory_space<vmem>>[vector<16xi32>, vector<16xi32>], vector<16xi32>, vector<16xi1>
        %mul3A_273 = arith.constant 2 : i32
        %mul3A_274 = vector.broadcast %mul3A_273 : i32 to vector<16xi32>
        %mul3A_275 = arith.muli %mul3A_274, %add3A_94 : vector<16xi32>
        %add3A_276 = arith.constant 1 : i32
        %add3A_277 = vector.broadcast %add3A_276 : i32 to vector<16xi32>
        %add3A_278 = arith.addi %mul3A_275, %add3A_277 : vector<16xi32>
        %gather3A_279 = tpu.vector_load_idx %arg4[%broadcast_in_dim3A_265, %add3A_278] : memref<36x512xi32, #tpu.memory_space<vmem>>[vector<16xi32>, vector<16xi32>], vector<16xi32>,
        %lt3A_280 = arith.constant 768 : i32
        %lt3A_281 = vector.broadcast %lt3A_280 : i32 to vector<16xi32>
        %lt3A_282 = arith.cmpi slt, %gather3A_279, %lt3A_281 : vector<16xi32>
        tpu.vector_store_idx %arg6[%add3A_90, %gather3A_279], %broadcast_in_dim3A_79 masked %lt3A_282 {add = true} : memref<64x768xi32, #tpu.memory_space<vmem>>[vector<16xi32>, vector<16xi32>], vector<16xi32>, vector<16xi1>
        %broadcast_in_dim3A_283 = arith.constant 10 : i32
        %broadcast_in_dim3A_284 = vector.broadcast %broadcast_in_dim3A_283 : i32 to vector<16xi32>
        %mul3A_285 = arith.constant 2 : i32
        %mul3A_286 = vector.broadcast %mul3A_285 : i32 to vector<16xi32>
        %mul3A_287 = arith.muli %mul3A_286, %add3A_94 : vector<16xi32>
        %gather3A_288 = tpu.vector_load_idx %arg4[%broadcast_in_dim3A_284, %mul3A_287] : memref<36x512xi32, #tpu.memory_space<vmem>>[vector<16xi32>, vector<16xi32>], vector<16xi32>,
        %lt3A_289 = arith.constant 768 : i32
        %lt3A_290 = vector.broadcast %lt3A_289 : i32 to vector<16xi32>
        %lt3A_291 = arith.cmpi slt, %gather3A_288, %lt3A_290 : vector<16xi32>
        tpu.vector_store_idx %arg6[%add3A_90, %gather3A_288], %broadcast_in_dim3A_77 masked %lt3A_291 {add = true} : memref<64x768xi32, #tpu.memory_space<vmem>>[vector<16xi32>, vector<16xi32>], vector<16xi32>, vector<16xi1>
        %mul3A_292 = arith.constant 2 : i32
        %mul3A_293 = vector.broadcast %mul3A_292 : i32 to vector<16xi32>
        %mul3A_294 = arith.muli %mul3A_293, %add3A_94 : vector<16xi32>
        %add3A_295 = arith.constant 1 : i32
        %add3A_296 = vector.broadcast %add3A_295 : i32 to vector<16xi32>
        %add3A_297 = arith.addi %mul3A_294, %add3A_296 : vector<16xi32>
        %gather3A_298 = tpu.vector_load_idx %arg4[%broadcast_in_dim3A_284, %add3A_297] : memref<36x512xi32, #tpu.memory_space<vmem>>[vector<16xi32>, vector<16xi32>], vector<16xi32>,
        %lt3A_299 = arith.constant 768 : i32
        %lt3A_300 = vector.broadcast %lt3A_299 : i32 to vector<16xi32>
        %lt3A_301 = arith.cmpi slt, %gather3A_298, %lt3A_300 : vector<16xi32>
        tpu.vector_store_idx %arg6[%add3A_90, %gather3A_298], %broadcast_in_dim3A_79 masked %lt3A_301 {add = true} : memref<64x768xi32, #tpu.memory_space<vmem>>[vector<16xi32>, vector<16xi32>], vector<16xi32>, vector<16xi1>
        %broadcast_in_dim3A_302 = arith.constant 11 : i32
        %broadcast_in_dim3A_303 = vector.broadcast %broadcast_in_dim3A_302 : i32 to vector<16xi32>
        %mul3A_304 = arith.constant 2 : i32
        %mul3A_305 = vector.broadcast %mul3A_304 : i32 to vector<16xi32>
        %mul3A_306 = arith.muli %mul3A_305, %add3A_94 : vector<16xi32>
        %gather3A_307 = tpu.vector_load_idx %arg4[%broadcast_in_dim3A_303, %mul3A_306] : memref<36x512xi32, #tpu.memory_space<vmem>>[vector<16xi32>, vector<16xi32>], vector<16xi32>,
        %lt3A_308 = arith.constant 768 : i32
        %lt3A_309 = vector.broadcast %lt3A_308 : i32 to vector<16xi32>
        %lt3A_310 = arith.cmpi slt, %gather3A_307, %lt3A_309 : vector<16xi32>
        tpu.vector_store_idx %arg6[%add3A_90, %gather3A_307], %broadcast_in_dim3A_77 masked %lt3A_310 {add = true} : memref<64x768xi32, #tpu.memory_space<vmem>>[vector<16xi32>, vector<16xi32>], vector<16xi32>, vector<16xi1>
        %mul3A_311 = arith.constant 2 : i32
        %mul3A_312 = vector.broadcast %mul3A_311 : i32 to vector<16xi32>
        %mul3A_313 = arith.muli %mul3A_312, %add3A_94 : vector<16xi32>
        %add3A_314 = arith.constant 1 : i32
        %add3A_315 = vector.broadcast %add3A_314 : i32 to vector<16xi32>
        %add3A_316 = arith.addi %mul3A_313, %add3A_315 : vector<16xi32>
        %gather3A_317 = tpu.vector_load_idx %arg4[%broadcast_in_dim3A_303, %add3A_316] : memref<36x512xi32, #tpu.memory_space<vmem>>[vector<16xi32>, vector<16xi32>], vector<16xi32>,
        %lt3A_318 = arith.constant 768 : i32
        %lt3A_319 = vector.broadcast %lt3A_318 : i32 to vector<16xi32>
        %lt3A_320 = arith.cmpi slt, %gather3A_317, %lt3A_319 : vector<16xi32>
        tpu.vector_store_idx %arg6[%add3A_90, %gather3A_317], %broadcast_in_dim3A_79 masked %lt3A_320 {add = true} : memref<64x768xi32, #tpu.memory_space<vmem>>[vector<16xi32>, vector<16xi32>], vector<16xi32>, vector<16xi1>
        %broadcast_in_dim3A_321 = arith.constant 12 : i32
        %broadcast_in_dim3A_322 = vector.broadcast %broadcast_in_dim3A_321 : i32 to vector<16xi32>
        %mul3A_323 = arith.constant 2 : i32
        %mul3A_324 = vector.broadcast %mul3A_323 : i32 to vector<16xi32>
        %mul3A_325 = arith.muli %mul3A_324, %add3A_94 : vector<16xi32>
        %gather3A_326 = tpu.vector_load_idx %arg4[%broadcast_in_dim3A_322, %mul3A_325] : memref<36x512xi32, #tpu.memory_space<vmem>>[vector<16xi32>, vector<16xi32>], vector<16xi32>,
        %lt3A_327 = arith.constant 768 : i32
        %lt3A_328 = vector.broadcast %lt3A_327 : i32 to vector<16xi32>
        %lt3A_329 = arith.cmpi slt, %gather3A_326, %lt3A_328 : vector<16xi32>
        tpu.vector_store_idx %arg6[%add3A_90, %gather3A_326], %broadcast_in_dim3A_77 masked %lt3A_329 {add = true} : memref<64x768xi32, #tpu.memory_space<vmem>>[vector<16xi32>, vector<16xi32>], vector<16xi32>, vector<16xi1>
        %mul3A_330 = arith.constant 2 : i32
        %mul3A_331 = vector.broadcast %mul3A_330 : i32 to vector<16xi32>
        %mul3A_332 = arith.muli %mul3A_331, %add3A_94 : vector<16xi32>
        %add3A_333 = arith.constant 1 : i32
        %add3A_334 = vector.broadcast %add3A_333 : i32 to vector<16xi32>
        %add3A_335 = arith.addi %mul3A_332, %add3A_334 : vector<16xi32>
        %gather3A_336 = tpu.vector_load_idx %arg4[%broadcast_in_dim3A_322, %add3A_335] : memref<36x512xi32, #tpu.memory_space<vmem>>[vector<16xi32>, vector<16xi32>], vector<16xi32>,
        %lt3A_337 = arith.constant 768 : i32
        %lt3A_338 = vector.broadcast %lt3A_337 : i32 to vector<16xi32>
        %lt3A_339 = arith.cmpi slt, %gather3A_336, %lt3A_338 : vector<16xi32>
        tpu.vector_store_idx %arg6[%add3A_90, %gather3A_336], %broadcast_in_dim3A_79 masked %lt3A_339 {add = true} : memref<64x768xi32, #tpu.memory_space<vmem>>[vector<16xi32>, vector<16xi32>], vector<16xi32>, vector<16xi1>
        %broadcast_in_dim3A_340 = arith.constant 13 : i32
        %broadcast_in_dim3A_341 = vector.broadcast %broadcast_in_dim3A_340 : i32 to vector<16xi32>
        %mul3A_342 = arith.constant 2 : i32
        %mul3A_343 = vector.broadcast %mul3A_342 : i32 to vector<16xi32>
        %mul3A_344 = arith.muli %mul3A_343, %add3A_94 : vector<16xi32>
        %gather3A_345 = tpu.vector_load_idx %arg4[%broadcast_in_dim3A_341, %mul3A_344] : memref<36x512xi32, #tpu.memory_space<vmem>>[vector<16xi32>, vector<16xi32>], vector<16xi32>,
        %lt3A_346 = arith.constant 768 : i32
        %lt3A_347 = vector.broadcast %lt3A_346 : i32 to vector<16xi32>
        %lt3A_348 = arith.cmpi slt, %gather3A_345, %lt3A_347 : vector<16xi32>
        tpu.vector_store_idx %arg6[%add3A_90, %gather3A_345], %broadcast_in_dim3A_77 masked %lt3A_348 {add = true} : memref<64x768xi32, #tpu.memory_space<vmem>>[vector<16xi32>, vector<16xi32>], vector<16xi32>, vector<16xi1>
        %mul3A_349 = arith.constant 2 : i32
        %mul3A_350 = vector.broadcast %mul3A_349 : i32 to vector<16xi32>
        %mul3A_351 = arith.muli %mul3A_350, %add3A_94 : vector<16xi32>
        %add3A_352 = arith.constant 1 : i32
        %add3A_353 = vector.broadcast %add3A_352 : i32 to vector<16xi32>
        %add3A_354 = arith.addi %mul3A_351, %add3A_353 : vector<16xi32>
        %gather3A_355 = tpu.vector_load_idx %arg4[%broadcast_in_dim3A_341, %add3A_354] : memref<36x512xi32, #tpu.memory_space<vmem>>[vector<16xi32>, vector<16xi32>], vector<16xi32>,
        %lt3A_356 = arith.constant 768 : i32
        %lt3A_357 = vector.broadcast %lt3A_356 : i32 to vector<16xi32>
        %lt3A_358 = arith.cmpi slt, %gather3A_355, %lt3A_357 : vector<16xi32>
        tpu.vector_store_idx %arg6[%add3A_90, %gather3A_355], %broadcast_in_dim3A_79 masked %lt3A_358 {add = true} : memref<64x768xi32, #tpu.memory_space<vmem>>[vector<16xi32>, vector<16xi32>], vector<16xi32>, vector<16xi1>
        %broadcast_in_dim3A_359 = arith.constant 14 : i32
        %broadcast_in_dim3A_360 = vector.broadcast %broadcast_in_dim3A_359 : i32 to vector<16xi32>
        %mul3A_361 = arith.constant 2 : i32
        %mul3A_362 = vector.broadcast %mul3A_361 : i32 to vector<16xi32>
        %mul3A_363 = arith.muli %mul3A_362, %add3A_94 : vector<16xi32>
        %gather3A_364 = tpu.vector_load_idx %arg4[%broadcast_in_dim3A_360, %mul3A_363] : memref<36x512xi32, #tpu.memory_space<vmem>>[vector<16xi32>, vector<16xi32>], vector<16xi32>,
        %lt3A_365 = arith.constant 768 : i32
        %lt3A_366 = vector.broadcast %lt3A_365 : i32 to vector<16xi32>
        %lt3A_367 = arith.cmpi slt, %gather3A_364, %lt3A_366 : vector<16xi32>
        tpu.vector_store_idx %arg6[%add3A_90, %gather3A_364], %broadcast_in_dim3A_77 masked %lt3A_367 {add = true} : memref<64x768xi32, #tpu.memory_space<vmem>>[vector<16xi32>, vector<16xi32>], vector<16xi32>, vector<16xi1>
        %mul3A_368 = arith.constant 2 : i32
        %mul3A_369 = vector.broadcast %mul3A_368 : i32 to vector<16xi32>
        %mul3A_370 = arith.muli %mul3A_369, %add3A_94 : vector<16xi32>
        %add3A_371 = arith.constant 1 : i32
        %add3A_372 = vector.broadcast %add3A_371 : i32 to vector<16xi32>
        %add3A_373 = arith.addi %mul3A_370, %add3A_372 : vector<16xi32>
        %gather3A_374 = tpu.vector_load_idx %arg4[%broadcast_in_dim3A_360, %add3A_373] : memref<36x512xi32, #tpu.memory_space<vmem>>[vector<16xi32>, vector<16xi32>], vector<16xi32>,
        %lt3A_375 = arith.constant 768 : i32
        %lt3A_376 = vector.broadcast %lt3A_375 : i32 to vector<16xi32>
        %lt3A_377 = arith.cmpi slt, %gather3A_374, %lt3A_376 : vector<16xi32>
        tpu.vector_store_idx %arg6[%add3A_90, %gather3A_374], %broadcast_in_dim3A_79 masked %lt3A_377 {add = true} : memref<64x768xi32, #tpu.memory_space<vmem>>[vector<16xi32>, vector<16xi32>], vector<16xi32>, vector<16xi1>
        %broadcast_in_dim3A_378 = arith.constant 15 : i32
        %broadcast_in_dim3A_379 = vector.broadcast %broadcast_in_dim3A_378 : i32 to vector<16xi32>
        %mul3A_380 = arith.constant 2 : i32
        %mul3A_381 = vector.broadcast %mul3A_380 : i32 to vector<16xi32>
        %mul3A_382 = arith.muli %mul3A_381, %add3A_94 : vector<16xi32>
        %gather3A_383 = tpu.vector_load_idx %arg4[%broadcast_in_dim3A_379, %mul3A_382] : memref<36x512xi32, #tpu.memory_space<vmem>>[vector<16xi32>, vector<16xi32>], vector<16xi32>,
        %lt3A_384 = arith.constant 768 : i32
        %lt3A_385 = vector.broadcast %lt3A_384 : i32 to vector<16xi32>
        %lt3A_386 = arith.cmpi slt, %gather3A_383, %lt3A_385 : vector<16xi32>
        tpu.vector_store_idx %arg6[%add3A_90, %gather3A_383], %broadcast_in_dim3A_77 masked %lt3A_386 {add = true} : memref<64x768xi32, #tpu.memory_space<vmem>>[vector<16xi32>, vector<16xi32>], vector<16xi32>, vector<16xi1>
        %mul3A_387 = arith.constant 2 : i32
        %mul3A_388 = vector.broadcast %mul3A_387 : i32 to vector<16xi32>
        %mul3A_389 = arith.muli %mul3A_388, %add3A_94 : vector<16xi32>
        %add3A_390 = arith.constant 1 : i32
        %add3A_391 = vector.broadcast %add3A_390 : i32 to vector<16xi32>
        %add3A_392 = arith.addi %mul3A_389, %add3A_391 : vector<16xi32>
        %gather3A_393 = tpu.vector_load_idx %arg4[%broadcast_in_dim3A_379, %add3A_392] : memref<36x512xi32, #tpu.memory_space<vmem>>[vector<16xi32>, vector<16xi32>], vector<16xi32>,
        %lt3A_394 = arith.constant 768 : i32
        %lt3A_395 = vector.broadcast %lt3A_394 : i32 to vector<16xi32>
        %lt3A_396 = arith.cmpi slt, %gather3A_393, %lt3A_395 : vector<16xi32>
        tpu.vector_store_idx %arg6[%add3A_90, %gather3A_393], %broadcast_in_dim3A_79 masked %lt3A_396 {add = true} : memref<64x768xi32, #tpu.memory_space<vmem>>[vector<16xi32>, vector<16xi32>], vector<16xi32>, vector<16xi1>
        %broadcast_in_dim3A_397 = arith.constant 16 : i32
        %broadcast_in_dim3A_398 = vector.broadcast %broadcast_in_dim3A_397 : i32 to vector<16xi32>
        %mul3A_399 = arith.constant 2 : i32
        %mul3A_400 = vector.broadcast %mul3A_399 : i32 to vector<16xi32>
        %mul3A_401 = arith.muli %mul3A_400, %add3A_94 : vector<16xi32>
        %gather3A_402 = tpu.vector_load_idx %arg4[%broadcast_in_dim3A_398, %mul3A_401] : memref<36x512xi32, #tpu.memory_space<vmem>>[vector<16xi32>, vector<16xi32>], vector<16xi32>,
        %lt3A_403 = arith.constant 768 : i32
        %lt3A_404 = vector.broadcast %lt3A_403 : i32 to vector<16xi32>
        %lt3A_405 = arith.cmpi slt, %gather3A_402, %lt3A_404 : vector<16xi32>
        tpu.vector_store_idx %arg6[%add3A_90, %gather3A_402], %broadcast_in_dim3A_77 masked %lt3A_405 {add = true} : memref<64x768xi32, #tpu.memory_space<vmem>>[vector<16xi32>, vector<16xi32>], vector<16xi32>, vector<16xi1>
        %mul3A_406 = arith.constant 2 : i32
        %mul3A_407 = vector.broadcast %mul3A_406 : i32 to vector<16xi32>
        %mul3A_408 = arith.muli %mul3A_407, %add3A_94 : vector<16xi32>
        %add3A_409 = arith.constant 1 : i32
        %add3A_410 = vector.broadcast %add3A_409 : i32 to vector<16xi32>
        %add3A_411 = arith.addi %mul3A_408, %add3A_410 : vector<16xi32>
        %gather3A_412 = tpu.vector_load_idx %arg4[%broadcast_in_dim3A_398, %add3A_411] : memref<36x512xi32, #tpu.memory_space<vmem>>[vector<16xi32>, vector<16xi32>], vector<16xi32>,
        %lt3A_413 = arith.constant 768 : i32
        %lt3A_414 = vector.broadcast %lt3A_413 : i32 to vector<16xi32>
        %lt3A_415 = arith.cmpi slt, %gather3A_412, %lt3A_414 : vector<16xi32>
        tpu.vector_store_idx %arg6[%add3A_90, %gather3A_412], %broadcast_in_dim3A_79 masked %lt3A_415 {add = true} : memref<64x768xi32, #tpu.memory_space<vmem>>[vector<16xi32>, vector<16xi32>], vector<16xi32>, vector<16xi1>
        %broadcast_in_dim3A_416 = arith.constant 17 : i32
        %broadcast_in_dim3A_417 = vector.broadcast %broadcast_in_dim3A_416 : i32 to vector<16xi32>
        %mul3A_418 = arith.constant 2 : i32
        %mul3A_419 = vector.broadcast %mul3A_418 : i32 to vector<16xi32>
        %mul3A_420 = arith.muli %mul3A_419, %add3A_94 : vector<16xi32>
        %gather3A_421 = tpu.vector_load_idx %arg4[%broadcast_in_dim3A_417, %mul3A_420] : memref<36x512xi32, #tpu.memory_space<vmem>>[vector<16xi32>, vector<16xi32>], vector<16xi32>,
        %lt3A_422 = arith.constant 768 : i32
        %lt3A_423 = vector.broadcast %lt3A_422 : i32 to vector<16xi32>
        %lt3A_424 = arith.cmpi slt, %gather3A_421, %lt3A_423 : vector<16xi32>
        tpu.vector_store_idx %arg6[%add3A_90, %gather3A_421], %broadcast_in_dim3A_77 masked %lt3A_424 {add = true} : memref<64x768xi32, #tpu.memory_space<vmem>>[vector<16xi32>, vector<16xi32>], vector<16xi32>, vector<16xi1>
        %mul3A_425 = arith.constant 2 : i32
        %mul3A_426 = vector.broadcast %mul3A_425 : i32 to vector<16xi32>
        %mul3A_427 = arith.muli %mul3A_426, %add3A_94 : vector<16xi32>
        %add3A_428 = arith.constant 1 : i32
        %add3A_429 = vector.broadcast %add3A_428 : i32 to vector<16xi32>
        %add3A_430 = arith.addi %mul3A_427, %add3A_429 : vector<16xi32>
        %gather3A_431 = tpu.vector_load_idx %arg4[%broadcast_in_dim3A_417, %add3A_430] : memref<36x512xi32, #tpu.memory_space<vmem>>[vector<16xi32>, vector<16xi32>], vector<16xi32>,
        %lt3A_432 = arith.constant 768 : i32
        %lt3A_433 = vector.broadcast %lt3A_432 : i32 to vector<16xi32>
        %lt3A_434 = arith.cmpi slt, %gather3A_431, %lt3A_433 : vector<16xi32>
        tpu.vector_store_idx %arg6[%add3A_90, %gather3A_431], %broadcast_in_dim3A_79 masked %lt3A_434 {add = true} : memref<64x768xi32, #tpu.memory_space<vmem>>[vector<16xi32>, vector<16xi32>], vector<16xi32>, vector<16xi1>
        %broadcast_in_dim3A_435 = arith.constant 18 : i32
        %broadcast_in_dim3A_436 = vector.broadcast %broadcast_in_dim3A_435 : i32 to vector<16xi32>
        %mul3A_437 = arith.constant 2 : i32
        %mul3A_438 = vector.broadcast %mul3A_437 : i32 to vector<16xi32>
        %mul3A_439 = arith.muli %mul3A_438, %add3A_94 : vector<16xi32>
        %gather3A_440 = tpu.vector_load_idx %arg4[%broadcast_in_dim3A_436, %mul3A_439] : memref<36x512xi32, #tpu.memory_space<vmem>>[vector<16xi32>, vector<16xi32>], vector<16xi32>,
        %lt3A_441 = arith.constant 768 : i32
        %lt3A_442 = vector.broadcast %lt3A_441 : i32 to vector<16xi32>
        %lt3A_443 = arith.cmpi slt, %gather3A_440, %lt3A_442 : vector<16xi32>
        tpu.vector_store_idx %arg6[%add3A_90, %gather3A_440], %broadcast_in_dim3A_77 masked %lt3A_443 {add = true} : memref<64x768xi32, #tpu.memory_space<vmem>>[vector<16xi32>, vector<16xi32>], vector<16xi32>, vector<16xi1>
        %mul3A_444 = arith.constant 2 : i32
        %mul3A_445 = vector.broadcast %mul3A_444 : i32 to vector<16xi32>
        %mul3A_446 = arith.muli %mul3A_445, %add3A_94 : vector<16xi32>
        %add3A_447 = arith.constant 1 : i32
        %add3A_448 = vector.broadcast %add3A_447 : i32 to vector<16xi32>
        %add3A_449 = arith.addi %mul3A_446, %add3A_448 : vector<16xi32>
        %gather3A_450 = tpu.vector_load_idx %arg4[%broadcast_in_dim3A_436, %add3A_449] : memref<36x512xi32, #tpu.memory_space<vmem>>[vector<16xi32>, vector<16xi32>], vector<16xi32>,
        %lt3A_451 = arith.constant 768 : i32
        %lt3A_452 = vector.broadcast %lt3A_451 : i32 to vector<16xi32>
        %lt3A_453 = arith.cmpi slt, %gather3A_450, %lt3A_452 : vector<16xi32>
        tpu.vector_store_idx %arg6[%add3A_90, %gather3A_450], %broadcast_in_dim3A_79 masked %lt3A_453 {add = true} : memref<64x768xi32, #tpu.memory_space<vmem>>[vector<16xi32>, vector<16xi32>], vector<16xi32>, vector<16xi1>
        %broadcast_in_dim3A_454 = arith.constant 19 : i32
        %broadcast_in_dim3A_455 = vector.broadcast %broadcast_in_dim3A_454 : i32 to vector<16xi32>
        %mul3A_456 = arith.constant 2 : i32
        %mul3A_457 = vector.broadcast %mul3A_456 : i32 to vector<16xi32>
        %mul3A_458 = arith.muli %mul3A_457, %add3A_94 : vector<16xi32>
        %gather3A_459 = tpu.vector_load_idx %arg4[%broadcast_in_dim3A_455, %mul3A_458] : memref<36x512xi32, #tpu.memory_space<vmem>>[vector<16xi32>, vector<16xi32>], vector<16xi32>,
        %lt3A_460 = arith.constant 768 : i32
        %lt3A_461 = vector.broadcast %lt3A_460 : i32 to vector<16xi32>
        %lt3A_462 = arith.cmpi slt, %gather3A_459, %lt3A_461 : vector<16xi32>
        tpu.vector_store_idx %arg6[%add3A_90, %gather3A_459], %broadcast_in_dim3A_77 masked %lt3A_462 {add = true} : memref<64x768xi32, #tpu.memory_space<vmem>>[vector<16xi32>, vector<16xi32>], vector<16xi32>, vector<16xi1>
        %mul3A_463 = arith.constant 2 : i32
        %mul3A_464 = vector.broadcast %mul3A_463 : i32 to vector<16xi32>
        %mul3A_465 = arith.muli %mul3A_464, %add3A_94 : vector<16xi32>
        %add3A_466 = arith.constant 1 : i32
        %add3A_467 = vector.broadcast %add3A_466 : i32 to vector<16xi32>
        %add3A_468 = arith.addi %mul3A_465, %add3A_467 : vector<16xi32>
        %gather3A_469 = tpu.vector_load_idx %arg4[%broadcast_in_dim3A_455, %add3A_468] : memref<36x512xi32, #tpu.memory_space<vmem>>[vector<16xi32>, vector<16xi32>], vector<16xi32>,
        %lt3A_470 = arith.constant 768 : i32
        %lt3A_471 = vector.broadcast %lt3A_470 : i32 to vector<16xi32>
        %lt3A_472 = arith.cmpi slt, %gather3A_469, %lt3A_471 : vector<16xi32>
        tpu.vector_store_idx %arg6[%add3A_90, %gather3A_469], %broadcast_in_dim3A_79 masked %lt3A_472 {add = true} : memref<64x768xi32, #tpu.memory_space<vmem>>[vector<16xi32>, vector<16xi32>], vector<16xi32>, vector<16xi1>
        %broadcast_in_dim3A_473 = arith.constant 20 : i32
        %broadcast_in_dim3A_474 = vector.broadcast %broadcast_in_dim3A_473 : i32 to vector<16xi32>
        %mul3A_475 = arith.constant 2 : i32
        %mul3A_476 = vector.broadcast %mul3A_475 : i32 to vector<16xi32>
        %mul3A_477 = arith.muli %mul3A_476, %add3A_94 : vector<16xi32>
        %gather3A_478 = tpu.vector_load_idx %arg4[%broadcast_in_dim3A_474, %mul3A_477] : memref<36x512xi32, #tpu.memory_space<vmem>>[vector<16xi32>, vector<16xi32>], vector<16xi32>,
        %lt3A_479 = arith.constant 768 : i32
        %lt3A_480 = vector.broadcast %lt3A_479 : i32 to vector<16xi32>
        %lt3A_481 = arith.cmpi slt, %gather3A_478, %lt3A_480 : vector<16xi32>
        tpu.vector_store_idx %arg6[%add3A_90, %gather3A_478], %broadcast_in_dim3A_77 masked %lt3A_481 {add = true} : memref<64x768xi32, #tpu.memory_space<vmem>>[vector<16xi32>, vector<16xi32>], vector<16xi32>, vector<16xi1>
        %mul3A_482 = arith.constant 2 : i32
        %mul3A_483 = vector.broadcast %mul3A_482 : i32 to vector<16xi32>
        %mul3A_484 = arith.muli %mul3A_483, %add3A_94 : vector<16xi32>
        %add3A_485 = arith.constant 1 : i32
        %add3A_486 = vector.broadcast %add3A_485 : i32 to vector<16xi32>
        %add3A_487 = arith.addi %mul3A_484, %add3A_486 : vector<16xi32>
        %gather3A_488 = tpu.vector_load_idx %arg4[%broadcast_in_dim3A_474, %add3A_487] : memref<36x512xi32, #tpu.memory_space<vmem>>[vector<16xi32>, vector<16xi32>], vector<16xi32>,
        %lt3A_489 = arith.constant 768 : i32
        %lt3A_490 = vector.broadcast %lt3A_489 : i32 to vector<16xi32>
        %lt3A_491 = arith.cmpi slt, %gather3A_488, %lt3A_490 : vector<16xi32>
        tpu.vector_store_idx %arg6[%add3A_90, %gather3A_488], %broadcast_in_dim3A_79 masked %lt3A_491 {add = true} : memref<64x768xi32, #tpu.memory_space<vmem>>[vector<16xi32>, vector<16xi32>], vector<16xi32>, vector<16xi1>
        %broadcast_in_dim3A_492 = arith.constant 21 : i32
        %broadcast_in_dim3A_493 = vector.broadcast %broadcast_in_dim3A_492 : i32 to vector<16xi32>
        %mul3A_494 = arith.constant 2 : i32
        %mul3A_495 = vector.broadcast %mul3A_494 : i32 to vector<16xi32>
        %mul3A_496 = arith.muli %mul3A_495, %add3A_94 : vector<16xi32>
        %gather3A_497 = tpu.vector_load_idx %arg4[%broadcast_in_dim3A_493, %mul3A_496] : memref<36x512xi32, #tpu.memory_space<vmem>>[vector<16xi32>, vector<16xi32>], vector<16xi32>,
        %lt3A_498 = arith.constant 768 : i32
        %lt3A_499 = vector.broadcast %lt3A_498 : i32 to vector<16xi32>
        %lt3A_500 = arith.cmpi slt, %gather3A_497, %lt3A_499 : vector<16xi32>
        tpu.vector_store_idx %arg6[%add3A_90, %gather3A_497], %broadcast_in_dim3A_77 masked %lt3A_500 {add = true} : memref<64x768xi32, #tpu.memory_space<vmem>>[vector<16xi32>, vector<16xi32>], vector<16xi32>, vector<16xi1>
        %mul3A_501 = arith.constant 2 : i32
        %mul3A_502 = vector.broadcast %mul3A_501 : i32 to vector<16xi32>
        %mul3A_503 = arith.muli %mul3A_502, %add3A_94 : vector<16xi32>
        %add3A_504 = arith.constant 1 : i32
        %add3A_505 = vector.broadcast %add3A_504 : i32 to vector<16xi32>
        %add3A_506 = arith.addi %mul3A_503, %add3A_505 : vector<16xi32>
        %gather3A_507 = tpu.vector_load_idx %arg4[%broadcast_in_dim3A_493, %add3A_506] : memref<36x512xi32, #tpu.memory_space<vmem>>[vector<16xi32>, vector<16xi32>], vector<16xi32>,
        %lt3A_508 = arith.constant 768 : i32
        %lt3A_509 = vector.broadcast %lt3A_508 : i32 to vector<16xi32>
        %lt3A_510 = arith.cmpi slt, %gather3A_507, %lt3A_509 : vector<16xi32>
        tpu.vector_store_idx %arg6[%add3A_90, %gather3A_507], %broadcast_in_dim3A_79 masked %lt3A_510 {add = true} : memref<64x768xi32, #tpu.memory_space<vmem>>[vector<16xi32>, vector<16xi32>], vector<16xi32>, vector<16xi1>
        %broadcast_in_dim3A_511 = arith.constant 22 : i32
        %broadcast_in_dim3A_512 = vector.broadcast %broadcast_in_dim3A_511 : i32 to vector<16xi32>
        %mul3A_513 = arith.constant 2 : i32
        %mul3A_514 = vector.broadcast %mul3A_513 : i32 to vector<16xi32>
        %mul3A_515 = arith.muli %mul3A_514, %add3A_94 : vector<16xi32>
        %gather3A_516 = tpu.vector_load_idx %arg4[%broadcast_in_dim3A_512, %mul3A_515] : memref<36x512xi32, #tpu.memory_space<vmem>>[vector<16xi32>, vector<16xi32>], vector<16xi32>,
        %lt3A_517 = arith.constant 768 : i32
        %lt3A_518 = vector.broadcast %lt3A_517 : i32 to vector<16xi32>
        %lt3A_519 = arith.cmpi slt, %gather3A_516, %lt3A_518 : vector<16xi32>
        tpu.vector_store_idx %arg6[%add3A_90, %gather3A_516], %broadcast_in_dim3A_77 masked %lt3A_519 {add = true} : memref<64x768xi32, #tpu.memory_space<vmem>>[vector<16xi32>, vector<16xi32>], vector<16xi32>, vector<16xi1>
        %mul3A_520 = arith.constant 2 : i32
        %mul3A_521 = vector.broadcast %mul3A_520 : i32 to vector<16xi32>
        %mul3A_522 = arith.muli %mul3A_521, %add3A_94 : vector<16xi32>
        %add3A_523 = arith.constant 1 : i32
        %add3A_524 = vector.broadcast %add3A_523 : i32 to vector<16xi32>
        %add3A_525 = arith.addi %mul3A_522, %add3A_524 : vector<16xi32>
        %gather3A_526 = tpu.vector_load_idx %arg4[%broadcast_in_dim3A_512, %add3A_525] : memref<36x512xi32, #tpu.memory_space<vmem>>[vector<16xi32>, vector<16xi32>], vector<16xi32>,
        %lt3A_527 = arith.constant 768 : i32
        %lt3A_528 = vector.broadcast %lt3A_527 : i32 to vector<16xi32>
        %lt3A_529 = arith.cmpi slt, %gather3A_526, %lt3A_528 : vector<16xi32>
        tpu.vector_store_idx %arg6[%add3A_90, %gather3A_526], %broadcast_in_dim3A_79 masked %lt3A_529 {add = true} : memref<64x768xi32, #tpu.memory_space<vmem>>[vector<16xi32>, vector<16xi32>], vector<16xi32>, vector<16xi1>
        %broadcast_in_dim3A_530 = arith.constant 23 : i32
        %broadcast_in_dim3A_531 = vector.broadcast %broadcast_in_dim3A_530 : i32 to vector<16xi32>
        %mul3A_532 = arith.constant 2 : i32
        %mul3A_533 = vector.broadcast %mul3A_532 : i32 to vector<16xi32>
        %mul3A_534 = arith.muli %mul3A_533, %add3A_94 : vector<16xi32>
        %gather3A_535 = tpu.vector_load_idx %arg4[%broadcast_in_dim3A_531, %mul3A_534] : memref<36x512xi32, #tpu.memory_space<vmem>>[vector<16xi32>, vector<16xi32>], vector<16xi32>,
        %lt3A_536 = arith.constant 768 : i32
        %lt3A_537 = vector.broadcast %lt3A_536 : i32 to vector<16xi32>
        %lt3A_538 = arith.cmpi slt, %gather3A_535, %lt3A_537 : vector<16xi32>
        tpu.vector_store_idx %arg6[%add3A_90, %gather3A_535], %broadcast_in_dim3A_77 masked %lt3A_538 {add = true} : memref<64x768xi32, #tpu.memory_space<vmem>>[vector<16xi32>, vector<16xi32>], vector<16xi32>, vector<16xi1>
        %mul3A_539 = arith.constant 2 : i32
        %mul3A_540 = vector.broadcast %mul3A_539 : i32 to vector<16xi32>
        %mul3A_541 = arith.muli %mul3A_540, %add3A_94 : vector<16xi32>
        %add3A_542 = arith.constant 1 : i32
        %add3A_543 = vector.broadcast %add3A_542 : i32 to vector<16xi32>
        %add3A_544 = arith.addi %mul3A_541, %add3A_543 : vector<16xi32>
        %gather3A_545 = tpu.vector_load_idx %arg4[%broadcast_in_dim3A_531, %add3A_544] : memref<36x512xi32, #tpu.memory_space<vmem>>[vector<16xi32>, vector<16xi32>], vector<16xi32>,
        %lt3A_546 = arith.constant 768 : i32
        %lt3A_547 = vector.broadcast %lt3A_546 : i32 to vector<16xi32>
        %lt3A_548 = arith.cmpi slt, %gather3A_545, %lt3A_547 : vector<16xi32>
        tpu.vector_store_idx %arg6[%add3A_90, %gather3A_545], %broadcast_in_dim3A_79 masked %lt3A_548 {add = true} : memref<64x768xi32, #tpu.memory_space<vmem>>[vector<16xi32>, vector<16xi32>], vector<16xi32>, vector<16xi1>
        %broadcast_in_dim3A_549 = arith.constant 24 : i32
        %broadcast_in_dim3A_550 = vector.broadcast %broadcast_in_dim3A_549 : i32 to vector<16xi32>
        %mul3A_551 = arith.constant 2 : i32
        %mul3A_552 = vector.broadcast %mul3A_551 : i32 to vector<16xi32>
        %mul3A_553 = arith.muli %mul3A_552, %add3A_94 : vector<16xi32>
        %gather3A_554 = tpu.vector_load_idx %arg4[%broadcast_in_dim3A_550, %mul3A_553] : memref<36x512xi32, #tpu.memory_space<vmem>>[vector<16xi32>, vector<16xi32>], vector<16xi32>,
        %lt3A_555 = arith.constant 768 : i32
        %lt3A_556 = vector.broadcast %lt3A_555 : i32 to vector<16xi32>
        %lt3A_557 = arith.cmpi slt, %gather3A_554, %lt3A_556 : vector<16xi32>
        tpu.vector_store_idx %arg6[%add3A_90, %gather3A_554], %broadcast_in_dim3A_77 masked %lt3A_557 {add = true} : memref<64x768xi32, #tpu.memory_space<vmem>>[vector<16xi32>, vector<16xi32>], vector<16xi32>, vector<16xi1>
        %mul3A_558 = arith.constant 2 : i32
        %mul3A_559 = vector.broadcast %mul3A_558 : i32 to vector<16xi32>
        %mul3A_560 = arith.muli %mul3A_559, %add3A_94 : vector<16xi32>
        %add3A_561 = arith.constant 1 : i32
        %add3A_562 = vector.broadcast %add3A_561 : i32 to vector<16xi32>
        %add3A_563 = arith.addi %mul3A_560, %add3A_562 : vector<16xi32>
        %gather3A_564 = tpu.vector_load_idx %arg4[%broadcast_in_dim3A_550, %add3A_563] : memref<36x512xi32, #tpu.memory_space<vmem>>[vector<16xi32>, vector<16xi32>], vector<16xi32>,
        %lt3A_565 = arith.constant 768 : i32
        %lt3A_566 = vector.broadcast %lt3A_565 : i32 to vector<16xi32>
        %lt3A_567 = arith.cmpi slt, %gather3A_564, %lt3A_566 : vector<16xi32>
        tpu.vector_store_idx %arg6[%add3A_90, %gather3A_564], %broadcast_in_dim3A_79 masked %lt3A_567 {add = true} : memref<64x768xi32, #tpu.memory_space<vmem>>[vector<16xi32>, vector<16xi32>], vector<16xi32>, vector<16xi1>
        %broadcast_in_dim3A_568 = arith.constant 25 : i32
        %broadcast_in_dim3A_569 = vector.broadcast %broadcast_in_dim3A_568 : i32 to vector<16xi32>
        %mul3A_570 = arith.constant 2 : i32
        %mul3A_571 = vector.broadcast %mul3A_570 : i32 to vector<16xi32>
        %mul3A_572 = arith.muli %mul3A_571, %add3A_94 : vector<16xi32>
        %gather3A_573 = tpu.vector_load_idx %arg4[%broadcast_in_dim3A_569, %mul3A_572] : memref<36x512xi32, #tpu.memory_space<vmem>>[vector<16xi32>, vector<16xi32>], vector<16xi32>,
        %lt3A_574 = arith.constant 768 : i32
        %lt3A_575 = vector.broadcast %lt3A_574 : i32 to vector<16xi32>
        %lt3A_576 = arith.cmpi slt, %gather3A_573, %lt3A_575 : vector<16xi32>
        tpu.vector_store_idx %arg6[%add3A_90, %gather3A_573], %broadcast_in_dim3A_77 masked %lt3A_576 {add = true} : memref<64x768xi32, #tpu.memory_space<vmem>>[vector<16xi32>, vector<16xi32>], vector<16xi32>, vector<16xi1>
        %mul3A_577 = arith.constant 2 : i32
        %mul3A_578 = vector.broadcast %mul3A_577 : i32 to vector<16xi32>
        %mul3A_579 = arith.muli %mul3A_578, %add3A_94 : vector<16xi32>
        %add3A_580 = arith.constant 1 : i32
        %add3A_581 = vector.broadcast %add3A_580 : i32 to vector<16xi32>
        %add3A_582 = arith.addi %mul3A_579, %add3A_581 : vector<16xi32>
        %gather3A_583 = tpu.vector_load_idx %arg4[%broadcast_in_dim3A_569, %add3A_582] : memref<36x512xi32, #tpu.memory_space<vmem>>[vector<16xi32>, vector<16xi32>], vector<16xi32>,
        %lt3A_584 = arith.constant 768 : i32
        %lt3A_585 = vector.broadcast %lt3A_584 : i32 to vector<16xi32>
        %lt3A_586 = arith.cmpi slt, %gather3A_583, %lt3A_585 : vector<16xi32>
        tpu.vector_store_idx %arg6[%add3A_90, %gather3A_583], %broadcast_in_dim3A_79 masked %lt3A_586 {add = true} : memref<64x768xi32, #tpu.memory_space<vmem>>[vector<16xi32>, vector<16xi32>], vector<16xi32>, vector<16xi1>
        %broadcast_in_dim3A_587 = arith.constant 26 : i32
        %broadcast_in_dim3A_588 = vector.broadcast %broadcast_in_dim3A_587 : i32 to vector<16xi32>
        %mul3A_589 = arith.constant 2 : i32
        %mul3A_590 = vector.broadcast %mul3A_589 : i32 to vector<16xi32>
        %mul3A_591 = arith.muli %mul3A_590, %add3A_94 : vector<16xi32>
        %gather3A_592 = tpu.vector_load_idx %arg4[%broadcast_in_dim3A_588, %mul3A_591] : memref<36x512xi32, #tpu.memory_space<vmem>>[vector<16xi32>, vector<16xi32>], vector<16xi32>,
        %lt3A_593 = arith.constant 768 : i32
        %lt3A_594 = vector.broadcast %lt3A_593 : i32 to vector<16xi32>
        %lt3A_595 = arith.cmpi slt, %gather3A_592, %lt3A_594 : vector<16xi32>
        tpu.vector_store_idx %arg6[%add3A_90, %gather3A_592], %broadcast_in_dim3A_77 masked %lt3A_595 {add = true} : memref<64x768xi32, #tpu.memory_space<vmem>>[vector<16xi32>, vector<16xi32>], vector<16xi32>, vector<16xi1>
        %mul3A_596 = arith.constant 2 : i32
        %mul3A_597 = vector.broadcast %mul3A_596 : i32 to vector<16xi32>
        %mul3A_598 = arith.muli %mul3A_597, %add3A_94 : vector<16xi32>
        %add3A_599 = arith.constant 1 : i32
        %add3A_600 = vector.broadcast %add3A_599 : i32 to vector<16xi32>
        %add3A_601 = arith.addi %mul3A_598, %add3A_600 : vector<16xi32>
        %gather3A_602 = tpu.vector_load_idx %arg4[%broadcast_in_dim3A_588, %add3A_601] : memref<36x512xi32, #tpu.memory_space<vmem>>[vector<16xi32>, vector<16xi32>], vector<16xi32>,
        %lt3A_603 = arith.constant 768 : i32
        %lt3A_604 = vector.broadcast %lt3A_603 : i32 to vector<16xi32>
        %lt3A_605 = arith.cmpi slt, %gather3A_602, %lt3A_604 : vector<16xi32>
        tpu.vector_store_idx %arg6[%add3A_90, %gather3A_602], %broadcast_in_dim3A_79 masked %lt3A_605 {add = true} : memref<64x768xi32, #tpu.memory_space<vmem>>[vector<16xi32>, vector<16xi32>], vector<16xi32>, vector<16xi1>
        %broadcast_in_dim3A_606 = arith.constant 27 : i32
        %broadcast_in_dim3A_607 = vector.broadcast %broadcast_in_dim3A_606 : i32 to vector<16xi32>
        %mul3A_608 = arith.constant 2 : i32
        %mul3A_609 = vector.broadcast %mul3A_608 : i32 to vector<16xi32>
        %mul3A_610 = arith.muli %mul3A_609, %add3A_94 : vector<16xi32>
        %gather3A_611 = tpu.vector_load_idx %arg4[%broadcast_in_dim3A_607, %mul3A_610] : memref<36x512xi32, #tpu.memory_space<vmem>>[vector<16xi32>, vector<16xi32>], vector<16xi32>,
        %lt3A_612 = arith.constant 768 : i32
        %lt3A_613 = vector.broadcast %lt3A_612 : i32 to vector<16xi32>
        %lt3A_614 = arith.cmpi slt, %gather3A_611, %lt3A_613 : vector<16xi32>
        tpu.vector_store_idx %arg6[%add3A_90, %gather3A_611], %broadcast_in_dim3A_77 masked %lt3A_614 {add = true} : memref<64x768xi32, #tpu.memory_space<vmem>>[vector<16xi32>, vector<16xi32>], vector<16xi32>, vector<16xi1>
        %mul3A_615 = arith.constant 2 : i32
        %mul3A_616 = vector.broadcast %mul3A_615 : i32 to vector<16xi32>
        %mul3A_617 = arith.muli %mul3A_616, %add3A_94 : vector<16xi32>
        %add3A_618 = arith.constant 1 : i32
        %add3A_619 = vector.broadcast %add3A_618 : i32 to vector<16xi32>
        %add3A_620 = arith.addi %mul3A_617, %add3A_619 : vector<16xi32>
        %gather3A_621 = tpu.vector_load_idx %arg4[%broadcast_in_dim3A_607, %add3A_620] : memref<36x512xi32, #tpu.memory_space<vmem>>[vector<16xi32>, vector<16xi32>], vector<16xi32>,
        %lt3A_622 = arith.constant 768 : i32
        %lt3A_623 = vector.broadcast %lt3A_622 : i32 to vector<16xi32>
        %lt3A_624 = arith.cmpi slt, %gather3A_621, %lt3A_623 : vector<16xi32>
        tpu.vector_store_idx %arg6[%add3A_90, %gather3A_621], %broadcast_in_dim3A_79 masked %lt3A_624 {add = true} : memref<64x768xi32, #tpu.memory_space<vmem>>[vector<16xi32>, vector<16xi32>], vector<16xi32>, vector<16xi1>
        %broadcast_in_dim3A_625 = arith.constant 28 : i32
        %broadcast_in_dim3A_626 = vector.broadcast %broadcast_in_dim3A_625 : i32 to vector<16xi32>
        %mul3A_627 = arith.constant 2 : i32
        %mul3A_628 = vector.broadcast %mul3A_627 : i32 to vector<16xi32>
        %mul3A_629 = arith.muli %mul3A_628, %add3A_94 : vector<16xi32>
        %gather3A_630 = tpu.vector_load_idx %arg4[%broadcast_in_dim3A_626, %mul3A_629] : memref<36x512xi32, #tpu.memory_space<vmem>>[vector<16xi32>, vector<16xi32>], vector<16xi32>,
        %lt3A_631 = arith.constant 768 : i32
        %lt3A_632 = vector.broadcast %lt3A_631 : i32 to vector<16xi32>
        %lt3A_633 = arith.cmpi slt, %gather3A_630, %lt3A_632 : vector<16xi32>
        tpu.vector_store_idx %arg6[%add3A_90, %gather3A_630], %broadcast_in_dim3A_77 masked %lt3A_633 {add = true} : memref<64x768xi32, #tpu.memory_space<vmem>>[vector<16xi32>, vector<16xi32>], vector<16xi32>, vector<16xi1>
        %mul3A_634 = arith.constant 2 : i32
        %mul3A_635 = vector.broadcast %mul3A_634 : i32 to vector<16xi32>
        %mul3A_636 = arith.muli %mul3A_635, %add3A_94 : vector<16xi32>
        %add3A_637 = arith.constant 1 : i32
        %add3A_638 = vector.broadcast %add3A_637 : i32 to vector<16xi32>
        %add3A_639 = arith.addi %mul3A_636, %add3A_638 : vector<16xi32>
        %gather3A_640 = tpu.vector_load_idx %arg4[%broadcast_in_dim3A_626, %add3A_639] : memref<36x512xi32, #tpu.memory_space<vmem>>[vector<16xi32>, vector<16xi32>], vector<16xi32>,
        %lt3A_641 = arith.constant 768 : i32
        %lt3A_642 = vector.broadcast %lt3A_641 : i32 to vector<16xi32>
        %lt3A_643 = arith.cmpi slt, %gather3A_640, %lt3A_642 : vector<16xi32>
        tpu.vector_store_idx %arg6[%add3A_90, %gather3A_640], %broadcast_in_dim3A_79 masked %lt3A_643 {add = true} : memref<64x768xi32, #tpu.memory_space<vmem>>[vector<16xi32>, vector<16xi32>], vector<16xi32>, vector<16xi1>
        %broadcast_in_dim3A_644 = arith.constant 29 : i32
        %broadcast_in_dim3A_645 = vector.broadcast %broadcast_in_dim3A_644 : i32 to vector<16xi32>
        %mul3A_646 = arith.constant 2 : i32
        %mul3A_647 = vector.broadcast %mul3A_646 : i32 to vector<16xi32>
        %mul3A_648 = arith.muli %mul3A_647, %add3A_94 : vector<16xi32>
        %gather3A_649 = tpu.vector_load_idx %arg4[%broadcast_in_dim3A_645, %mul3A_648] : memref<36x512xi32, #tpu.memory_space<vmem>>[vector<16xi32>, vector<16xi32>], vector<16xi32>,
        %lt3A_650 = arith.constant 768 : i32
        %lt3A_651 = vector.broadcast %lt3A_650 : i32 to vector<16xi32>
        %lt3A_652 = arith.cmpi slt, %gather3A_649, %lt3A_651 : vector<16xi32>
        tpu.vector_store_idx %arg6[%add3A_90, %gather3A_649], %broadcast_in_dim3A_77 masked %lt3A_652 {add = true} : memref<64x768xi32, #tpu.memory_space<vmem>>[vector<16xi32>, vector<16xi32>], vector<16xi32>, vector<16xi1>
        %mul3A_653 = arith.constant 2 : i32
        %mul3A_654 = vector.broadcast %mul3A_653 : i32 to vector<16xi32>
        %mul3A_655 = arith.muli %mul3A_654, %add3A_94 : vector<16xi32>
        %add3A_656 = arith.constant 1 : i32
        %add3A_657 = vector.broadcast %add3A_656 : i32 to vector<16xi32>
        %add3A_658 = arith.addi %mul3A_655, %add3A_657 : vector<16xi32>
        %gather3A_659 = tpu.vector_load_idx %arg4[%broadcast_in_dim3A_645, %add3A_658] : memref<36x512xi32, #tpu.memory_space<vmem>>[vector<16xi32>, vector<16xi32>], vector<16xi32>,
        %lt3A_660 = arith.constant 768 : i32
        %lt3A_661 = vector.broadcast %lt3A_660 : i32 to vector<16xi32>
        %lt3A_662 = arith.cmpi slt, %gather3A_659, %lt3A_661 : vector<16xi32>
        tpu.vector_store_idx %arg6[%add3A_90, %gather3A_659], %broadcast_in_dim3A_79 masked %lt3A_662 {add = true} : memref<64x768xi32, #tpu.memory_space<vmem>>[vector<16xi32>, vector<16xi32>], vector<16xi32>, vector<16xi1>
        %broadcast_in_dim3A_663 = arith.constant 30 : i32
        %broadcast_in_dim3A_664 = vector.broadcast %broadcast_in_dim3A_663 : i32 to vector<16xi32>
        %mul3A_665 = arith.constant 2 : i32
        %mul3A_666 = vector.broadcast %mul3A_665 : i32 to vector<16xi32>
        %mul3A_667 = arith.muli %mul3A_666, %add3A_94 : vector<16xi32>
        %gather3A_668 = tpu.vector_load_idx %arg4[%broadcast_in_dim3A_664, %mul3A_667] : memref<36x512xi32, #tpu.memory_space<vmem>>[vector<16xi32>, vector<16xi32>], vector<16xi32>,
        %lt3A_669 = arith.constant 768 : i32
        %lt3A_670 = vector.broadcast %lt3A_669 : i32 to vector<16xi32>
        %lt3A_671 = arith.cmpi slt, %gather3A_668, %lt3A_670 : vector<16xi32>
        tpu.vector_store_idx %arg6[%add3A_90, %gather3A_668], %broadcast_in_dim3A_77 masked %lt3A_671 {add = true} : memref<64x768xi32, #tpu.memory_space<vmem>>[vector<16xi32>, vector<16xi32>], vector<16xi32>, vector<16xi1>
        %mul3A_672 = arith.constant 2 : i32
        %mul3A_673 = vector.broadcast %mul3A_672 : i32 to vector<16xi32>
        %mul3A_674 = arith.muli %mul3A_673, %add3A_94 : vector<16xi32>
        %add3A_675 = arith.constant 1 : i32
        %add3A_676 = vector.broadcast %add3A_675 : i32 to vector<16xi32>
        %add3A_677 = arith.addi %mul3A_674, %add3A_676 : vector<16xi32>
        %gather3A_678 = tpu.vector_load_idx %arg4[%broadcast_in_dim3A_664, %add3A_677] : memref<36x512xi32, #tpu.memory_space<vmem>>[vector<16xi32>, vector<16xi32>], vector<16xi32>,
        %lt3A_679 = arith.constant 768 : i32
        %lt3A_680 = vector.broadcast %lt3A_679 : i32 to vector<16xi32>
        %lt3A_681 = arith.cmpi slt, %gather3A_678, %lt3A_680 : vector<16xi32>
        tpu.vector_store_idx %arg6[%add3A_90, %gather3A_678], %broadcast_in_dim3A_79 masked %lt3A_681 {add = true} : memref<64x768xi32, #tpu.memory_space<vmem>>[vector<16xi32>, vector<16xi32>], vector<16xi32>, vector<16xi1>
        %broadcast_in_dim3A_682 = arith.constant 31 : i32
        %broadcast_in_dim3A_683 = vector.broadcast %broadcast_in_dim3A_682 : i32 to vector<16xi32>
        %mul3A_684 = arith.constant 2 : i32
        %mul3A_685 = vector.broadcast %mul3A_684 : i32 to vector<16xi32>
        %mul3A_686 = arith.muli %mul3A_685, %add3A_94 : vector<16xi32>
        %gather3A_687 = tpu.vector_load_idx %arg4[%broadcast_in_dim3A_683, %mul3A_686] : memref<36x512xi32, #tpu.memory_space<vmem>>[vector<16xi32>, vector<16xi32>], vector<16xi32>,
        %lt3A_688 = arith.constant 768 : i32
        %lt3A_689 = vector.broadcast %lt3A_688 : i32 to vector<16xi32>
        %lt3A_690 = arith.cmpi slt, %gather3A_687, %lt3A_689 : vector<16xi32>
        tpu.vector_store_idx %arg6[%add3A_90, %gather3A_687], %broadcast_in_dim3A_77 masked %lt3A_690 {add = true} : memref<64x768xi32, #tpu.memory_space<vmem>>[vector<16xi32>, vector<16xi32>], vector<16xi32>, vector<16xi1>
        %mul3A_691 = arith.constant 2 : i32
        %mul3A_692 = vector.broadcast %mul3A_691 : i32 to vector<16xi32>
        %mul3A_693 = arith.muli %mul3A_692, %add3A_94 : vector<16xi32>
        %add3A_694 = arith.constant 1 : i32
        %add3A_695 = vector.broadcast %add3A_694 : i32 to vector<16xi32>
        %add3A_696 = arith.addi %mul3A_693, %add3A_695 : vector<16xi32>
        %gather3A_697 = tpu.vector_load_idx %arg4[%broadcast_in_dim3A_683, %add3A_696] : memref<36x512xi32, #tpu.memory_space<vmem>>[vector<16xi32>, vector<16xi32>], vector<16xi32>,
        %lt3A_698 = arith.constant 768 : i32
        %lt3A_699 = vector.broadcast %lt3A_698 : i32 to vector<16xi32>
        %lt3A_700 = arith.cmpi slt, %gather3A_697, %lt3A_699 : vector<16xi32>
        tpu.vector_store_idx %arg6[%add3A_90, %gather3A_697], %broadcast_in_dim3A_79 masked %lt3A_700 {add = true} : memref<64x768xi32, #tpu.memory_space<vmem>>[vector<16xi32>, vector<16xi32>], vector<16xi32>, vector<16xi1>
        %broadcast_in_dim3A_701 = arith.constant 32 : i32
        %broadcast_in_dim3A_702 = vector.broadcast %broadcast_in_dim3A_701 : i32 to vector<16xi32>
        %mul3A_703 = arith.constant 2 : i32
        %mul3A_704 = vector.broadcast %mul3A_703 : i32 to vector<16xi32>
        %mul3A_705 = arith.muli %mul3A_704, %add3A_94 : vector<16xi32>
        %gather3A_706 = tpu.vector_load_idx %arg4[%broadcast_in_dim3A_702, %mul3A_705] : memref<36x512xi32, #tpu.memory_space<vmem>>[vector<16xi32>, vector<16xi32>], vector<16xi32>,
        %lt3A_707 = arith.constant 768 : i32
        %lt3A_708 = vector.broadcast %lt3A_707 : i32 to vector<16xi32>
        %lt3A_709 = arith.cmpi slt, %gather3A_706, %lt3A_708 : vector<16xi32>
        tpu.vector_store_idx %arg6[%add3A_90, %gather3A_706], %broadcast_in_dim3A_77 masked %lt3A_709 {add = true} : memref<64x768xi32, #tpu.memory_space<vmem>>[vector<16xi32>, vector<16xi32>], vector<16xi32>, vector<16xi1>
        %mul3A_710 = arith.constant 2 : i32
        %mul3A_711 = vector.broadcast %mul3A_710 : i32 to vector<16xi32>
        %mul3A_712 = arith.muli %mul3A_711, %add3A_94 : vector<16xi32>
        %add3A_713 = arith.constant 1 : i32
        %add3A_714 = vector.broadcast %add3A_713 : i32 to vector<16xi32>
        %add3A_715 = arith.addi %mul3A_712, %add3A_714 : vector<16xi32>
        %gather3A_716 = tpu.vector_load_idx %arg4[%broadcast_in_dim3A_702, %add3A_715] : memref<36x512xi32, #tpu.memory_space<vmem>>[vector<16xi32>, vector<16xi32>], vector<16xi32>,
        %lt3A_717 = arith.constant 768 : i32
        %lt3A_718 = vector.broadcast %lt3A_717 : i32 to vector<16xi32>
        %lt3A_719 = arith.cmpi slt, %gather3A_716, %lt3A_718 : vector<16xi32>
        tpu.vector_store_idx %arg6[%add3A_90, %gather3A_716], %broadcast_in_dim3A_79 masked %lt3A_719 {add = true} : memref<64x768xi32, #tpu.memory_space<vmem>>[vector<16xi32>, vector<16xi32>], vector<16xi32>, vector<16xi1>
        %broadcast_in_dim3A_720 = arith.constant 33 : i32
        %broadcast_in_dim3A_721 = vector.broadcast %broadcast_in_dim3A_720 : i32 to vector<16xi32>
        %mul3A_722 = arith.constant 2 : i32
        %mul3A_723 = vector.broadcast %mul3A_722 : i32 to vector<16xi32>
        %mul3A_724 = arith.muli %mul3A_723, %add3A_94 : vector<16xi32>
        %gather3A_725 = tpu.vector_load_idx %arg4[%broadcast_in_dim3A_721, %mul3A_724] : memref<36x512xi32, #tpu.memory_space<vmem>>[vector<16xi32>, vector<16xi32>], vector<16xi32>,
        %lt3A_726 = arith.constant 768 : i32
        %lt3A_727 = vector.broadcast %lt3A_726 : i32 to vector<16xi32>
        %lt3A_728 = arith.cmpi slt, %gather3A_725, %lt3A_727 : vector<16xi32>
        tpu.vector_store_idx %arg6[%add3A_90, %gather3A_725], %broadcast_in_dim3A_77 masked %lt3A_728 {add = true} : memref<64x768xi32, #tpu.memory_space<vmem>>[vector<16xi32>, vector<16xi32>], vector<16xi32>, vector<16xi1>
        %mul3A_729 = arith.constant 2 : i32
        %mul3A_730 = vector.broadcast %mul3A_729 : i32 to vector<16xi32>
        %mul3A_731 = arith.muli %mul3A_730, %add3A_94 : vector<16xi32>
        %add3A_732 = arith.constant 1 : i32
        %add3A_733 = vector.broadcast %add3A_732 : i32 to vector<16xi32>
        %add3A_734 = arith.addi %mul3A_731, %add3A_733 : vector<16xi32>
        %gather3A_735 = tpu.vector_load_idx %arg4[%broadcast_in_dim3A_721, %add3A_734] : memref<36x512xi32, #tpu.memory_space<vmem>>[vector<16xi32>, vector<16xi32>], vector<16xi32>,
        %lt3A_736 = arith.constant 768 : i32
        %lt3A_737 = vector.broadcast %lt3A_736 : i32 to vector<16xi32>
        %lt3A_738 = arith.cmpi slt, %gather3A_735, %lt3A_737 : vector<16xi32>
        tpu.vector_store_idx %arg6[%add3A_90, %gather3A_735], %broadcast_in_dim3A_79 masked %lt3A_738 {add = true} : memref<64x768xi32, #tpu.memory_space<vmem>>[vector<16xi32>, vector<16xi32>], vector<16xi32>, vector<16xi1>
        %broadcast_in_dim3A_739 = arith.constant 34 : i32
        %broadcast_in_dim3A_740 = vector.broadcast %broadcast_in_dim3A_739 : i32 to vector<16xi32>
        %mul3A_741 = arith.constant 2 : i32
        %mul3A_742 = vector.broadcast %mul3A_741 : i32 to vector<16xi32>
        %mul3A_743 = arith.muli %mul3A_742, %add3A_94 : vector<16xi32>
        %gather3A_744 = tpu.vector_load_idx %arg4[%broadcast_in_dim3A_740, %mul3A_743] : memref<36x512xi32, #tpu.memory_space<vmem>>[vector<16xi32>, vector<16xi32>], vector<16xi32>,
        %lt3A_745 = arith.constant 768 : i32
        %lt3A_746 = vector.broadcast %lt3A_745 : i32 to vector<16xi32>
        %lt3A_747 = arith.cmpi slt, %gather3A_744, %lt3A_746 : vector<16xi32>
        tpu.vector_store_idx %arg6[%add3A_90, %gather3A_744], %broadcast_in_dim3A_77 masked %lt3A_747 {add = true} : memref<64x768xi32, #tpu.memory_space<vmem>>[vector<16xi32>, vector<16xi32>], vector<16xi32>, vector<16xi1>
        %mul3A_748 = arith.constant 2 : i32
        %mul3A_749 = vector.broadcast %mul3A_748 : i32 to vector<16xi32>
        %mul3A_750 = arith.muli %mul3A_749, %add3A_94 : vector<16xi32>
        %add3A_751 = arith.constant 1 : i32
        %add3A_752 = vector.broadcast %add3A_751 : i32 to vector<16xi32>
        %add3A_753 = arith.addi %mul3A_750, %add3A_752 : vector<16xi32>
        %gather3A_754 = tpu.vector_load_idx %arg4[%broadcast_in_dim3A_740, %add3A_753] : memref<36x512xi32, #tpu.memory_space<vmem>>[vector<16xi32>, vector<16xi32>], vector<16xi32>,
        %lt3A_755 = arith.constant 768 : i32
        %lt3A_756 = vector.broadcast %lt3A_755 : i32 to vector<16xi32>
        %lt3A_757 = arith.cmpi slt, %gather3A_754, %lt3A_756 : vector<16xi32>
        tpu.vector_store_idx %arg6[%add3A_90, %gather3A_754], %broadcast_in_dim3A_79 masked %lt3A_757 {add = true} : memref<64x768xi32, #tpu.memory_space<vmem>>[vector<16xi32>, vector<16xi32>], vector<16xi32>, vector<16xi1>
        %broadcast_in_dim3A_758 = arith.constant 35 : i32
        %broadcast_in_dim3A_759 = vector.broadcast %broadcast_in_dim3A_758 : i32 to vector<16xi32>
        %mul3A_760 = arith.constant 2 : i32
        %mul3A_761 = vector.broadcast %mul3A_760 : i32 to vector<16xi32>
        %mul3A_762 = arith.muli %mul3A_761, %add3A_94 : vector<16xi32>
        %gather3A_763 = tpu.vector_load_idx %arg4[%broadcast_in_dim3A_759, %mul3A_762] : memref<36x512xi32, #tpu.memory_space<vmem>>[vector<16xi32>, vector<16xi32>], vector<16xi32>,
        %lt3A_764 = arith.constant 768 : i32
        %lt3A_765 = vector.broadcast %lt3A_764 : i32 to vector<16xi32>
        %lt3A_766 = arith.cmpi slt, %gather3A_763, %lt3A_765 : vector<16xi32>
        tpu.vector_store_idx %arg6[%add3A_90, %gather3A_763], %broadcast_in_dim3A_77 masked %lt3A_766 {add = true} : memref<64x768xi32, #tpu.memory_space<vmem>>[vector<16xi32>, vector<16xi32>], vector<16xi32>, vector<16xi1>
        %mul3A_767 = arith.constant 2 : i32
        %mul3A_768 = vector.broadcast %mul3A_767 : i32 to vector<16xi32>
        %mul3A_769 = arith.muli %mul3A_768, %add3A_94 : vector<16xi32>
        %add3A_770 = arith.constant 1 : i32
        %add3A_771 = vector.broadcast %add3A_770 : i32 to vector<16xi32>
        %add3A_772 = arith.addi %mul3A_769, %add3A_771 : vector<16xi32>
        %gather3A_773 = tpu.vector_load_idx %arg4[%broadcast_in_dim3A_759, %add3A_772] : memref<36x512xi32, #tpu.memory_space<vmem>>[vector<16xi32>, vector<16xi32>], vector<16xi32>,
        %lt3A_774 = arith.constant 768 : i32
        %lt3A_775 = vector.broadcast %lt3A_774 : i32 to vector<16xi32>
        %lt3A_776 = arith.cmpi slt, %gather3A_773, %lt3A_775 : vector<16xi32>
        tpu.vector_store_idx %arg6[%add3A_90, %gather3A_773], %broadcast_in_dim3A_79 masked %lt3A_776 {add = true} : memref<64x768xi32, #tpu.memory_space<vmem>>[vector<16xi32>, vector<16xi32>], vector<16xi32>, vector<16xi1>
      }
      %scan3A_85 = arith.constant 4 : i32
    }
    %scan3A_14 = arith.constant 2 : i32
    return
  }
}

module attributes {stable_mosaic.version = 14 : i64} {
  func.func @body(%arg0: i32, %arg1: memref<6144x12xf32, #tpu.memory_space<vmem>>, %arg2: memref<96x768xbf16, #tpu.memory_space<vmem>>) attributes {dimension_semantics = [#tpu.dimension_semantics<arbitrary>], iteration_bounds = array<i64: 8>, scalar_prefetch = 0 : i64, scratch_operands = 0 : i64, tpu.core_type = #tpu.core_type<tc>, window_params = [{transform_indices = @transform_0, window_bounds = array<i64: 6144, 12>}, {transform_indices = @transform_1, window_bounds = array<i64: 96, 768>}]} {
    %get3A = arith.constant 0 : index
    %get3A_0 = arith.constant 0 : index
    %get3A_1 = vector.load %arg1[%get3A, %get3A_0] : memref<6144x12xf32, #tpu.memory_space<vmem>>, vector<6144x12xf32>
    %reshape3A = vector.shape_cast %get3A_1 : vector<6144x12xf32> to vector<96x64x12xf32>
    %transpose3A = tpu.transpose %reshape3A, [0, 2, 1] : vector<96x64x12xf32> -> vector<96x12x64xf32>
    %reshape3A_2 = vector.shape_cast %transpose3A : vector<96x12x64xf32> to vector<96x768xf32>
    %convert_element_type3A = arith.truncf %reshape3A_2 : vector<96x768xf32> to vector<96x768xbf16>
    %swap3A = arith.constant 0 : index
    %swap3A_3 = arith.constant 0 : index
    %swap3A_4 = vector.load %arg2[%swap3A, %swap3A_3] : memref<96x768xbf16, #tpu.memory_space<vmem>>, vector<96x768xbf16>
    tpu.vector_store %arg2[%swap3A, %swap3A_3], %convert_element_type3A {strides = array<i32>} : memref<96x768xbf16, #tpu.memory_space<vmem>>, vector<96x768xbf16>,
    return
  }
  func.func @transform_0(%arg0: i32) -> (i32, i32) {
    %c0_i32 = arith.constant 0 : i32
    %c0_i32_0 = arith.constant 0 : i32
    return %arg0, %c0_i32 : i32, i32
  }
  func.func @transform_1(%arg0: i32) -> (i32, i32) {
    %c0_i32 = arith.constant 0 : i32
    %c0_i32_0 = arith.constant 0 : i32
    return %arg0, %c0_i32 : i32, i32
  }
}

module attributes {stable_mosaic.version = 14 : i64} {
  func.func @body(%arg0: i32, %arg1: memref<512x768xi32, #tpu.memory_space<vmem>>, %arg2: memref<768x768xbf16, #tpu.memory_space<vmem>>, %arg3: memref<512x1xi32, #tpu.memory_space<vmem>>, %arg4: memref<512x1xi32, #tpu.memory_space<vmem>>, %arg5: memref<1x128xf32, #tpu.memory_space<vmem>>, %arg6: memref<512x1xf32, #tpu.memory_space<vmem>>, %arg7: memref<512x1xf32, #tpu.memory_space<vmem>>) attributes {dimension_semantics = [#tpu.dimension_semantics<arbitrary>], iteration_bounds = array<i64: 16>, scalar_prefetch = 0 : i64, scratch_operands = 0 : i64, tpu.core_type = #tpu.core_type<tc>, window_params = [{transform_indices = @transform_0, window_bounds = array<i64: 512, 768>}, {pipeline_mode = #tpu.pipeline_mode<synchronous>, transform_indices = @transform_1, window_bounds = array<i64: 768, 768>}, {transform_indices = @transform_2, window_bounds = array<i64: 512, 1>}, {transform_indices = @transform_3, window_bounds = array<i64: 512, 1>}, {pipeline_mode = #tpu.pipeline_mode<synchronous>, transform_indices = @transform_4, window_bounds = array<i64: 1, 128>}, {transform_indices = @transform_5, window_bounds = array<i64: 512, 1>}, {transform_indices = @transform_6, window_bounds = array<i64: 512, 1>}]} {
    %get3A = arith.constant 0 : index
    %get3A_0 = arith.constant 0 : index
    %get3A_1 = vector.load %arg1[%get3A, %get3A_0] : memref<512x768xi32, #tpu.memory_space<vmem>>, vector<512x768xi32>
    %and3A = arith.constant 65535 : i32
    %and3A_2 = vector.broadcast %and3A : i32 to vector<512x768xi32>
    %and3A_3 = arith.andi %get3A_1, %and3A_2 : vector<512x768xi32>
    %convert_element_type3A = arith.sitofp %and3A_3 : vector<512x768xi32> to vector<512x768xf32>
    %shift_right_arithmetic3A = arith.constant 16 : i32
    %shift_right_arithmetic3A_4 = vector.broadcast %shift_right_arithmetic3A : i32 to vector<512x768xi32>
    %shift_right_arithmetic3A_5 = arith.shrsi %get3A_1, %shift_right_arithmetic3A_4 : vector<512x768xi32>
    %convert_element_type3A_6 = arith.sitofp %shift_right_arithmetic3A_5 : vector<512x768xi32> to vector<512x768xf32>
    %get3A_7 = arith.constant 0 : index
    %get3A_8 = arith.constant 0 : index
    %get3A_9 = vector.load %arg2[%get3A_7, %get3A_8] : memref<768x768xbf16, #tpu.memory_space<vmem>>, vector<768x768xbf16>
    %convert_element_type3A_10 = arith.truncf %convert_element_type3A : vector<512x768xf32> to vector<512x768xbf16>
    %dot_general3A = arith.constant dense<0.000000e+00> : vector<512x768xf32>
    %dot_general3A_11 = tpu.matmul %convert_element_type3A_10, %get3A_9, %dot_general3A {dimension_numbers = #tpu.dot_dimension_numbers<[1], [0], [0], [1], [0, 0, 1, 1], [], []>, transpose_lhs_hint = false} : vector<512x768xbf16>, vector<768x768xbf16>, vector<512x768xf32> -> vector<512x768xf32>
    %convert_element_type3A_12 = arith.truncf %convert_element_type3A_6 : vector<512x768xf32> to vector<512x768xbf16>
    %dot_general3A_13 = arith.constant dense<0.000000e+00> : vector<512x768xf32>
    %dot_general3A_14 = tpu.matmul %convert_element_type3A_12, %get3A_9, %dot_general3A_13 {dimension_numbers = #tpu.dot_dimension_numbers<[1], [0], [0], [1], [0, 0, 1, 1], [], []>, transpose_lhs_hint = false} : vector<512x768xbf16>, vector<768x768xbf16>, vector<512x768xf32> -> vector<512x768xf32>
    %get3A_15 = arith.constant 0 : index
    %get3A_16 = arith.constant 0 : index
    %get3A_17 = vector.load %arg3[%get3A_15, %get3A_16] : memref<512x1xi32, #tpu.memory_space<vmem>>, vector<512x1xi32>
    %mul3A = arith.mulf %convert_element_type3A, %dot_general3A_11 : vector<512x768xf32>
    %reduce_sum3A = arith.constant dense<0.000000e+00> : vector<512xf32>
    %reduce_sum3A_18 = vector.multi_reduction <add>, %mul3A, %reduce_sum3A [1] : vector<512x768xf32> to vector<512xf32>
    %broadcast_in_dim3A = vector.shape_cast %reduce_sum3A_18 : vector<512xf32> to vector<512x1xf32>
    %reduce_sum3A_19 = arith.constant dense<0.000000e+00> : vector<512xf32>
    %reduce_sum3A_20 = vector.multi_reduction <add>, %convert_element_type3A, %reduce_sum3A_19 [1] : vector<512x768xf32> to vector<512xf32>
    %broadcast_in_dim3A_21 = vector.shape_cast %reduce_sum3A_20 : vector<512xf32> to vector<512x1xf32>
    %slice3A = vector.extract_strided_slice %convert_element_type3A {offsets = [0, 3], sizes = [512, 1], strides = [1, 1]} : vector<512x768xf32> to vector<512x1xf32>
    %slice3A_22 = vector.extract_strided_slice %convert_element_type3A {offsets = [0, 443], sizes = [512, 1], strides = [1, 1]} : vector<512x768xf32> to vector<512x1xf32>
    %slice3A_23 = vector.extract_strided_slice %dot_general3A_11 {offsets = [0, 3], sizes = [512, 1], strides = [1, 1]} : vector<512x768xf32> to vector<512x1xf32>
    %slice3A_24 = vector.extract_strided_slice %dot_general3A_11 {offsets = [0, 443], sizes = [512, 1], strides = [1, 1]} : vector<512x768xf32> to vector<512x1xf32>
    %get3A_25 = arith.constant 0 : index
    %get3A_26 = arith.constant 0 : index
    %get3A_27 = vector.load %arg5[%get3A_25, %get3A_26] : memref<1x128xf32, #tpu.memory_space<vmem>>, vector<1x1xf32>
    %get3A_28 = vector.extract %get3A_27[0, 0] : f32 from vector<1x1xf32>
    %get3A_29 = arith.constant 0 : index
    %get3A_30 = arith.constant 1 : index
    %get3A_31 = vector.load %arg5[%get3A_29, %get3A_30] : memref<1x128xf32, #tpu.memory_space<vmem>>, vector<1x1xf32>
    %get3A_32 = vector.extract %get3A_31[0, 0] : f32 from vector<1x1xf32>
    %get3A_33 = arith.constant 0 : index
    %get3A_34 = arith.constant 2 : index
    %get3A_35 = vector.load %arg5[%get3A_33, %get3A_34] : memref<1x128xf32, #tpu.memory_space<vmem>>, vector<1x1xf32>
    %get3A_36 = vector.extract %get3A_35[0, 0] : f32 from vector<1x1xf32>
    %mul3A_37 = arith.constant 2.000000e+00 : f32
    %mul3A_38 = vector.broadcast %mul3A_37 : f32 to vector<512x1xf32>
    %mul3A_39 = arith.mulf %mul3A_38, %slice3A : vector<512x1xf32>
    %mul3A_40 = arith.mulf %mul3A_39, %slice3A_23 : vector<512x1xf32>
    %sub3A = arith.subf %broadcast_in_dim3A, %mul3A_40 : vector<512x1xf32>
    %mul3A_41 = arith.mulf %slice3A, %slice3A : vector<512x1xf32>
    %mul3A_42 = vector.broadcast %get3A_28 : f32 to vector<512x1xf32>
    %mul3A_43 = arith.mulf %mul3A_41, %mul3A_42 : vector<512x1xf32>
    %add3A = arith.addf %sub3A, %mul3A_43 : vector<512x1xf32>
    %mul3A_44 = arith.constant 2.000000e+00 : f32
    %mul3A_45 = vector.broadcast %mul3A_44 : f32 to vector<512x1xf32>
    %mul3A_46 = arith.mulf %mul3A_45, %slice3A_22 : vector<512x1xf32>
    %mul3A_47 = arith.mulf %mul3A_46, %slice3A_24 : vector<512x1xf32>
    %sub3A_48 = arith.subf %broadcast_in_dim3A, %mul3A_47 : vector<512x1xf32>
    %mul3A_49 = arith.mulf %slice3A_22, %slice3A_22 : vector<512x1xf32>
    %mul3A_50 = vector.broadcast %get3A_32 : f32 to vector<512x1xf32>
    %mul3A_51 = arith.mulf %mul3A_49, %mul3A_50 : vector<512x1xf32>
    %add3A_52 = arith.addf %sub3A_48, %mul3A_51 : vector<512x1xf32>
    %mul3A_53 = arith.mulf %broadcast_in_dim3A_21, %broadcast_in_dim3A_21 : vector<512x1xf32>
    %sub3A_54 = arith.constant 1.296000e+03 : f32
    %sub3A_55 = vector.broadcast %sub3A_54 : f32 to vector<512x1xf32>
    %sub3A_56 = arith.subf %sub3A_55, %mul3A_53 : vector<512x1xf32>
    %mul3A_57 = vector.broadcast %get3A_36 : f32 to vector<512x1xf32>
    %mul3A_58 = arith.mulf %sub3A_56, %mul3A_57 : vector<512x1xf32>
    %add3A_59 = arith.addf %add3A_52, %mul3A_58 : vector<512x1xf32>
    %eq3A = arith.constant 1 : i32
    %eq3A_60 = vector.broadcast %eq3A : i32 to vector<512x1xi32>
    %eq3A_61 = arith.cmpi eq, %get3A_17, %eq3A_60 : vector<512x1xi32>
    %select_n3A = arith.select %eq3A_61, %add3A, %add3A_59 : vector<512x1xi1>, vector<512x1xf32>
    %swap3A = arith.constant 0 : index
    %swap3A_62 = arith.constant 0 : index
    %swap3A_63 = vector.load %arg6[%swap3A, %swap3A_62] : memref<512x1xf32, #tpu.memory_space<vmem>>, vector<512x1xf32>
    tpu.vector_store %arg6[%swap3A, %swap3A_62], %select_n3A {strides = array<i32>} : memref<512x1xf32, #tpu.memory_space<vmem>>, vector<512x1xf32>,
    %get3A_64 = arith.constant 0 : index
    %get3A_65 = arith.constant 0 : index
    %get3A_66 = vector.load %arg4[%get3A_64, %get3A_65] : memref<512x1xi32, #tpu.memory_space<vmem>>, vector<512x1xi32>
    %mul3A_67 = arith.mulf %convert_element_type3A_6, %dot_general3A_14 : vector<512x768xf32>
    %reduce_sum3A_68 = arith.constant dense<0.000000e+00> : vector<512xf32>
    %reduce_sum3A_69 = vector.multi_reduction <add>, %mul3A_67, %reduce_sum3A_68 [1] : vector<512x768xf32> to vector<512xf32>
    %broadcast_in_dim3A_70 = vector.shape_cast %reduce_sum3A_69 : vector<512xf32> to vector<512x1xf32>
    %reduce_sum3A_71 = arith.constant dense<0.000000e+00> : vector<512xf32>
    %reduce_sum3A_72 = vector.multi_reduction <add>, %convert_element_type3A_6, %reduce_sum3A_71 [1] : vector<512x768xf32> to vector<512xf32>
    %broadcast_in_dim3A_73 = vector.shape_cast %reduce_sum3A_72 : vector<512xf32> to vector<512x1xf32>
    %slice3A_74 = vector.extract_strided_slice %convert_element_type3A_6 {offsets = [0, 3], sizes = [512, 1], strides = [1, 1]} : vector<512x768xf32> to vector<512x1xf32>
    %slice3A_75 = vector.extract_strided_slice %convert_element_type3A_6 {offsets = [0, 443], sizes = [512, 1], strides = [1, 1]} : vector<512x768xf32> to vector<512x1xf32>
    %slice3A_76 = vector.extract_strided_slice %dot_general3A_14 {offsets = [0, 3], sizes = [512, 1], strides = [1, 1]} : vector<512x768xf32> to vector<512x1xf32>
    %slice3A_77 = vector.extract_strided_slice %dot_general3A_14 {offsets = [0, 443], sizes = [512, 1], strides = [1, 1]} : vector<512x768xf32> to vector<512x1xf32>
    %get3A_78 = arith.constant 0 : index
    %get3A_79 = arith.constant 0 : index
    %get3A_80 = vector.load %arg5[%get3A_78, %get3A_79] : memref<1x128xf32, #tpu.memory_space<vmem>>, vector<1x1xf32>
    %get3A_81 = vector.extract %get3A_80[0, 0] : f32 from vector<1x1xf32>
    %get3A_82 = arith.constant 0 : index
    %get3A_83 = arith.constant 1 : index
    %get3A_84 = vector.load %arg5[%get3A_82, %get3A_83] : memref<1x128xf32, #tpu.memory_space<vmem>>, vector<1x1xf32>
    %get3A_85 = vector.extract %get3A_84[0, 0] : f32 from vector<1x1xf32>
    %get3A_86 = arith.constant 0 : index
    %get3A_87 = arith.constant 2 : index
    %get3A_88 = vector.load %arg5[%get3A_86, %get3A_87] : memref<1x128xf32, #tpu.memory_space<vmem>>, vector<1x1xf32>
    %get3A_89 = vector.extract %get3A_88[0, 0] : f32 from vector<1x1xf32>
    %mul3A_90 = arith.constant 2.000000e+00 : f32
    %mul3A_91 = vector.broadcast %mul3A_90 : f32 to vector<512x1xf32>
    %mul3A_92 = arith.mulf %mul3A_91, %slice3A_74 : vector<512x1xf32>
    %mul3A_93 = arith.mulf %mul3A_92, %slice3A_76 : vector<512x1xf32>
    %sub3A_94 = arith.subf %broadcast_in_dim3A_70, %mul3A_93 : vector<512x1xf32>
    %mul3A_95 = arith.mulf %slice3A_74, %slice3A_74 : vector<512x1xf32>
    %mul3A_96 = vector.broadcast %get3A_81 : f32 to vector<512x1xf32>
    %mul3A_97 = arith.mulf %mul3A_95, %mul3A_96 : vector<512x1xf32>
    %add3A_98 = arith.addf %sub3A_94, %mul3A_97 : vector<512x1xf32>
    %mul3A_99 = arith.constant 2.000000e+00 : f32
    %mul3A_100 = vector.broadcast %mul3A_99 : f32 to vector<512x1xf32>
    %mul3A_101 = arith.mulf %mul3A_100, %slice3A_75 : vector<512x1xf32>
    %mul3A_102 = arith.mulf %mul3A_101, %slice3A_77 : vector<512x1xf32>
    %sub3A_103 = arith.subf %broadcast_in_dim3A_70, %mul3A_102 : vector<512x1xf32>
    %mul3A_104 = arith.mulf %slice3A_75, %slice3A_75 : vector<512x1xf32>
    %mul3A_105 = vector.broadcast %get3A_85 : f32 to vector<512x1xf32>
    %mul3A_106 = arith.mulf %mul3A_104, %mul3A_105 : vector<512x1xf32>
    %add3A_107 = arith.addf %sub3A_103, %mul3A_106 : vector<512x1xf32>
    %mul3A_108 = arith.mulf %broadcast_in_dim3A_73, %broadcast_in_dim3A_73 : vector<512x1xf32>
    %sub3A_109 = arith.constant 1.296000e+03 : f32
    %sub3A_110 = vector.broadcast %sub3A_109 : f32 to vector<512x1xf32>
    %sub3A_111 = arith.subf %sub3A_110, %mul3A_108 : vector<512x1xf32>
    %mul3A_112 = vector.broadcast %get3A_89 : f32 to vector<512x1xf32>
    %mul3A_113 = arith.mulf %sub3A_111, %mul3A_112 : vector<512x1xf32>
    %add3A_114 = arith.addf %add3A_107, %mul3A_113 : vector<512x1xf32>
    %eq3A_115 = arith.constant 1 : i32
    %eq3A_116 = vector.broadcast %eq3A_115 : i32 to vector<512x1xi32>
    %eq3A_117 = arith.cmpi eq, %get3A_66, %eq3A_116 : vector<512x1xi32>
    %select_n3A_118 = arith.select %eq3A_117, %add3A_98, %add3A_114 : vector<512x1xi1>, vector<512x1xf32>
    %swap3A_119 = arith.constant 0 : index
    %swap3A_120 = arith.constant 0 : index
    %swap3A_121 = vector.load %arg7[%swap3A_119, %swap3A_120] : memref<512x1xf32, #tpu.memory_space<vmem>>, vector<512x1xf32>
    tpu.vector_store %arg7[%swap3A_119, %swap3A_120], %select_n3A_118 {strides = array<i32>} : memref<512x1xf32, #tpu.memory_space<vmem>>, vector<512x1xf32>,
    return
  }
  func.func @transform_0(%arg0: i32) -> (i32, i32) {
    %c0_i32 = arith.constant 0 : i32
    %c0_i32_0 = arith.constant 0 : i32
    return %arg0, %c0_i32 : i32, i32
  }
  func.func @transform_1(%arg0: i32) -> (i32, i32) {
    %c0_i32 = arith.constant 0 : i32
    %c0_i32_0 = arith.constant 0 : i32
    %c0_i32_1 = arith.constant 0 : i32
    return %c0_i32, %c0_i32_0 : i32, i32
  }
  func.func @transform_2(%arg0: i32) -> (i32, i32) {
    %c0_i32 = arith.constant 0 : i32
    %c0_i32_0 = arith.constant 0 : i32
    return %arg0, %c0_i32 : i32, i32
  }
  func.func @transform_3(%arg0: i32) -> (i32, i32) {
    %c0_i32 = arith.constant 0 : i32
    %c0_i32_0 = arith.constant 0 : i32
    return %arg0, %c0_i32 : i32, i32
  }
  func.func @transform_4(%arg0: i32) -> (i32, i32) {
    %c0_i32 = arith.constant 0 : i32
    %c0_i32_0 = arith.constant 0 : i32
    %c0_i32_1 = arith.constant 0 : i32
    return %c0_i32, %c0_i32_0 : i32, i32
  }
  func.func @transform_5(%arg0: i32) -> (i32, i32) {
    %c0_i32 = arith.constant 0 : i32
    %c0_i32_0 = arith.constant 0 : i32
    return %arg0, %c0_i32 : i32, i32
  }
  func.func @transform_6(%arg0: i32) -> (i32, i32) {
    %c0_i32 = arith.constant 0 : i32
    %c0_i32_0 = arith.constant 0 : i32
    return %arg0, %c0_i32 : i32, i32
  }
}

</mosaic_0001>

<sc_bundles>
// kernel: kernel.5.cloned.1.call-start
scs
__scs_entry_jumppad:
0x0: {  	(pc) =	sbr.rel $0x88, $3  }
0x1: {  	(tag) =	ssettag $0x0;
	lr =	simm.s32 $0x1  }
0x2: {  	[smem:$0x3F9E] =	sst lr;
	_ =	strace $0xD0000000  }
0x3: {  	_ = 	snop  }
0x4: {  	_ = 	snop  }
0x5: {  	_ = 	snop  }
0x6: {  	_ = 	snop  }
0x7: {  	_ = 	snop  }
__scs_overlays_trampoline_lowered:
0x8: {  	[smem:$0x3FAD] =	sst s0  }
0x9: {  	[smem:$0x3FAE] =	sst s1  }
0xa: {  	[smem:$0x3FAF] =	sst s2  }
0xb: {  	[smem:$0x3FB0] =	sst s3  }
0xc: {  	[smem:$0x3FB1] =	sst s4  }
0xd: {  	[smem:$0x3FB2] =	sst s5  }
0xe: {  	[smem:$0x3FB3] =	sst s6  }
0xf: {  	[smem:$0x3FB4] =	sst s7  }
0x10: {  	[smem:$0x3FB5] =	sst s8  }
0x11: {  	[smem:$0x3FB6] =	sst s9;
	s0 =	simm.s32 @!p0 $0x0  }
0x12: {  	s1 =	sld [smem:$0x3F9C];
	s0 =	simm.s32 @p0 $0x1  }
0x13: {  	[smem:$0x3FB7] =	sst s0;
	s0 =	simm.s32 @!p1 $0x0  }
0x14: {  	s2 =	sld [smem:$0x3F9B];
	s0 =	simm.s32 @p1 $0x1  }
0x15: {  	[smem:$0x3FB8] =	sst s0;
	s0 =	simm.s32 @!p2 $0x0  }
0x16: {  	s3 =	sld [smem:$0x3FDB];
	s0 =	simm.s32 @p2 $0x1  }
0x17: {  	s4 =	simm.s32 $0x1BF5;
	[smem:$0x3FBA] =	sst s0  }
0x18: {  	s0 =	sld [smem:$0x3F9D];
	_ =	swait.ge [sflag:s4], $0x0  }
0x19: {  	s7 =	sld [smem:$0x3F9E]  }
0x1a: {  	s8 =	sadd.s32 $0xFFFFE003, lr  }
0x1b: {  	s9 =	sadd.s32 $0xFFFFFEF7, lr;
	s5 =	simm.s32 $0xFFFFFFFF;
	p2 =	slt.u32 s8, $0xFFFFF086  }
0x1c: {  	p1 =	slt.u32 s9, $0xF7A;
	s5 =	simm.s32 @!p2 $0x0  }
0x1d: {  	s5 =	simm.s32 @p1 $0x1;
	p0 =	seq.s32 s7, s2  }
0x1e: {  	s7 =	smul.u32 @!p0 $0xF7A, s2;
	p2 =	seq.s32 @!p0 s5, $0x0  }
0x1f: {  	s9 =	smul.u32 $0xF7A, s1;
	s8 =	simm.s32 @!p0 $0x1BF5;
	p2 =	por !p2, p0  }
0x20: {  	[sflag:s8] =	ssyncset.s32 @!p0 $0xFFFFF086;
	s6 =	sadd.s32 @!p0 s3, s7;
	s7 =	simm.s32 @!p0 $0x108  }
0x21: {  	s3 =	sadd.s32 s3, s9;
	s6 =	sadd.s32 @!p0 $0x88, s6;
	s7 =	simm.s32 @p2 $0x1082  }
0x22: {  	[simem:s7], [sflag:s8] =	dma.local @!p0 [hbm:s6], $0xF7A  }
0x23: {  	s9 =	sor.u32 $0xD0000000, s2;
	s6 =	simm.s32 $0x108;
	_ =	swait.ge @!p0 [sflag:s8], $0x0  }
0x24: {  	s3 =	sadd.s32 $0x88, s3;
	s6 =	simm.s32 @!p1 $0x1082;
	[sflag:s4] =	ssyncset.s32 $0xFFFFF086  }
0x25: {  	[simem:s6], [sflag:s4] =	dma.local [hbm:s3], $0xF7A  }
0x26: {  	[smem:$0x3F9E] =	sst s1;
	(tag) =	ssettag s2;
	_ =	strace s9  }
0x27: {  	s1 =	sld [smem:$0x3FAE]  }
0x28: {  	s2 =	sld [smem:$0x3FAF]  }
0x29: {  	s4 =	sld [smem:$0x3FB1]  }
0x2a: {  	p0 =	seq.s32 s5, $0x0;
	s5 =	sld [smem:$0x3FB2]  }
0x2b: {  	s6 =	sld [smem:$0x3FB3]  }
0x2c: {  	s7 =	sld [smem:$0x3FB4]  }
0x2d: {  	s3 =	simm.s32 $0x108;
	s8 =	sld [smem:$0x3FB5]  }
0x2e: {  	s3 =	simm.s32 @!p0 $0x1082;
	s9 =	sld [smem:$0x3FB6]  }
0x2f: {  	lr =	sadd.s32 s0, s3;
	s0 =	sld [smem:$0x3FAD]  }
0x30: {  	s3 =	sld [smem:$0x3FB0]  }
0x31: {  	[smem:$0x3FB9] =	sst s10  }
0x32: {  	s10 =	sld [smem:$0x3FB7];
	_ =	sdelay $0x3  }
0x33: {  	p0 =	seq.s32 s10, $0x1;
	s10 =	sld [smem:$0x3FB9];
	_ =	sdelay $0x3  }
0x34: {  	[smem:$0x3FB9] =	sst s10  }
0x35: {  	s10 =	sld [smem:$0x3FB8];
	_ =	sdelay $0x3  }
0x36: {  	p1 =	seq.s32 s10, $0x1;
	s10 =	sld [smem:$0x3FB9];
	_ =	sdelay $0x3  }
0x37: {  	[smem:$0x3FB9] =	sst s10  }
0x38: {  	s10 =	sld [smem:$0x3FBA]  }
0x39: {  	_ = 	snop;
	(pc) =	sbr.ind lr, $3  }
0x3a: {  	_ = 	snop  }
0x3b: {  	_ = 	snop  }
0x3c: {  	p2 =	seq.s32 s10, $0x1;
	s10 =	sld [smem:$0x3FB9]  }
0x3d: {  	_ =	shalt  }
0x3e: {  	_ =	shalt  }
0x3f: {  	_ =	shalt  }
0x40: {  	_ =	shalt  }
0x41: {  	_ =	shalt  }
0x42: {  	_ =	shalt  }
0x43: {  	_ =	shalt  }
0x44: {  	_ =	shalt  }
0x45: {  	_ =	shalt  }
0x46: {  	_ =	shalt  }
0x47: {  	_ =	shalt  }
0x48: {  	_ =	shalt  }
0x49: {  	_ =	shalt  }
0x4a: {  	_ =	shalt  }
0x4b: {  	_ =	shalt  }
0x4c: {  	_ =	shalt  }
0x4d: {  	_ =	shalt  }
0x4e: {  	_ =	shalt  }
0x4f: {  	_ =	shalt  }
0x50: {  	_ =	shalt  }
0x51: {  	_ =	shalt  }
0x52: {  	_ =	shalt  }
0x53: {  	_ =	shalt  }
0x54: {  	_ =	shalt  }
0x55: {  	_ =	shalt  }
0x56: {  	_ =	shalt  }
0x57: {  	_ =	shalt  }
0x58: {  	_ =	shalt  }
0x59: {  	_ =	shalt  }
0x5a: {  	_ =	shalt  }
0x5b: {  	_ =	shalt  }
0x5c: {  	_ =	shalt  }
0x5d: {  	_ =	shalt  }
0x5e: {  	_ =	shalt  }
0x5f: {  	_ =	shalt  }
0x60: {  	_ =	shalt  }
0x61: {  	_ =	shalt  }
0x62: {  	_ =	shalt  }
0x63: {  	_ =	shalt  }
0x64: {  	_ =	shalt  }
0x65: {  	_ =	shalt  }
0x66: {  	_ =	shalt  }
0x67: {  	_ =	shalt  }
0x68: {  	_ =	shalt  }
0x69: {  	_ =	shalt  }
0x6a: {  	_ =	shalt  }
0x6b: {  	_ =	shalt  }
0x6c: {  	_ =	shalt  }
0x6d: {  	_ =	shalt  }
0x6e: {  	_ =	shalt  }
0x6f: {  	_ =	shalt  }
0x70: {  	_ =	shalt  }
0x71: {  	_ =	shalt  }
0x72: {  	_ =	shalt  }
0x73: {  	_ =	shalt  }
0x74: {  	_ =	shalt  }
0x75: {  	_ =	shalt  }
0x76: {  	_ =	shalt  }
0x77: {  	_ =	shalt  }
0x78: {  	_ =	shalt  }
0x79: {  	_ =	shalt  }
0x7a: {  	_ =	shalt  }
0x7b: {  	_ =	shalt  }
0x7c: {  	_ =	shalt  }
0x7d: {  	_ =	shalt  }
0x7e: {  	_ =	shalt  }
0x7f: {  	_ =	shalt  }
0x80: {  	_ =	shalt  }
0x81: {  	_ =	shalt  }
0x82: {  	_ =	shalt  }
0x83: {  	_ =	shalt  }
0x84: {  	_ =	shalt  }
0x85: {  	_ =	shalt  }
0x86: {  	_ =	shalt  }
0x87: {  	_ =	shalt  }
.Lfunc_end0:
.L_simem_size_0:
called_computation_lowered:
.L_overlay_start_0:
0x88: {  	s2 =	sld [smem:$0x3FD9]  }
0x89: {  	s3 =	sld [smem:$0x3FFE];
	_ =	sdelay $0x1  }
0x8a: {  	s1 =	srdreg.scid  }
0x8b: {  	s0 =	sand.u32 $0x1, s1  }
0x8c: {  	s17 =	sshll.u32 s0, $0xA;
	s2 =	sadd.s32 s3, s2  }
0x8d: {  	s2 =	sadd.s32 s2, s17  }
0x8e: {  	[smem:$0x3FC5] =	sst s2  }
0x8f: {  	_ = 	snop  }
0x90: {  	s2 =	sld [smem:$0x3FC9];
	(tm) =	ssettm $0x1  }
0x91: {  	s18 =	sld [smem:$0x3FFB];
	_ =	sdelay $0x3  }
0x92: {  	_ =	strace s18  }
0x93: {  	s3 =	sld [smem:$0x3FFC];
	_ =	sdelay $0x3  }
0x94: {  	_ =	strace s3  }
0x95: {  	s3 =	sld [smem:$0x3FFD];
	_ =	sdelay $0x3  }
0x96: {  	_ =	strace s3  }
0x97: {  	_ =	strace $0x8FFFFFFF  }
0x98: {  	s19 =	sld [smem:$0x3FDB];
	_ =	sdelay $0x1  }
0x99: {  	s4 =	simm.s32 $_scs_section_size  }
0x9a: {  	s5 =	simm.s32 $_size__tile_overlayer_lowered;
	s6 =	simm.s32 $_tile_overlayer_lowered  }
0x9b: {  	s22 =	simm.s32 $0x1BFF;
	s21 =	sshll.u32 s6, $0x1;
	s3 =	sadd.s32 s4, s19  }
0x9c: {  	s7 =	simm.s32 $0x0;
	s20 =	sshll.u32 s5, $0x1;
	s5 =	sadd.s32 s21, s3  }
0x9d: {  	[timem:s7], [sflag:s22] =	dma.local [hbm:s5], s20  }
0x9e: {  	_ =	swait.ge [sflag:s22], s20  }
0x9f: {  	s4 =	ssub.s32 $0x0, s20;
	[sflag:s22] =	ssyncset.done $0x0  }
0xa0: {  	[sflag:s22] =	ssyncadd.s32 s4;
	_ =	sdelay $0x1  }
0xa1: {  	s23 =	simm.s32 $0x1B8B  }
0xa2: {  	_ =	swait.ge [sflag:s23], $0x1  }
0xa3: {  	[sflag:s23] =	ssyncset.done $0x0  }
0xa4: {  	s25 =	simm.s32 $0x1B8E;
	s24 =	sld [smem:$0x3FFE];
	[sflag:s23] =	ssyncadd.s32 $0xFFFFFFFF  }
0xa5: {  	s26 =	simm.s32 $execute0_lowered;
	[smem:$0x3FD2] =	sst s25  }
0xa6: {  	s5 =	sshll.u32 s26, $0x1;
	_ =	strace $0x80000046;
	[dreg:$0x1] =	wrdreg $0xFFFFFFFF  }
0xa7: {  	s28 =	simm.s32 $_size_execute0_lowered;
	s3 =	sadd.s32 s3, s5;
	[dreg:$0x0] =	wrdreg $0x0  }
0xa8: {  	s5 =	sshll.u32 s28, $0x1;
	[dreg:$0x2] =	wrdreg s3  }
0xa9: {  	[dreg:$0x3] =	wrdreg s5  }
0xaa: {  	[dreg:$0x4] =	wrdreg $0xC0  }
0xab: {  	_ =	task [dreg:s7], $0x5FFFF  }
0xac: {  	[dreg:$0x1] =	wrdreg $0xFFFFFFFF  }
0xad: {  	[dreg:$0x0] =	wrdreg $0x60  }
0xae: {  	[dreg:$0x2] =	wrdreg s2  }
0xaf: {  	[dreg:$0x3] =	wrdreg s24  }
0xb0: {  	[dreg:$0x4] =	wrdreg $0x9  }
0xb1: {  	_ =	task.clear_ibuf [dreg:s7], $0x5FFFF;
	_ =	strace $0x90000046  }
0xb2: {  	s29 =	simm.s32 $0x9;
	_ =	strace $0x80000048  }
0xb3: {  	_ =	swait.ge [sflag:s29], $0x1  }
0xb4: {  	[sflag:s29] =	ssyncadd.s32 $0xFFFFFFFF  }
0xb5: {  	_ =	strace $0x90000048  }
0xb6: {  	_ =	sfence  }
0xb7: {  	s30 =	sld [smem:$0x0];
	_ =	sdelay $0x2  }
0xb8: {  	s31 =	sshll.u32 s1, $0xD;
	s1 =	sshrl.u32 s1, $0x2  }
0xb9: {  	s3 =	sand.u32 $0x4000, s31;
	s1 =	sadd.s32 s1, s30  }
0xba: {  	s0 =	sor.u32 s3, s0;
	s1 =	sshll.u32 s1, $0x11  }
0xbb: {  	s0 =	sor.u32 s1, s0  }
0xbc: {  	s0 =	sadd.s32 $0x8F2B, s0  }
0xbd: {  	[sflag:s0] =	ssyncadd.remote.s32 $0x1  }
0xbe: {  	_ =	sfence.sel $0xFFFF  }
0xbf: {  	[dreg:$0x0] =	wrdreg $0xFFFFFFFF;
	(pc) =	sbr.abs _section_cstart, $3  }
0xc0: {  	[dreg:$0x1] =	wrdreg $0xFFFFFFFF  }
0xc1: {  	_ =	task.clear_ibuf [dreg:s7], $0x2FFFF;
	_ =	strace $0x9FFFFFFF  }
0xc2: {  	(tm) =	ssettm $0x7FFFFFFF  }
0xc3: {  	_ =	shalt  }
tec
execute0_lowered:
.L_overlay_start_1:
0x0: {  	(tag) =	ssettag $0x1  }
0x1: {  	s4 =	rddreg [dreg:$0x0]  }
0x2: {  	s3 =	rddreg [dreg:$0x1]  }
0x3: {  	s0 =	rddreg [dreg:$0x2]  }
0x4: {  	s2 =	simm.s32 $0x0;
	s5 =	srdreg.scid;
	s1 =	stileid.u32  }
0x5: {  	s9 =	simm.s32 $0x3;
	s10 =	simm.s32 $0x5000;
	s11 =	simm.s32 $0x11000  }
0x6: {  	s12 =	simm.s32 $0x1;
	s13 =	simm.s32 $0x2;
	s14 =	simm.s32 $0x0  }
0x7: {  	[smem:$0x7FF] =	sst s2;
	s5 =	sand.u32 $0x1, s5;
	s6 =	sshll.u32 s1, $0x1  }
0x8: {  	s3 =	sadd.s32 $0xA00, s3;
	s7 =	ssub.s32 $0x2, s5;
	s5 =	sor.u32 s5, s6  }
0x9: {  	v0 =	vlaneseq.u32;
	v1 =	vimm.s32 $0x0;
	_ =	strace $0x80000047;
	s31 =	sshrl.u32 s7, $0x1;
	s8 =	sshll.u32 s5, $0x9  }
0xa: {  	v2 =	vimm.s32 $0x1;
	v4 =	vimm.s32 $0x10000;
	v3 =	vand.u32 $0x7, v0;
	s5 =	sshll.u32 s5, $0x8;
	s6 =	ssub.s32 s7, s31;
	s4 =	sadd.s32 s4, s8  }
0xb: {  	v5 =	vimm.s32 $0xFFFFFFFF;
	v6 =	vimm.s32 $0xFFFF0000;
	v3 =	vmul.u32 $0x80, v3;
	s7 =	simm.s32 $0x1000;
	s8 =	simm.s32 $0x20000;
	s6 =	smax.u32 s6, $0x1  }
.LBB2_1:
0xc: {  	[tilespmem:s2], [sflag:$0x3] =	stream.strided.gather [hbm4b:s4+s7], $0x5000, s8, s7, $0x38;
	[tilespmem:$0x1D000] =	vst v63  }
0xd: {  	s18 =	simm.s32 $0x0;
	s16 =	smul.u32 $0xAAAB, s2;
	_ =	swait.ge [sflag:s9], $0x5000  }
0xe: {  	s15 =	sand.u32 $0xFF80, s18;
	s17 =	sor.u32 $0x10, s18;
	s21 =	sor.u32 $0x20, s18  }
0xf: {  	s22 =	sor.u32 $0x30, s18;
	s23 =	sor.u32 $0x40, s18;
	[sflag:s9] =	ssyncset.done $0x0  }
0x10: {  	s19 =	smul.u32 $0xAAAB, s15;
	s20 =	sand.u32 $0xFF90, s17;
	s15 =	simm.s32 $0x1  }
0x11: {  	s24 =	sshrl.u32 s16, $0xB;
	s16 =	sshrl.u32 s16, $0x15;
	s20 =	smul.u32 $0xAAAB, s20  }
0x12: {  	s25 =	sand.u32 $0xFFA0, s21;
	s26 =	sand.u32 $0xFFB0, s22;
	s16 =	smul.u32 $0x1800, s16  }
0x13: {  	s31 =	sand.u32 $0xFFC0, s23;
	s25 =	smul.u32 $0xAAAB, s25;
	s19 =	sshrl.u32 s19, $0x19  }
0x14: {  	[sflag:s9] =	ssyncadd.s32 $0xFFFFB000;
	s19 =	smul.u32 $0x300, s19;
	s20 =	sshrl.u32 s20, $0x11  }
0x15: {  	s29 =	smul.u32 $0xAAAB, s26;
	s25 =	sshrl.u32 s25, $0x11;
	s20 =	sand.u32 $0x300, s20  }
0x16: {  	s25 =	sand.u32 $0x300, s25;
	s19 =	ssub.s32 $0x0, s19;
	s17 =	sadd.s32 s20, s17  }
0x17: {  	s20 =	sshrl.u32 s29, $0x11;
	s21 =	sadd.s32 s25, s21;
	s19 =	sshll.u32 s19, $0x3  }
0x18: {  	s17 =	sshll.u32 s17, $0x3;
	s20 =	sand.u32 $0x300, s20;
	s19 =	sand.u32 $0xFC00, s19  }
0x19: {  	s30 =	sand.u32 $0x1C00, s17;
	s17 =	sand.u32 $0x380, s24;
	s24 =	smul.u32 $0xAAAB, s31  }
0x1a: {  	s20 =	sadd.s32 s20, s22;
	s19 =	sadd.s32 s19, s16;
	s26 =	sadd.s32 s30, s16  }
0x1b: {  	s28 =	sshll.u32 s20, $0x3;
	s19 =	sor.u32 s17, s19;
	s25 =	sshrl.u32 s24, $0x11  }
0x1c: {  	s20 =	sor.u32 $0x50, s18;
	s26 =	sor.u32 s17, s26;
	[tilespmem:s19+$0x5000] =	vst v1;
	s22 =	sand.u32 $0x300, s25  }
0x1d: {  	s29 =	sand.u32 $0x1C00, s28;
	s30 =	sand.u32 $0xFFD0, s20;
	[tilespmem:s19+$0x11000] =	vst v1;
	s22 =	sadd.s32 s22, s23  }
0x1e: {  	s19 =	sadd.s32 s29, s16;
	[tilespmem:s26+$0x5010] =	vst v1;
	s23 =	smul.u32 $0xAAAB, s30;
	s31 =	sshll.u32 s22, $0x3  }
0x1f: {  	[tilespmem:s26+$0x11010] =	vst v1;
	s19 =	sor.u32 s17, s19;
	s22 =	sshll.u32 s21, $0x3;
	s21 =	sand.u32 $0x1C00, s31  }
.LBB2_2:
0x20: {  	s23 =	sshrl.u32 s23, $0x11  }
0x21: {  	s24 =	sor.u32 $0x60, s18;
	s18 =	sor.u32 $0x70, s18;
	s25 =	smov.u32 s15  }
0x22: {  	s22 =	sand.u32 $0x1C00, s22;
	s23 =	sand.u32 $0x300, s23;
	s26 =	sand.u32 $0xFFE0, s24  }
0x23: {  	s22 =	sadd.s32 s22, s16;
	s20 =	sadd.s32 s23, s20;
	s23 =	smul.u32 $0xAAAB, s26  }
0x24: {  	s22 =	sor.u32 s17, s22;
	s26 =	sand.u32 $0xFFF0, s18;
	s20 =	sshll.u32 s20, $0x3  }
0x25: {  	s26 =	smul.u32 $0xAAAB, s26;
	[tilespmem:s22+$0x5020] =	vst v1;
	s20 =	sand.u32 $0x1C00, s20;
	s23 =	sshrl.u32 s23, $0x11  }
0x26: {  	s21 =	sadd.s32 s21, s16;
	[tilespmem:s22+$0x11020] =	vst v1;
	s20 =	sadd.s32 s20, s16;
	s22 =	sand.u32 $0x300, s23  }
0x27: {  	s23 =	sshrl.u32 s26, $0x11;
	[tilespmem:s19+$0x5030] =	vst v1;
	s20 =	sor.u32 s17, s20;
	s22 =	sadd.s32 s22, s24  }
0x28: {  	[tilespmem:s19+$0x11030] =	vst v1;
	s19 =	sor.u32 s17, s21;
	s21 =	sshll.u32 s22, $0x3;
	s22 =	sand.u32 $0x300, s23  }
0x29: {  	p0 =	sne.s32 s15, $0x17F;
	[tilespmem:s19+$0x5040] =	vst v1;
	s21 =	sand.u32 $0x1C00, s21;
	s18 =	sadd.s32 s22, s18  }
0x2a: {  	s15 =	sadd.s32 $0x1, s15;
	[tilespmem:s19+$0x11040] =	vst v1;
	s19 =	sadd.s32 s21, s16;
	s18 =	sshll.u32 s18, $0x3  }
0x2b: {  	[tilespmem:s20+$0x11050] =	vst v1;
	s19 =	sor.u32 s17, s19;
	s21 =	sand.u32 $0x1C00, s18  }
0x2c: {  	s22 =	smul.u32 $0xAAAB, s25;
	s18 =	sshll.u32 s25, $0x7;
	[tilespmem:s20+$0x5050] =	vst v1;
	s16 =	sadd.s32 s21, s16  }
0x2d: {  	s20 =	sand.u32 $0xFF80, s18;
	s21 =	sor.u32 $0x10, s18;
	[tilespmem:s19+$0x5060] =	vst v1;
	s16 =	sor.u32 s17, s16  }
0x2e: {  	s23 =	sor.u32 $0x20, s18;
	s17 =	smul.u32 $0xAAAB, s20;
	s20 =	sand.u32 $0xFF90, s21  }
0x2f: {  	s24 =	sor.u32 $0x30, s18;
	s25 =	sor.u32 $0x40, s18;
	s20 =	smul.u32 $0xAAAB, s20;
	[tilespmem:s19+$0x11060] =	vst v1  }
0x30: {  	s26 =	sand.u32 $0xFFA0, s23;
	s17 =	sshrl.u32 s17, $0x19;
	s19 =	sshrl.u32 s22, $0xB;
	[tilespmem:s16+$0x5070] =	vst v1  }
0x31: {  	s22 =	sshrl.u32 s22, $0x15;
	s17 =	smul.u32 $0x300, s17;
	s20 =	sshrl.u32 s20, $0x11;
	[tilespmem:s16+$0x11070] =	vst v1  }
0x32: {  	s28 =	sand.u32 $0xFFC0, s25;
	s16 =	sand.u32 $0x300, s20;
	s20 =	sand.u32 $0xFFB0, s24  }
0x33: {  	s17 =	ssub.s32 s18, s17;
	s21 =	sadd.s32 s16, s21;
	s20 =	smul.u32 $0xAAAB, s20  }
0x34: {  	s16 =	smul.u32 $0x1800, s22;
	s17 =	sshll.u32 s17, $0x3;
	s21 =	sshll.u32 s21, $0x3  }
0x35: {  	s22 =	smul.u32 $0xAAAB, s26;
	s17 =	sand.u32 $0xFC00, s17;
	s21 =	sand.u32 $0x1C00, s21  }
0x36: {  	s26 =	sadd.s32 s17, s16;
	s17 =	sand.u32 $0x380, s19;
	s19 =	sadd.s32 s21, s16  }
0x37: {  	s22 =	sshrl.u32 s22, $0x11;
	s21 =	sor.u32 s17, s26;
	s19 =	sor.u32 s17, s19  }
0x38: {  	s20 =	sshrl.u32 s20, $0x11;
	s22 =	sand.u32 $0x300, s22;
	s26 =	smul.u32 $0xAAAB, s28;
	[tilespmem:s21+$0x5000] =	vst v1  }
0x39: {  	s20 =	sand.u32 $0x300, s20;
	[tilespmem:s21+$0x11000] =	vst v1;
	s21 =	sadd.s32 s22, s23  }
.Ltmp0:
0x3a: {  	s20 =	sadd.s32 s20, s24;
	s22 =	sshrl.u32 s26, $0x11;
	[tilespmem:s19+$0x5010] =	vst v1;
	(pc) =	sbr.rel @p0 .LBB2_2-.Ltmp0, $4  }
0x3b: {  	s22 =	sand.u32 $0x300, s22;
	[tilespmem:s19+$0x11010] =	vst v1;
	s19 =	sshll.u32 s20, $0x3;
	s20 =	sor.u32 $0x50, s18  }
0x3c: {  	s22 =	sadd.s32 s22, s25;
	s19 =	sand.u32 $0x1C00, s19;
	s23 =	sand.u32 $0xFFD0, s20  }
0x3d: {  	s24 =	sshll.u32 s22, $0x3;
	s19 =	sadd.s32 s19, s16;
	s23 =	smul.u32 $0xAAAB, s23  }
0x3e: {  	s22 =	sshll.u32 s21, $0x3;
	s21 =	sand.u32 $0x1C00, s24;
	s19 =	sor.u32 s17, s19  }
0x3f: {  	s30 =	sor.u32 $0x60, s18;
	s22 =	sand.u32 $0x1C00, s22  }
0x40: {  	s15 =	sshrl.u32 s23, $0x11;
	s24 =	sand.u32 $0xFFE0, s30;
	s22 =	sadd.s32 s22, s16  }
0x41: {  	s31 =	sor.u32 $0x70, s18;
	s24 =	smul.u32 $0xAAAB, s24;
	s22 =	sor.u32 s17, s22  }
0x42: {  	s21 =	sadd.s32 s21, s16;
	s15 =	sand.u32 $0x300, s15;
	s25 =	sand.u32 $0xFFF0, s31;
	[tilespmem:s22+$0x5020] =	vst v1  }
0x43: {  	s15 =	sadd.s32 s15, s20;
	s20 =	smul.u32 $0xAAAB, s25;
	[tilespmem:s22+$0x11020] =	vst v1;
	s24 =	sshrl.u32 s24, $0x11  }
0x44: {  	s28 =	sor.u32 s17, s21;
	s15 =	sshll.u32 s15, $0x3;
	[tilespmem:s19+$0x5030] =	vst v1;
	s26 =	sand.u32 $0x300, s24  }
0x45: {  	s15 =	sand.u32 $0x1C00, s15;
	s20 =	sshrl.u32 s20, $0x11;
	[tilespmem:s19+$0x11030] =	vst v1;
	s22 =	sadd.s32 s26, s30  }
0x46: {  	s15 =	sadd.s32 s15, s16;
	s20 =	sand.u32 $0x300, s20;
	[tilespmem:s28+$0x5040] =	vst v1;
	s29 =	sshll.u32 s22, $0x3  }
0x47: {  	[tilespmem:s28+$0x11040] =	vst v1;
	s15 =	sor.u32 s17, s15;
	s18 =	sadd.s32 s20, s31;
	s21 =	sand.u32 $0x1C00, s29  }
0x48: {  	s18 =	sshll.u32 s18, $0x3;
	[tilespmem:s15+$0x11050] =	vst v1;
	s30 =	sadd.s32 s21, s16  }
0x49: {  	[tilespmem:s15+$0x5050] =	vst v1;
	s18 =	sand.u32 $0x1C00, s18;
	s19 =	sor.u32 s17, s30  }
0x4a: {  	s31 =	sadd.s32 s18, s16;
	[tilespmem:s19+$0x5060] =	vst v1  }
0x4b: {  	s15 =	sor.u32 s17, s31;
	[tilespmem:s19+$0x11060] =	vst v1  }
0x4c: {  	[tilespmem:s15+$0x5070] =	vst v1  }
0x4d: {  	p1 =	por $0x1, $0x1;
	[tilespmem:s15+$0x11070] =	vst v1;
	s15 =	simm.s32 $0x0  }
.LBB2_4:
0x4e: {  	p0 =	por p1, p1;
	s16 =	simm.s32 $0x0  }
.LBB2_5:
0x4f: {  	s17 =	sor.u32 s15, s16  }
0x50: {  	v7 =	vmov s17  }
0x51: {  	v7 =	vshll.u32 v7, $0x4  }
0x52: {  	v7 =	vand.u32 $0x7FFFFC00, v7  }
0x53: {  	v10 =	vor.u32 s16, v0;
	v9 =	vbroadcast v7, $0x0  }
0x54: {  	v8 =	vshll.u32 v10, $0x1  }
0x55: {  	v7 =	vor.u32 v8, v9;
	_ =	sdelay $0x4  }
0x56: {  	v11 =	vld.idx.msk [tilespmem:v7+s2+$0x0], $0xffff;
	_ =	sdelay $0x3  }
0x57: {  	v7 =	vshrl.u32 v10, $0x3  }
0x58: {  	v7 =	vmul.u32 $0x1800, v7;
	v46 =	vshll.u32 v11, $0x3  }
0x59: {  	v10 =	vand.u32 $0xFFFFFC00, v46  }
0x5a: {  	v12 =	vand.u32 $0x7F, v11;
	v10 =	vadd.s32 v7, v10  }
0x5b: {  	vm0 =	vlt.s32 v11, $0x300;
	v10 =	vor.u32 v12, v10  }
0x5c: {  	v47 =	vor.u32 v3, v10;
	v10 =	vor.u32 $0x1, v8  }
0x5d: {  	v48 =	vor.u32 v10, v9;
	_ =	sdelay $0x3  }
0x5e: {  	[tilespmem:v47+s10+$0x0] =	vst.idx.add.s32.msk vm0, v2  }
0x5f: {  	v11 =	vld.idx.msk [tilespmem:v48+s2+$0x0], $0xffff;
	_ =	sdelay $0x4  }
0x60: {  	v12 =	vshll.u32 v11, $0x3  }
0x61: {  	v12 =	vand.u32 $0xFFFFFC00, v12  }
0x62: {  	v13 =	vand.u32 $0x7F, v11;
	v12 =	vadd.s32 v7, v12  }
0x63: {  	vm5 =	vlt.s32 v11, $0x300;
	v49 =	vor.u32 v13, v12  }
0x64: {  	v50 =	vor.u32 $0x80, v9;
	v11 =	vor.u32 v3, v49  }
0x65: {  	v51 =	vor.u32 v8, v50;
	_ =	sdelay $0x3  }
0x66: {  	[tilespmem:v11+s10+$0x0] =	vst.idx.add.s32.msk vm5, v4  }
0x67: {  	v11 =	vld.idx.msk [tilespmem:v51+s2+$0x0], $0xffff;
	_ =	sdelay $0x4  }
0x68: {  	v13 =	vshll.u32 v11, $0x3  }
0x69: {  	v13 =	vand.u32 $0xFFFFFC00, v13  }
0x6a: {  	v14 =	vand.u32 $0x7F, v11;
	v13 =	vadd.s32 v7, v13  }
0x6b: {  	vm6 =	vlt.s32 v11, $0x300;
	v52 =	vor.u32 v14, v13  }
0x6c: {  	v11 =	vor.u32 v3, v52  }
0x6d: {  	v12 =	vor.u32 v10, v50;
	_ =	sdelay $0x3  }
0x6e: {  	[tilespmem:v11+s10+$0x0] =	vst.idx.add.s32.msk vm6, v2  }
0x6f: {  	v11 =	vld.idx.msk [tilespmem:v12+s2+$0x0], $0xffff;
	_ =	sdelay $0x4  }
0x70: {  	v12 =	vshll.u32 v11, $0x3  }
0x71: {  	v12 =	vand.u32 $0xFFFFFC00, v12  }
0x72: {  	v53 =	vand.u32 $0x7F, v11;
	v12 =	vadd.s32 v7, v12  }
0x73: {  	vm7 =	vlt.s32 v11, $0x300;
	v54 =	vor.u32 v53, v12  }
0x74: {  	v55 =	vor.u32 $0x100, v9;
	v11 =	vor.u32 v3, v54  }
0x75: {  	v56 =	vor.u32 v8, v55;
	_ =	sdelay $0x3  }
0x76: {  	[tilespmem:v11+s10+$0x0] =	vst.idx.add.s32.msk vm7, v4  }
0x77: {  	v11 =	vld.idx.msk [tilespmem:v56+s2+$0x0], $0xffff;
	_ =	sdelay $0x4  }
0x78: {  	v13 =	vshll.u32 v11, $0x3  }
0x79: {  	v13 =	vand.u32 $0xFFFFFC00, v13  }
0x7a: {  	v57 =	vand.u32 $0x7F, v11;
	v13 =	vadd.s32 v7, v13  }
0x7b: {  	vm8 =	vlt.s32 v11, $0x300;
	v58 =	vor.u32 v57, v13  }
0x7c: {  	v11 =	vor.u32 v3, v58  }
0x7d: {  	v12 =	vor.u32 v10, v55;
	_ =	sdelay $0x3  }
0x7e: {  	[tilespmem:v11+s10+$0x0] =	vst.idx.add.s32.msk vm8, v2  }
0x7f: {  	v11 =	vld.idx.msk [tilespmem:v12+s2+$0x0], $0xffff;
	_ =	sdelay $0x4  }
0x80: {  	v12 =	vshll.u32 v11, $0x3  }
0x81: {  	v12 =	vand.u32 $0xFFFFFC00, v12  }
0x82: {  	v59 =	vand.u32 $0x7F, v11;
	v12 =	vadd.s32 v7, v12  }
0x83: {  	vm9 =	vlt.s32 v11, $0x300;
	v60 =	vor.u32 v59, v12  }
0x84: {  	v61 =	vor.u32 $0x180, v9;
	v11 =	vor.u32 v3, v60  }
0x85: {  	v62 =	vor.u32 v8, v61;
	_ =	sdelay $0x3  }
0x86: {  	[tilespmem:v11+s10+$0x0] =	vst.idx.add.s32.msk vm9, v4  }
0x87: {  	v11 =	vld.idx.msk [tilespmem:v62+s2+$0x0], $0xffff;
	_ =	sdelay $0x4  }
0x88: {  	v13 =	vshll.u32 v11, $0x3  }
0x89: {  	v13 =	vand.u32 $0xFFFFFC00, v13  }
0x8a: {  	v63 =	vand.u32 $0x7F, v11;
	v13 =	vadd.s32 v7, v13  }
0x8b: {  	vm10 =	vlt.s32 v11, $0x300;
	v16 =	vor.u32 v63, v13  }
0x8c: {  	v11 =	vor.u32 v3, v16  }
0x8d: {  	v12 =	vor.u32 v10, v61;
	_ =	sdelay $0x3  }
0x8e: {  	[tilespmem:v11+s10+$0x0] =	vst.idx.add.s32.msk vm10, v2  }
0x8f: {  	v11 =	vld.idx.msk [tilespmem:v12+s2+$0x0], $0xffff;
	_ =	sdelay $0x4  }
0x90: {  	v12 =	vshll.u32 v11, $0x3  }
0x91: {  	v12 =	vand.u32 $0xFFFFFC00, v12  }
0x92: {  	v17 =	vand.u32 $0x7F, v11;
	v12 =	vadd.s32 v7, v12  }
0x93: {  	vm11 =	vlt.s32 v11, $0x300;
	v18 =	vor.u32 v17, v12  }
0x94: {  	v19 =	vor.u32 $0x200, v9;
	v11 =	vor.u32 v3, v18  }
0x95: {  	v20 =	vor.u32 v8, v19;
	_ =	sdelay $0x3  }
0x96: {  	[tilespmem:v11+s10+$0x0] =	vst.idx.add.s32.msk vm11, v4  }
0x97: {  	v11 =	vld.idx.msk [tilespmem:v20+s2+$0x0], $0xffff;
	_ =	sdelay $0x4  }
0x98: {  	v13 =	vshll.u32 v11, $0x3  }
0x99: {  	v13 =	vand.u32 $0xFFFFFC00, v13  }
0x9a: {  	v21 =	vand.u32 $0x7F, v11;
	v13 =	vadd.s32 v7, v13  }
0x9b: {  	vm12 =	vlt.s32 v11, $0x300;
	v22 =	vor.u32 v21, v13  }
0x9c: {  	v11 =	vor.u32 v3, v22  }
0x9d: {  	v12 =	vor.u32 v10, v19;
	_ =	sdelay $0x3  }
0x9e: {  	[tilespmem:v11+s10+$0x0] =	vst.idx.add.s32.msk vm12, v2  }
0x9f: {  	v11 =	vld.idx.msk [tilespmem:v12+s2+$0x0], $0xffff;
	_ =	sdelay $0x4  }
0xa0: {  	v12 =	vshll.u32 v11, $0x3  }
0xa1: {  	v12 =	vand.u32 $0xFFFFFC00, v12  }
0xa2: {  	v23 =	vand.u32 $0x7F, v11;
	v12 =	vadd.s32 v7, v12  }
0xa3: {  	vm13 =	vlt.s32 v11, $0x300;
	v24 =	vor.u32 v23, v12  }
0xa4: {  	v25 =	vor.u32 $0x280, v9;
	v11 =	vor.u32 v3, v24  }
0xa5: {  	v26 =	vor.u32 v8, v25;
	_ =	sdelay $0x3  }
0xa6: {  	[tilespmem:v11+s10+$0x0] =	vst.idx.add.s32.msk vm13, v4  }
0xa7: {  	v11 =	vld.idx.msk [tilespmem:v26+s2+$0x0], $0xffff;
	_ =	sdelay $0x4  }
0xa8: {  	v13 =	vshll.u32 v11, $0x3  }
0xa9: {  	v13 =	vand.u32 $0xFFFFFC00, v13  }
0xaa: {  	v27 =	vand.u32 $0x7F, v11;
	v13 =	vadd.s32 v7, v13  }
0xab: {  	vm14 =	vlt.s32 v11, $0x300;
	v28 =	vor.u32 v27, v13  }
0xac: {  	v11 =	vor.u32 v3, v28  }
0xad: {  	v12 =	vor.u32 v10, v25;
	_ =	sdelay $0x3  }
0xae: {  	[tilespmem:v11+s10+$0x0] =	vst.idx.add.s32.msk vm14, v2  }
0xaf: {  	v11 =	vld.idx.msk [tilespmem:v12+s2+$0x0], $0xffff;
	_ =	sdelay $0x4  }
0xb0: {  	v12 =	vshll.u32 v11, $0x3  }
0xb1: {  	v12 =	vand.u32 $0xFFFFFC00, v12  }
0xb2: {  	v29 =	vand.u32 $0x7F, v11;
	v12 =	vadd.s32 v7, v12  }
0xb3: {  	vm15 =	vlt.s32 v11, $0x300;
	v30 =	vor.u32 v29, v12  }
0xb4: {  	v31 =	vor.u32 $0x300, v9;
	v11 =	vor.u32 v3, v30  }
0xb5: {  	v32 =	vor.u32 v8, v31;
	_ =	sdelay $0x3  }
0xb6: {  	[tilespmem:v11+s10+$0x0] =	vst.idx.add.s32.msk vm15, v4  }
0xb7: {  	v11 =	vld.idx.msk [tilespmem:v32+s2+$0x0], $0xffff;
	_ =	sdelay $0x4  }
0xb8: {  	v13 =	vshll.u32 v11, $0x3  }
0xb9: {  	v13 =	vand.u32 $0xFFFFFC00, v13  }
0xba: {  	v33 =	vand.u32 $0x7F, v11;
	v13 =	vadd.s32 v7, v13  }
0xbb: {  	vm4 =	vlt.s32 v11, $0x300;
	v34 =	vor.u32 v33, v13  }
0xbc: {  	v11 =	vor.u32 v3, v34  }
0xbd: {  	v12 =	vor.u32 v10, v31;
	_ =	sdelay $0x3  }
0xbe: {  	[tilespmem:v11+s10+$0x0] =	vst.idx.add.s32.msk vm4, v2  }
0xbf: {  	v11 =	vld.idx.msk [tilespmem:v12+s2+$0x0], $0xffff;
	_ =	sdelay $0x4  }
0xc0: {  	v12 =	vshll.u32 v11, $0x3  }
0xc1: {  	v12 =	vand.u32 $0xFFFFFC00, v12  }
0xc2: {  	v35 =	vand.u32 $0x7F, v11;
	v12 =	vadd.s32 v7, v12  }
0xc3: {  	vm5 =	vlt.s32 v11, $0x300;
	v36 =	vor.u32 v35, v12  }
0xc4: {  	v37 =	vor.u32 $0x380, v9;
	v11 =	vor.u32 v3, v36  }
0xc5: {  	v38 =	vor.u32 v8, v37;
	_ =	sdelay $0x3  }
0xc6: {  	[tilespmem:v11+s10+$0x0] =	vst.idx.add.s32.msk vm5, v4  }
0xc7: {  	v11 =	vld.idx.msk [tilespmem:v38+s2+$0x0], $0xffff;
	_ =	sdelay $0x4  }
0xc8: {  	v13 =	vshll.u32 v11, $0x3  }
0xc9: {  	v13 =	vand.u32 $0xFFFFFC00, v13  }
0xca: {  	v39 =	vand.u32 $0x7F, v11;
	v13 =	vadd.s32 v7, v13  }
0xcb: {  	vm6 =	vlt.s32 v11, $0x300;
	v40 =	vor.u32 v39, v13  }
0xcc: {  	v11 =	vor.u32 v3, v40  }
0xcd: {  	v12 =	vor.u32 v10, v37;
	_ =	sdelay $0x3  }
0xce: {  	[tilespmem:v11+s10+$0x0] =	vst.idx.add.s32.msk vm6, v2  }
0xcf: {  	v11 =	vld.idx.msk [tilespmem:v12+s2+$0x0], $0xffff;
	_ =	sdelay $0x4  }
0xd0: {  	v12 =	vshll.u32 v11, $0x3  }
0xd1: {  	v12 =	vand.u32 $0xFFFFFC00, v12  }
0xd2: {  	v41 =	vand.u32 $0x7F, v11;
	v12 =	vadd.s32 v7, v12  }
0xd3: {  	vm7 =	vlt.s32 v11, $0x300;
	v42 =	vor.u32 v41, v12  }
0xd4: {  	v43 =	vadd.s32 $0x1000, v9;
	v11 =	vor.u32 v3, v42  }
0xd5: {  	v44 =	vor.u32 v8, v43;
	_ =	sdelay $0x3  }
0xd6: {  	[tilespmem:v11+s10+$0x0] =	vst.idx.add.s32.msk vm7, v4  }
0xd7: {  	v11 =	vld.idx.msk [tilespmem:v44+s2+$0x0], $0xffff;
	_ =	sdelay $0x4  }
0xd8: {  	v13 =	vshll.u32 v11, $0x3  }
0xd9: {  	v13 =	vand.u32 $0xFFFFFC00, v13  }
0xda: {  	v45 =	vand.u32 $0x7F, v11;
	v13 =	vadd.s32 v7, v13  }
0xdb: {  	vm8 =	vlt.s32 v11, $0x300;
	v46 =	vor.u32 v45, v13  }
0xdc: {  	v11 =	vor.u32 v3, v46  }
0xdd: {  	v12 =	vor.u32 v10, v43;
	_ =	sdelay $0x3  }
0xde: {  	[tilespmem:v11+s10+$0x0] =	vst.idx.add.s32.msk vm8, v2  }
0xdf: {  	v11 =	vld.idx.msk [tilespmem:v12+s2+$0x0], $0xffff;
	_ =	sdelay $0x4  }
0xe0: {  	v12 =	vshll.u32 v11, $0x3  }
0xe1: {  	v12 =	vand.u32 $0xFFFFFC00, v12  }
0xe2: {  	v47 =	vand.u32 $0x7F, v11;
	v12 =	vadd.s32 v7, v12  }
0xe3: {  	vm9 =	vlt.s32 v11, $0x300;
	v48 =	vor.u32 v47, v12  }
0xe4: {  	v49 =	vadd.s32 $0x1080, v9;
	v11 =	vor.u32 v3, v48  }
0xe5: {  	v50 =	vor.u32 v8, v49;
	_ =	sdelay $0x3  }
0xe6: {  	[tilespmem:v11+s10+$0x0] =	vst.idx.add.s32.msk vm9, v4  }
0xe7: {  	v11 =	vld.idx.msk [tilespmem:v50+s2+$0x0], $0xffff;
	_ =	sdelay $0x4  }
0xe8: {  	v13 =	vshll.u32 v11, $0x3  }
0xe9: {  	v13 =	vand.u32 $0xFFFFFC00, v13  }
0xea: {  	v51 =	vand.u32 $0x7F, v11;
	v13 =	vadd.s32 v7, v13  }
0xeb: {  	vm10 =	vlt.s32 v11, $0x300;
	v52 =	vor.u32 v51, v13  }
0xec: {  	v11 =	vor.u32 v3, v52  }
0xed: {  	v12 =	vor.u32 v10, v49;
	_ =	sdelay $0x3  }
0xee: {  	[tilespmem:v11+s10+$0x0] =	vst.idx.add.s32.msk vm10, v2  }
0xef: {  	v11 =	vld.idx.msk [tilespmem:v12+s2+$0x0], $0xffff;
	_ =	sdelay $0x4  }
0xf0: {  	v12 =	vshll.u32 v11, $0x3  }
0xf1: {  	v12 =	vand.u32 $0xFFFFFC00, v12  }
0xf2: {  	v53 =	vand.u32 $0x7F, v11;
	v12 =	vadd.s32 v7, v12  }
0xf3: {  	vm11 =	vlt.s32 v11, $0x300;
	v54 =	vor.u32 v53, v12  }
0xf4: {  	v55 =	vadd.s32 $0x1100, v9;
	v11 =	vor.u32 v3, v54  }
0xf5: {  	v56 =	vor.u32 v8, v55;
	_ =	sdelay $0x3  }
0xf6: {  	[tilespmem:v11+s10+$0x0] =	vst.idx.add.s32.msk vm11, v4  }
0xf7: {  	v11 =	vld.idx.msk [tilespmem:v56+s2+$0x0], $0xffff;
	_ =	sdelay $0x4  }
0xf8: {  	v13 =	vshll.u32 v11, $0x3  }
0xf9: {  	v13 =	vand.u32 $0xFFFFFC00, v13  }
0xfa: {  	v57 =	vand.u32 $0x7F, v11;
	v13 =	vadd.s32 v7, v13  }
0xfb: {  	vm12 =	vlt.s32 v11, $0x300;
	v58 =	vor.u32 v57, v13  }
0xfc: {  	v11 =	vor.u32 v3, v58  }
0xfd: {  	v12 =	vor.u32 v10, v55;
	_ =	sdelay $0x3  }
0xfe: {  	[tilespmem:v11+s10+$0x0] =	vst.idx.add.s32.msk vm12, v2  }
0xff: {  	v11 =	vld.idx.msk [tilespmem:v12+s2+$0x0], $0xffff;
	_ =	sdelay $0x4  }
0x100: {  	v12 =	vshll.u32 v11, $0x3  }
0x101: {  	v12 =	vand.u32 $0xFFFFFC00, v12  }
0x102: {  	v59 =	vand.u32 $0x7F, v11;
	v12 =	vadd.s32 v7, v12  }
0x103: {  	vm13 =	vlt.s32 v11, $0x300;
	v60 =	vor.u32 v59, v12  }
0x104: {  	v61 =	vadd.s32 $0x1180, v9;
	v11 =	vor.u32 v3, v60  }
0x105: {  	v62 =	vor.u32 v8, v61;
	_ =	sdelay $0x3  }
0x106: {  	[tilespmem:v11+s10+$0x0] =	vst.idx.add.s32.msk vm13, v4  }
0x107: {  	v11 =	vld.idx.msk [tilespmem:v62+s2+$0x0], $0xffff;
	_ =	sdelay $0x4  }
0x108: {  	v13 =	vshll.u32 v11, $0x3  }
0x109: {  	v13 =	vand.u32 $0xFFFFFC00, v13  }
0x10a: {  	v63 =	vand.u32 $0x7F, v11;
	v13 =	vadd.s32 v7, v13  }
0x10b: {  	vm14 =	vlt.s32 v11, $0x300;
	v16 =	vor.u32 v63, v13  }
0x10c: {  	v11 =	vor.u32 v3, v16  }
0x10d: {  	v12 =	vor.u32 v10, v61;
	_ =	sdelay $0x3  }
0x10e: {  	[tilespmem:v11+s10+$0x0] =	vst.idx.add.s32.msk vm14, v2  }
0x10f: {  	v11 =	vld.idx.msk [tilespmem:v12+s2+$0x0], $0xffff;
	_ =	sdelay $0x4  }
0x110: {  	v12 =	vshll.u32 v11, $0x3  }
0x111: {  	v12 =	vand.u32 $0xFFFFFC00, v12  }
0x112: {  	v17 =	vand.u32 $0x7F, v11;
	v12 =	vadd.s32 v7, v12  }
0x113: {  	vm15 =	vlt.s32 v11, $0x300;
	v18 =	vor.u32 v17, v12  }
0x114: {  	v19 =	vadd.s32 $0x1200, v9;
	v11 =	vor.u32 v3, v18  }
0x115: {  	v20 =	vor.u32 v8, v19;
	_ =	sdelay $0x3  }
0x116: {  	[tilespmem:v11+s10+$0x0] =	vst.idx.add.s32.msk vm15, v4  }
0x117: {  	v11 =	vld.idx.msk [tilespmem:v20+s2+$0x0], $0xffff;
	_ =	sdelay $0x4  }
0x118: {  	v13 =	vshll.u32 v11, $0x3  }
0x119: {  	v13 =	vand.u32 $0xFFFFFC00, v13  }
0x11a: {  	v21 =	vand.u32 $0x7F, v11;
	v13 =	vadd.s32 v7, v13  }
0x11b: {  	vm4 =	vlt.s32 v11, $0x300;
	v22 =	vor.u32 v21, v13  }
0x11c: {  	v11 =	vor.u32 v3, v22  }
0x11d: {  	v12 =	vor.u32 v10, v19;
	_ =	sdelay $0x3  }
0x11e: {  	[tilespmem:v11+s10+$0x0] =	vst.idx.add.s32.msk vm4, v2  }
0x11f: {  	v11 =	vld.idx.msk [tilespmem:v12+s2+$0x0], $0xffff;
	_ =	sdelay $0x4  }
0x120: {  	v12 =	vshll.u32 v11, $0x3  }
0x121: {  	v12 =	vand.u32 $0xFFFFFC00, v12  }
0x122: {  	v23 =	vand.u32 $0x7F, v11;
	v12 =	vadd.s32 v7, v12  }
0x123: {  	vm5 =	vlt.s32 v11, $0x300;
	v24 =	vor.u32 v23, v12  }
0x124: {  	v25 =	vadd.s32 $0x1280, v9;
	v11 =	vor.u32 v3, v24  }
0x125: {  	v26 =	vor.u32 v8, v25;
	_ =	sdelay $0x3  }
0x126: {  	[tilespmem:v11+s10+$0x0] =	vst.idx.add.s32.msk vm5, v4  }
0x127: {  	v11 =	vld.idx.msk [tilespmem:v26+s2+$0x0], $0xffff;
	_ =	sdelay $0x4  }
0x128: {  	v13 =	vshll.u32 v11, $0x3  }
0x129: {  	v13 =	vand.u32 $0xFFFFFC00, v13  }
0x12a: {  	v27 =	vand.u32 $0x7F, v11;
	v13 =	vadd.s32 v7, v13  }
0x12b: {  	vm6 =	vlt.s32 v11, $0x300;
	v28 =	vor.u32 v27, v13  }
0x12c: {  	v11 =	vor.u32 v3, v28  }
0x12d: {  	v12 =	vor.u32 v10, v25;
	_ =	sdelay $0x3  }
0x12e: {  	[tilespmem:v11+s10+$0x0] =	vst.idx.add.s32.msk vm6, v2  }
0x12f: {  	v11 =	vld.idx.msk [tilespmem:v12+s2+$0x0], $0xffff;
	_ =	sdelay $0x4  }
0x130: {  	v12 =	vshll.u32 v11, $0x3  }
0x131: {  	v12 =	vand.u32 $0xFFFFFC00, v12  }
0x132: {  	v29 =	vand.u32 $0x7F, v11;
	v12 =	vadd.s32 v7, v12  }
0x133: {  	vm7 =	vlt.s32 v11, $0x300;
	v30 =	vor.u32 v29, v12  }
0x134: {  	v31 =	vadd.s32 $0x1300, v9;
	v11 =	vor.u32 v3, v30  }
0x135: {  	v32 =	vor.u32 v8, v31;
	_ =	sdelay $0x3  }
0x136: {  	[tilespmem:v11+s10+$0x0] =	vst.idx.add.s32.msk vm7, v4  }
0x137: {  	v11 =	vld.idx.msk [tilespmem:v32+s2+$0x0], $0xffff;
	_ =	sdelay $0x4  }
0x138: {  	v13 =	vshll.u32 v11, $0x3  }
0x139: {  	v13 =	vand.u32 $0xFFFFFC00, v13  }
0x13a: {  	v33 =	vand.u32 $0x7F, v11;
	v13 =	vadd.s32 v7, v13  }
0x13b: {  	vm8 =	vlt.s32 v11, $0x300;
	v34 =	vor.u32 v33, v13  }
0x13c: {  	v11 =	vor.u32 v3, v34  }
0x13d: {  	v12 =	vor.u32 v10, v31;
	_ =	sdelay $0x3  }
0x13e: {  	[tilespmem:v11+s10+$0x0] =	vst.idx.add.s32.msk vm8, v2  }
0x13f: {  	v11 =	vld.idx.msk [tilespmem:v12+s2+$0x0], $0xffff;
	_ =	sdelay $0x4  }
0x140: {  	v12 =	vshll.u32 v11, $0x3  }
0x141: {  	v12 =	vand.u32 $0xFFFFFC00, v12  }
0x142: {  	v35 =	vand.u32 $0x7F, v11;
	v12 =	vadd.s32 v7, v12  }
0x143: {  	vm9 =	vlt.s32 v11, $0x300;
	v36 =	vor.u32 v35, v12  }
0x144: {  	v37 =	vadd.s32 $0x1380, v9;
	v11 =	vor.u32 v3, v36  }
0x145: {  	v38 =	vor.u32 v8, v37;
	_ =	sdelay $0x3  }
0x146: {  	[tilespmem:v11+s10+$0x0] =	vst.idx.add.s32.msk vm9, v4  }
0x147: {  	v11 =	vld.idx.msk [tilespmem:v38+s2+$0x0], $0xffff;
	_ =	sdelay $0x4  }
0x148: {  	v13 =	vshll.u32 v11, $0x3  }
0x149: {  	v13 =	vand.u32 $0xFFFFFC00, v13  }
0x14a: {  	v39 =	vand.u32 $0x7F, v11;
	v13 =	vadd.s32 v7, v13  }
0x14b: {  	vm10 =	vlt.s32 v11, $0x300;
	v40 =	vor.u32 v39, v13  }
0x14c: {  	v11 =	vor.u32 v3, v40  }
0x14d: {  	v12 =	vor.u32 v10, v37;
	_ =	sdelay $0x3  }
0x14e: {  	[tilespmem:v11+s10+$0x0] =	vst.idx.add.s32.msk vm10, v2  }
0x14f: {  	v11 =	vld.idx.msk [tilespmem:v12+s2+$0x0], $0xffff;
	_ =	sdelay $0x4  }
0x150: {  	v12 =	vshll.u32 v11, $0x3  }
0x151: {  	v12 =	vand.u32 $0xFFFFFC00, v12  }
0x152: {  	v41 =	vand.u32 $0x7F, v11;
	v12 =	vadd.s32 v7, v12  }
0x153: {  	vm11 =	vlt.s32 v11, $0x300;
	v42 =	vor.u32 v41, v12  }
0x154: {  	v43 =	vadd.s32 $0x2000, v9;
	v11 =	vor.u32 v3, v42  }
0x155: {  	v44 =	vor.u32 v8, v43;
	_ =	sdelay $0x3  }
0x156: {  	[tilespmem:v11+s10+$0x0] =	vst.idx.add.s32.msk vm11, v4  }
0x157: {  	v11 =	vld.idx.msk [tilespmem:v44+s2+$0x0], $0xffff;
	_ =	sdelay $0x4  }
0x158: {  	v13 =	vshll.u32 v11, $0x3  }
0x159: {  	v13 =	vand.u32 $0xFFFFFC00, v13  }
0x15a: {  	v45 =	vand.u32 $0x7F, v11;
	v13 =	vadd.s32 v7, v13  }
0x15b: {  	vm12 =	vlt.s32 v11, $0x300;
	v46 =	vor.u32 v45, v13  }
0x15c: {  	v11 =	vor.u32 v3, v46  }
0x15d: {  	v12 =	vor.u32 v10, v43;
	_ =	sdelay $0x3  }
0x15e: {  	[tilespmem:v11+s10+$0x0] =	vst.idx.add.s32.msk vm12, v2  }
0x15f: {  	v11 =	vld.idx.msk [tilespmem:v12+s2+$0x0], $0xffff;
	_ =	sdelay $0x4  }
0x160: {  	v12 =	vshll.u32 v11, $0x3  }
0x161: {  	v12 =	vand.u32 $0xFFFFFC00, v12  }
0x162: {  	v47 =	vand.u32 $0x7F, v11;
	v12 =	vadd.s32 v7, v12  }
0x163: {  	vm13 =	vlt.s32 v11, $0x300;
	v48 =	vor.u32 v47, v12  }
0x164: {  	v49 =	vadd.s32 $0x2080, v9;
	v11 =	vor.u32 v3, v48  }
0x165: {  	v50 =	vor.u32 v8, v49;
	_ =	sdelay $0x3  }
0x166: {  	[tilespmem:v11+s10+$0x0] =	vst.idx.add.s32.msk vm13, v4  }
0x167: {  	v11 =	vld.idx.msk [tilespmem:v50+s2+$0x0], $0xffff;
	_ =	sdelay $0x4  }
0x168: {  	v13 =	vshll.u32 v11, $0x3  }
0x169: {  	v13 =	vand.u32 $0xFFFFFC00, v13  }
0x16a: {  	v51 =	vand.u32 $0x7F, v11;
	v13 =	vadd.s32 v7, v13  }
0x16b: {  	vm14 =	vlt.s32 v11, $0x300;
	v52 =	vor.u32 v51, v13  }
0x16c: {  	v11 =	vor.u32 v3, v52  }
0x16d: {  	v12 =	vor.u32 v10, v49;
	_ =	sdelay $0x3  }
0x16e: {  	[tilespmem:v11+s10+$0x0] =	vst.idx.add.s32.msk vm14, v2  }
0x16f: {  	v11 =	vld.idx.msk [tilespmem:v12+s2+$0x0], $0xffff;
	_ =	sdelay $0x4  }
0x170: {  	v12 =	vshll.u32 v11, $0x3  }
0x171: {  	v12 =	vand.u32 $0xFFFFFC00, v12  }
0x172: {  	v53 =	vand.u32 $0x7F, v11;
	v12 =	vadd.s32 v7, v12  }
0x173: {  	vm15 =	vlt.s32 v11, $0x300;
	v54 =	vor.u32 v53, v12  }
0x174: {  	v55 =	vadd.s32 $0x2100, v9;
	v11 =	vor.u32 v3, v54  }
0x175: {  	v56 =	vor.u32 v8, v55;
	_ =	sdelay $0x3  }
0x176: {  	[tilespmem:v11+s10+$0x0] =	vst.idx.add.s32.msk vm15, v4  }
0x177: {  	v11 =	vld.idx.msk [tilespmem:v56+s2+$0x0], $0xffff;
	_ =	sdelay $0x4  }
0x178: {  	v13 =	vshll.u32 v11, $0x3  }
0x179: {  	v13 =	vand.u32 $0xFFFFFC00, v13  }
0x17a: {  	v57 =	vand.u32 $0x7F, v11;
	v13 =	vadd.s32 v7, v13  }
0x17b: {  	vm4 =	vlt.s32 v11, $0x300;
	v58 =	vor.u32 v57, v13  }
0x17c: {  	v11 =	vor.u32 v3, v58  }
0x17d: {  	v12 =	vor.u32 v10, v55;
	_ =	sdelay $0x3  }
0x17e: {  	[tilespmem:v11+s10+$0x0] =	vst.idx.add.s32.msk vm4, v2  }
0x17f: {  	v11 =	vld.idx.msk [tilespmem:v12+s2+$0x0], $0xffff;
	_ =	sdelay $0x4  }
0x180: {  	v12 =	vshll.u32 v11, $0x3  }
0x181: {  	v12 =	vand.u32 $0xFFFFFC00, v12  }
0x182: {  	v59 =	vand.u32 $0x7F, v11;
	v12 =	vadd.s32 v7, v12  }
0x183: {  	vm5 =	vlt.s32 v11, $0x300;
	v60 =	vor.u32 v59, v12  }
0x184: {  	v61 =	vadd.s32 $0x2180, v9;
	v11 =	vor.u32 v3, v60  }
0x185: {  	v62 =	vor.u32 v8, v61;
	_ =	sdelay $0x3  }
0x186: {  	[tilespmem:v11+s10+$0x0] =	vst.idx.add.s32.msk vm5, v4  }
0x187: {  	v11 =	vld.idx.msk [tilespmem:v62+s2+$0x0], $0xffff;
	_ =	sdelay $0x4  }
0x188: {  	v13 =	vshll.u32 v11, $0x3  }
0x189: {  	v13 =	vand.u32 $0xFFFFFC00, v13  }
0x18a: {  	v63 =	vand.u32 $0x7F, v11;
	v13 =	vadd.s32 v7, v13  }
0x18b: {  	vm6 =	vlt.s32 v11, $0x300;
	v16 =	vor.u32 v63, v13  }
0x18c: {  	v11 =	vor.u32 v3, v16  }
0x18d: {  	v12 =	vor.u32 v10, v61;
	_ =	sdelay $0x3  }
0x18e: {  	[tilespmem:v11+s10+$0x0] =	vst.idx.add.s32.msk vm6, v2  }
0x18f: {  	v11 =	vld.idx.msk [tilespmem:v12+s2+$0x0], $0xffff;
	_ =	sdelay $0x4  }
0x190: {  	v12 =	vshll.u32 v11, $0x3  }
0x191: {  	v12 =	vand.u32 $0xFFFFFC00, v12  }
0x192: {  	v17 =	vand.u32 $0x7F, v11;
	v12 =	vadd.s32 v7, v12  }
0x193: {  	vm7 =	vlt.s32 v11, $0x300;
	v18 =	vor.u32 v17, v12  }
0x194: {  	v19 =	vadd.s32 $0x2200, v9;
	v11 =	vor.u32 v3, v18  }
0x195: {  	v20 =	vor.u32 v8, v19;
	_ =	sdelay $0x3  }
0x196: {  	[tilespmem:v11+s10+$0x0] =	vst.idx.add.s32.msk vm7, v4  }
0x197: {  	v11 =	vld.idx.msk [tilespmem:v20+s2+$0x0], $0xffff;
	_ =	sdelay $0x4  }
0x198: {  	v13 =	vshll.u32 v11, $0x3  }
0x199: {  	v13 =	vand.u32 $0xFFFFFC00, v13  }
0x19a: {  	v21 =	vand.u32 $0x7F, v11;
	v13 =	vadd.s32 v7, v13  }
0x19b: {  	vm8 =	vlt.s32 v11, $0x300;
	v22 =	vor.u32 v21, v13  }
0x19c: {  	v11 =	vor.u32 v3, v22  }
0x19d: {  	v12 =	vor.u32 v10, v19;
	_ =	sdelay $0x3  }
0x19e: {  	[tilespmem:v11+s10+$0x0] =	vst.idx.add.s32.msk vm8, v2  }
0x19f: {  	v11 =	vld.idx.msk [tilespmem:v12+s2+$0x0], $0xffff;
	_ =	sdelay $0x4  }
0x1a0: {  	v12 =	vshll.u32 v11, $0x3  }
0x1a1: {  	v12 =	vand.u32 $0xFFFFFC00, v12  }
0x1a2: {  	v23 =	vand.u32 $0x7F, v11;
	v12 =	vadd.s32 v7, v12  }
0x1a3: {  	vm9 =	vlt.s32 v11, $0x300;
	v24 =	vor.u32 v23, v12  }
0x1a4: {  	v25 =	vadd.s32 $0x2280, v9;
	v11 =	vor.u32 v3, v24  }
0x1a5: {  	v26 =	vor.u32 v8, v25;
	_ =	sdelay $0x3  }
0x1a6: {  	[tilespmem:v11+s10+$0x0] =	vst.idx.add.s32.msk vm9, v4  }
0x1a7: {  	v11 =	vld.idx.msk [tilespmem:v26+s2+$0x0], $0xffff;
	_ =	sdelay $0x4  }
0x1a8: {  	v13 =	vshll.u32 v11, $0x3  }
0x1a9: {  	v13 =	vand.u32 $0xFFFFFC00, v13  }
0x1aa: {  	v27 =	vand.u32 $0x7F, v11;
	v13 =	vadd.s32 v7, v13  }
0x1ab: {  	vm10 =	vlt.s32 v11, $0x300;
	v28 =	vor.u32 v27, v13  }
0x1ac: {  	v11 =	vor.u32 v3, v28  }
0x1ad: {  	v12 =	vor.u32 v10, v25;
	_ =	sdelay $0x3  }
0x1ae: {  	[tilespmem:v11+s10+$0x0] =	vst.idx.add.s32.msk vm10, v2  }
0x1af: {  	v11 =	vld.idx.msk [tilespmem:v12+s2+$0x0], $0xffff;
	_ =	sdelay $0x4  }
0x1b0: {  	v12 =	vshll.u32 v11, $0x3  }
0x1b1: {  	v12 =	vand.u32 $0xFFFFFC00, v12  }
0x1b2: {  	v29 =	vand.u32 $0x7F, v11;
	v12 =	vadd.s32 v7, v12  }
0x1b3: {  	vm11 =	vlt.s32 v11, $0x300;
	v30 =	vor.u32 v29, v12  }
0x1b4: {  	v31 =	vadd.s32 $0x2300, v9;
	v11 =	vor.u32 v3, v30  }
0x1b5: {  	v32 =	vor.u32 v8, v31;
	_ =	sdelay $0x3  }
0x1b6: {  	[tilespmem:v11+s10+$0x0] =	vst.idx.add.s32.msk vm11, v4  }
0x1b7: {  	v11 =	vld.idx.msk [tilespmem:v32+s2+$0x0], $0xffff;
	_ =	sdelay $0x4  }
0x1b8: {  	v13 =	vshll.u32 v11, $0x3  }
0x1b9: {  	v13 =	vand.u32 $0xFFFFFC00, v13  }
0x1ba: {  	v33 =	vand.u32 $0x7F, v11;
	v13 =	vadd.s32 v7, v13  }
0x1bb: {  	vm12 =	vlt.s32 v11, $0x300;
	v34 =	vor.u32 v33, v13  }
0x1bc: {  	v11 =	vor.u32 v3, v34  }
0x1bd: {  	v12 =	vor.u32 v10, v31;
	_ =	sdelay $0x3  }
0x1be: {  	[tilespmem:v11+s10+$0x0] =	vst.idx.add.s32.msk vm12, v2  }
0x1bf: {  	v11 =	vld.idx.msk [tilespmem:v12+s2+$0x0], $0xffff;
	_ =	sdelay $0x4  }
0x1c0: {  	v12 =	vshll.u32 v11, $0x3  }
0x1c1: {  	v12 =	vand.u32 $0xFFFFFC00, v12  }
0x1c2: {  	v35 =	vand.u32 $0x7F, v11;
	v12 =	vadd.s32 v7, v12  }
0x1c3: {  	vm13 =	vlt.s32 v11, $0x300;
	v36 =	vor.u32 v35, v12  }
0x1c4: {  	v37 =	vadd.s32 $0x2380, v9;
	v11 =	vor.u32 v3, v36  }
0x1c5: {  	v38 =	vor.u32 v8, v37;
	_ =	sdelay $0x3  }
0x1c6: {  	[tilespmem:v11+s10+$0x0] =	vst.idx.add.s32.msk vm13, v4  }
0x1c7: {  	v11 =	vld.idx.msk [tilespmem:v38+s2+$0x0], $0xffff;
	_ =	sdelay $0x4  }
0x1c8: {  	v13 =	vshll.u32 v11, $0x3  }
0x1c9: {  	v13 =	vand.u32 $0xFFFFFC00, v13  }
0x1ca: {  	v39 =	vand.u32 $0x7F, v11;
	v13 =	vadd.s32 v7, v13  }
0x1cb: {  	vm14 =	vlt.s32 v11, $0x300;
	v40 =	vor.u32 v39, v13  }
0x1cc: {  	v11 =	vor.u32 v3, v40  }
0x1cd: {  	v12 =	vor.u32 v10, v37;
	_ =	sdelay $0x3  }
0x1ce: {  	[tilespmem:v11+s10+$0x0] =	vst.idx.add.s32.msk vm14, v2  }
0x1cf: {  	v11 =	vld.idx.msk [tilespmem:v12+s2+$0x0], $0xffff;
	_ =	sdelay $0x4  }
0x1d0: {  	v12 =	vshll.u32 v11, $0x3  }
0x1d1: {  	v12 =	vand.u32 $0xFFFFFC00, v12  }
0x1d2: {  	v41 =	vand.u32 $0x7F, v11;
	v12 =	vadd.s32 v7, v12  }
0x1d3: {  	vm15 =	vlt.s32 v11, $0x300;
	v42 =	vor.u32 v41, v12  }
0x1d4: {  	v43 =	vadd.s32 $0x3000, v9;
	v11 =	vor.u32 v3, v42  }
0x1d5: {  	v44 =	vor.u32 v8, v43;
	_ =	sdelay $0x3  }
0x1d6: {  	[tilespmem:v11+s10+$0x0] =	vst.idx.add.s32.msk vm15, v4  }
0x1d7: {  	v11 =	vld.idx.msk [tilespmem:v44+s2+$0x0], $0xffff;
	_ =	sdelay $0x4  }
0x1d8: {  	v13 =	vshll.u32 v11, $0x3  }
0x1d9: {  	v13 =	vand.u32 $0xFFFFFC00, v13  }
0x1da: {  	v45 =	vand.u32 $0x7F, v11;
	v13 =	vadd.s32 v7, v13  }
0x1db: {  	vm4 =	vlt.s32 v11, $0x300;
	v46 =	vor.u32 v45, v13  }
0x1dc: {  	v11 =	vor.u32 v3, v46  }
0x1dd: {  	v12 =	vor.u32 v10, v43;
	_ =	sdelay $0x3  }
0x1de: {  	[tilespmem:v11+s10+$0x0] =	vst.idx.add.s32.msk vm4, v2  }
0x1df: {  	v11 =	vld.idx.msk [tilespmem:v12+s2+$0x0], $0xffff;
	_ =	sdelay $0x4  }
0x1e0: {  	v12 =	vshll.u32 v11, $0x3  }
0x1e1: {  	v12 =	vand.u32 $0xFFFFFC00, v12  }
0x1e2: {  	v47 =	vand.u32 $0x7F, v11;
	v12 =	vadd.s32 v7, v12  }
0x1e3: {  	vm5 =	vlt.s32 v11, $0x300;
	v48 =	vor.u32 v47, v12  }
0x1e4: {  	v49 =	vadd.s32 $0x3080, v9;
	v11 =	vor.u32 v3, v48  }
0x1e5: {  	v50 =	vor.u32 v8, v49;
	_ =	sdelay $0x3  }
0x1e6: {  	[tilespmem:v11+s10+$0x0] =	vst.idx.add.s32.msk vm5, v4  }
0x1e7: {  	v11 =	vld.idx.msk [tilespmem:v50+s2+$0x0], $0xffff;
	_ =	sdelay $0x4  }
0x1e8: {  	v13 =	vshll.u32 v11, $0x3  }
0x1e9: {  	v13 =	vand.u32 $0xFFFFFC00, v13  }
0x1ea: {  	v51 =	vand.u32 $0x7F, v11;
	v13 =	vadd.s32 v7, v13  }
0x1eb: {  	vm6 =	vlt.s32 v11, $0x300;
	v52 =	vor.u32 v51, v13  }
0x1ec: {  	v11 =	vor.u32 v3, v52  }
0x1ed: {  	v12 =	vor.u32 v10, v49;
	_ =	sdelay $0x3  }
0x1ee: {  	[tilespmem:v11+s10+$0x0] =	vst.idx.add.s32.msk vm6, v2  }
0x1ef: {  	v11 =	vld.idx.msk [tilespmem:v12+s2+$0x0], $0xffff;
	_ =	sdelay $0x4  }
0x1f0: {  	v12 =	vshll.u32 v11, $0x3  }
0x1f1: {  	v12 =	vand.u32 $0xFFFFFC00, v12  }
0x1f2: {  	v53 =	vand.u32 $0x7F, v11;
	v12 =	vadd.s32 v7, v12  }
0x1f3: {  	vm7 =	vlt.s32 v11, $0x300;
	v54 =	vor.u32 v53, v12  }
0x1f4: {  	v55 =	vadd.s32 $0x3100, v9;
	v11 =	vor.u32 v3, v54  }
0x1f5: {  	v56 =	vor.u32 v8, v55;
	_ =	sdelay $0x3  }
0x1f6: {  	[tilespmem:v11+s10+$0x0] =	vst.idx.add.s32.msk vm7, v4  }
0x1f7: {  	v11 =	vld.idx.msk [tilespmem:v56+s2+$0x0], $0xffff;
	_ =	sdelay $0x4  }
0x1f8: {  	v13 =	vshll.u32 v11, $0x3  }
0x1f9: {  	v13 =	vand.u32 $0xFFFFFC00, v13  }
0x1fa: {  	v57 =	vand.u32 $0x7F, v11;
	v13 =	vadd.s32 v7, v13  }
0x1fb: {  	vm8 =	vlt.s32 v11, $0x300;
	v58 =	vor.u32 v57, v13  }
0x1fc: {  	v11 =	vor.u32 v3, v58  }
0x1fd: {  	v12 =	vor.u32 v10, v55;
	_ =	sdelay $0x3  }
0x1fe: {  	[tilespmem:v11+s10+$0x0] =	vst.idx.add.s32.msk vm8, v2  }
0x1ff: {  	v11 =	vld.idx.msk [tilespmem:v12+s2+$0x0], $0xffff;
	_ =	sdelay $0x4  }
0x200: {  	v12 =	vshll.u32 v11, $0x3  }
0x201: {  	v12 =	vand.u32 $0xFFFFFC00, v12  }
0x202: {  	v59 =	vand.u32 $0x7F, v11;
	v12 =	vadd.s32 v7, v12  }
0x203: {  	vm9 =	vlt.s32 v11, $0x300;
	v60 =	vor.u32 v59, v12  }
0x204: {  	v61 =	vadd.s32 $0x3180, v9;
	v11 =	vor.u32 v3, v60  }
0x205: {  	v62 =	vor.u32 v8, v61;
	_ =	sdelay $0x3  }
0x206: {  	[tilespmem:v11+s10+$0x0] =	vst.idx.add.s32.msk vm9, v4  }
0x207: {  	v11 =	vld.idx.msk [tilespmem:v62+s2+$0x0], $0xffff;
	_ =	sdelay $0x4  }
0x208: {  	v13 =	vshll.u32 v11, $0x3  }
0x209: {  	v13 =	vand.u32 $0xFFFFFC00, v13  }
0x20a: {  	v63 =	vand.u32 $0x7F, v11;
	v13 =	vadd.s32 v7, v13  }
0x20b: {  	vm10 =	vlt.s32 v11, $0x300;
	v16 =	vor.u32 v63, v13  }
0x20c: {  	v11 =	vor.u32 v3, v16  }
0x20d: {  	v12 =	vor.u32 v10, v61;
	_ =	sdelay $0x3  }
0x20e: {  	[tilespmem:v11+s10+$0x0] =	vst.idx.add.s32.msk vm10, v2  }
0x20f: {  	v11 =	vld.idx.msk [tilespmem:v12+s2+$0x0], $0xffff;
	_ =	sdelay $0x4  }
0x210: {  	v12 =	vshll.u32 v11, $0x3  }
0x211: {  	v12 =	vand.u32 $0xFFFFFC00, v12  }
0x212: {  	v17 =	vand.u32 $0x7F, v11;
	v12 =	vadd.s32 v7, v12  }
0x213: {  	vm11 =	vlt.s32 v11, $0x300;
	v18 =	vor.u32 v17, v12  }
0x214: {  	v19 =	vadd.s32 $0x3200, v9;
	v11 =	vor.u32 v3, v18  }
0x215: {  	v20 =	vor.u32 v8, v19;
	_ =	sdelay $0x3  }
0x216: {  	[tilespmem:v11+s10+$0x0] =	vst.idx.add.s32.msk vm11, v4  }
0x217: {  	v11 =	vld.idx.msk [tilespmem:v20+s2+$0x0], $0xffff;
	_ =	sdelay $0x4  }
0x218: {  	v13 =	vshll.u32 v11, $0x3  }
0x219: {  	v13 =	vand.u32 $0xFFFFFC00, v13  }
0x21a: {  	v21 =	vand.u32 $0x7F, v11;
	v13 =	vadd.s32 v7, v13  }
0x21b: {  	vm12 =	vlt.s32 v11, $0x300;
	v22 =	vor.u32 v21, v13  }
0x21c: {  	v11 =	vor.u32 v3, v22  }
0x21d: {  	v12 =	vor.u32 v10, v19;
	_ =	sdelay $0x3  }
0x21e: {  	[tilespmem:v11+s10+$0x0] =	vst.idx.add.s32.msk vm12, v2  }
0x21f: {  	v11 =	vld.idx.msk [tilespmem:v12+s2+$0x0], $0xffff;
	_ =	sdelay $0x4  }
0x220: {  	v12 =	vshll.u32 v11, $0x3  }
0x221: {  	v12 =	vand.u32 $0xFFFFFC00, v12  }
0x222: {  	v23 =	vand.u32 $0x7F, v11;
	v12 =	vadd.s32 v7, v12  }
0x223: {  	vm13 =	vlt.s32 v11, $0x300;
	v24 =	vor.u32 v23, v12  }
0x224: {  	v25 =	vadd.s32 $0x3280, v9;
	v11 =	vor.u32 v3, v24  }
0x225: {  	v26 =	vor.u32 v8, v25;
	_ =	sdelay $0x3  }
0x226: {  	[tilespmem:v11+s10+$0x0] =	vst.idx.add.s32.msk vm13, v4  }
0x227: {  	v11 =	vld.idx.msk [tilespmem:v26+s2+$0x0], $0xffff;
	_ =	sdelay $0x4  }
0x228: {  	v13 =	vshll.u32 v11, $0x3  }
0x229: {  	v13 =	vand.u32 $0xFFFFFC00, v13  }
0x22a: {  	v27 =	vand.u32 $0x7F, v11;
	v13 =	vadd.s32 v7, v13  }
0x22b: {  	vm14 =	vlt.s32 v11, $0x300;
	v28 =	vor.u32 v27, v13  }
0x22c: {  	v11 =	vor.u32 v3, v28  }
0x22d: {  	v12 =	vor.u32 v10, v25;
	_ =	sdelay $0x3  }
0x22e: {  	[tilespmem:v11+s10+$0x0] =	vst.idx.add.s32.msk vm14, v2  }
0x22f: {  	v11 =	vld.idx.msk [tilespmem:v12+s2+$0x0], $0xffff;
	_ =	sdelay $0x4  }
0x230: {  	v12 =	vshll.u32 v11, $0x3  }
0x231: {  	v12 =	vand.u32 $0xFFFFFC00, v12  }
0x232: {  	v29 =	vand.u32 $0x7F, v11;
	v12 =	vadd.s32 v7, v12  }
0x233: {  	vm15 =	vlt.s32 v11, $0x300;
	v30 =	vor.u32 v29, v12  }
0x234: {  	v31 =	vadd.s32 $0x3300, v9;
	v11 =	vor.u32 v3, v30  }
0x235: {  	v32 =	vor.u32 v8, v31;
	_ =	sdelay $0x3  }
0x236: {  	[tilespmem:v11+s10+$0x0] =	vst.idx.add.s32.msk vm15, v4  }
0x237: {  	v11 =	vld.idx.msk [tilespmem:v32+s2+$0x0], $0xffff;
	_ =	sdelay $0x4  }
0x238: {  	v13 =	vshll.u32 v11, $0x3  }
0x239: {  	v13 =	vand.u32 $0xFFFFFC00, v13  }
0x23a: {  	v33 =	vand.u32 $0x7F, v11;
	v13 =	vadd.s32 v7, v13  }
0x23b: {  	vm4 =	vlt.s32 v11, $0x300;
	v34 =	vor.u32 v33, v13  }
0x23c: {  	v11 =	vor.u32 v3, v34  }
0x23d: {  	v12 =	vor.u32 v10, v31;
	_ =	sdelay $0x3  }
0x23e: {  	[tilespmem:v11+s10+$0x0] =	vst.idx.add.s32.msk vm4, v2  }
0x23f: {  	v11 =	vld.idx.msk [tilespmem:v12+s2+$0x0], $0xffff;
	_ =	sdelay $0x4  }
0x240: {  	v12 =	vshll.u32 v11, $0x3  }
0x241: {  	v12 =	vand.u32 $0xFFFFFC00, v12  }
0x242: {  	v35 =	vand.u32 $0x7F, v11;
	v12 =	vadd.s32 v7, v12  }
0x243: {  	vm5 =	vlt.s32 v11, $0x300;
	v36 =	vor.u32 v35, v12  }
0x244: {  	v37 =	vadd.s32 $0x3380, v9;
	v11 =	vor.u32 v3, v36  }
0x245: {  	v38 =	vor.u32 v8, v37;
	_ =	sdelay $0x3  }
0x246: {  	[tilespmem:v11+s10+$0x0] =	vst.idx.add.s32.msk vm5, v4  }
0x247: {  	v11 =	vld.idx.msk [tilespmem:v38+s2+$0x0], $0xffff;
	_ =	sdelay $0x4  }
0x248: {  	v13 =	vshll.u32 v11, $0x3  }
0x249: {  	v13 =	vand.u32 $0xFFFFFC00, v13  }
0x24a: {  	v39 =	vand.u32 $0x7F, v11;
	v13 =	vadd.s32 v7, v13  }
0x24b: {  	vm6 =	vlt.s32 v11, $0x300;
	v40 =	vor.u32 v39, v13  }
0x24c: {  	v11 =	vor.u32 v3, v40  }
0x24d: {  	v12 =	vor.u32 v10, v37;
	_ =	sdelay $0x3  }
0x24e: {  	[tilespmem:v11+s10+$0x0] =	vst.idx.add.s32.msk vm6, v2  }
0x24f: {  	v11 =	vld.idx.msk [tilespmem:v12+s2+$0x0], $0xffff;
	_ =	sdelay $0x4  }
0x250: {  	v12 =	vshll.u32 v11, $0x3  }
0x251: {  	v12 =	vand.u32 $0xFFFFFC00, v12  }
0x252: {  	v41 =	vand.u32 $0x7F, v11;
	v12 =	vadd.s32 v7, v12  }
0x253: {  	vm7 =	vlt.s32 v11, $0x300;
	v42 =	vor.u32 v41, v12  }
0x254: {  	v43 =	vadd.s32 $0x4000, v9;
	v11 =	vor.u32 v3, v42  }
0x255: {  	v44 =	vor.u32 v8, v43;
	_ =	sdelay $0x3  }
0x256: {  	[tilespmem:v11+s10+$0x0] =	vst.idx.add.s32.msk vm7, v4  }
0x257: {  	v11 =	vld.idx.msk [tilespmem:v44+s2+$0x0], $0xffff;
	_ =	sdelay $0x4  }
0x258: {  	v13 =	vshll.u32 v11, $0x3  }
0x259: {  	v13 =	vand.u32 $0xFFFFFC00, v13  }
0x25a: {  	v45 =	vand.u32 $0x7F, v11;
	v13 =	vadd.s32 v7, v13  }
0x25b: {  	vm8 =	vlt.s32 v11, $0x300;
	v46 =	vor.u32 v45, v13  }
0x25c: {  	v11 =	vor.u32 v3, v46  }
0x25d: {  	v12 =	vor.u32 v10, v43;
	_ =	sdelay $0x3  }
0x25e: {  	[tilespmem:v11+s10+$0x0] =	vst.idx.add.s32.msk vm8, v2  }
0x25f: {  	v11 =	vld.idx.msk [tilespmem:v12+s2+$0x0], $0xffff;
	_ =	sdelay $0x4  }
0x260: {  	v12 =	vshll.u32 v11, $0x3  }
0x261: {  	v12 =	vand.u32 $0xFFFFFC00, v12  }
0x262: {  	v47 =	vand.u32 $0x7F, v11;
	v12 =	vadd.s32 v7, v12  }
0x263: {  	vm9 =	vlt.s32 v11, $0x300;
	v48 =	vor.u32 v47, v12  }
0x264: {  	v49 =	vadd.s32 $0x4080, v9;
	v11 =	vor.u32 v3, v48  }
0x265: {  	v50 =	vor.u32 v8, v49;
	_ =	sdelay $0x3  }
0x266: {  	[tilespmem:v11+s10+$0x0] =	vst.idx.add.s32.msk vm9, v4  }
0x267: {  	v11 =	vld.idx.msk [tilespmem:v50+s2+$0x0], $0xffff;
	_ =	sdelay $0x4  }
0x268: {  	v13 =	vshll.u32 v11, $0x3  }
0x269: {  	v13 =	vand.u32 $0xFFFFFC00, v13  }
0x26a: {  	v51 =	vand.u32 $0x7F, v11;
	v13 =	vadd.s32 v7, v13  }
0x26b: {  	vm10 =	vlt.s32 v11, $0x300;
	v52 =	vor.u32 v51, v13  }
0x26c: {  	v11 =	vor.u32 v3, v52  }
0x26d: {  	v12 =	vor.u32 v10, v49;
	_ =	sdelay $0x3  }
0x26e: {  	[tilespmem:v11+s10+$0x0] =	vst.idx.add.s32.msk vm10, v2  }
0x26f: {  	v11 =	vld.idx.msk [tilespmem:v12+s2+$0x0], $0xffff;
	_ =	sdelay $0x4  }
0x270: {  	v12 =	vshll.u32 v11, $0x3  }
0x271: {  	v12 =	vand.u32 $0xFFFFFC00, v12  }
0x272: {  	v53 =	vand.u32 $0x7F, v11;
	v12 =	vadd.s32 v7, v12  }
0x273: {  	vm11 =	vlt.s32 v11, $0x300;
	v54 =	vor.u32 v53, v12  }
0x274: {  	v55 =	vadd.s32 $0x4100, v9;
	v11 =	vor.u32 v3, v54  }
0x275: {  	v56 =	vor.u32 v8, v55;
	_ =	sdelay $0x3  }
0x276: {  	[tilespmem:v11+s10+$0x0] =	vst.idx.add.s32.msk vm11, v4  }
0x277: {  	v11 =	vld.idx.msk [tilespmem:v56+s2+$0x0], $0xffff;
	_ =	sdelay $0x4  }
0x278: {  	v13 =	vshll.u32 v11, $0x3  }
0x279: {  	v13 =	vand.u32 $0xFFFFFC00, v13  }
0x27a: {  	v57 =	vand.u32 $0x7F, v11;
	v13 =	vadd.s32 v7, v13  }
0x27b: {  	vm12 =	vlt.s32 v11, $0x300;
	v58 =	vor.u32 v57, v13  }
0x27c: {  	v11 =	vor.u32 v3, v58  }
0x27d: {  	v12 =	vor.u32 v10, v55;
	_ =	sdelay $0x3  }
0x27e: {  	[tilespmem:v11+s10+$0x0] =	vst.idx.add.s32.msk vm12, v2  }
0x27f: {  	v11 =	vld.idx.msk [tilespmem:v12+s2+$0x0], $0xffff;
	_ =	sdelay $0x4  }
0x280: {  	v12 =	vshll.u32 v11, $0x3  }
0x281: {  	v12 =	vand.u32 $0xFFFFFC00, v12  }
0x282: {  	v59 =	vand.u32 $0x7F, v11;
	v12 =	vadd.s32 v7, v12  }
0x283: {  	vm13 =	vlt.s32 v11, $0x300;
	v60 =	vor.u32 v59, v12  }
0x284: {  	v9 =	vadd.s32 $0x4180, v9;
	v11 =	vor.u32 v3, v60  }
0x285: {  	v8 =	vor.u32 v8, v9;
	_ =	sdelay $0x3  }
0x286: {  	[tilespmem:v11+s10+$0x0] =	vst.idx.add.s32.msk vm13, v4  }
0x287: {  	v8 =	vld.idx.msk [tilespmem:v8+s2+$0x0], $0xffff;
	_ =	sdelay $0x4  }
0x288: {  	v61 =	vshll.u32 v8, $0x3  }
0x289: {  	v11 =	vand.u32 $0xFFFFFC00, v61  }
0x28a: {  	v62 =	vand.u32 $0x7F, v8;
	v11 =	vadd.s32 v7, v11  }
0x28b: {  	vm14 =	vlt.s32 v8, $0x300;
	v8 =	vor.u32 v62, v11  }
0x28c: {  	v8 =	vor.u32 v3, v8  }
0x28d: {  	v9 =	vor.u32 v10, v9;
	_ =	sdelay $0x3  }
0x28e: {  	[tilespmem:v8+s10+$0x0] =	vst.idx.add.s32.msk vm14, v2  }
0x28f: {  	v8 =	vld.idx.msk [tilespmem:v9+s2+$0x0], $0xffff;
	_ =	sdelay $0x4  }
0x290: {  	v9 =	vshll.u32 v8, $0x3  }
0x291: {  	v9 =	vand.u32 $0xFFFFFC00, v9  }
0x292: {  	v63 =	vand.u32 $0x7F, v8;
	v7 =	vadd.s32 v7, v9  }
0x293: {  	vm15 =	vlt.s32 v8, $0x300;
	v7 =	vor.u32 v63, v7  }
0x294: {  	p1 =	sne.s32 s16, $0x30;
	v7 =	vor.u32 v3, v7  }
.Ltmp1:
0x295: {  	_ = 	snop;
	(pc) =	sbr.rel @p1 .LBB2_5-.Ltmp1, $2  }
0x296: {  	_ =	sdelay $0x2  }
0x297: {  	s16 =	sadd.s32 $0x10, s16;
	[tilespmem:v7+s10+$0x0] =	vst.idx.add.s32.msk vm15, v4  }
0x298: {  	s16 =	sor.u32 s5, s15  }
0x299: {  	s16 =	sshrl.u32 s16, $0x3  }
0x29a: {  	s16 =	smul.u32 $0x300, s16;
	_ =	sdelay $0x1  }
0x29b: {  	s17 =	sadd.s32 s3, s16;
	s16 =	simm.s32 $0x0  }
0x29c: {  	[hbm4b:s17+s16] =	stream.linear.scatter [tilespmem:s10], [sflag:$0x1], $0xC000, $0x38;
	[tilespmem:$0x1D000] =	vst v63  }
0x29d: {  	s17 =	sor.u32 $0x40, s15  }
0x29e: {  	v7 =	vor.u32 s17, v0  }
.LBB2_7:
0x29f: {  	v8 =	vor.u32 s16, v7  }
0x2a0: {  	v9 =	vshll.u32 v8, $0x1;
	v8 =	vshll.u32 v8, $0x4  }
0x2a1: {  	v9 =	vand.u32 $0x7E, v9;
	v10 =	vand.u32 $0x7FFFFC00, v8  }
0x2a2: {  	v8 =	vor.u32 v9, v10;
	_ =	sdelay $0x4  }
0x2a3: {  	v11 =	vld.idx.msk [tilespmem:v8+s2+$0x0], $0xffff;
	_ =	sdelay $0x2  }
0x2a4: {  	v8 =	vor.u32 s16, v0  }
0x2a5: {  	v8 =	vshrl.u32 v8, $0x3  }
0x2a6: {  	v8 =	vmul.u32 $0x1800, v8;
	v12 =	vshll.u32 v11, $0x3  }
0x2a7: {  	v12 =	vand.u32 $0xFFFFFC00, v12  }
0x2a8: {  	v13 =	vand.u32 $0x7F, v11;
	v12 =	vadd.s32 v8, v12  }
0x2a9: {  	vm0 =	vlt.s32 v11, $0x300;
	v46 =	vor.u32 v13, v12  }
0x2aa: {  	v11 =	vor.u32 $0x1, v9;
	v12 =	vor.u32 v3, v46  }
0x2ab: {  	v47 =	vor.u32 v10, v11;
	_ =	sdelay $0x3  }
0x2ac: {  	[tilespmem:v12+s11+$0x0] =	vst.idx.add.s32.msk vm0, v2  }
0x2ad: {  	v12 =	vld.idx.msk [tilespmem:v47+s2+$0x0], $0xffff;
	_ =	sdelay $0x4  }
0x2ae: {  	v13 =	vshll.u32 v12, $0x3  }
0x2af: {  	v13 =	vand.u32 $0xFFFFFC00, v13  }
0x2b0: {  	v14 =	vand.u32 $0x7F, v12;
	v13 =	vadd.s32 v8, v13  }
0x2b1: {  	vm5 =	vlt.s32 v12, $0x300;
	v48 =	vor.u32 v14, v13  }
0x2b2: {  	v49 =	vor.u32 $0x80, v10;
	v12 =	vor.u32 v3, v48  }
0x2b3: {  	v50 =	vor.u32 v9, v49;
	_ =	sdelay $0x3  }
0x2b4: {  	[tilespmem:v12+s11+$0x0] =	vst.idx.add.s32.msk vm5, v4  }
0x2b5: {  	v12 =	vld.idx.msk [tilespmem:v50+s2+$0x0], $0xffff;
	_ =	sdelay $0x4  }
0x2b6: {  	v14 =	vshll.u32 v12, $0x3  }
0x2b7: {  	v14 =	vand.u32 $0xFFFFFC00, v14  }
0x2b8: {  	v15 =	vand.u32 $0x7F, v12;
	v14 =	vadd.s32 v8, v14  }
0x2b9: {  	vm6 =	vlt.s32 v12, $0x300;
	v51 =	vor.u32 v15, v14  }
0x2ba: {  	v12 =	vor.u32 v3, v51  }
0x2bb: {  	v13 =	vor.u32 v11, v49;
	_ =	sdelay $0x3  }
0x2bc: {  	[tilespmem:v12+s11+$0x0] =	vst.idx.add.s32.msk vm6, v2  }
0x2bd: {  	v12 =	vld.idx.msk [tilespmem:v13+s2+$0x0], $0xffff;
	_ =	sdelay $0x4  }
0x2be: {  	v13 =	vshll.u32 v12, $0x3  }
0x2bf: {  	v13 =	vand.u32 $0xFFFFFC00, v13  }
0x2c0: {  	v52 =	vand.u32 $0x7F, v12;
	v13 =	vadd.s32 v8, v13  }
0x2c1: {  	vm7 =	vlt.s32 v12, $0x300;
	v53 =	vor.u32 v52, v13  }
0x2c2: {  	v54 =	vor.u32 $0x100, v10;
	v12 =	vor.u32 v3, v53  }
0x2c3: {  	v55 =	vor.u32 v9, v54;
	_ =	sdelay $0x3  }
0x2c4: {  	[tilespmem:v12+s11+$0x0] =	vst.idx.add.s32.msk vm7, v4  }
0x2c5: {  	v12 =	vld.idx.msk [tilespmem:v55+s2+$0x0], $0xffff;
	_ =	sdelay $0x4  }
0x2c6: {  	v14 =	vshll.u32 v12, $0x3  }
0x2c7: {  	v14 =	vand.u32 $0xFFFFFC00, v14  }
0x2c8: {  	v56 =	vand.u32 $0x7F, v12;
	v14 =	vadd.s32 v8, v14  }
0x2c9: {  	vm8 =	vlt.s32 v12, $0x300;
	v57 =	vor.u32 v56, v14  }
0x2ca: {  	v12 =	vor.u32 v3, v57  }
0x2cb: {  	v13 =	vor.u32 v11, v54;
	_ =	sdelay $0x3  }
0x2cc: {  	[tilespmem:v12+s11+$0x0] =	vst.idx.add.s32.msk vm8, v2  }
0x2cd: {  	v12 =	vld.idx.msk [tilespmem:v13+s2+$0x0], $0xffff;
	_ =	sdelay $0x4  }
0x2ce: {  	v13 =	vshll.u32 v12, $0x3  }
0x2cf: {  	v13 =	vand.u32 $0xFFFFFC00, v13  }
0x2d0: {  	v58 =	vand.u32 $0x7F, v12;
	v13 =	vadd.s32 v8, v13  }
0x2d1: {  	vm9 =	vlt.s32 v12, $0x300;
	v59 =	vor.u32 v58, v13  }
0x2d2: {  	v60 =	vor.u32 $0x180, v10;
	v12 =	vor.u32 v3, v59  }
0x2d3: {  	v61 =	vor.u32 v9, v60;
	_ =	sdelay $0x3  }
0x2d4: {  	[tilespmem:v12+s11+$0x0] =	vst.idx.add.s32.msk vm9, v4  }
0x2d5: {  	v12 =	vld.idx.msk [tilespmem:v61+s2+$0x0], $0xffff;
	_ =	sdelay $0x4  }
0x2d6: {  	v14 =	vshll.u32 v12, $0x3  }
0x2d7: {  	v14 =	vand.u32 $0xFFFFFC00, v14  }
0x2d8: {  	v62 =	vand.u32 $0x7F, v12;
	v14 =	vadd.s32 v8, v14  }
0x2d9: {  	vm10 =	vlt.s32 v12, $0x300;
	v63 =	vor.u32 v62, v14  }
0x2da: {  	v12 =	vor.u32 v3, v63  }
0x2db: {  	v13 =	vor.u32 v11, v60;
	_ =	sdelay $0x3  }
0x2dc: {  	[tilespmem:v12+s11+$0x0] =	vst.idx.add.s32.msk vm10, v2  }
0x2dd: {  	v12 =	vld.idx.msk [tilespmem:v13+s2+$0x0], $0xffff;
	_ =	sdelay $0x4  }
0x2de: {  	v13 =	vshll.u32 v12, $0x3  }
0x2df: {  	v13 =	vand.u32 $0xFFFFFC00, v13  }
0x2e0: {  	v16 =	vand.u32 $0x7F, v12;
	v13 =	vadd.s32 v8, v13  }
0x2e1: {  	vm11 =	vlt.s32 v12, $0x300;
	v17 =	vor.u32 v16, v13  }
0x2e2: {  	v18 =	vor.u32 $0x200, v10;
	v12 =	vor.u32 v3, v17  }
0x2e3: {  	v19 =	vor.u32 v9, v18;
	_ =	sdelay $0x3  }
0x2e4: {  	[tilespmem:v12+s11+$0x0] =	vst.idx.add.s32.msk vm11, v4  }
0x2e5: {  	v12 =	vld.idx.msk [tilespmem:v19+s2+$0x0], $0xffff;
	_ =	sdelay $0x4  }
0x2e6: {  	v14 =	vshll.u32 v12, $0x3  }
0x2e7: {  	v14 =	vand.u32 $0xFFFFFC00, v14  }
0x2e8: {  	v20 =	vand.u32 $0x7F, v12;
	v14 =	vadd.s32 v8, v14  }
0x2e9: {  	vm12 =	vlt.s32 v12, $0x300;
	v21 =	vor.u32 v20, v14  }
0x2ea: {  	v12 =	vor.u32 v3, v21  }
0x2eb: {  	v13 =	vor.u32 v11, v18;
	_ =	sdelay $0x3  }
0x2ec: {  	[tilespmem:v12+s11+$0x0] =	vst.idx.add.s32.msk vm12, v2  }
0x2ed: {  	v12 =	vld.idx.msk [tilespmem:v13+s2+$0x0], $0xffff;
	_ =	sdelay $0x4  }
0x2ee: {  	v13 =	vshll.u32 v12, $0x3  }
0x2ef: {  	v13 =	vand.u32 $0xFFFFFC00, v13  }
0x2f0: {  	v22 =	vand.u32 $0x7F, v12;
	v13 =	vadd.s32 v8, v13  }
0x2f1: {  	vm13 =	vlt.s32 v12, $0x300;
	v23 =	vor.u32 v22, v13  }
0x2f2: {  	v24 =	vor.u32 $0x280, v10;
	v12 =	vor.u32 v3, v23  }
0x2f3: {  	v25 =	vor.u32 v9, v24;
	_ =	sdelay $0x3  }
0x2f4: {  	[tilespmem:v12+s11+$0x0] =	vst.idx.add.s32.msk vm13, v4  }
0x2f5: {  	v12 =	vld.idx.msk [tilespmem:v25+s2+$0x0], $0xffff;
	_ =	sdelay $0x4  }
0x2f6: {  	v14 =	vshll.u32 v12, $0x3  }
0x2f7: {  	v14 =	vand.u32 $0xFFFFFC00, v14  }
0x2f8: {  	v26 =	vand.u32 $0x7F, v12;
	v14 =	vadd.s32 v8, v14  }
0x2f9: {  	vm14 =	vlt.s32 v12, $0x300;
	v27 =	vor.u32 v26, v14  }
0x2fa: {  	v12 =	vor.u32 v3, v27  }
0x2fb: {  	v13 =	vor.u32 v11, v24;
	_ =	sdelay $0x3  }
0x2fc: {  	[tilespmem:v12+s11+$0x0] =	vst.idx.add.s32.msk vm14, v2  }
0x2fd: {  	v12 =	vld.idx.msk [tilespmem:v13+s2+$0x0], $0xffff;
	_ =	sdelay $0x4  }
0x2fe: {  	v13 =	vshll.u32 v12, $0x3  }
0x2ff: {  	v13 =	vand.u32 $0xFFFFFC00, v13  }
0x300: {  	v28 =	vand.u32 $0x7F, v12;
	v13 =	vadd.s32 v8, v13  }
0x301: {  	vm15 =	vlt.s32 v12, $0x300;
	v29 =	vor.u32 v28, v13  }
0x302: {  	v30 =	vor.u32 $0x300, v10;
	v12 =	vor.u32 v3, v29  }
0x303: {  	v31 =	vor.u32 v9, v30;
	_ =	sdelay $0x3  }
0x304: {  	[tilespmem:v12+s11+$0x0] =	vst.idx.add.s32.msk vm15, v4  }
0x305: {  	v12 =	vld.idx.msk [tilespmem:v31+s2+$0x0], $0xffff;
	_ =	sdelay $0x4  }
0x306: {  	v14 =	vshll.u32 v12, $0x3  }
0x307: {  	v14 =	vand.u32 $0xFFFFFC00, v14  }
0x308: {  	v32 =	vand.u32 $0x7F, v12;
	v14 =	vadd.s32 v8, v14  }
0x309: {  	vm4 =	vlt.s32 v12, $0x300;
	v33 =	vor.u32 v32, v14  }
0x30a: {  	v12 =	vor.u32 v3, v33  }
0x30b: {  	v13 =	vor.u32 v11, v30;
	_ =	sdelay $0x3  }
0x30c: {  	[tilespmem:v12+s11+$0x0] =	vst.idx.add.s32.msk vm4, v2  }
0x30d: {  	v12 =	vld.idx.msk [tilespmem:v13+s2+$0x0], $0xffff;
	_ =	sdelay $0x4  }
0x30e: {  	v13 =	vshll.u32 v12, $0x3  }
0x30f: {  	v13 =	vand.u32 $0xFFFFFC00, v13  }
0x310: {  	v34 =	vand.u32 $0x7F, v12;
	v13 =	vadd.s32 v8, v13  }
0x311: {  	vm5 =	vlt.s32 v12, $0x300;
	v35 =	vor.u32 v34, v13  }
0x312: {  	v36 =	vor.u32 $0x380, v10;
	v12 =	vor.u32 v3, v35  }
0x313: {  	v37 =	vor.u32 v9, v36;
	_ =	sdelay $0x3  }
0x314: {  	[tilespmem:v12+s11+$0x0] =	vst.idx.add.s32.msk vm5, v4  }
0x315: {  	v12 =	vld.idx.msk [tilespmem:v37+s2+$0x0], $0xffff;
	_ =	sdelay $0x4  }
0x316: {  	v14 =	vshll.u32 v12, $0x3  }
0x317: {  	v14 =	vand.u32 $0xFFFFFC00, v14  }
0x318: {  	v38 =	vand.u32 $0x7F, v12;
	v14 =	vadd.s32 v8, v14  }
0x319: {  	vm6 =	vlt.s32 v12, $0x300;
	v39 =	vor.u32 v38, v14  }
0x31a: {  	v12 =	vor.u32 v3, v39  }
0x31b: {  	v13 =	vor.u32 v11, v36;
	_ =	sdelay $0x3  }
0x31c: {  	[tilespmem:v12+s11+$0x0] =	vst.idx.add.s32.msk vm6, v2  }
0x31d: {  	v12 =	vld.idx.msk [tilespmem:v13+s2+$0x0], $0xffff;
	_ =	sdelay $0x4  }
0x31e: {  	v13 =	vshll.u32 v12, $0x3  }
0x31f: {  	v13 =	vand.u32 $0xFFFFFC00, v13  }
0x320: {  	v40 =	vand.u32 $0x7F, v12;
	v13 =	vadd.s32 v8, v13  }
0x321: {  	vm7 =	vlt.s32 v12, $0x300;
	v41 =	vor.u32 v40, v13  }
0x322: {  	v42 =	vadd.s32 $0x1000, v10;
	v12 =	vor.u32 v3, v41  }
0x323: {  	v43 =	vor.u32 v9, v42;
	_ =	sdelay $0x3  }
0x324: {  	[tilespmem:v12+s11+$0x0] =	vst.idx.add.s32.msk vm7, v4  }
0x325: {  	v12 =	vld.idx.msk [tilespmem:v43+s2+$0x0], $0xffff;
	_ =	sdelay $0x4  }
0x326: {  	v14 =	vshll.u32 v12, $0x3  }
0x327: {  	v14 =	vand.u32 $0xFFFFFC00, v14  }
0x328: {  	v44 =	vand.u32 $0x7F, v12;
	v14 =	vadd.s32 v8, v14  }
0x329: {  	vm8 =	vlt.s32 v12, $0x300;
	v45 =	vor.u32 v44, v14  }
0x32a: {  	v12 =	vor.u32 v3, v45  }
0x32b: {  	v13 =	vor.u32 v11, v42;
	_ =	sdelay $0x3  }
0x32c: {  	[tilespmem:v12+s11+$0x0] =	vst.idx.add.s32.msk vm8, v2  }
0x32d: {  	v12 =	vld.idx.msk [tilespmem:v13+s2+$0x0], $0xffff;
	_ =	sdelay $0x4  }
0x32e: {  	v13 =	vshll.u32 v12, $0x3  }
0x32f: {  	v13 =	vand.u32 $0xFFFFFC00, v13  }
0x330: {  	v46 =	vand.u32 $0x7F, v12;
	v13 =	vadd.s32 v8, v13  }
0x331: {  	vm9 =	vlt.s32 v12, $0x300;
	v47 =	vor.u32 v46, v13  }
0x332: {  	v48 =	vadd.s32 $0x1080, v10;
	v12 =	vor.u32 v3, v47  }
0x333: {  	v49 =	vor.u32 v9, v48;
	_ =	sdelay $0x3  }
0x334: {  	[tilespmem:v12+s11+$0x0] =	vst.idx.add.s32.msk vm9, v4  }
0x335: {  	v12 =	vld.idx.msk [tilespmem:v49+s2+$0x0], $0xffff;
	_ =	sdelay $0x4  }
0x336: {  	v14 =	vshll.u32 v12, $0x3  }
0x337: {  	v14 =	vand.u32 $0xFFFFFC00, v14  }
0x338: {  	v50 =	vand.u32 $0x7F, v12;
	v14 =	vadd.s32 v8, v14  }
0x339: {  	vm10 =	vlt.s32 v12, $0x300;
	v51 =	vor.u32 v50, v14  }
0x33a: {  	v12 =	vor.u32 v3, v51  }
0x33b: {  	v13 =	vor.u32 v11, v48;
	_ =	sdelay $0x3  }
0x33c: {  	[tilespmem:v12+s11+$0x0] =	vst.idx.add.s32.msk vm10, v2  }
0x33d: {  	v12 =	vld.idx.msk [tilespmem:v13+s2+$0x0], $0xffff;
	_ =	sdelay $0x4  }
0x33e: {  	v13 =	vshll.u32 v12, $0x3  }
0x33f: {  	v13 =	vand.u32 $0xFFFFFC00, v13  }
0x340: {  	v52 =	vand.u32 $0x7F, v12;
	v13 =	vadd.s32 v8, v13  }
0x341: {  	vm11 =	vlt.s32 v12, $0x300;
	v53 =	vor.u32 v52, v13  }
0x342: {  	v54 =	vadd.s32 $0x1100, v10;
	v12 =	vor.u32 v3, v53  }
0x343: {  	v55 =	vor.u32 v9, v54;
	_ =	sdelay $0x3  }
0x344: {  	[tilespmem:v12+s11+$0x0] =	vst.idx.add.s32.msk vm11, v4  }
0x345: {  	v12 =	vld.idx.msk [tilespmem:v55+s2+$0x0], $0xffff;
	_ =	sdelay $0x4  }
0x346: {  	v14 =	vshll.u32 v12, $0x3  }
0x347: {  	v14 =	vand.u32 $0xFFFFFC00, v14  }
0x348: {  	v56 =	vand.u32 $0x7F, v12;
	v14 =	vadd.s32 v8, v14  }
0x349: {  	vm12 =	vlt.s32 v12, $0x300;
	v57 =	vor.u32 v56, v14  }
0x34a: {  	v12 =	vor.u32 v3, v57  }
0x34b: {  	v13 =	vor.u32 v11, v54;
	_ =	sdelay $0x3  }
0x34c: {  	[tilespmem:v12+s11+$0x0] =	vst.idx.add.s32.msk vm12, v2  }
0x34d: {  	v12 =	vld.idx.msk [tilespmem:v13+s2+$0x0], $0xffff;
	_ =	sdelay $0x4  }
0x34e: {  	v13 =	vshll.u32 v12, $0x3  }
0x34f: {  	v13 =	vand.u32 $0xFFFFFC00, v13  }
0x350: {  	v58 =	vand.u32 $0x7F, v12;
	v13 =	vadd.s32 v8, v13  }
0x351: {  	vm13 =	vlt.s32 v12, $0x300;
	v59 =	vor.u32 v58, v13  }
0x352: {  	v60 =	vadd.s32 $0x1180, v10;
	v12 =	vor.u32 v3, v59  }
0x353: {  	v61 =	vor.u32 v9, v60;
	_ =	sdelay $0x3  }
0x354: {  	[tilespmem:v12+s11+$0x0] =	vst.idx.add.s32.msk vm13, v4  }
0x355: {  	v12 =	vld.idx.msk [tilespmem:v61+s2+$0x0], $0xffff;
	_ =	sdelay $0x4  }
0x356: {  	v14 =	vshll.u32 v12, $0x3  }
0x357: {  	v14 =	vand.u32 $0xFFFFFC00, v14  }
0x358: {  	v62 =	vand.u32 $0x7F, v12;
	v14 =	vadd.s32 v8, v14  }
0x359: {  	vm14 =	vlt.s32 v12, $0x300;
	v63 =	vor.u32 v62, v14  }
0x35a: {  	v12 =	vor.u32 v3, v63  }
0x35b: {  	v13 =	vor.u32 v11, v60;
	_ =	sdelay $0x3  }
0x35c: {  	[tilespmem:v12+s11+$0x0] =	vst.idx.add.s32.msk vm14, v2  }
0x35d: {  	v12 =	vld.idx.msk [tilespmem:v13+s2+$0x0], $0xffff;
	_ =	sdelay $0x4  }
0x35e: {  	v13 =	vshll.u32 v12, $0x3  }
0x35f: {  	v13 =	vand.u32 $0xFFFFFC00, v13  }
0x360: {  	v16 =	vand.u32 $0x7F, v12;
	v13 =	vadd.s32 v8, v13  }
0x361: {  	vm15 =	vlt.s32 v12, $0x300;
	v17 =	vor.u32 v16, v13  }
0x362: {  	v18 =	vadd.s32 $0x1200, v10;
	v12 =	vor.u32 v3, v17  }
0x363: {  	v19 =	vor.u32 v9, v18;
	_ =	sdelay $0x3  }
0x364: {  	[tilespmem:v12+s11+$0x0] =	vst.idx.add.s32.msk vm15, v4  }
0x365: {  	v12 =	vld.idx.msk [tilespmem:v19+s2+$0x0], $0xffff;
	_ =	sdelay $0x4  }
0x366: {  	v14 =	vshll.u32 v12, $0x3  }
0x367: {  	v14 =	vand.u32 $0xFFFFFC00, v14  }
0x368: {  	v20 =	vand.u32 $0x7F, v12;
	v14 =	vadd.s32 v8, v14  }
0x369: {  	vm4 =	vlt.s32 v12, $0x300;
	v21 =	vor.u32 v20, v14  }
0x36a: {  	v12 =	vor.u32 v3, v21  }
0x36b: {  	v13 =	vor.u32 v11, v18;
	_ =	sdelay $0x3  }
0x36c: {  	[tilespmem:v12+s11+$0x0] =	vst.idx.add.s32.msk vm4, v2  }
0x36d: {  	v12 =	vld.idx.msk [tilespmem:v13+s2+$0x0], $0xffff;
	_ =	sdelay $0x4  }
0x36e: {  	v13 =	vshll.u32 v12, $0x3  }
0x36f: {  	v13 =	vand.u32 $0xFFFFFC00, v13  }
0x370: {  	v22 =	vand.u32 $0x7F, v12;
	v13 =	vadd.s32 v8, v13  }
0x371: {  	vm5 =	vlt.s32 v12, $0x300;
	v23 =	vor.u32 v22, v13  }
0x372: {  	v24 =	vadd.s32 $0x1280, v10;
	v12 =	vor.u32 v3, v23  }
0x373: {  	v25 =	vor.u32 v9, v24;
	_ =	sdelay $0x3  }
0x374: {  	[tilespmem:v12+s11+$0x0] =	vst.idx.add.s32.msk vm5, v4  }
0x375: {  	v12 =	vld.idx.msk [tilespmem:v25+s2+$0x0], $0xffff;
	_ =	sdelay $0x4  }
0x376: {  	v14 =	vshll.u32 v12, $0x3  }
0x377: {  	v14 =	vand.u32 $0xFFFFFC00, v14  }
0x378: {  	v26 =	vand.u32 $0x7F, v12;
	v14 =	vadd.s32 v8, v14  }
0x379: {  	vm6 =	vlt.s32 v12, $0x300;
	v27 =	vor.u32 v26, v14  }
0x37a: {  	v12 =	vor.u32 v3, v27  }
0x37b: {  	v13 =	vor.u32 v11, v24;
	_ =	sdelay $0x3  }
0x37c: {  	[tilespmem:v12+s11+$0x0] =	vst.idx.add.s32.msk vm6, v2  }
0x37d: {  	v12 =	vld.idx.msk [tilespmem:v13+s2+$0x0], $0xffff;
	_ =	sdelay $0x4  }
0x37e: {  	v13 =	vshll.u32 v12, $0x3  }
0x37f: {  	v13 =	vand.u32 $0xFFFFFC00, v13  }
0x380: {  	v28 =	vand.u32 $0x7F, v12;
	v13 =	vadd.s32 v8, v13  }
0x381: {  	vm7 =	vlt.s32 v12, $0x300;
	v29 =	vor.u32 v28, v13  }
0x382: {  	v30 =	vadd.s32 $0x1300, v10;
	v12 =	vor.u32 v3, v29  }
0x383: {  	v31 =	vor.u32 v9, v30;
	_ =	sdelay $0x3  }
0x384: {  	[tilespmem:v12+s11+$0x0] =	vst.idx.add.s32.msk vm7, v4  }
0x385: {  	v12 =	vld.idx.msk [tilespmem:v31+s2+$0x0], $0xffff;
	_ =	sdelay $0x4  }
0x386: {  	v14 =	vshll.u32 v12, $0x3  }
0x387: {  	v14 =	vand.u32 $0xFFFFFC00, v14  }
0x388: {  	v32 =	vand.u32 $0x7F, v12;
	v14 =	vadd.s32 v8, v14  }
0x389: {  	vm8 =	vlt.s32 v12, $0x300;
	v33 =	vor.u32 v32, v14  }
0x38a: {  	v12 =	vor.u32 v3, v33  }
0x38b: {  	v13 =	vor.u32 v11, v30;
	_ =	sdelay $0x3  }
0x38c: {  	[tilespmem:v12+s11+$0x0] =	vst.idx.add.s32.msk vm8, v2  }
0x38d: {  	v12 =	vld.idx.msk [tilespmem:v13+s2+$0x0], $0xffff;
	_ =	sdelay $0x4  }
0x38e: {  	v13 =	vshll.u32 v12, $0x3  }
0x38f: {  	v13 =	vand.u32 $0xFFFFFC00, v13  }
0x390: {  	v34 =	vand.u32 $0x7F, v12;
	v13 =	vadd.s32 v8, v13  }
0x391: {  	vm9 =	vlt.s32 v12, $0x300;
	v35 =	vor.u32 v34, v13  }
0x392: {  	v36 =	vadd.s32 $0x1380, v10;
	v12 =	vor.u32 v3, v35  }
0x393: {  	v37 =	vor.u32 v9, v36;
	_ =	sdelay $0x3  }
0x394: {  	[tilespmem:v12+s11+$0x0] =	vst.idx.add.s32.msk vm9, v4  }
0x395: {  	v12 =	vld.idx.msk [tilespmem:v37+s2+$0x0], $0xffff;
	_ =	sdelay $0x4  }
0x396: {  	v14 =	vshll.u32 v12, $0x3  }
0x397: {  	v14 =	vand.u32 $0xFFFFFC00, v14  }
0x398: {  	v38 =	vand.u32 $0x7F, v12;
	v14 =	vadd.s32 v8, v14  }
0x399: {  	vm10 =	vlt.s32 v12, $0x300;
	v39 =	vor.u32 v38, v14  }
0x39a: {  	v12 =	vor.u32 v3, v39  }
0x39b: {  	v13 =	vor.u32 v11, v36;
	_ =	sdelay $0x3  }
0x39c: {  	[tilespmem:v12+s11+$0x0] =	vst.idx.add.s32.msk vm10, v2  }
0x39d: {  	v12 =	vld.idx.msk [tilespmem:v13+s2+$0x0], $0xffff;
	_ =	sdelay $0x4  }
0x39e: {  	v13 =	vshll.u32 v12, $0x3  }
0x39f: {  	v13 =	vand.u32 $0xFFFFFC00, v13  }
0x3a0: {  	v40 =	vand.u32 $0x7F, v12;
	v13 =	vadd.s32 v8, v13  }
0x3a1: {  	vm11 =	vlt.s32 v12, $0x300;
	v41 =	vor.u32 v40, v13  }
0x3a2: {  	v42 =	vadd.s32 $0x2000, v10;
	v12 =	vor.u32 v3, v41  }
0x3a3: {  	v43 =	vor.u32 v9, v42;
	_ =	sdelay $0x3  }
0x3a4: {  	[tilespmem:v12+s11+$0x0] =	vst.idx.add.s32.msk vm11, v4  }
0x3a5: {  	v12 =	vld.idx.msk [tilespmem:v43+s2+$0x0], $0xffff;
	_ =	sdelay $0x4  }
0x3a6: {  	v14 =	vshll.u32 v12, $0x3  }
0x3a7: {  	v14 =	vand.u32 $0xFFFFFC00, v14  }
0x3a8: {  	v44 =	vand.u32 $0x7F, v12;
	v14 =	vadd.s32 v8, v14  }
0x3a9: {  	vm12 =	vlt.s32 v12, $0x300;
	v45 =	vor.u32 v44, v14  }
0x3aa: {  	v12 =	vor.u32 v3, v45  }
0x3ab: {  	v13 =	vor.u32 v11, v42;
	_ =	sdelay $0x3  }
0x3ac: {  	[tilespmem:v12+s11+$0x0] =	vst.idx.add.s32.msk vm12, v2  }
0x3ad: {  	v12 =	vld.idx.msk [tilespmem:v13+s2+$0x0], $0xffff;
	_ =	sdelay $0x4  }
0x3ae: {  	v13 =	vshll.u32 v12, $0x3  }
0x3af: {  	v13 =	vand.u32 $0xFFFFFC00, v13  }
0x3b0: {  	v46 =	vand.u32 $0x7F, v12;
	v13 =	vadd.s32 v8, v13  }
0x3b1: {  	vm13 =	vlt.s32 v12, $0x300;
	v47 =	vor.u32 v46, v13  }
0x3b2: {  	v48 =	vadd.s32 $0x2080, v10;
	v12 =	vor.u32 v3, v47  }
0x3b3: {  	v49 =	vor.u32 v9, v48;
	_ =	sdelay $0x3  }
0x3b4: {  	[tilespmem:v12+s11+$0x0] =	vst.idx.add.s32.msk vm13, v4  }
0x3b5: {  	v12 =	vld.idx.msk [tilespmem:v49+s2+$0x0], $0xffff;
	_ =	sdelay $0x4  }
0x3b6: {  	v14 =	vshll.u32 v12, $0x3  }
0x3b7: {  	v14 =	vand.u32 $0xFFFFFC00, v14  }
0x3b8: {  	v50 =	vand.u32 $0x7F, v12;
	v14 =	vadd.s32 v8, v14  }
0x3b9: {  	vm14 =	vlt.s32 v12, $0x300;
	v51 =	vor.u32 v50, v14  }
0x3ba: {  	v12 =	vor.u32 v3, v51  }
0x3bb: {  	v13 =	vor.u32 v11, v48;
	_ =	sdelay $0x3  }
0x3bc: {  	[tilespmem:v12+s11+$0x0] =	vst.idx.add.s32.msk vm14, v2  }
0x3bd: {  	v12 =	vld.idx.msk [tilespmem:v13+s2+$0x0], $0xffff;
	_ =	sdelay $0x4  }
0x3be: {  	v13 =	vshll.u32 v12, $0x3  }
0x3bf: {  	v13 =	vand.u32 $0xFFFFFC00, v13  }
0x3c0: {  	v52 =	vand.u32 $0x7F, v12;
	v13 =	vadd.s32 v8, v13  }
0x3c1: {  	vm15 =	vlt.s32 v12, $0x300;
	v53 =	vor.u32 v52, v13  }
0x3c2: {  	v54 =	vadd.s32 $0x2100, v10;
	v12 =	vor.u32 v3, v53  }
0x3c3: {  	v55 =	vor.u32 v9, v54;
	_ =	sdelay $0x3  }
0x3c4: {  	[tilespmem:v12+s11+$0x0] =	vst.idx.add.s32.msk vm15, v4  }
0x3c5: {  	v12 =	vld.idx.msk [tilespmem:v55+s2+$0x0], $0xffff;
	_ =	sdelay $0x4  }
0x3c6: {  	v14 =	vshll.u32 v12, $0x3  }
0x3c7: {  	v14 =	vand.u32 $0xFFFFFC00, v14  }
0x3c8: {  	v56 =	vand.u32 $0x7F, v12;
	v14 =	vadd.s32 v8, v14  }
0x3c9: {  	vm4 =	vlt.s32 v12, $0x300;
	v57 =	vor.u32 v56, v14  }
0x3ca: {  	v12 =	vor.u32 v3, v57  }
0x3cb: {  	v13 =	vor.u32 v11, v54;
	_ =	sdelay $0x3  }
0x3cc: {  	[tilespmem:v12+s11+$0x0] =	vst.idx.add.s32.msk vm4, v2  }
0x3cd: {  	v12 =	vld.idx.msk [tilespmem:v13+s2+$0x0], $0xffff;
	_ =	sdelay $0x4  }
0x3ce: {  	v13 =	vshll.u32 v12, $0x3  }
0x3cf: {  	v13 =	vand.u32 $0xFFFFFC00, v13  }
0x3d0: {  	v58 =	vand.u32 $0x7F, v12;
	v13 =	vadd.s32 v8, v13  }
0x3d1: {  	vm5 =	vlt.s32 v12, $0x300;
	v59 =	vor.u32 v58, v13  }
0x3d2: {  	v60 =	vadd.s32 $0x2180, v10;
	v12 =	vor.u32 v3, v59  }
0x3d3: {  	v61 =	vor.u32 v9, v60;
	_ =	sdelay $0x3  }
0x3d4: {  	[tilespmem:v12+s11+$0x0] =	vst.idx.add.s32.msk vm5, v4  }
0x3d5: {  	v12 =	vld.idx.msk [tilespmem:v61+s2+$0x0], $0xffff;
	_ =	sdelay $0x4  }
0x3d6: {  	v14 =	vshll.u32 v12, $0x3  }
0x3d7: {  	v14 =	vand.u32 $0xFFFFFC00, v14  }
0x3d8: {  	v62 =	vand.u32 $0x7F, v12;
	v14 =	vadd.s32 v8, v14  }
0x3d9: {  	vm6 =	vlt.s32 v12, $0x300;
	v63 =	vor.u32 v62, v14  }
0x3da: {  	v12 =	vor.u32 v3, v63  }
0x3db: {  	v13 =	vor.u32 v11, v60;
	_ =	sdelay $0x3  }
0x3dc: {  	[tilespmem:v12+s11+$0x0] =	vst.idx.add.s32.msk vm6, v2  }
0x3dd: {  	v12 =	vld.idx.msk [tilespmem:v13+s2+$0x0], $0xffff;
	_ =	sdelay $0x4  }
0x3de: {  	v13 =	vshll.u32 v12, $0x3  }
0x3df: {  	v13 =	vand.u32 $0xFFFFFC00, v13  }
0x3e0: {  	v16 =	vand.u32 $0x7F, v12;
	v13 =	vadd.s32 v8, v13  }
0x3e1: {  	vm7 =	vlt.s32 v12, $0x300;
	v17 =	vor.u32 v16, v13  }
0x3e2: {  	v18 =	vadd.s32 $0x2200, v10;
	v12 =	vor.u32 v3, v17  }
0x3e3: {  	v19 =	vor.u32 v9, v18;
	_ =	sdelay $0x3  }
0x3e4: {  	[tilespmem:v12+s11+$0x0] =	vst.idx.add.s32.msk vm7, v4  }
0x3e5: {  	v12 =	vld.idx.msk [tilespmem:v19+s2+$0x0], $0xffff;
	_ =	sdelay $0x4  }
0x3e6: {  	v14 =	vshll.u32 v12, $0x3  }
0x3e7: {  	v14 =	vand.u32 $0xFFFFFC00, v14  }
0x3e8: {  	v20 =	vand.u32 $0x7F, v12;
	v14 =	vadd.s32 v8, v14  }
0x3e9: {  	vm8 =	vlt.s32 v12, $0x300;
	v21 =	vor.u32 v20, v14  }
0x3ea: {  	v12 =	vor.u32 v3, v21  }
0x3eb: {  	v13 =	vor.u32 v11, v18;
	_ =	sdelay $0x3  }
0x3ec: {  	[tilespmem:v12+s11+$0x0] =	vst.idx.add.s32.msk vm8, v2  }
0x3ed: {  	v12 =	vld.idx.msk [tilespmem:v13+s2+$0x0], $0xffff;
	_ =	sdelay $0x4  }
0x3ee: {  	v13 =	vshll.u32 v12, $0x3  }
0x3ef: {  	v13 =	vand.u32 $0xFFFFFC00, v13  }
0x3f0: {  	v22 =	vand.u32 $0x7F, v12;
	v13 =	vadd.s32 v8, v13  }
0x3f1: {  	vm9 =	vlt.s32 v12, $0x300;
	v23 =	vor.u32 v22, v13  }
0x3f2: {  	v24 =	vadd.s32 $0x2280, v10;
	v12 =	vor.u32 v3, v23  }
0x3f3: {  	v25 =	vor.u32 v9, v24;
	_ =	sdelay $0x3  }
0x3f4: {  	[tilespmem:v12+s11+$0x0] =	vst.idx.add.s32.msk vm9, v4  }
0x3f5: {  	v12 =	vld.idx.msk [tilespmem:v25+s2+$0x0], $0xffff;
	_ =	sdelay $0x4  }
0x3f6: {  	v14 =	vshll.u32 v12, $0x3  }
0x3f7: {  	v14 =	vand.u32 $0xFFFFFC00, v14  }
0x3f8: {  	v26 =	vand.u32 $0x7F, v12;
	v14 =	vadd.s32 v8, v14  }
0x3f9: {  	vm10 =	vlt.s32 v12, $0x300;
	v27 =	vor.u32 v26, v14  }
0x3fa: {  	v12 =	vor.u32 v3, v27  }
0x3fb: {  	v13 =	vor.u32 v11, v24;
	_ =	sdelay $0x3  }
0x3fc: {  	[tilespmem:v12+s11+$0x0] =	vst.idx.add.s32.msk vm10, v2  }
0x3fd: {  	v12 =	vld.idx.msk [tilespmem:v13+s2+$0x0], $0xffff;
	_ =	sdelay $0x4  }
0x3fe: {  	v13 =	vshll.u32 v12, $0x3  }
0x3ff: {  	v13 =	vand.u32 $0xFFFFFC00, v13  }
0x400: {  	v28 =	vand.u32 $0x7F, v12;
	v13 =	vadd.s32 v8, v13  }
0x401: {  	vm11 =	vlt.s32 v12, $0x300;
	v29 =	vor.u32 v28, v13  }
0x402: {  	v30 =	vadd.s32 $0x2300, v10;
	v12 =	vor.u32 v3, v29  }
0x403: {  	v31 =	vor.u32 v9, v30;
	_ =	sdelay $0x3  }
0x404: {  	[tilespmem:v12+s11+$0x0] =	vst.idx.add.s32.msk vm11, v4  }
0x405: {  	v12 =	vld.idx.msk [tilespmem:v31+s2+$0x0], $0xffff;
	_ =	sdelay $0x4  }
0x406: {  	v14 =	vshll.u32 v12, $0x3  }
0x407: {  	v14 =	vand.u32 $0xFFFFFC00, v14  }
0x408: {  	v32 =	vand.u32 $0x7F, v12;
	v14 =	vadd.s32 v8, v14  }
0x409: {  	vm12 =	vlt.s32 v12, $0x300;
	v33 =	vor.u32 v32, v14  }
0x40a: {  	v12 =	vor.u32 v3, v33  }
0x40b: {  	v13 =	vor.u32 v11, v30;
	_ =	sdelay $0x3  }
0x40c: {  	[tilespmem:v12+s11+$0x0] =	vst.idx.add.s32.msk vm12, v2  }
0x40d: {  	v12 =	vld.idx.msk [tilespmem:v13+s2+$0x0], $0xffff;
	_ =	sdelay $0x4  }
0x40e: {  	v13 =	vshll.u32 v12, $0x3  }
0x40f: {  	v13 =	vand.u32 $0xFFFFFC00, v13  }
0x410: {  	v34 =	vand.u32 $0x7F, v12;
	v13 =	vadd.s32 v8, v13  }
0x411: {  	vm13 =	vlt.s32 v12, $0x300;
	v35 =	vor.u32 v34, v13  }
0x412: {  	v36 =	vadd.s32 $0x2380, v10;
	v12 =	vor.u32 v3, v35  }
0x413: {  	v37 =	vor.u32 v9, v36;
	_ =	sdelay $0x3  }
0x414: {  	[tilespmem:v12+s11+$0x0] =	vst.idx.add.s32.msk vm13, v4  }
0x415: {  	v12 =	vld.idx.msk [tilespmem:v37+s2+$0x0], $0xffff;
	_ =	sdelay $0x4  }
0x416: {  	v14 =	vshll.u32 v12, $0x3  }
0x417: {  	v14 =	vand.u32 $0xFFFFFC00, v14  }
0x418: {  	v38 =	vand.u32 $0x7F, v12;
	v14 =	vadd.s32 v8, v14  }
0x419: {  	vm14 =	vlt.s32 v12, $0x300;
	v39 =	vor.u32 v38, v14  }
0x41a: {  	v12 =	vor.u32 v3, v39  }
0x41b: {  	v13 =	vor.u32 v11, v36;
	_ =	sdelay $0x3  }
0x41c: {  	[tilespmem:v12+s11+$0x0] =	vst.idx.add.s32.msk vm14, v2  }
0x41d: {  	v12 =	vld.idx.msk [tilespmem:v13+s2+$0x0], $0xffff;
	_ =	sdelay $0x4  }
0x41e: {  	v13 =	vshll.u32 v12, $0x3  }
0x41f: {  	v13 =	vand.u32 $0xFFFFFC00, v13  }
0x420: {  	v40 =	vand.u32 $0x7F, v12;
	v13 =	vadd.s32 v8, v13  }
0x421: {  	vm15 =	vlt.s32 v12, $0x300;
	v41 =	vor.u32 v40, v13  }
0x422: {  	v42 =	vadd.s32 $0x3000, v10;
	v12 =	vor.u32 v3, v41  }
0x423: {  	v43 =	vor.u32 v9, v42;
	_ =	sdelay $0x3  }
0x424: {  	[tilespmem:v12+s11+$0x0] =	vst.idx.add.s32.msk vm15, v4  }
0x425: {  	v12 =	vld.idx.msk [tilespmem:v43+s2+$0x0], $0xffff;
	_ =	sdelay $0x4  }
0x426: {  	v14 =	vshll.u32 v12, $0x3  }
0x427: {  	v14 =	vand.u32 $0xFFFFFC00, v14  }
0x428: {  	v44 =	vand.u32 $0x7F, v12;
	v14 =	vadd.s32 v8, v14  }
0x429: {  	vm4 =	vlt.s32 v12, $0x300;
	v45 =	vor.u32 v44, v14  }
0x42a: {  	v12 =	vor.u32 v3, v45  }
0x42b: {  	v13 =	vor.u32 v11, v42;
	_ =	sdelay $0x3  }
0x42c: {  	[tilespmem:v12+s11+$0x0] =	vst.idx.add.s32.msk vm4, v2  }
0x42d: {  	v12 =	vld.idx.msk [tilespmem:v13+s2+$0x0], $0xffff;
	_ =	sdelay $0x4  }
0x42e: {  	v13 =	vshll.u32 v12, $0x3  }
0x42f: {  	v13 =	vand.u32 $0xFFFFFC00, v13  }
0x430: {  	v46 =	vand.u32 $0x7F, v12;
	v13 =	vadd.s32 v8, v13  }
0x431: {  	vm5 =	vlt.s32 v12, $0x300;
	v47 =	vor.u32 v46, v13  }
0x432: {  	v48 =	vadd.s32 $0x3080, v10;
	v12 =	vor.u32 v3, v47  }
0x433: {  	v49 =	vor.u32 v9, v48;
	_ =	sdelay $0x3  }
0x434: {  	[tilespmem:v12+s11+$0x0] =	vst.idx.add.s32.msk vm5, v4  }
0x435: {  	v12 =	vld.idx.msk [tilespmem:v49+s2+$0x0], $0xffff;
	_ =	sdelay $0x4  }
0x436: {  	v14 =	vshll.u32 v12, $0x3  }
0x437: {  	v14 =	vand.u32 $0xFFFFFC00, v14  }
0x438: {  	v50 =	vand.u32 $0x7F, v12;
	v14 =	vadd.s32 v8, v14  }
0x439: {  	vm6 =	vlt.s32 v12, $0x300;
	v51 =	vor.u32 v50, v14  }
0x43a: {  	v12 =	vor.u32 v3, v51  }
0x43b: {  	v13 =	vor.u32 v11, v48;
	_ =	sdelay $0x3  }
0x43c: {  	[tilespmem:v12+s11+$0x0] =	vst.idx.add.s32.msk vm6, v2  }
0x43d: {  	v12 =	vld.idx.msk [tilespmem:v13+s2+$0x0], $0xffff;
	_ =	sdelay $0x4  }
0x43e: {  	v13 =	vshll.u32 v12, $0x3  }
0x43f: {  	v13 =	vand.u32 $0xFFFFFC00, v13  }
0x440: {  	v52 =	vand.u32 $0x7F, v12;
	v13 =	vadd.s32 v8, v13  }
0x441: {  	vm7 =	vlt.s32 v12, $0x300;
	v53 =	vor.u32 v52, v13  }
0x442: {  	v54 =	vadd.s32 $0x3100, v10;
	v12 =	vor.u32 v3, v53  }
0x443: {  	v55 =	vor.u32 v9, v54;
	_ =	sdelay $0x3  }
0x444: {  	[tilespmem:v12+s11+$0x0] =	vst.idx.add.s32.msk vm7, v4  }
0x445: {  	v12 =	vld.idx.msk [tilespmem:v55+s2+$0x0], $0xffff;
	_ =	sdelay $0x4  }
0x446: {  	v14 =	vshll.u32 v12, $0x3  }
0x447: {  	v14 =	vand.u32 $0xFFFFFC00, v14  }
0x448: {  	v56 =	vand.u32 $0x7F, v12;
	v14 =	vadd.s32 v8, v14  }
0x449: {  	vm8 =	vlt.s32 v12, $0x300;
	v57 =	vor.u32 v56, v14  }
0x44a: {  	v12 =	vor.u32 v3, v57  }
0x44b: {  	v13 =	vor.u32 v11, v54;
	_ =	sdelay $0x3  }
0x44c: {  	[tilespmem:v12+s11+$0x0] =	vst.idx.add.s32.msk vm8, v2  }
0x44d: {  	v12 =	vld.idx.msk [tilespmem:v13+s2+$0x0], $0xffff;
	_ =	sdelay $0x4  }
0x44e: {  	v13 =	vshll.u32 v12, $0x3  }
0x44f: {  	v13 =	vand.u32 $0xFFFFFC00, v13  }
0x450: {  	v58 =	vand.u32 $0x7F, v12;
	v13 =	vadd.s32 v8, v13  }
0x451: {  	vm9 =	vlt.s32 v12, $0x300;
	v59 =	vor.u32 v58, v13  }
0x452: {  	v60 =	vadd.s32 $0x3180, v10;
	v12 =	vor.u32 v3, v59  }
0x453: {  	v61 =	vor.u32 v9, v60;
	_ =	sdelay $0x3  }
0x454: {  	[tilespmem:v12+s11+$0x0] =	vst.idx.add.s32.msk vm9, v4  }
0x455: {  	v12 =	vld.idx.msk [tilespmem:v61+s2+$0x0], $0xffff;
	_ =	sdelay $0x4  }
0x456: {  	v14 =	vshll.u32 v12, $0x3  }
0x457: {  	v14 =	vand.u32 $0xFFFFFC00, v14  }
0x458: {  	v62 =	vand.u32 $0x7F, v12;
	v14 =	vadd.s32 v8, v14  }
0x459: {  	vm10 =	vlt.s32 v12, $0x300;
	v63 =	vor.u32 v62, v14  }
0x45a: {  	v12 =	vor.u32 v3, v63  }
0x45b: {  	v13 =	vor.u32 v11, v60;
	_ =	sdelay $0x3  }
0x45c: {  	[tilespmem:v12+s11+$0x0] =	vst.idx.add.s32.msk vm10, v2  }
0x45d: {  	v12 =	vld.idx.msk [tilespmem:v13+s2+$0x0], $0xffff;
	_ =	sdelay $0x4  }
0x45e: {  	v13 =	vshll.u32 v12, $0x3  }
0x45f: {  	v13 =	vand.u32 $0xFFFFFC00, v13  }
0x460: {  	v16 =	vand.u32 $0x7F, v12;
	v13 =	vadd.s32 v8, v13  }
0x461: {  	vm11 =	vlt.s32 v12, $0x300;
	v17 =	vor.u32 v16, v13  }
0x462: {  	v18 =	vadd.s32 $0x3200, v10;
	v12 =	vor.u32 v3, v17  }
0x463: {  	v19 =	vor.u32 v9, v18;
	_ =	sdelay $0x3  }
0x464: {  	[tilespmem:v12+s11+$0x0] =	vst.idx.add.s32.msk vm11, v4  }
0x465: {  	v12 =	vld.idx.msk [tilespmem:v19+s2+$0x0], $0xffff;
	_ =	sdelay $0x4  }
0x466: {  	v14 =	vshll.u32 v12, $0x3  }
0x467: {  	v14 =	vand.u32 $0xFFFFFC00, v14  }
0x468: {  	v20 =	vand.u32 $0x7F, v12;
	v14 =	vadd.s32 v8, v14  }
0x469: {  	vm12 =	vlt.s32 v12, $0x300;
	v21 =	vor.u32 v20, v14  }
0x46a: {  	v12 =	vor.u32 v3, v21  }
0x46b: {  	v13 =	vor.u32 v11, v18;
	_ =	sdelay $0x3  }
0x46c: {  	[tilespmem:v12+s11+$0x0] =	vst.idx.add.s32.msk vm12, v2  }
0x46d: {  	v12 =	vld.idx.msk [tilespmem:v13+s2+$0x0], $0xffff;
	_ =	sdelay $0x4  }
0x46e: {  	v13 =	vshll.u32 v12, $0x3  }
0x46f: {  	v13 =	vand.u32 $0xFFFFFC00, v13  }
0x470: {  	v22 =	vand.u32 $0x7F, v12;
	v13 =	vadd.s32 v8, v13  }
0x471: {  	vm13 =	vlt.s32 v12, $0x300;
	v23 =	vor.u32 v22, v13  }
0x472: {  	v24 =	vadd.s32 $0x3280, v10;
	v12 =	vor.u32 v3, v23  }
0x473: {  	v25 =	vor.u32 v9, v24;
	_ =	sdelay $0x3  }
0x474: {  	[tilespmem:v12+s11+$0x0] =	vst.idx.add.s32.msk vm13, v4  }
0x475: {  	v12 =	vld.idx.msk [tilespmem:v25+s2+$0x0], $0xffff;
	_ =	sdelay $0x4  }
0x476: {  	v14 =	vshll.u32 v12, $0x3  }
0x477: {  	v14 =	vand.u32 $0xFFFFFC00, v14  }
0x478: {  	v26 =	vand.u32 $0x7F, v12;
	v14 =	vadd.s32 v8, v14  }
0x479: {  	vm14 =	vlt.s32 v12, $0x300;
	v27 =	vor.u32 v26, v14  }
0x47a: {  	v12 =	vor.u32 v3, v27  }
0x47b: {  	v13 =	vor.u32 v11, v24;
	_ =	sdelay $0x3  }
0x47c: {  	[tilespmem:v12+s11+$0x0] =	vst.idx.add.s32.msk vm14, v2  }
0x47d: {  	v12 =	vld.idx.msk [tilespmem:v13+s2+$0x0], $0xffff;
	_ =	sdelay $0x4  }
0x47e: {  	v13 =	vshll.u32 v12, $0x3  }
0x47f: {  	v13 =	vand.u32 $0xFFFFFC00, v13  }
0x480: {  	v28 =	vand.u32 $0x7F, v12;
	v13 =	vadd.s32 v8, v13  }
0x481: {  	vm15 =	vlt.s32 v12, $0x300;
	v29 =	vor.u32 v28, v13  }
0x482: {  	v30 =	vadd.s32 $0x3300, v10;
	v12 =	vor.u32 v3, v29  }
0x483: {  	v31 =	vor.u32 v9, v30;
	_ =	sdelay $0x3  }
0x484: {  	[tilespmem:v12+s11+$0x0] =	vst.idx.add.s32.msk vm15, v4  }
0x485: {  	v12 =	vld.idx.msk [tilespmem:v31+s2+$0x0], $0xffff;
	_ =	sdelay $0x4  }
0x486: {  	v14 =	vshll.u32 v12, $0x3  }
0x487: {  	v14 =	vand.u32 $0xFFFFFC00, v14  }
0x488: {  	v32 =	vand.u32 $0x7F, v12;
	v14 =	vadd.s32 v8, v14  }
0x489: {  	vm4 =	vlt.s32 v12, $0x300;
	v33 =	vor.u32 v32, v14  }
0x48a: {  	v12 =	vor.u32 v3, v33  }
0x48b: {  	v13 =	vor.u32 v11, v30;
	_ =	sdelay $0x3  }
0x48c: {  	[tilespmem:v12+s11+$0x0] =	vst.idx.add.s32.msk vm4, v2  }
0x48d: {  	v12 =	vld.idx.msk [tilespmem:v13+s2+$0x0], $0xffff;
	_ =	sdelay $0x4  }
0x48e: {  	v13 =	vshll.u32 v12, $0x3  }
0x48f: {  	v13 =	vand.u32 $0xFFFFFC00, v13  }
0x490: {  	v34 =	vand.u32 $0x7F, v12;
	v13 =	vadd.s32 v8, v13  }
0x491: {  	vm5 =	vlt.s32 v12, $0x300;
	v35 =	vor.u32 v34, v13  }
0x492: {  	v36 =	vadd.s32 $0x3380, v10;
	v12 =	vor.u32 v3, v35  }
0x493: {  	v37 =	vor.u32 v9, v36;
	_ =	sdelay $0x3  }
0x494: {  	[tilespmem:v12+s11+$0x0] =	vst.idx.add.s32.msk vm5, v4  }
0x495: {  	v12 =	vld.idx.msk [tilespmem:v37+s2+$0x0], $0xffff;
	_ =	sdelay $0x4  }
0x496: {  	v14 =	vshll.u32 v12, $0x3  }
0x497: {  	v14 =	vand.u32 $0xFFFFFC00, v14  }
0x498: {  	v38 =	vand.u32 $0x7F, v12;
	v14 =	vadd.s32 v8, v14  }
0x499: {  	vm6 =	vlt.s32 v12, $0x300;
	v39 =	vor.u32 v38, v14  }
0x49a: {  	v12 =	vor.u32 v3, v39  }
0x49b: {  	v13 =	vor.u32 v11, v36;
	_ =	sdelay $0x3  }
0x49c: {  	[tilespmem:v12+s11+$0x0] =	vst.idx.add.s32.msk vm6, v2  }
0x49d: {  	v12 =	vld.idx.msk [tilespmem:v13+s2+$0x0], $0xffff;
	_ =	sdelay $0x4  }
0x49e: {  	v13 =	vshll.u32 v12, $0x3  }
0x49f: {  	v13 =	vand.u32 $0xFFFFFC00, v13  }
0x4a0: {  	v40 =	vand.u32 $0x7F, v12;
	v13 =	vadd.s32 v8, v13  }
0x4a1: {  	vm7 =	vlt.s32 v12, $0x300;
	v41 =	vor.u32 v40, v13  }
0x4a2: {  	v42 =	vadd.s32 $0x4000, v10;
	v12 =	vor.u32 v3, v41  }
0x4a3: {  	v43 =	vor.u32 v9, v42;
	_ =	sdelay $0x3  }
0x4a4: {  	[tilespmem:v12+s11+$0x0] =	vst.idx.add.s32.msk vm7, v4  }
0x4a5: {  	v12 =	vld.idx.msk [tilespmem:v43+s2+$0x0], $0xffff;
	_ =	sdelay $0x4  }
0x4a6: {  	v14 =	vshll.u32 v12, $0x3  }
0x4a7: {  	v14 =	vand.u32 $0xFFFFFC00, v14  }
0x4a8: {  	v44 =	vand.u32 $0x7F, v12;
	v14 =	vadd.s32 v8, v14  }
0x4a9: {  	vm8 =	vlt.s32 v12, $0x300;
	v45 =	vor.u32 v44, v14  }
0x4aa: {  	v12 =	vor.u32 v3, v45  }
0x4ab: {  	v13 =	vor.u32 v11, v42;
	_ =	sdelay $0x3  }
0x4ac: {  	[tilespmem:v12+s11+$0x0] =	vst.idx.add.s32.msk vm8, v2  }
0x4ad: {  	v12 =	vld.idx.msk [tilespmem:v13+s2+$0x0], $0xffff;
	_ =	sdelay $0x4  }
0x4ae: {  	v13 =	vshll.u32 v12, $0x3  }
0x4af: {  	v13 =	vand.u32 $0xFFFFFC00, v13  }
0x4b0: {  	v46 =	vand.u32 $0x7F, v12;
	v13 =	vadd.s32 v8, v13  }
0x4b1: {  	vm9 =	vlt.s32 v12, $0x300;
	v47 =	vor.u32 v46, v13  }
0x4b2: {  	v48 =	vadd.s32 $0x4080, v10;
	v12 =	vor.u32 v3, v47  }
0x4b3: {  	v49 =	vor.u32 v9, v48;
	_ =	sdelay $0x3  }
0x4b4: {  	[tilespmem:v12+s11+$0x0] =	vst.idx.add.s32.msk vm9, v4  }
0x4b5: {  	v12 =	vld.idx.msk [tilespmem:v49+s2+$0x0], $0xffff;
	_ =	sdelay $0x4  }
0x4b6: {  	v14 =	vshll.u32 v12, $0x3  }
0x4b7: {  	v14 =	vand.u32 $0xFFFFFC00, v14  }
0x4b8: {  	v50 =	vand.u32 $0x7F, v12;
	v14 =	vadd.s32 v8, v14  }
0x4b9: {  	vm10 =	vlt.s32 v12, $0x300;
	v51 =	vor.u32 v50, v14  }
0x4ba: {  	v12 =	vor.u32 v3, v51  }
0x4bb: {  	v13 =	vor.u32 v11, v48;
	_ =	sdelay $0x3  }
0x4bc: {  	[tilespmem:v12+s11+$0x0] =	vst.idx.add.s32.msk vm10, v2  }
0x4bd: {  	v12 =	vld.idx.msk [tilespmem:v13+s2+$0x0], $0xffff;
	_ =	sdelay $0x4  }
0x4be: {  	v13 =	vshll.u32 v12, $0x3  }
0x4bf: {  	v13 =	vand.u32 $0xFFFFFC00, v13  }
0x4c0: {  	v52 =	vand.u32 $0x7F, v12;
	v13 =	vadd.s32 v8, v13  }
0x4c1: {  	vm11 =	vlt.s32 v12, $0x300;
	v53 =	vor.u32 v52, v13  }
0x4c2: {  	v54 =	vadd.s32 $0x4100, v10;
	v12 =	vor.u32 v3, v53  }
0x4c3: {  	v55 =	vor.u32 v9, v54;
	_ =	sdelay $0x3  }
0x4c4: {  	[tilespmem:v12+s11+$0x0] =	vst.idx.add.s32.msk vm11, v4  }
0x4c5: {  	v12 =	vld.idx.msk [tilespmem:v55+s2+$0x0], $0xffff;
	_ =	sdelay $0x4  }
0x4c6: {  	v14 =	vshll.u32 v12, $0x3  }
0x4c7: {  	v14 =	vand.u32 $0xFFFFFC00, v14  }
0x4c8: {  	v56 =	vand.u32 $0x7F, v12;
	v14 =	vadd.s32 v8, v14  }
0x4c9: {  	vm12 =	vlt.s32 v12, $0x300;
	v57 =	vor.u32 v56, v14  }
0x4ca: {  	v12 =	vor.u32 v3, v57  }
0x4cb: {  	v13 =	vor.u32 v11, v54;
	_ =	sdelay $0x3  }
0x4cc: {  	[tilespmem:v12+s11+$0x0] =	vst.idx.add.s32.msk vm12, v2  }
0x4cd: {  	v12 =	vld.idx.msk [tilespmem:v13+s2+$0x0], $0xffff;
	_ =	sdelay $0x4  }
0x4ce: {  	v13 =	vshll.u32 v12, $0x3  }
0x4cf: {  	v13 =	vand.u32 $0xFFFFFC00, v13  }
0x4d0: {  	v58 =	vand.u32 $0x7F, v12;
	v13 =	vadd.s32 v8, v13  }
0x4d1: {  	vm13 =	vlt.s32 v12, $0x300;
	v59 =	vor.u32 v58, v13  }
0x4d2: {  	v10 =	vadd.s32 $0x4180, v10;
	v12 =	vor.u32 v3, v59  }
0x4d3: {  	v9 =	vor.u32 v9, v10;
	_ =	sdelay $0x3  }
0x4d4: {  	[tilespmem:v12+s11+$0x0] =	vst.idx.add.s32.msk vm13, v4  }
0x4d5: {  	v9 =	vld.idx.msk [tilespmem:v9+s2+$0x0], $0xffff;
	_ =	sdelay $0x4  }
0x4d6: {  	v60 =	vshll.u32 v9, $0x3  }
0x4d7: {  	v12 =	vand.u32 $0xFFFFFC00, v60  }
0x4d8: {  	v61 =	vand.u32 $0x7F, v9;
	v12 =	vadd.s32 v8, v12  }
0x4d9: {  	vm14 =	vlt.s32 v9, $0x300;
	v62 =	vor.u32 v61, v12  }
0x4da: {  	v9 =	vor.u32 v3, v62  }
0x4db: {  	v10 =	vor.u32 v11, v10;
	_ =	sdelay $0x3  }
0x4dc: {  	[tilespmem:v9+s11+$0x0] =	vst.idx.add.s32.msk vm14, v2  }
0x4dd: {  	v9 =	vld.idx.msk [tilespmem:v10+s2+$0x0], $0xffff;
	_ =	sdelay $0x4  }
0x4de: {  	v10 =	vshll.u32 v9, $0x3  }
0x4df: {  	v10 =	vand.u32 $0xFFFFFC00, v10  }
0x4e0: {  	v63 =	vand.u32 $0x7F, v9;
	v8 =	vadd.s32 v8, v10  }
0x4e1: {  	vm15 =	vlt.s32 v9, $0x300;
	v8 =	vor.u32 v63, v8  }
0x4e2: {  	p1 =	sne.s32 s16, $0x30;
	v8 =	vor.u32 v3, v8  }
.Ltmp2:
0x4e3: {  	_ = 	snop;
	(pc) =	sbr.rel @p1 .LBB2_7-.Ltmp2, $2  }
0x4e4: {  	_ =	sdelay $0x2  }
0x4e5: {  	s16 =	sadd.s32 $0x10, s16;
	[tilespmem:v8+s11+$0x0] =	vst.idx.add.s32.msk vm15, v4  }
0x4e6: {  	s16 =	sor.u32 s5, s17  }
0x4e7: {  	s16 =	sshrl.u32 s16, $0x3  }
0x4e8: {  	s16 =	smul.u32 $0x300, s16;
	_ =	sdelay $0x1  }
0x4e9: {  	s31 =	sadd.s32 s3, s16;
	s16 =	simm.s32 $0x0  }
0x4ea: {  	[hbm4b:s31+s16] =	stream.linear.scatter [tilespmem:s11], [sflag:$0x2], $0xC000, $0x38;
	[tilespmem:$0x1D000] =	vst v63  }
0x4eb: {  	_ =	swait.ge [sflag:s12], $0xC000  }
0x4ec: {  	[sflag:s12] =	ssyncset.done $0x0  }
0x4ed: {  	[sflag:s12] =	ssyncadd.s32 $0xFFFF4000  }
.LBB2_9:
0x4ee: {  	s17 =	sor.u32 s15, s16  }
0x4ef: {  	v8 =	vmov s17  }
0x4f0: {  	v8 =	vshll.u32 v8, $0x4  }
0x4f1: {  	v8 =	vand.u32 $0x7FFFFC00, v8  }
0x4f2: {  	v11 =	vor.u32 s16, v0;
	v10 =	vbroadcast v8, $0x0  }
0x4f3: {  	v9 =	vshll.u32 v11, $0x1  }
0x4f4: {  	v8 =	vor.u32 v9, v10;
	_ =	sdelay $0x4  }
0x4f5: {  	v12 =	vld.idx.msk [tilespmem:v8+s2+$0x0], $0xffff;
	_ =	sdelay $0x3  }
0x4f6: {  	v8 =	vshrl.u32 v11, $0x3  }
0x4f7: {  	v8 =	vmul.u32 $0x1800, v8;
	v45 =	vshll.u32 v12, $0x3  }
0x4f8: {  	v11 =	vand.u32 $0xFFFFFC00, v45  }
0x4f9: {  	v13 =	vand.u32 $0x7F, v12;
	v11 =	vadd.s32 v8, v11  }
0x4fa: {  	vm0 =	vlt.s32 v12, $0x300;
	v11 =	vor.u32 v13, v11  }
0x4fb: {  	v46 =	vor.u32 v3, v11;
	v11 =	vor.u32 $0x1, v9  }
0x4fc: {  	v47 =	vor.u32 v11, v10;
	_ =	sdelay $0x3  }
0x4fd: {  	[tilespmem:v46+s10+$0x0] =	vst.idx.add.s32.msk vm0, v5  }
0x4fe: {  	v12 =	vld.idx.msk [tilespmem:v47+s2+$0x0], $0xffff;
	_ =	sdelay $0x4  }
0x4ff: {  	v13 =	vshll.u32 v12, $0x3  }
0x500: {  	v13 =	vand.u32 $0xFFFFFC00, v13  }
0x501: {  	v14 =	vand.u32 $0x7F, v12;
	v13 =	vadd.s32 v8, v13  }
0x502: {  	vm5 =	vlt.s32 v12, $0x300;
	v48 =	vor.u32 v14, v13  }
0x503: {  	v49 =	vor.u32 $0x80, v10;
	v12 =	vor.u32 v3, v48  }
0x504: {  	v50 =	vor.u32 v9, v49;
	_ =	sdelay $0x3  }
0x505: {  	[tilespmem:v12+s10+$0x0] =	vst.idx.add.s32.msk vm5, v6  }
0x506: {  	v12 =	vld.idx.msk [tilespmem:v50+s2+$0x0], $0xffff;
	_ =	sdelay $0x4  }
0x507: {  	v14 =	vshll.u32 v12, $0x3  }
0x508: {  	v14 =	vand.u32 $0xFFFFFC00, v14  }
0x509: {  	v15 =	vand.u32 $0x7F, v12;
	v14 =	vadd.s32 v8, v14  }
0x50a: {  	vm6 =	vlt.s32 v12, $0x300;
	v51 =	vor.u32 v15, v14  }
0x50b: {  	v12 =	vor.u32 v3, v51  }
0x50c: {  	v13 =	vor.u32 v11, v49;
	_ =	sdelay $0x3  }
0x50d: {  	[tilespmem:v12+s10+$0x0] =	vst.idx.add.s32.msk vm6, v5  }
0x50e: {  	v12 =	vld.idx.msk [tilespmem:v13+s2+$0x0], $0xffff;
	_ =	sdelay $0x4  }
0x50f: {  	v13 =	vshll.u32 v12, $0x3  }
0x510: {  	v13 =	vand.u32 $0xFFFFFC00, v13  }
0x511: {  	v52 =	vand.u32 $0x7F, v12;
	v13 =	vadd.s32 v8, v13  }
0x512: {  	vm7 =	vlt.s32 v12, $0x300;
	v53 =	vor.u32 v52, v13  }
0x513: {  	v54 =	vor.u32 $0x100, v10;
	v12 =	vor.u32 v3, v53  }
0x514: {  	v55 =	vor.u32 v9, v54;
	_ =	sdelay $0x3  }
0x515: {  	[tilespmem:v12+s10+$0x0] =	vst.idx.add.s32.msk vm7, v6  }
0x516: {  	v12 =	vld.idx.msk [tilespmem:v55+s2+$0x0], $0xffff;
	_ =	sdelay $0x4  }
0x517: {  	v14 =	vshll.u32 v12, $0x3  }
0x518: {  	v14 =	vand.u32 $0xFFFFFC00, v14  }
0x519: {  	v56 =	vand.u32 $0x7F, v12;
	v14 =	vadd.s32 v8, v14  }
0x51a: {  	vm8 =	vlt.s32 v12, $0x300;
	v57 =	vor.u32 v56, v14  }
0x51b: {  	v12 =	vor.u32 v3, v57  }
0x51c: {  	v13 =	vor.u32 v11, v54;
	_ =	sdelay $0x3  }
0x51d: {  	[tilespmem:v12+s10+$0x0] =	vst.idx.add.s32.msk vm8, v5  }
0x51e: {  	v12 =	vld.idx.msk [tilespmem:v13+s2+$0x0], $0xffff;
	_ =	sdelay $0x4  }
0x51f: {  	v13 =	vshll.u32 v12, $0x3  }
0x520: {  	v13 =	vand.u32 $0xFFFFFC00, v13  }
0x521: {  	v58 =	vand.u32 $0x7F, v12;
	v13 =	vadd.s32 v8, v13  }
0x522: {  	vm9 =	vlt.s32 v12, $0x300;
	v59 =	vor.u32 v58, v13  }
0x523: {  	v60 =	vor.u32 $0x180, v10;
	v12 =	vor.u32 v3, v59  }
0x524: {  	v61 =	vor.u32 v9, v60;
	_ =	sdelay $0x3  }
0x525: {  	[tilespmem:v12+s10+$0x0] =	vst.idx.add.s32.msk vm9, v6  }
0x526: {  	v12 =	vld.idx.msk [tilespmem:v61+s2+$0x0], $0xffff;
	_ =	sdelay $0x4  }
0x527: {  	v14 =	vshll.u32 v12, $0x3  }
0x528: {  	v14 =	vand.u32 $0xFFFFFC00, v14  }
0x529: {  	v62 =	vand.u32 $0x7F, v12;
	v14 =	vadd.s32 v8, v14  }
0x52a: {  	vm10 =	vlt.s32 v12, $0x300;
	v63 =	vor.u32 v62, v14  }
0x52b: {  	v12 =	vor.u32 v3, v63  }
0x52c: {  	v13 =	vor.u32 v11, v60;
	_ =	sdelay $0x3  }
0x52d: {  	[tilespmem:v12+s10+$0x0] =	vst.idx.add.s32.msk vm10, v5  }
0x52e: {  	v12 =	vld.idx.msk [tilespmem:v13+s2+$0x0], $0xffff;
	_ =	sdelay $0x4  }
0x52f: {  	v13 =	vshll.u32 v12, $0x3  }
0x530: {  	v13 =	vand.u32 $0xFFFFFC00, v13  }
0x531: {  	v16 =	vand.u32 $0x7F, v12;
	v13 =	vadd.s32 v8, v13  }
0x532: {  	vm11 =	vlt.s32 v12, $0x300;
	v17 =	vor.u32 v16, v13  }
0x533: {  	v18 =	vor.u32 $0x200, v10;
	v12 =	vor.u32 v3, v17  }
0x534: {  	v19 =	vor.u32 v9, v18;
	_ =	sdelay $0x3  }
0x535: {  	[tilespmem:v12+s10+$0x0] =	vst.idx.add.s32.msk vm11, v6  }
0x536: {  	v12 =	vld.idx.msk [tilespmem:v19+s2+$0x0], $0xffff;
	_ =	sdelay $0x4  }
0x537: {  	v14 =	vshll.u32 v12, $0x3  }
0x538: {  	v14 =	vand.u32 $0xFFFFFC00, v14  }
0x539: {  	v20 =	vand.u32 $0x7F, v12;
	v14 =	vadd.s32 v8, v14  }
0x53a: {  	vm12 =	vlt.s32 v12, $0x300;
	v21 =	vor.u32 v20, v14  }
0x53b: {  	v12 =	vor.u32 v3, v21  }
0x53c: {  	v13 =	vor.u32 v11, v18;
	_ =	sdelay $0x3  }
0x53d: {  	[tilespmem:v12+s10+$0x0] =	vst.idx.add.s32.msk vm12, v5  }
0x53e: {  	v12 =	vld.idx.msk [tilespmem:v13+s2+$0x0], $0xffff;
	_ =	sdelay $0x4  }
0x53f: {  	v13 =	vshll.u32 v12, $0x3  }
0x540: {  	v13 =	vand.u32 $0xFFFFFC00, v13  }
0x541: {  	v22 =	vand.u32 $0x7F, v12;
	v13 =	vadd.s32 v8, v13  }
0x542: {  	vm13 =	vlt.s32 v12, $0x300;
	v23 =	vor.u32 v22, v13  }
0x543: {  	v24 =	vor.u32 $0x280, v10;
	v12 =	vor.u32 v3, v23  }
0x544: {  	v25 =	vor.u32 v9, v24;
	_ =	sdelay $0x3  }
0x545: {  	[tilespmem:v12+s10+$0x0] =	vst.idx.add.s32.msk vm13, v6  }
0x546: {  	v12 =	vld.idx.msk [tilespmem:v25+s2+$0x0], $0xffff;
	_ =	sdelay $0x4  }
0x547: {  	v14 =	vshll.u32 v12, $0x3  }
0x548: {  	v14 =	vand.u32 $0xFFFFFC00, v14  }
0x549: {  	v26 =	vand.u32 $0x7F, v12;
	v14 =	vadd.s32 v8, v14  }
0x54a: {  	vm14 =	vlt.s32 v12, $0x300;
	v27 =	vor.u32 v26, v14  }
0x54b: {  	v12 =	vor.u32 v3, v27  }
0x54c: {  	v13 =	vor.u32 v11, v24;
	_ =	sdelay $0x3  }
0x54d: {  	[tilespmem:v12+s10+$0x0] =	vst.idx.add.s32.msk vm14, v5  }
0x54e: {  	v12 =	vld.idx.msk [tilespmem:v13+s2+$0x0], $0xffff;
	_ =	sdelay $0x4  }
0x54f: {  	v13 =	vshll.u32 v12, $0x3  }
0x550: {  	v13 =	vand.u32 $0xFFFFFC00, v13  }
0x551: {  	v28 =	vand.u32 $0x7F, v12;
	v13 =	vadd.s32 v8, v13  }
0x552: {  	vm15 =	vlt.s32 v12, $0x300;
	v29 =	vor.u32 v28, v13  }
0x553: {  	v30 =	vor.u32 $0x300, v10;
	v12 =	vor.u32 v3, v29  }
0x554: {  	v31 =	vor.u32 v9, v30;
	_ =	sdelay $0x3  }
0x555: {  	[tilespmem:v12+s10+$0x0] =	vst.idx.add.s32.msk vm15, v6  }
0x556: {  	v12 =	vld.idx.msk [tilespmem:v31+s2+$0x0], $0xffff;
	_ =	sdelay $0x4  }
0x557: {  	v14 =	vshll.u32 v12, $0x3  }
0x558: {  	v14 =	vand.u32 $0xFFFFFC00, v14  }
0x559: {  	v32 =	vand.u32 $0x7F, v12;
	v14 =	vadd.s32 v8, v14  }
0x55a: {  	vm4 =	vlt.s32 v12, $0x300;
	v33 =	vor.u32 v32, v14  }
0x55b: {  	v12 =	vor.u32 v3, v33  }
0x55c: {  	v13 =	vor.u32 v11, v30;
	_ =	sdelay $0x3  }
0x55d: {  	[tilespmem:v12+s10+$0x0] =	vst.idx.add.s32.msk vm4, v5  }
0x55e: {  	v12 =	vld.idx.msk [tilespmem:v13+s2+$0x0], $0xffff;
	_ =	sdelay $0x4  }
0x55f: {  	v13 =	vshll.u32 v12, $0x3  }
0x560: {  	v13 =	vand.u32 $0xFFFFFC00, v13  }
0x561: {  	v34 =	vand.u32 $0x7F, v12;
	v13 =	vadd.s32 v8, v13  }
0x562: {  	vm5 =	vlt.s32 v12, $0x300;
	v35 =	vor.u32 v34, v13  }
0x563: {  	v36 =	vor.u32 $0x380, v10;
	v12 =	vor.u32 v3, v35  }
0x564: {  	v37 =	vor.u32 v9, v36;
	_ =	sdelay $0x3  }
0x565: {  	[tilespmem:v12+s10+$0x0] =	vst.idx.add.s32.msk vm5, v6  }
0x566: {  	v12 =	vld.idx.msk [tilespmem:v37+s2+$0x0], $0xffff;
	_ =	sdelay $0x4  }
0x567: {  	v14 =	vshll.u32 v12, $0x3  }
0x568: {  	v14 =	vand.u32 $0xFFFFFC00, v14  }
0x569: {  	v38 =	vand.u32 $0x7F, v12;
	v14 =	vadd.s32 v8, v14  }
0x56a: {  	vm6 =	vlt.s32 v12, $0x300;
	v39 =	vor.u32 v38, v14  }
0x56b: {  	v12 =	vor.u32 v3, v39  }
0x56c: {  	v13 =	vor.u32 v11, v36;
	_ =	sdelay $0x3  }
0x56d: {  	[tilespmem:v12+s10+$0x0] =	vst.idx.add.s32.msk vm6, v5  }
0x56e: {  	v12 =	vld.idx.msk [tilespmem:v13+s2+$0x0], $0xffff;
	_ =	sdelay $0x4  }
0x56f: {  	v13 =	vshll.u32 v12, $0x3  }
0x570: {  	v13 =	vand.u32 $0xFFFFFC00, v13  }
0x571: {  	v40 =	vand.u32 $0x7F, v12;
	v13 =	vadd.s32 v8, v13  }
0x572: {  	vm7 =	vlt.s32 v12, $0x300;
	v41 =	vor.u32 v40, v13  }
0x573: {  	v42 =	vadd.s32 $0x1000, v10;
	v12 =	vor.u32 v3, v41  }
0x574: {  	v43 =	vor.u32 v9, v42;
	_ =	sdelay $0x3  }
0x575: {  	[tilespmem:v12+s10+$0x0] =	vst.idx.add.s32.msk vm7, v6  }
0x576: {  	v12 =	vld.idx.msk [tilespmem:v43+s2+$0x0], $0xffff;
	_ =	sdelay $0x4  }
0x577: {  	v14 =	vshll.u32 v12, $0x3  }
0x578: {  	v14 =	vand.u32 $0xFFFFFC00, v14  }
0x579: {  	v44 =	vand.u32 $0x7F, v12;
	v14 =	vadd.s32 v8, v14  }
0x57a: {  	vm8 =	vlt.s32 v12, $0x300;
	v45 =	vor.u32 v44, v14  }
0x57b: {  	v12 =	vor.u32 v3, v45  }
0x57c: {  	v13 =	vor.u32 v11, v42;
	_ =	sdelay $0x3  }
0x57d: {  	[tilespmem:v12+s10+$0x0] =	vst.idx.add.s32.msk vm8, v5  }
0x57e: {  	v12 =	vld.idx.msk [tilespmem:v13+s2+$0x0], $0xffff;
	_ =	sdelay $0x4  }
0x57f: {  	v13 =	vshll.u32 v12, $0x3  }
0x580: {  	v13 =	vand.u32 $0xFFFFFC00, v13  }
0x581: {  	v46 =	vand.u32 $0x7F, v12;
	v13 =	vadd.s32 v8, v13  }
0x582: {  	vm9 =	vlt.s32 v12, $0x300;
	v47 =	vor.u32 v46, v13  }
0x583: {  	v48 =	vadd.s32 $0x1080, v10;
	v12 =	vor.u32 v3, v47  }
0x584: {  	v49 =	vor.u32 v9, v48;
	_ =	sdelay $0x3  }
0x585: {  	[tilespmem:v12+s10+$0x0] =	vst.idx.add.s32.msk vm9, v6  }
0x586: {  	v12 =	vld.idx.msk [tilespmem:v49+s2+$0x0], $0xffff;
	_ =	sdelay $0x4  }
0x587: {  	v14 =	vshll.u32 v12, $0x3  }
0x588: {  	v14 =	vand.u32 $0xFFFFFC00, v14  }
0x589: {  	v50 =	vand.u32 $0x7F, v12;
	v14 =	vadd.s32 v8, v14  }
0x58a: {  	vm10 =	vlt.s32 v12, $0x300;
	v51 =	vor.u32 v50, v14  }
0x58b: {  	v12 =	vor.u32 v3, v51  }
0x58c: {  	v13 =	vor.u32 v11, v48;
	_ =	sdelay $0x3  }
0x58d: {  	[tilespmem:v12+s10+$0x0] =	vst.idx.add.s32.msk vm10, v5  }
0x58e: {  	v12 =	vld.idx.msk [tilespmem:v13+s2+$0x0], $0xffff;
	_ =	sdelay $0x4  }
0x58f: {  	v13 =	vshll.u32 v12, $0x3  }
0x590: {  	v13 =	vand.u32 $0xFFFFFC00, v13  }
0x591: {  	v52 =	vand.u32 $0x7F, v12;
	v13 =	vadd.s32 v8, v13  }
0x592: {  	vm11 =	vlt.s32 v12, $0x300;
	v53 =	vor.u32 v52, v13  }
0x593: {  	v54 =	vadd.s32 $0x1100, v10;
	v12 =	vor.u32 v3, v53  }
0x594: {  	v55 =	vor.u32 v9, v54;
	_ =	sdelay $0x3  }
0x595: {  	[tilespmem:v12+s10+$0x0] =	vst.idx.add.s32.msk vm11, v6  }
0x596: {  	v12 =	vld.idx.msk [tilespmem:v55+s2+$0x0], $0xffff;
	_ =	sdelay $0x4  }
0x597: {  	v14 =	vshll.u32 v12, $0x3  }
0x598: {  	v14 =	vand.u32 $0xFFFFFC00, v14  }
0x599: {  	v56 =	vand.u32 $0x7F, v12;
	v14 =	vadd.s32 v8, v14  }
0x59a: {  	vm12 =	vlt.s32 v12, $0x300;
	v57 =	vor.u32 v56, v14  }
0x59b: {  	v12 =	vor.u32 v3, v57  }
0x59c: {  	v13 =	vor.u32 v11, v54;
	_ =	sdelay $0x3  }
0x59d: {  	[tilespmem:v12+s10+$0x0] =	vst.idx.add.s32.msk vm12, v5  }
0x59e: {  	v12 =	vld.idx.msk [tilespmem:v13+s2+$0x0], $0xffff;
	_ =	sdelay $0x4  }
0x59f: {  	v13 =	vshll.u32 v12, $0x3  }
0x5a0: {  	v13 =	vand.u32 $0xFFFFFC00, v13  }
0x5a1: {  	v58 =	vand.u32 $0x7F, v12;
	v13 =	vadd.s32 v8, v13  }
0x5a2: {  	vm13 =	vlt.s32 v12, $0x300;
	v59 =	vor.u32 v58, v13  }
0x5a3: {  	v60 =	vadd.s32 $0x1180, v10;
	v12 =	vor.u32 v3, v59  }
0x5a4: {  	v61 =	vor.u32 v9, v60;
	_ =	sdelay $0x3  }
0x5a5: {  	[tilespmem:v12+s10+$0x0] =	vst.idx.add.s32.msk vm13, v6  }
0x5a6: {  	v12 =	vld.idx.msk [tilespmem:v61+s2+$0x0], $0xffff;
	_ =	sdelay $0x4  }
0x5a7: {  	v14 =	vshll.u32 v12, $0x3  }
0x5a8: {  	v14 =	vand.u32 $0xFFFFFC00, v14  }
0x5a9: {  	v62 =	vand.u32 $0x7F, v12;
	v14 =	vadd.s32 v8, v14  }
0x5aa: {  	vm14 =	vlt.s32 v12, $0x300;
	v63 =	vor.u32 v62, v14  }
0x5ab: {  	v12 =	vor.u32 v3, v63  }
0x5ac: {  	v13 =	vor.u32 v11, v60;
	_ =	sdelay $0x3  }
0x5ad: {  	[tilespmem:v12+s10+$0x0] =	vst.idx.add.s32.msk vm14, v5  }
0x5ae: {  	v12 =	vld.idx.msk [tilespmem:v13+s2+$0x0], $0xffff;
	_ =	sdelay $0x4  }
0x5af: {  	v13 =	vshll.u32 v12, $0x3  }
0x5b0: {  	v13 =	vand.u32 $0xFFFFFC00, v13  }
0x5b1: {  	v16 =	vand.u32 $0x7F, v12;
	v13 =	vadd.s32 v8, v13  }
0x5b2: {  	vm15 =	vlt.s32 v12, $0x300;
	v17 =	vor.u32 v16, v13  }
0x5b3: {  	v18 =	vadd.s32 $0x1200, v10;
	v12 =	vor.u32 v3, v17  }
0x5b4: {  	v19 =	vor.u32 v9, v18;
	_ =	sdelay $0x3  }
0x5b5: {  	[tilespmem:v12+s10+$0x0] =	vst.idx.add.s32.msk vm15, v6  }
0x5b6: {  	v12 =	vld.idx.msk [tilespmem:v19+s2+$0x0], $0xffff;
	_ =	sdelay $0x4  }
0x5b7: {  	v14 =	vshll.u32 v12, $0x3  }
0x5b8: {  	v14 =	vand.u32 $0xFFFFFC00, v14  }
0x5b9: {  	v20 =	vand.u32 $0x7F, v12;
	v14 =	vadd.s32 v8, v14  }
0x5ba: {  	vm4 =	vlt.s32 v12, $0x300;
	v21 =	vor.u32 v20, v14  }
0x5bb: {  	v12 =	vor.u32 v3, v21  }
0x5bc: {  	v13 =	vor.u32 v11, v18;
	_ =	sdelay $0x3  }
0x5bd: {  	[tilespmem:v12+s10+$0x0] =	vst.idx.add.s32.msk vm4, v5  }
0x5be: {  	v12 =	vld.idx.msk [tilespmem:v13+s2+$0x0], $0xffff;
	_ =	sdelay $0x4  }
0x5bf: {  	v13 =	vshll.u32 v12, $0x3  }
0x5c0: {  	v13 =	vand.u32 $0xFFFFFC00, v13  }
0x5c1: {  	v22 =	vand.u32 $0x7F, v12;
	v13 =	vadd.s32 v8, v13  }
0x5c2: {  	vm5 =	vlt.s32 v12, $0x300;
	v23 =	vor.u32 v22, v13  }
0x5c3: {  	v24 =	vadd.s32 $0x1280, v10;
	v12 =	vor.u32 v3, v23  }
0x5c4: {  	v25 =	vor.u32 v9, v24;
	_ =	sdelay $0x3  }
0x5c5: {  	[tilespmem:v12+s10+$0x0] =	vst.idx.add.s32.msk vm5, v6  }
0x5c6: {  	v12 =	vld.idx.msk [tilespmem:v25+s2+$0x0], $0xffff;
	_ =	sdelay $0x4  }
0x5c7: {  	v14 =	vshll.u32 v12, $0x3  }
0x5c8: {  	v14 =	vand.u32 $0xFFFFFC00, v14  }
0x5c9: {  	v26 =	vand.u32 $0x7F, v12;
	v14 =	vadd.s32 v8, v14  }
0x5ca: {  	vm6 =	vlt.s32 v12, $0x300;
	v27 =	vor.u32 v26, v14  }
0x5cb: {  	v12 =	vor.u32 v3, v27  }
0x5cc: {  	v13 =	vor.u32 v11, v24;
	_ =	sdelay $0x3  }
0x5cd: {  	[tilespmem:v12+s10+$0x0] =	vst.idx.add.s32.msk vm6, v5  }
0x5ce: {  	v12 =	vld.idx.msk [tilespmem:v13+s2+$0x0], $0xffff;
	_ =	sdelay $0x4  }
0x5cf: {  	v13 =	vshll.u32 v12, $0x3  }
0x5d0: {  	v13 =	vand.u32 $0xFFFFFC00, v13  }
0x5d1: {  	v28 =	vand.u32 $0x7F, v12;
	v13 =	vadd.s32 v8, v13  }
0x5d2: {  	vm7 =	vlt.s32 v12, $0x300;
	v29 =	vor.u32 v28, v13  }
0x5d3: {  	v30 =	vadd.s32 $0x1300, v10;
	v12 =	vor.u32 v3, v29  }
0x5d4: {  	v31 =	vor.u32 v9, v30;
	_ =	sdelay $0x3  }
0x5d5: {  	[tilespmem:v12+s10+$0x0] =	vst.idx.add.s32.msk vm7, v6  }
0x5d6: {  	v12 =	vld.idx.msk [tilespmem:v31+s2+$0x0], $0xffff;
	_ =	sdelay $0x4  }
0x5d7: {  	v14 =	vshll.u32 v12, $0x3  }
0x5d8: {  	v14 =	vand.u32 $0xFFFFFC00, v14  }
0x5d9: {  	v32 =	vand.u32 $0x7F, v12;
	v14 =	vadd.s32 v8, v14  }
0x5da: {  	vm8 =	vlt.s32 v12, $0x300;
	v33 =	vor.u32 v32, v14  }
0x5db: {  	v12 =	vor.u32 v3, v33  }
0x5dc: {  	v13 =	vor.u32 v11, v30;
	_ =	sdelay $0x3  }
0x5dd: {  	[tilespmem:v12+s10+$0x0] =	vst.idx.add.s32.msk vm8, v5  }
0x5de: {  	v12 =	vld.idx.msk [tilespmem:v13+s2+$0x0], $0xffff;
	_ =	sdelay $0x4  }
0x5df: {  	v13 =	vshll.u32 v12, $0x3  }
0x5e0: {  	v13 =	vand.u32 $0xFFFFFC00, v13  }
0x5e1: {  	v34 =	vand.u32 $0x7F, v12;
	v13 =	vadd.s32 v8, v13  }
0x5e2: {  	vm9 =	vlt.s32 v12, $0x300;
	v35 =	vor.u32 v34, v13  }
0x5e3: {  	v36 =	vadd.s32 $0x1380, v10;
	v12 =	vor.u32 v3, v35  }
0x5e4: {  	v37 =	vor.u32 v9, v36;
	_ =	sdelay $0x3  }
0x5e5: {  	[tilespmem:v12+s10+$0x0] =	vst.idx.add.s32.msk vm9, v6  }
0x5e6: {  	v12 =	vld.idx.msk [tilespmem:v37+s2+$0x0], $0xffff;
	_ =	sdelay $0x4  }
0x5e7: {  	v14 =	vshll.u32 v12, $0x3  }
0x5e8: {  	v14 =	vand.u32 $0xFFFFFC00, v14  }
0x5e9: {  	v38 =	vand.u32 $0x7F, v12;
	v14 =	vadd.s32 v8, v14  }
0x5ea: {  	vm10 =	vlt.s32 v12, $0x300;
	v39 =	vor.u32 v38, v14  }
0x5eb: {  	v12 =	vor.u32 v3, v39  }
0x5ec: {  	v13 =	vor.u32 v11, v36;
	_ =	sdelay $0x3  }
0x5ed: {  	[tilespmem:v12+s10+$0x0] =	vst.idx.add.s32.msk vm10, v5  }
0x5ee: {  	v12 =	vld.idx.msk [tilespmem:v13+s2+$0x0], $0xffff;
	_ =	sdelay $0x4  }
0x5ef: {  	v13 =	vshll.u32 v12, $0x3  }
0x5f0: {  	v13 =	vand.u32 $0xFFFFFC00, v13  }
0x5f1: {  	v40 =	vand.u32 $0x7F, v12;
	v13 =	vadd.s32 v8, v13  }
0x5f2: {  	vm11 =	vlt.s32 v12, $0x300;
	v41 =	vor.u32 v40, v13  }
0x5f3: {  	v42 =	vadd.s32 $0x2000, v10;
	v12 =	vor.u32 v3, v41  }
0x5f4: {  	v43 =	vor.u32 v9, v42;
	_ =	sdelay $0x3  }
0x5f5: {  	[tilespmem:v12+s10+$0x0] =	vst.idx.add.s32.msk vm11, v6  }
0x5f6: {  	v12 =	vld.idx.msk [tilespmem:v43+s2+$0x0], $0xffff;
	_ =	sdelay $0x4  }
0x5f7: {  	v14 =	vshll.u32 v12, $0x3  }
0x5f8: {  	v14 =	vand.u32 $0xFFFFFC00, v14  }
0x5f9: {  	v44 =	vand.u32 $0x7F, v12;
	v14 =	vadd.s32 v8, v14  }
0x5fa: {  	vm12 =	vlt.s32 v12, $0x300;
	v45 =	vor.u32 v44, v14  }
0x5fb: {  	v12 =	vor.u32 v3, v45  }
0x5fc: {  	v13 =	vor.u32 v11, v42;
	_ =	sdelay $0x3  }
0x5fd: {  	[tilespmem:v12+s10+$0x0] =	vst.idx.add.s32.msk vm12, v5  }
0x5fe: {  	v12 =	vld.idx.msk [tilespmem:v13+s2+$0x0], $0xffff;
	_ =	sdelay $0x4  }
0x5ff: {  	v13 =	vshll.u32 v12, $0x3  }
0x600: {  	v13 =	vand.u32 $0xFFFFFC00, v13  }
0x601: {  	v46 =	vand.u32 $0x7F, v12;
	v13 =	vadd.s32 v8, v13  }
0x602: {  	vm13 =	vlt.s32 v12, $0x300;
	v47 =	vor.u32 v46, v13  }
0x603: {  	v48 =	vadd.s32 $0x2080, v10;
	v12 =	vor.u32 v3, v47  }
0x604: {  	v49 =	vor.u32 v9, v48;
	_ =	sdelay $0x3  }
0x605: {  	[tilespmem:v12+s10+$0x0] =	vst.idx.add.s32.msk vm13, v6  }
0x606: {  	v12 =	vld.idx.msk [tilespmem:v49+s2+$0x0], $0xffff;
	_ =	sdelay $0x4  }
0x607: {  	v14 =	vshll.u32 v12, $0x3  }
0x608: {  	v14 =	vand.u32 $0xFFFFFC00, v14  }
0x609: {  	v50 =	vand.u32 $0x7F, v12;
	v14 =	vadd.s32 v8, v14  }
0x60a: {  	vm14 =	vlt.s32 v12, $0x300;
	v51 =	vor.u32 v50, v14  }
0x60b: {  	v12 =	vor.u32 v3, v51  }
0x60c: {  	v13 =	vor.u32 v11, v48;
	_ =	sdelay $0x3  }
0x60d: {  	[tilespmem:v12+s10+$0x0] =	vst.idx.add.s32.msk vm14, v5  }
0x60e: {  	v12 =	vld.idx.msk [tilespmem:v13+s2+$0x0], $0xffff;
	_ =	sdelay $0x4  }
0x60f: {  	v13 =	vshll.u32 v12, $0x3  }
0x610: {  	v13 =	vand.u32 $0xFFFFFC00, v13  }
0x611: {  	v52 =	vand.u32 $0x7F, v12;
	v13 =	vadd.s32 v8, v13  }
0x612: {  	vm15 =	vlt.s32 v12, $0x300;
	v53 =	vor.u32 v52, v13  }
0x613: {  	v54 =	vadd.s32 $0x2100, v10;
	v12 =	vor.u32 v3, v53  }
0x614: {  	v55 =	vor.u32 v9, v54;
	_ =	sdelay $0x3  }
0x615: {  	[tilespmem:v12+s10+$0x0] =	vst.idx.add.s32.msk vm15, v6  }
0x616: {  	v12 =	vld.idx.msk [tilespmem:v55+s2+$0x0], $0xffff;
	_ =	sdelay $0x4  }
0x617: {  	v14 =	vshll.u32 v12, $0x3  }
0x618: {  	v14 =	vand.u32 $0xFFFFFC00, v14  }
0x619: {  	v56 =	vand.u32 $0x7F, v12;
	v14 =	vadd.s32 v8, v14  }
0x61a: {  	vm4 =	vlt.s32 v12, $0x300;
	v57 =	vor.u32 v56, v14  }
0x61b: {  	v12 =	vor.u32 v3, v57  }
0x61c: {  	v13 =	vor.u32 v11, v54;
	_ =	sdelay $0x3  }
0x61d: {  	[tilespmem:v12+s10+$0x0] =	vst.idx.add.s32.msk vm4, v5  }
0x61e: {  	v12 =	vld.idx.msk [tilespmem:v13+s2+$0x0], $0xffff;
	_ =	sdelay $0x4  }
0x61f: {  	v13 =	vshll.u32 v12, $0x3  }
0x620: {  	v13 =	vand.u32 $0xFFFFFC00, v13  }
0x621: {  	v58 =	vand.u32 $0x7F, v12;
	v13 =	vadd.s32 v8, v13  }
0x622: {  	vm5 =	vlt.s32 v12, $0x300;
	v59 =	vor.u32 v58, v13  }
0x623: {  	v60 =	vadd.s32 $0x2180, v10;
	v12 =	vor.u32 v3, v59  }
0x624: {  	v61 =	vor.u32 v9, v60;
	_ =	sdelay $0x3  }
0x625: {  	[tilespmem:v12+s10+$0x0] =	vst.idx.add.s32.msk vm5, v6  }
0x626: {  	v12 =	vld.idx.msk [tilespmem:v61+s2+$0x0], $0xffff;
	_ =	sdelay $0x4  }
0x627: {  	v14 =	vshll.u32 v12, $0x3  }
0x628: {  	v14 =	vand.u32 $0xFFFFFC00, v14  }
0x629: {  	v62 =	vand.u32 $0x7F, v12;
	v14 =	vadd.s32 v8, v14  }
0x62a: {  	vm6 =	vlt.s32 v12, $0x300;
	v63 =	vor.u32 v62, v14  }
0x62b: {  	v12 =	vor.u32 v3, v63  }
0x62c: {  	v13 =	vor.u32 v11, v60;
	_ =	sdelay $0x3  }
0x62d: {  	[tilespmem:v12+s10+$0x0] =	vst.idx.add.s32.msk vm6, v5  }
0x62e: {  	v12 =	vld.idx.msk [tilespmem:v13+s2+$0x0], $0xffff;
	_ =	sdelay $0x4  }
0x62f: {  	v13 =	vshll.u32 v12, $0x3  }
0x630: {  	v13 =	vand.u32 $0xFFFFFC00, v13  }
0x631: {  	v16 =	vand.u32 $0x7F, v12;
	v13 =	vadd.s32 v8, v13  }
0x632: {  	vm7 =	vlt.s32 v12, $0x300;
	v17 =	vor.u32 v16, v13  }
0x633: {  	v18 =	vadd.s32 $0x2200, v10;
	v12 =	vor.u32 v3, v17  }
0x634: {  	v19 =	vor.u32 v9, v18;
	_ =	sdelay $0x3  }
0x635: {  	[tilespmem:v12+s10+$0x0] =	vst.idx.add.s32.msk vm7, v6  }
0x636: {  	v12 =	vld.idx.msk [tilespmem:v19+s2+$0x0], $0xffff;
	_ =	sdelay $0x4  }
0x637: {  	v14 =	vshll.u32 v12, $0x3  }
0x638: {  	v14 =	vand.u32 $0xFFFFFC00, v14  }
0x639: {  	v20 =	vand.u32 $0x7F, v12;
	v14 =	vadd.s32 v8, v14  }
0x63a: {  	vm8 =	vlt.s32 v12, $0x300;
	v21 =	vor.u32 v20, v14  }
0x63b: {  	v12 =	vor.u32 v3, v21  }
0x63c: {  	v13 =	vor.u32 v11, v18;
	_ =	sdelay $0x3  }
0x63d: {  	[tilespmem:v12+s10+$0x0] =	vst.idx.add.s32.msk vm8, v5  }
0x63e: {  	v12 =	vld.idx.msk [tilespmem:v13+s2+$0x0], $0xffff;
	_ =	sdelay $0x4  }
0x63f: {  	v13 =	vshll.u32 v12, $0x3  }
0x640: {  	v13 =	vand.u32 $0xFFFFFC00, v13  }
0x641: {  	v22 =	vand.u32 $0x7F, v12;
	v13 =	vadd.s32 v8, v13  }
0x642: {  	vm9 =	vlt.s32 v12, $0x300;
	v23 =	vor.u32 v22, v13  }
0x643: {  	v24 =	vadd.s32 $0x2280, v10;
	v12 =	vor.u32 v3, v23  }
0x644: {  	v25 =	vor.u32 v9, v24;
	_ =	sdelay $0x3  }
0x645: {  	[tilespmem:v12+s10+$0x0] =	vst.idx.add.s32.msk vm9, v6  }
0x646: {  	v12 =	vld.idx.msk [tilespmem:v25+s2+$0x0], $0xffff;
	_ =	sdelay $0x4  }
0x647: {  	v14 =	vshll.u32 v12, $0x3  }
0x648: {  	v14 =	vand.u32 $0xFFFFFC00, v14  }
0x649: {  	v26 =	vand.u32 $0x7F, v12;
	v14 =	vadd.s32 v8, v14  }
0x64a: {  	vm10 =	vlt.s32 v12, $0x300;
	v27 =	vor.u32 v26, v14  }
0x64b: {  	v12 =	vor.u32 v3, v27  }
0x64c: {  	v13 =	vor.u32 v11, v24;
	_ =	sdelay $0x3  }
0x64d: {  	[tilespmem:v12+s10+$0x0] =	vst.idx.add.s32.msk vm10, v5  }
0x64e: {  	v12 =	vld.idx.msk [tilespmem:v13+s2+$0x0], $0xffff;
	_ =	sdelay $0x4  }
0x64f: {  	v13 =	vshll.u32 v12, $0x3  }
0x650: {  	v13 =	vand.u32 $0xFFFFFC00, v13  }
0x651: {  	v28 =	vand.u32 $0x7F, v12;
	v13 =	vadd.s32 v8, v13  }
0x652: {  	vm11 =	vlt.s32 v12, $0x300;
	v29 =	vor.u32 v28, v13  }
0x653: {  	v30 =	vadd.s32 $0x2300, v10;
	v12 =	vor.u32 v3, v29  }
0x654: {  	v31 =	vor.u32 v9, v30;
	_ =	sdelay $0x3  }
0x655: {  	[tilespmem:v12+s10+$0x0] =	vst.idx.add.s32.msk vm11, v6  }
0x656: {  	v12 =	vld.idx.msk [tilespmem:v31+s2+$0x0], $0xffff;
	_ =	sdelay $0x4  }
0x657: {  	v14 =	vshll.u32 v12, $0x3  }
0x658: {  	v14 =	vand.u32 $0xFFFFFC00, v14  }
0x659: {  	v32 =	vand.u32 $0x7F, v12;
	v14 =	vadd.s32 v8, v14  }
0x65a: {  	vm12 =	vlt.s32 v12, $0x300;
	v33 =	vor.u32 v32, v14  }
0x65b: {  	v12 =	vor.u32 v3, v33  }
0x65c: {  	v13 =	vor.u32 v11, v30;
	_ =	sdelay $0x3  }
0x65d: {  	[tilespmem:v12+s10+$0x0] =	vst.idx.add.s32.msk vm12, v5  }
0x65e: {  	v12 =	vld.idx.msk [tilespmem:v13+s2+$0x0], $0xffff;
	_ =	sdelay $0x4  }
0x65f: {  	v13 =	vshll.u32 v12, $0x3  }
0x660: {  	v13 =	vand.u32 $0xFFFFFC00, v13  }
0x661: {  	v34 =	vand.u32 $0x7F, v12;
	v13 =	vadd.s32 v8, v13  }
0x662: {  	vm13 =	vlt.s32 v12, $0x300;
	v35 =	vor.u32 v34, v13  }
0x663: {  	v36 =	vadd.s32 $0x2380, v10;
	v12 =	vor.u32 v3, v35  }
0x664: {  	v37 =	vor.u32 v9, v36;
	_ =	sdelay $0x3  }
0x665: {  	[tilespmem:v12+s10+$0x0] =	vst.idx.add.s32.msk vm13, v6  }
0x666: {  	v12 =	vld.idx.msk [tilespmem:v37+s2+$0x0], $0xffff;
	_ =	sdelay $0x4  }
0x667: {  	v14 =	vshll.u32 v12, $0x3  }
0x668: {  	v14 =	vand.u32 $0xFFFFFC00, v14  }
0x669: {  	v38 =	vand.u32 $0x7F, v12;
	v14 =	vadd.s32 v8, v14  }
0x66a: {  	vm14 =	vlt.s32 v12, $0x300;
	v39 =	vor.u32 v38, v14  }
0x66b: {  	v12 =	vor.u32 v3, v39  }
0x66c: {  	v13 =	vor.u32 v11, v36;
	_ =	sdelay $0x3  }
0x66d: {  	[tilespmem:v12+s10+$0x0] =	vst.idx.add.s32.msk vm14, v5  }
0x66e: {  	v12 =	vld.idx.msk [tilespmem:v13+s2+$0x0], $0xffff;
	_ =	sdelay $0x4  }
0x66f: {  	v13 =	vshll.u32 v12, $0x3  }
0x670: {  	v13 =	vand.u32 $0xFFFFFC00, v13  }
0x671: {  	v40 =	vand.u32 $0x7F, v12;
	v13 =	vadd.s32 v8, v13  }
0x672: {  	vm15 =	vlt.s32 v12, $0x300;
	v41 =	vor.u32 v40, v13  }
0x673: {  	v42 =	vadd.s32 $0x3000, v10;
	v12 =	vor.u32 v3, v41  }
0x674: {  	v43 =	vor.u32 v9, v42;
	_ =	sdelay $0x3  }
0x675: {  	[tilespmem:v12+s10+$0x0] =	vst.idx.add.s32.msk vm15, v6  }
0x676: {  	v12 =	vld.idx.msk [tilespmem:v43+s2+$0x0], $0xffff;
	_ =	sdelay $0x4  }
0x677: {  	v14 =	vshll.u32 v12, $0x3  }
0x678: {  	v14 =	vand.u32 $0xFFFFFC00, v14  }
0x679: {  	v44 =	vand.u32 $0x7F, v12;
	v14 =	vadd.s32 v8, v14  }
0x67a: {  	vm4 =	vlt.s32 v12, $0x300;
	v45 =	vor.u32 v44, v14  }
0x67b: {  	v12 =	vor.u32 v3, v45  }
0x67c: {  	v13 =	vor.u32 v11, v42;
	_ =	sdelay $0x3  }
0x67d: {  	[tilespmem:v12+s10+$0x0] =	vst.idx.add.s32.msk vm4, v5  }
0x67e: {  	v12 =	vld.idx.msk [tilespmem:v13+s2+$0x0], $0xffff;
	_ =	sdelay $0x4  }
0x67f: {  	v13 =	vshll.u32 v12, $0x3  }
0x680: {  	v13 =	vand.u32 $0xFFFFFC00, v13  }
0x681: {  	v46 =	vand.u32 $0x7F, v12;
	v13 =	vadd.s32 v8, v13  }
0x682: {  	vm5 =	vlt.s32 v12, $0x300;
	v47 =	vor.u32 v46, v13  }
0x683: {  	v48 =	vadd.s32 $0x3080, v10;
	v12 =	vor.u32 v3, v47  }
0x684: {  	v49 =	vor.u32 v9, v48;
	_ =	sdelay $0x3  }
0x685: {  	[tilespmem:v12+s10+$0x0] =	vst.idx.add.s32.msk vm5, v6  }
0x686: {  	v12 =	vld.idx.msk [tilespmem:v49+s2+$0x0], $0xffff;
	_ =	sdelay $0x4  }
0x687: {  	v14 =	vshll.u32 v12, $0x3  }
0x688: {  	v14 =	vand.u32 $0xFFFFFC00, v14  }
0x689: {  	v50 =	vand.u32 $0x7F, v12;
	v14 =	vadd.s32 v8, v14  }
0x68a: {  	vm6 =	vlt.s32 v12, $0x300;
	v51 =	vor.u32 v50, v14  }
0x68b: {  	v12 =	vor.u32 v3, v51  }
0x68c: {  	v13 =	vor.u32 v11, v48;
	_ =	sdelay $0x3  }
0x68d: {  	[tilespmem:v12+s10+$0x0] =	vst.idx.add.s32.msk vm6, v5  }
0x68e: {  	v12 =	vld.idx.msk [tilespmem:v13+s2+$0x0], $0xffff;
	_ =	sdelay $0x4  }
0x68f: {  	v13 =	vshll.u32 v12, $0x3  }
0x690: {  	v13 =	vand.u32 $0xFFFFFC00, v13  }
0x691: {  	v52 =	vand.u32 $0x7F, v12;
	v13 =	vadd.s32 v8, v13  }
0x692: {  	vm7 =	vlt.s32 v12, $0x300;
	v53 =	vor.u32 v52, v13  }
0x693: {  	v54 =	vadd.s32 $0x3100, v10;
	v12 =	vor.u32 v3, v53  }
0x694: {  	v55 =	vor.u32 v9, v54;
	_ =	sdelay $0x3  }
0x695: {  	[tilespmem:v12+s10+$0x0] =	vst.idx.add.s32.msk vm7, v6  }
0x696: {  	v12 =	vld.idx.msk [tilespmem:v55+s2+$0x0], $0xffff;
	_ =	sdelay $0x4  }
0x697: {  	v14 =	vshll.u32 v12, $0x3  }
0x698: {  	v14 =	vand.u32 $0xFFFFFC00, v14  }
0x699: {  	v56 =	vand.u32 $0x7F, v12;
	v14 =	vadd.s32 v8, v14  }
0x69a: {  	vm8 =	vlt.s32 v12, $0x300;
	v57 =	vor.u32 v56, v14  }
0x69b: {  	v12 =	vor.u32 v3, v57  }
0x69c: {  	v13 =	vor.u32 v11, v54;
	_ =	sdelay $0x3  }
0x69d: {  	[tilespmem:v12+s10+$0x0] =	vst.idx.add.s32.msk vm8, v5  }
0x69e: {  	v12 =	vld.idx.msk [tilespmem:v13+s2+$0x0], $0xffff;
	_ =	sdelay $0x4  }
0x69f: {  	v13 =	vshll.u32 v12, $0x3  }
0x6a0: {  	v13 =	vand.u32 $0xFFFFFC00, v13  }
0x6a1: {  	v58 =	vand.u32 $0x7F, v12;
	v13 =	vadd.s32 v8, v13  }
0x6a2: {  	vm9 =	vlt.s32 v12, $0x300;
	v59 =	vor.u32 v58, v13  }
0x6a3: {  	v60 =	vadd.s32 $0x3180, v10;
	v12 =	vor.u32 v3, v59  }
0x6a4: {  	v61 =	vor.u32 v9, v60;
	_ =	sdelay $0x3  }
0x6a5: {  	[tilespmem:v12+s10+$0x0] =	vst.idx.add.s32.msk vm9, v6  }
0x6a6: {  	v12 =	vld.idx.msk [tilespmem:v61+s2+$0x0], $0xffff;
	_ =	sdelay $0x4  }
0x6a7: {  	v14 =	vshll.u32 v12, $0x3  }
0x6a8: {  	v14 =	vand.u32 $0xFFFFFC00, v14  }
0x6a9: {  	v62 =	vand.u32 $0x7F, v12;
	v14 =	vadd.s32 v8, v14  }
0x6aa: {  	vm10 =	vlt.s32 v12, $0x300;
	v63 =	vor.u32 v62, v14  }
0x6ab: {  	v12 =	vor.u32 v3, v63  }
0x6ac: {  	v13 =	vor.u32 v11, v60;
	_ =	sdelay $0x3  }
0x6ad: {  	[tilespmem:v12+s10+$0x0] =	vst.idx.add.s32.msk vm10, v5  }
0x6ae: {  	v12 =	vld.idx.msk [tilespmem:v13+s2+$0x0], $0xffff;
	_ =	sdelay $0x4  }
0x6af: {  	v13 =	vshll.u32 v12, $0x3  }
0x6b0: {  	v13 =	vand.u32 $0xFFFFFC00, v13  }
0x6b1: {  	v16 =	vand.u32 $0x7F, v12;
	v13 =	vadd.s32 v8, v13  }
0x6b2: {  	vm11 =	vlt.s32 v12, $0x300;
	v17 =	vor.u32 v16, v13  }
0x6b3: {  	v18 =	vadd.s32 $0x3200, v10;
	v12 =	vor.u32 v3, v17  }
0x6b4: {  	v19 =	vor.u32 v9, v18;
	_ =	sdelay $0x3  }
0x6b5: {  	[tilespmem:v12+s10+$0x0] =	vst.idx.add.s32.msk vm11, v6  }
0x6b6: {  	v12 =	vld.idx.msk [tilespmem:v19+s2+$0x0], $0xffff;
	_ =	sdelay $0x4  }
0x6b7: {  	v14 =	vshll.u32 v12, $0x3  }
0x6b8: {  	v14 =	vand.u32 $0xFFFFFC00, v14  }
0x6b9: {  	v20 =	vand.u32 $0x7F, v12;
	v14 =	vadd.s32 v8, v14  }
0x6ba: {  	vm12 =	vlt.s32 v12, $0x300;
	v21 =	vor.u32 v20, v14  }
0x6bb: {  	v12 =	vor.u32 v3, v21  }
0x6bc: {  	v13 =	vor.u32 v11, v18;
	_ =	sdelay $0x3  }
0x6bd: {  	[tilespmem:v12+s10+$0x0] =	vst.idx.add.s32.msk vm12, v5  }
0x6be: {  	v12 =	vld.idx.msk [tilespmem:v13+s2+$0x0], $0xffff;
	_ =	sdelay $0x4  }
0x6bf: {  	v13 =	vshll.u32 v12, $0x3  }
0x6c0: {  	v13 =	vand.u32 $0xFFFFFC00, v13  }
0x6c1: {  	v22 =	vand.u32 $0x7F, v12;
	v13 =	vadd.s32 v8, v13  }
0x6c2: {  	vm13 =	vlt.s32 v12, $0x300;
	v23 =	vor.u32 v22, v13  }
0x6c3: {  	v24 =	vadd.s32 $0x3280, v10;
	v12 =	vor.u32 v3, v23  }
0x6c4: {  	v25 =	vor.u32 v9, v24;
	_ =	sdelay $0x3  }
0x6c5: {  	[tilespmem:v12+s10+$0x0] =	vst.idx.add.s32.msk vm13, v6  }
0x6c6: {  	v12 =	vld.idx.msk [tilespmem:v25+s2+$0x0], $0xffff;
	_ =	sdelay $0x4  }
0x6c7: {  	v14 =	vshll.u32 v12, $0x3  }
0x6c8: {  	v14 =	vand.u32 $0xFFFFFC00, v14  }
0x6c9: {  	v26 =	vand.u32 $0x7F, v12;
	v14 =	vadd.s32 v8, v14  }
0x6ca: {  	vm14 =	vlt.s32 v12, $0x300;
	v27 =	vor.u32 v26, v14  }
0x6cb: {  	v12 =	vor.u32 v3, v27  }
0x6cc: {  	v13 =	vor.u32 v11, v24;
	_ =	sdelay $0x3  }
0x6cd: {  	[tilespmem:v12+s10+$0x0] =	vst.idx.add.s32.msk vm14, v5  }
0x6ce: {  	v12 =	vld.idx.msk [tilespmem:v13+s2+$0x0], $0xffff;
	_ =	sdelay $0x4  }
0x6cf: {  	v13 =	vshll.u32 v12, $0x3  }
0x6d0: {  	v13 =	vand.u32 $0xFFFFFC00, v13  }
0x6d1: {  	v28 =	vand.u32 $0x7F, v12;
	v13 =	vadd.s32 v8, v13  }
0x6d2: {  	vm15 =	vlt.s32 v12, $0x300;
	v29 =	vor.u32 v28, v13  }
0x6d3: {  	v30 =	vadd.s32 $0x3300, v10;
	v12 =	vor.u32 v3, v29  }
0x6d4: {  	v31 =	vor.u32 v9, v30;
	_ =	sdelay $0x3  }
0x6d5: {  	[tilespmem:v12+s10+$0x0] =	vst.idx.add.s32.msk vm15, v6  }
0x6d6: {  	v12 =	vld.idx.msk [tilespmem:v31+s2+$0x0], $0xffff;
	_ =	sdelay $0x4  }
0x6d7: {  	v14 =	vshll.u32 v12, $0x3  }
0x6d8: {  	v14 =	vand.u32 $0xFFFFFC00, v14  }
0x6d9: {  	v32 =	vand.u32 $0x7F, v12;
	v14 =	vadd.s32 v8, v14  }
0x6da: {  	vm4 =	vlt.s32 v12, $0x300;
	v33 =	vor.u32 v32, v14  }
0x6db: {  	v12 =	vor.u32 v3, v33  }
0x6dc: {  	v13 =	vor.u32 v11, v30;
	_ =	sdelay $0x3  }
0x6dd: {  	[tilespmem:v12+s10+$0x0] =	vst.idx.add.s32.msk vm4, v5  }
0x6de: {  	v12 =	vld.idx.msk [tilespmem:v13+s2+$0x0], $0xffff;
	_ =	sdelay $0x4  }
0x6df: {  	v13 =	vshll.u32 v12, $0x3  }
0x6e0: {  	v13 =	vand.u32 $0xFFFFFC00, v13  }
0x6e1: {  	v34 =	vand.u32 $0x7F, v12;
	v13 =	vadd.s32 v8, v13  }
0x6e2: {  	vm5 =	vlt.s32 v12, $0x300;
	v35 =	vor.u32 v34, v13  }
0x6e3: {  	v36 =	vadd.s32 $0x3380, v10;
	v12 =	vor.u32 v3, v35  }
0x6e4: {  	v37 =	vor.u32 v9, v36;
	_ =	sdelay $0x3  }
0x6e5: {  	[tilespmem:v12+s10+$0x0] =	vst.idx.add.s32.msk vm5, v6  }
0x6e6: {  	v12 =	vld.idx.msk [tilespmem:v37+s2+$0x0], $0xffff;
	_ =	sdelay $0x4  }
0x6e7: {  	v14 =	vshll.u32 v12, $0x3  }
0x6e8: {  	v14 =	vand.u32 $0xFFFFFC00, v14  }
0x6e9: {  	v38 =	vand.u32 $0x7F, v12;
	v14 =	vadd.s32 v8, v14  }
0x6ea: {  	vm6 =	vlt.s32 v12, $0x300;
	v39 =	vor.u32 v38, v14  }
0x6eb: {  	v12 =	vor.u32 v3, v39  }
0x6ec: {  	v13 =	vor.u32 v11, v36;
	_ =	sdelay $0x3  }
0x6ed: {  	[tilespmem:v12+s10+$0x0] =	vst.idx.add.s32.msk vm6, v5  }
0x6ee: {  	v12 =	vld.idx.msk [tilespmem:v13+s2+$0x0], $0xffff;
	_ =	sdelay $0x4  }
0x6ef: {  	v13 =	vshll.u32 v12, $0x3  }
0x6f0: {  	v13 =	vand.u32 $0xFFFFFC00, v13  }
0x6f1: {  	v40 =	vand.u32 $0x7F, v12;
	v13 =	vadd.s32 v8, v13  }
0x6f2: {  	vm7 =	vlt.s32 v12, $0x300;
	v41 =	vor.u32 v40, v13  }
0x6f3: {  	v42 =	vadd.s32 $0x4000, v10;
	v12 =	vor.u32 v3, v41  }
0x6f4: {  	v43 =	vor.u32 v9, v42;
	_ =	sdelay $0x3  }
0x6f5: {  	[tilespmem:v12+s10+$0x0] =	vst.idx.add.s32.msk vm7, v6  }
0x6f6: {  	v12 =	vld.idx.msk [tilespmem:v43+s2+$0x0], $0xffff;
	_ =	sdelay $0x4  }
0x6f7: {  	v14 =	vshll.u32 v12, $0x3  }
0x6f8: {  	v14 =	vand.u32 $0xFFFFFC00, v14  }
0x6f9: {  	v44 =	vand.u32 $0x7F, v12;
	v14 =	vadd.s32 v8, v14  }
0x6fa: {  	vm8 =	vlt.s32 v12, $0x300;
	v45 =	vor.u32 v44, v14  }
0x6fb: {  	v12 =	vor.u32 v3, v45  }
0x6fc: {  	v13 =	vor.u32 v11, v42;
	_ =	sdelay $0x3  }
0x6fd: {  	[tilespmem:v12+s10+$0x0] =	vst.idx.add.s32.msk vm8, v5  }
0x6fe: {  	v12 =	vld.idx.msk [tilespmem:v13+s2+$0x0], $0xffff;
	_ =	sdelay $0x4  }
0x6ff: {  	v13 =	vshll.u32 v12, $0x3  }
0x700: {  	v13 =	vand.u32 $0xFFFFFC00, v13  }
0x701: {  	v46 =	vand.u32 $0x7F, v12;
	v13 =	vadd.s32 v8, v13  }
0x702: {  	vm9 =	vlt.s32 v12, $0x300;
	v47 =	vor.u32 v46, v13  }
0x703: {  	v48 =	vadd.s32 $0x4080, v10;
	v12 =	vor.u32 v3, v47  }
0x704: {  	v49 =	vor.u32 v9, v48;
	_ =	sdelay $0x3  }
0x705: {  	[tilespmem:v12+s10+$0x0] =	vst.idx.add.s32.msk vm9, v6  }
0x706: {  	v12 =	vld.idx.msk [tilespmem:v49+s2+$0x0], $0xffff;
	_ =	sdelay $0x4  }
0x707: {  	v14 =	vshll.u32 v12, $0x3  }
0x708: {  	v14 =	vand.u32 $0xFFFFFC00, v14  }
0x709: {  	v50 =	vand.u32 $0x7F, v12;
	v14 =	vadd.s32 v8, v14  }
0x70a: {  	vm10 =	vlt.s32 v12, $0x300;
	v51 =	vor.u32 v50, v14  }
0x70b: {  	v12 =	vor.u32 v3, v51  }
0x70c: {  	v13 =	vor.u32 v11, v48;
	_ =	sdelay $0x3  }
0x70d: {  	[tilespmem:v12+s10+$0x0] =	vst.idx.add.s32.msk vm10, v5  }
0x70e: {  	v12 =	vld.idx.msk [tilespmem:v13+s2+$0x0], $0xffff;
	_ =	sdelay $0x4  }
0x70f: {  	v13 =	vshll.u32 v12, $0x3  }
0x710: {  	v13 =	vand.u32 $0xFFFFFC00, v13  }
0x711: {  	v52 =	vand.u32 $0x7F, v12;
	v13 =	vadd.s32 v8, v13  }
0x712: {  	vm11 =	vlt.s32 v12, $0x300;
	v53 =	vor.u32 v52, v13  }
0x713: {  	v54 =	vadd.s32 $0x4100, v10;
	v12 =	vor.u32 v3, v53  }
0x714: {  	v55 =	vor.u32 v9, v54;
	_ =	sdelay $0x3  }
0x715: {  	[tilespmem:v12+s10+$0x0] =	vst.idx.add.s32.msk vm11, v6  }
0x716: {  	v12 =	vld.idx.msk [tilespmem:v55+s2+$0x0], $0xffff;
	_ =	sdelay $0x4  }
0x717: {  	v14 =	vshll.u32 v12, $0x3  }
0x718: {  	v14 =	vand.u32 $0xFFFFFC00, v14  }
0x719: {  	v56 =	vand.u32 $0x7F, v12;
	v14 =	vadd.s32 v8, v14  }
0x71a: {  	vm12 =	vlt.s32 v12, $0x300;
	v57 =	vor.u32 v56, v14  }
0x71b: {  	v12 =	vor.u32 v3, v57  }
0x71c: {  	v13 =	vor.u32 v11, v54;
	_ =	sdelay $0x3  }
0x71d: {  	[tilespmem:v12+s10+$0x0] =	vst.idx.add.s32.msk vm12, v5  }
0x71e: {  	v12 =	vld.idx.msk [tilespmem:v13+s2+$0x0], $0xffff;
	_ =	sdelay $0x4  }
0x71f: {  	v13 =	vshll.u32 v12, $0x3  }
0x720: {  	v13 =	vand.u32 $0xFFFFFC00, v13  }
0x721: {  	v58 =	vand.u32 $0x7F, v12;
	v13 =	vadd.s32 v8, v13  }
0x722: {  	vm13 =	vlt.s32 v12, $0x300;
	v59 =	vor.u32 v58, v13  }
0x723: {  	v10 =	vadd.s32 $0x4180, v10;
	v12 =	vor.u32 v3, v59  }
0x724: {  	v9 =	vor.u32 v9, v10;
	_ =	sdelay $0x3  }
0x725: {  	[tilespmem:v12+s10+$0x0] =	vst.idx.add.s32.msk vm13, v6  }
0x726: {  	v9 =	vld.idx.msk [tilespmem:v9+s2+$0x0], $0xffff;
	_ =	sdelay $0x4  }
0x727: {  	v60 =	vshll.u32 v9, $0x3  }
0x728: {  	v12 =	vand.u32 $0xFFFFFC00, v60  }
0x729: {  	v61 =	vand.u32 $0x7F, v9;
	v12 =	vadd.s32 v8, v12  }
0x72a: {  	vm14 =	vlt.s32 v9, $0x300;
	v62 =	vor.u32 v61, v12  }
0x72b: {  	v9 =	vor.u32 v3, v62  }
0x72c: {  	v10 =	vor.u32 v11, v10;
	_ =	sdelay $0x3  }
0x72d: {  	[tilespmem:v9+s10+$0x0] =	vst.idx.add.s32.msk vm14, v5  }
0x72e: {  	v9 =	vld.idx.msk [tilespmem:v10+s2+$0x0], $0xffff;
	_ =	sdelay $0x4  }
0x72f: {  	v10 =	vshll.u32 v9, $0x3  }
0x730: {  	v10 =	vand.u32 $0xFFFFFC00, v10  }
0x731: {  	v63 =	vand.u32 $0x7F, v9;
	v8 =	vadd.s32 v8, v10  }
0x732: {  	vm15 =	vlt.s32 v9, $0x300;
	v8 =	vor.u32 v63, v8  }
0x733: {  	p1 =	sne.s32 s16, $0x30;
	v8 =	vor.u32 v3, v8  }
.Ltmp3:
0x734: {  	_ = 	snop;
	(pc) =	sbr.rel @p1 .LBB2_9-.Ltmp3, $2  }
0x735: {  	_ =	sdelay $0x2  }
0x736: {  	s16 =	sadd.s32 $0x10, s16;
	[tilespmem:v8+s10+$0x0] =	vst.idx.add.s32.msk vm15, v6  }
0x737: {  	_ =	swait.ge [sflag:s13], $0xC000  }
0x738: {  	[sflag:s13] =	ssyncset.done $0x0  }
0x739: {  	s15 =	simm.s32 $0x0;
	[sflag:s13] =	ssyncadd.s32 $0xFFFF4000  }
.LBB2_11:
0x73a: {  	v8 =	vor.u32 s15, v7  }
0x73b: {  	v9 =	vshll.u32 v8, $0x1;
	v8 =	vshll.u32 v8, $0x4  }
0x73c: {  	v9 =	vand.u32 $0x7E, v9;
	v10 =	vand.u32 $0x7FFFFC00, v8  }
0x73d: {  	v8 =	vor.u32 v9, v10;
	_ =	sdelay $0x4  }
0x73e: {  	v11 =	vld.idx.msk [tilespmem:v8+s2+$0x0], $0xffff;
	_ =	sdelay $0x2  }
0x73f: {  	v8 =	vor.u32 s15, v0  }
0x740: {  	v8 =	vshrl.u32 v8, $0x3  }
0x741: {  	v8 =	vmul.u32 $0x1800, v8;
	v12 =	vshll.u32 v11, $0x3  }
0x742: {  	v12 =	vand.u32 $0xFFFFFC00, v12  }
0x743: {  	v13 =	vand.u32 $0x7F, v11;
	v12 =	vadd.s32 v8, v12  }
0x744: {  	vm0 =	vlt.s32 v11, $0x300;
	v46 =	vor.u32 v13, v12  }
0x745: {  	v11 =	vor.u32 $0x1, v9;
	v12 =	vor.u32 v3, v46  }
0x746: {  	v47 =	vor.u32 v10, v11;
	_ =	sdelay $0x3  }
0x747: {  	[tilespmem:v12+s11+$0x0] =	vst.idx.add.s32.msk vm0, v5  }
0x748: {  	v12 =	vld.idx.msk [tilespmem:v47+s2+$0x0], $0xffff;
	_ =	sdelay $0x4  }
0x749: {  	v13 =	vshll.u32 v12, $0x3  }
0x74a: {  	v13 =	vand.u32 $0xFFFFFC00, v13  }
0x74b: {  	v14 =	vand.u32 $0x7F, v12;
	v13 =	vadd.s32 v8, v13  }
0x74c: {  	vm5 =	vlt.s32 v12, $0x300;
	v48 =	vor.u32 v14, v13  }
0x74d: {  	v49 =	vor.u32 $0x80, v10;
	v12 =	vor.u32 v3, v48  }
0x74e: {  	v50 =	vor.u32 v9, v49;
	_ =	sdelay $0x3  }
0x74f: {  	[tilespmem:v12+s11+$0x0] =	vst.idx.add.s32.msk vm5, v6  }
0x750: {  	v12 =	vld.idx.msk [tilespmem:v50+s2+$0x0], $0xffff;
	_ =	sdelay $0x4  }
0x751: {  	v14 =	vshll.u32 v12, $0x3  }
0x752: {  	v14 =	vand.u32 $0xFFFFFC00, v14  }
0x753: {  	v15 =	vand.u32 $0x7F, v12;
	v14 =	vadd.s32 v8, v14  }
0x754: {  	vm6 =	vlt.s32 v12, $0x300;
	v51 =	vor.u32 v15, v14  }
0x755: {  	v12 =	vor.u32 v3, v51  }
0x756: {  	v13 =	vor.u32 v11, v49;
	_ =	sdelay $0x3  }
0x757: {  	[tilespmem:v12+s11+$0x0] =	vst.idx.add.s32.msk vm6, v5  }
0x758: {  	v12 =	vld.idx.msk [tilespmem:v13+s2+$0x0], $0xffff;
	_ =	sdelay $0x4  }
0x759: {  	v13 =	vshll.u32 v12, $0x3  }
0x75a: {  	v13 =	vand.u32 $0xFFFFFC00, v13  }
0x75b: {  	v52 =	vand.u32 $0x7F, v12;
	v13 =	vadd.s32 v8, v13  }
0x75c: {  	vm7 =	vlt.s32 v12, $0x300;
	v53 =	vor.u32 v52, v13  }
0x75d: {  	v54 =	vor.u32 $0x100, v10;
	v12 =	vor.u32 v3, v53  }
0x75e: {  	v55 =	vor.u32 v9, v54;
	_ =	sdelay $0x3  }
0x75f: {  	[tilespmem:v12+s11+$0x0] =	vst.idx.add.s32.msk vm7, v6  }
0x760: {  	v12 =	vld.idx.msk [tilespmem:v55+s2+$0x0], $0xffff;
	_ =	sdelay $0x4  }
0x761: {  	v14 =	vshll.u32 v12, $0x3  }
0x762: {  	v14 =	vand.u32 $0xFFFFFC00, v14  }
0x763: {  	v56 =	vand.u32 $0x7F, v12;
	v14 =	vadd.s32 v8, v14  }
0x764: {  	vm8 =	vlt.s32 v12, $0x300;
	v57 =	vor.u32 v56, v14  }
0x765: {  	v12 =	vor.u32 v3, v57  }
0x766: {  	v13 =	vor.u32 v11, v54;
	_ =	sdelay $0x3  }
0x767: {  	[tilespmem:v12+s11+$0x0] =	vst.idx.add.s32.msk vm8, v5  }
0x768: {  	v12 =	vld.idx.msk [tilespmem:v13+s2+$0x0], $0xffff;
	_ =	sdelay $0x4  }
0x769: {  	v13 =	vshll.u32 v12, $0x3  }
0x76a: {  	v13 =	vand.u32 $0xFFFFFC00, v13  }
0x76b: {  	v58 =	vand.u32 $0x7F, v12;
	v13 =	vadd.s32 v8, v13  }
0x76c: {  	vm9 =	vlt.s32 v12, $0x300;
	v59 =	vor.u32 v58, v13  }
0x76d: {  	v60 =	vor.u32 $0x180, v10;
	v12 =	vor.u32 v3, v59  }
0x76e: {  	v61 =	vor.u32 v9, v60;
	_ =	sdelay $0x3  }
0x76f: {  	[tilespmem:v12+s11+$0x0] =	vst.idx.add.s32.msk vm9, v6  }
0x770: {  	v12 =	vld.idx.msk [tilespmem:v61+s2+$0x0], $0xffff;
	_ =	sdelay $0x4  }
0x771: {  	v14 =	vshll.u32 v12, $0x3  }
0x772: {  	v14 =	vand.u32 $0xFFFFFC00, v14  }
0x773: {  	v62 =	vand.u32 $0x7F, v12;
	v14 =	vadd.s32 v8, v14  }
0x774: {  	vm10 =	vlt.s32 v12, $0x300;
	v63 =	vor.u32 v62, v14  }
0x775: {  	v12 =	vor.u32 v3, v63  }
0x776: {  	v13 =	vor.u32 v11, v60;
	_ =	sdelay $0x3  }
0x777: {  	[tilespmem:v12+s11+$0x0] =	vst.idx.add.s32.msk vm10, v5  }
0x778: {  	v12 =	vld.idx.msk [tilespmem:v13+s2+$0x0], $0xffff;
	_ =	sdelay $0x4  }
0x779: {  	v13 =	vshll.u32 v12, $0x3  }
0x77a: {  	v13 =	vand.u32 $0xFFFFFC00, v13  }
0x77b: {  	v16 =	vand.u32 $0x7F, v12;
	v13 =	vadd.s32 v8, v13  }
0x77c: {  	vm11 =	vlt.s32 v12, $0x300;
	v17 =	vor.u32 v16, v13  }
0x77d: {  	v18 =	vor.u32 $0x200, v10;
	v12 =	vor.u32 v3, v17  }
0x77e: {  	v19 =	vor.u32 v9, v18;
	_ =	sdelay $0x3  }
0x77f: {  	[tilespmem:v12+s11+$0x0] =	vst.idx.add.s32.msk vm11, v6  }
0x780: {  	v12 =	vld.idx.msk [tilespmem:v19+s2+$0x0], $0xffff;
	_ =	sdelay $0x4  }
0x781: {  	v14 =	vshll.u32 v12, $0x3  }
0x782: {  	v14 =	vand.u32 $0xFFFFFC00, v14  }
0x783: {  	v20 =	vand.u32 $0x7F, v12;
	v14 =	vadd.s32 v8, v14  }
0x784: {  	vm12 =	vlt.s32 v12, $0x300;
	v21 =	vor.u32 v20, v14  }
0x785: {  	v12 =	vor.u32 v3, v21  }
0x786: {  	v13 =	vor.u32 v11, v18;
	_ =	sdelay $0x3  }
0x787: {  	[tilespmem:v12+s11+$0x0] =	vst.idx.add.s32.msk vm12, v5  }
0x788: {  	v12 =	vld.idx.msk [tilespmem:v13+s2+$0x0], $0xffff;
	_ =	sdelay $0x4  }
0x789: {  	v13 =	vshll.u32 v12, $0x3  }
0x78a: {  	v13 =	vand.u32 $0xFFFFFC00, v13  }
0x78b: {  	v22 =	vand.u32 $0x7F, v12;
	v13 =	vadd.s32 v8, v13  }
0x78c: {  	vm13 =	vlt.s32 v12, $0x300;
	v23 =	vor.u32 v22, v13  }
0x78d: {  	v24 =	vor.u32 $0x280, v10;
	v12 =	vor.u32 v3, v23  }
0x78e: {  	v25 =	vor.u32 v9, v24;
	_ =	sdelay $0x3  }
0x78f: {  	[tilespmem:v12+s11+$0x0] =	vst.idx.add.s32.msk vm13, v6  }
0x790: {  	v12 =	vld.idx.msk [tilespmem:v25+s2+$0x0], $0xffff;
	_ =	sdelay $0x4  }
0x791: {  	v14 =	vshll.u32 v12, $0x3  }
0x792: {  	v14 =	vand.u32 $0xFFFFFC00, v14  }
0x793: {  	v26 =	vand.u32 $0x7F, v12;
	v14 =	vadd.s32 v8, v14  }
0x794: {  	vm14 =	vlt.s32 v12, $0x300;
	v27 =	vor.u32 v26, v14  }
0x795: {  	v12 =	vor.u32 v3, v27  }
0x796: {  	v13 =	vor.u32 v11, v24;
	_ =	sdelay $0x3  }
0x797: {  	[tilespmem:v12+s11+$0x0] =	vst.idx.add.s32.msk vm14, v5  }
0x798: {  	v12 =	vld.idx.msk [tilespmem:v13+s2+$0x0], $0xffff;
	_ =	sdelay $0x4  }
0x799: {  	v13 =	vshll.u32 v12, $0x3  }
0x79a: {  	v13 =	vand.u32 $0xFFFFFC00, v13  }
0x79b: {  	v28 =	vand.u32 $0x7F, v12;
	v13 =	vadd.s32 v8, v13  }
0x79c: {  	vm15 =	vlt.s32 v12, $0x300;
	v29 =	vor.u32 v28, v13  }
0x79d: {  	v30 =	vor.u32 $0x300, v10;
	v12 =	vor.u32 v3, v29  }
0x79e: {  	v31 =	vor.u32 v9, v30;
	_ =	sdelay $0x3  }
0x79f: {  	[tilespmem:v12+s11+$0x0] =	vst.idx.add.s32.msk vm15, v6  }
0x7a0: {  	v12 =	vld.idx.msk [tilespmem:v31+s2+$0x0], $0xffff;
	_ =	sdelay $0x4  }
0x7a1: {  	v14 =	vshll.u32 v12, $0x3  }
0x7a2: {  	v14 =	vand.u32 $0xFFFFFC00, v14  }
0x7a3: {  	v32 =	vand.u32 $0x7F, v12;
	v14 =	vadd.s32 v8, v14  }
0x7a4: {  	vm4 =	vlt.s32 v12, $0x300;
	v33 =	vor.u32 v32, v14  }
0x7a5: {  	v12 =	vor.u32 v3, v33  }
0x7a6: {  	v13 =	vor.u32 v11, v30;
	_ =	sdelay $0x3  }
0x7a7: {  	[tilespmem:v12+s11+$0x0] =	vst.idx.add.s32.msk vm4, v5  }
0x7a8: {  	v12 =	vld.idx.msk [tilespmem:v13+s2+$0x0], $0xffff;
	_ =	sdelay $0x4  }
0x7a9: {  	v13 =	vshll.u32 v12, $0x3  }
0x7aa: {  	v13 =	vand.u32 $0xFFFFFC00, v13  }
0x7ab: {  	v34 =	vand.u32 $0x7F, v12;
	v13 =	vadd.s32 v8, v13  }
0x7ac: {  	vm5 =	vlt.s32 v12, $0x300;
	v35 =	vor.u32 v34, v13  }
0x7ad: {  	v36 =	vor.u32 $0x380, v10;
	v12 =	vor.u32 v3, v35  }
0x7ae: {  	v37 =	vor.u32 v9, v36;
	_ =	sdelay $0x3  }
0x7af: {  	[tilespmem:v12+s11+$0x0] =	vst.idx.add.s32.msk vm5, v6  }
0x7b0: {  	v12 =	vld.idx.msk [tilespmem:v37+s2+$0x0], $0xffff;
	_ =	sdelay $0x4  }
0x7b1: {  	v14 =	vshll.u32 v12, $0x3  }
0x7b2: {  	v14 =	vand.u32 $0xFFFFFC00, v14  }
0x7b3: {  	v38 =	vand.u32 $0x7F, v12;
	v14 =	vadd.s32 v8, v14  }
0x7b4: {  	vm6 =	vlt.s32 v12, $0x300;
	v39 =	vor.u32 v38, v14  }
0x7b5: {  	v12 =	vor.u32 v3, v39  }
0x7b6: {  	v13 =	vor.u32 v11, v36;
	_ =	sdelay $0x3  }
0x7b7: {  	[tilespmem:v12+s11+$0x0] =	vst.idx.add.s32.msk vm6, v5  }
0x7b8: {  	v12 =	vld.idx.msk [tilespmem:v13+s2+$0x0], $0xffff;
	_ =	sdelay $0x4  }
0x7b9: {  	v13 =	vshll.u32 v12, $0x3  }
0x7ba: {  	v13 =	vand.u32 $0xFFFFFC00, v13  }
0x7bb: {  	v40 =	vand.u32 $0x7F, v12;
	v13 =	vadd.s32 v8, v13  }
0x7bc: {  	vm7 =	vlt.s32 v12, $0x300;
	v41 =	vor.u32 v40, v13  }
0x7bd: {  	v42 =	vadd.s32 $0x1000, v10;
	v12 =	vor.u32 v3, v41  }
0x7be: {  	v43 =	vor.u32 v9, v42;
	_ =	sdelay $0x3  }
0x7bf: {  	[tilespmem:v12+s11+$0x0] =	vst.idx.add.s32.msk vm7, v6  }
0x7c0: {  	v12 =	vld.idx.msk [tilespmem:v43+s2+$0x0], $0xffff;
	_ =	sdelay $0x4  }
0x7c1: {  	v14 =	vshll.u32 v12, $0x3  }
0x7c2: {  	v14 =	vand.u32 $0xFFFFFC00, v14  }
0x7c3: {  	v44 =	vand.u32 $0x7F, v12;
	v14 =	vadd.s32 v8, v14  }
0x7c4: {  	vm8 =	vlt.s32 v12, $0x300;
	v45 =	vor.u32 v44, v14  }
0x7c5: {  	v12 =	vor.u32 v3, v45  }
0x7c6: {  	v13 =	vor.u32 v11, v42;
	_ =	sdelay $0x3  }
0x7c7: {  	[tilespmem:v12+s11+$0x0] =	vst.idx.add.s32.msk vm8, v5  }
0x7c8: {  	v12 =	vld.idx.msk [tilespmem:v13+s2+$0x0], $0xffff;
	_ =	sdelay $0x4  }
0x7c9: {  	v13 =	vshll.u32 v12, $0x3  }
0x7ca: {  	v13 =	vand.u32 $0xFFFFFC00, v13  }
0x7cb: {  	v46 =	vand.u32 $0x7F, v12;
	v13 =	vadd.s32 v8, v13  }
0x7cc: {  	vm9 =	vlt.s32 v12, $0x300;
	v47 =	vor.u32 v46, v13  }
0x7cd: {  	v48 =	vadd.s32 $0x1080, v10;
	v12 =	vor.u32 v3, v47  }
0x7ce: {  	v49 =	vor.u32 v9, v48;
	_ =	sdelay $0x3  }
0x7cf: {  	[tilespmem:v12+s11+$0x0] =	vst.idx.add.s32.msk vm9, v6  }
0x7d0: {  	v12 =	vld.idx.msk [tilespmem:v49+s2+$0x0], $0xffff;
	_ =	sdelay $0x4  }
0x7d1: {  	v14 =	vshll.u32 v12, $0x3  }
0x7d2: {  	v14 =	vand.u32 $0xFFFFFC00, v14  }
0x7d3: {  	v50 =	vand.u32 $0x7F, v12;
	v14 =	vadd.s32 v8, v14  }
0x7d4: {  	vm10 =	vlt.s32 v12, $0x300;
	v51 =	vor.u32 v50, v14  }
0x7d5: {  	v12 =	vor.u32 v3, v51  }
0x7d6: {  	v13 =	vor.u32 v11, v48;
	_ =	sdelay $0x3  }
0x7d7: {  	[tilespmem:v12+s11+$0x0] =	vst.idx.add.s32.msk vm10, v5  }
0x7d8: {  	v12 =	vld.idx.msk [tilespmem:v13+s2+$0x0], $0xffff;
	_ =	sdelay $0x4  }
0x7d9: {  	v13 =	vshll.u32 v12, $0x3  }
0x7da: {  	v13 =	vand.u32 $0xFFFFFC00, v13  }
0x7db: {  	v52 =	vand.u32 $0x7F, v12;
	v13 =	vadd.s32 v8, v13  }
0x7dc: {  	vm11 =	vlt.s32 v12, $0x300;
	v53 =	vor.u32 v52, v13  }
0x7dd: {  	v54 =	vadd.s32 $0x1100, v10;
	v12 =	vor.u32 v3, v53  }
0x7de: {  	v55 =	vor.u32 v9, v54;
	_ =	sdelay $0x3  }
0x7df: {  	[tilespmem:v12+s11+$0x0] =	vst.idx.add.s32.msk vm11, v6  }
0x7e0: {  	v12 =	vld.idx.msk [tilespmem:v55+s2+$0x0], $0xffff;
	_ =	sdelay $0x4  }
0x7e1: {  	v14 =	vshll.u32 v12, $0x3  }
0x7e2: {  	v14 =	vand.u32 $0xFFFFFC00, v14  }
0x7e3: {  	v56 =	vand.u32 $0x7F, v12;
	v14 =	vadd.s32 v8, v14  }
0x7e4: {  	vm12 =	vlt.s32 v12, $0x300;
	v57 =	vor.u32 v56, v14  }
0x7e5: {  	v12 =	vor.u32 v3, v57  }
0x7e6: {  	v13 =	vor.u32 v11, v54;
	_ =	sdelay $0x3  }
0x7e7: {  	[tilespmem:v12+s11+$0x0] =	vst.idx.add.s32.msk vm12, v5  }
0x7e8: {  	v12 =	vld.idx.msk [tilespmem:v13+s2+$0x0], $0xffff;
	_ =	sdelay $0x4  }
0x7e9: {  	v13 =	vshll.u32 v12, $0x3  }
0x7ea: {  	v13 =	vand.u32 $0xFFFFFC00, v13  }
0x7eb: {  	v58 =	vand.u32 $0x7F, v12;
	v13 =	vadd.s32 v8, v13  }
0x7ec: {  	vm13 =	vlt.s32 v12, $0x300;
	v59 =	vor.u32 v58, v13  }
0x7ed: {  	v60 =	vadd.s32 $0x1180, v10;
	v12 =	vor.u32 v3, v59  }
0x7ee: {  	v61 =	vor.u32 v9, v60;
	_ =	sdelay $0x3  }
0x7ef: {  	[tilespmem:v12+s11+$0x0] =	vst.idx.add.s32.msk vm13, v6  }
0x7f0: {  	v12 =	vld.idx.msk [tilespmem:v61+s2+$0x0], $0xffff;
	_ =	sdelay $0x4  }
0x7f1: {  	v14 =	vshll.u32 v12, $0x3  }
0x7f2: {  	v14 =	vand.u32 $0xFFFFFC00, v14  }
0x7f3: {  	v62 =	vand.u32 $0x7F, v12;
	v14 =	vadd.s32 v8, v14  }
0x7f4: {  	vm14 =	vlt.s32 v12, $0x300;
	v63 =	vor.u32 v62, v14  }
0x7f5: {  	v12 =	vor.u32 v3, v63  }
0x7f6: {  	v13 =	vor.u32 v11, v60;
	_ =	sdelay $0x3  }
0x7f7: {  	[tilespmem:v12+s11+$0x0] =	vst.idx.add.s32.msk vm14, v5  }
0x7f8: {  	v12 =	vld.idx.msk [tilespmem:v13+s2+$0x0], $0xffff;
	_ =	sdelay $0x4  }
0x7f9: {  	v13 =	vshll.u32 v12, $0x3  }
0x7fa: {  	v13 =	vand.u32 $0xFFFFFC00, v13  }
0x7fb: {  	v16 =	vand.u32 $0x7F, v12;
	v13 =	vadd.s32 v8, v13  }
0x7fc: {  	vm15 =	vlt.s32 v12, $0x300;
	v17 =	vor.u32 v16, v13  }
0x7fd: {  	v18 =	vadd.s32 $0x1200, v10;
	v12 =	vor.u32 v3, v17  }
0x7fe: {  	v19 =	vor.u32 v9, v18;
	_ =	sdelay $0x3  }
0x7ff: {  	[tilespmem:v12+s11+$0x0] =	vst.idx.add.s32.msk vm15, v6  }
0x800: {  	v12 =	vld.idx.msk [tilespmem:v19+s2+$0x0], $0xffff;
	_ =	sdelay $0x4  }
0x801: {  	v14 =	vshll.u32 v12, $0x3  }
0x802: {  	v14 =	vand.u32 $0xFFFFFC00, v14  }
0x803: {  	v20 =	vand.u32 $0x7F, v12;
	v14 =	vadd.s32 v8, v14  }
0x804: {  	vm4 =	vlt.s32 v12, $0x300;
	v21 =	vor.u32 v20, v14  }
0x805: {  	v12 =	vor.u32 v3, v21  }
0x806: {  	v13 =	vor.u32 v11, v18;
	_ =	sdelay $0x3  }
0x807: {  	[tilespmem:v12+s11+$0x0] =	vst.idx.add.s32.msk vm4, v5  }
0x808: {  	v12 =	vld.idx.msk [tilespmem:v13+s2+$0x0], $0xffff;
	_ =	sdelay $0x4  }
0x809: {  	v13 =	vshll.u32 v12, $0x3  }
0x80a: {  	v13 =	vand.u32 $0xFFFFFC00, v13  }
0x80b: {  	v22 =	vand.u32 $0x7F, v12;
	v13 =	vadd.s32 v8, v13  }
0x80c: {  	vm5 =	vlt.s32 v12, $0x300;
	v23 =	vor.u32 v22, v13  }
0x80d: {  	v24 =	vadd.s32 $0x1280, v10;
	v12 =	vor.u32 v3, v23  }
0x80e: {  	v25 =	vor.u32 v9, v24;
	_ =	sdelay $0x3  }
0x80f: {  	[tilespmem:v12+s11+$0x0] =	vst.idx.add.s32.msk vm5, v6  }
0x810: {  	v12 =	vld.idx.msk [tilespmem:v25+s2+$0x0], $0xffff;
	_ =	sdelay $0x4  }
0x811: {  	v14 =	vshll.u32 v12, $0x3  }
0x812: {  	v14 =	vand.u32 $0xFFFFFC00, v14  }
0x813: {  	v26 =	vand.u32 $0x7F, v12;
	v14 =	vadd.s32 v8, v14  }
0x814: {  	vm6 =	vlt.s32 v12, $0x300;
	v27 =	vor.u32 v26, v14  }
0x815: {  	v12 =	vor.u32 v3, v27  }
0x816: {  	v13 =	vor.u32 v11, v24;
	_ =	sdelay $0x3  }
0x817: {  	[tilespmem:v12+s11+$0x0] =	vst.idx.add.s32.msk vm6, v5  }
0x818: {  	v12 =	vld.idx.msk [tilespmem:v13+s2+$0x0], $0xffff;
	_ =	sdelay $0x4  }
0x819: {  	v13 =	vshll.u32 v12, $0x3  }
0x81a: {  	v13 =	vand.u32 $0xFFFFFC00, v13  }
0x81b: {  	v28 =	vand.u32 $0x7F, v12;
	v13 =	vadd.s32 v8, v13  }
0x81c: {  	vm7 =	vlt.s32 v12, $0x300;
	v29 =	vor.u32 v28, v13  }
0x81d: {  	v30 =	vadd.s32 $0x1300, v10;
	v12 =	vor.u32 v3, v29  }
0x81e: {  	v31 =	vor.u32 v9, v30;
	_ =	sdelay $0x3  }
0x81f: {  	[tilespmem:v12+s11+$0x0] =	vst.idx.add.s32.msk vm7, v6  }
0x820: {  	v12 =	vld.idx.msk [tilespmem:v31+s2+$0x0], $0xffff;
	_ =	sdelay $0x4  }
0x821: {  	v14 =	vshll.u32 v12, $0x3  }
0x822: {  	v14 =	vand.u32 $0xFFFFFC00, v14  }
0x823: {  	v32 =	vand.u32 $0x7F, v12;
	v14 =	vadd.s32 v8, v14  }
0x824: {  	vm8 =	vlt.s32 v12, $0x300;
	v33 =	vor.u32 v32, v14  }
0x825: {  	v12 =	vor.u32 v3, v33  }
0x826: {  	v13 =	vor.u32 v11, v30;
	_ =	sdelay $0x3  }
0x827: {  	[tilespmem:v12+s11+$0x0] =	vst.idx.add.s32.msk vm8, v5  }
0x828: {  	v12 =	vld.idx.msk [tilespmem:v13+s2+$0x0], $0xffff;
	_ =	sdelay $0x4  }
0x829: {  	v13 =	vshll.u32 v12, $0x3  }
0x82a: {  	v13 =	vand.u32 $0xFFFFFC00, v13  }
0x82b: {  	v34 =	vand.u32 $0x7F, v12;
	v13 =	vadd.s32 v8, v13  }
0x82c: {  	vm9 =	vlt.s32 v12, $0x300;
	v35 =	vor.u32 v34, v13  }
0x82d: {  	v36 =	vadd.s32 $0x1380, v10;
	v12 =	vor.u32 v3, v35  }
0x82e: {  	v37 =	vor.u32 v9, v36;
	_ =	sdelay $0x3  }
0x82f: {  	[tilespmem:v12+s11+$0x0] =	vst.idx.add.s32.msk vm9, v6  }
0x830: {  	v12 =	vld.idx.msk [tilespmem:v37+s2+$0x0], $0xffff;
	_ =	sdelay $0x4  }
0x831: {  	v14 =	vshll.u32 v12, $0x3  }
0x832: {  	v14 =	vand.u32 $0xFFFFFC00, v14  }
0x833: {  	v38 =	vand.u32 $0x7F, v12;
	v14 =	vadd.s32 v8, v14  }
0x834: {  	vm10 =	vlt.s32 v12, $0x300;
	v39 =	vor.u32 v38, v14  }
0x835: {  	v12 =	vor.u32 v3, v39  }
0x836: {  	v13 =	vor.u32 v11, v36;
	_ =	sdelay $0x3  }
0x837: {  	[tilespmem:v12+s11+$0x0] =	vst.idx.add.s32.msk vm10, v5  }
0x838: {  	v12 =	vld.idx.msk [tilespmem:v13+s2+$0x0], $0xffff;
	_ =	sdelay $0x4  }
0x839: {  	v13 =	vshll.u32 v12, $0x3  }
0x83a: {  	v13 =	vand.u32 $0xFFFFFC00, v13  }
0x83b: {  	v40 =	vand.u32 $0x7F, v12;
	v13 =	vadd.s32 v8, v13  }
0x83c: {  	vm11 =	vlt.s32 v12, $0x300;
	v41 =	vor.u32 v40, v13  }
0x83d: {  	v42 =	vadd.s32 $0x2000, v10;
	v12 =	vor.u32 v3, v41  }
0x83e: {  	v43 =	vor.u32 v9, v42;
	_ =	sdelay $0x3  }
0x83f: {  	[tilespmem:v12+s11+$0x0] =	vst.idx.add.s32.msk vm11, v6  }
0x840: {  	v12 =	vld.idx.msk [tilespmem:v43+s2+$0x0], $0xffff;
	_ =	sdelay $0x4  }
0x841: {  	v14 =	vshll.u32 v12, $0x3  }
0x842: {  	v14 =	vand.u32 $0xFFFFFC00, v14  }
0x843: {  	v44 =	vand.u32 $0x7F, v12;
	v14 =	vadd.s32 v8, v14  }
0x844: {  	vm12 =	vlt.s32 v12, $0x300;
	v45 =	vor.u32 v44, v14  }
0x845: {  	v12 =	vor.u32 v3, v45  }
0x846: {  	v13 =	vor.u32 v11, v42;
	_ =	sdelay $0x3  }
0x847: {  	[tilespmem:v12+s11+$0x0] =	vst.idx.add.s32.msk vm12, v5  }
0x848: {  	v12 =	vld.idx.msk [tilespmem:v13+s2+$0x0], $0xffff;
	_ =	sdelay $0x4  }
0x849: {  	v13 =	vshll.u32 v12, $0x3  }
0x84a: {  	v13 =	vand.u32 $0xFFFFFC00, v13  }
0x84b: {  	v46 =	vand.u32 $0x7F, v12;
	v13 =	vadd.s32 v8, v13  }
0x84c: {  	vm13 =	vlt.s32 v12, $0x300;
	v47 =	vor.u32 v46, v13  }
0x84d: {  	v48 =	vadd.s32 $0x2080, v10;
	v12 =	vor.u32 v3, v47  }
0x84e: {  	v49 =	vor.u32 v9, v48;
	_ =	sdelay $0x3  }
0x84f: {  	[tilespmem:v12+s11+$0x0] =	vst.idx.add.s32.msk vm13, v6  }
0x850: {  	v12 =	vld.idx.msk [tilespmem:v49+s2+$0x0], $0xffff;
	_ =	sdelay $0x4  }
0x851: {  	v14 =	vshll.u32 v12, $0x3  }
0x852: {  	v14 =	vand.u32 $0xFFFFFC00, v14  }
0x853: {  	v50 =	vand.u32 $0x7F, v12;
	v14 =	vadd.s32 v8, v14  }
0x854: {  	vm14 =	vlt.s32 v12, $0x300;
	v51 =	vor.u32 v50, v14  }
0x855: {  	v12 =	vor.u32 v3, v51  }
0x856: {  	v13 =	vor.u32 v11, v48;
	_ =	sdelay $0x3  }
0x857: {  	[tilespmem:v12+s11+$0x0] =	vst.idx.add.s32.msk vm14, v5  }
0x858: {  	v12 =	vld.idx.msk [tilespmem:v13+s2+$0x0], $0xffff;
	_ =	sdelay $0x4  }
0x859: {  	v13 =	vshll.u32 v12, $0x3  }
0x85a: {  	v13 =	vand.u32 $0xFFFFFC00, v13  }
0x85b: {  	v52 =	vand.u32 $0x7F, v12;
	v13 =	vadd.s32 v8, v13  }
0x85c: {  	vm15 =	vlt.s32 v12, $0x300;
	v53 =	vor.u32 v52, v13  }
0x85d: {  	v54 =	vadd.s32 $0x2100, v10;
	v12 =	vor.u32 v3, v53  }
0x85e: {  	v55 =	vor.u32 v9, v54;
	_ =	sdelay $0x3  }
0x85f: {  	[tilespmem:v12+s11+$0x0] =	vst.idx.add.s32.msk vm15, v6  }
0x860: {  	v12 =	vld.idx.msk [tilespmem:v55+s2+$0x0], $0xffff;
	_ =	sdelay $0x4  }
0x861: {  	v14 =	vshll.u32 v12, $0x3  }
0x862: {  	v14 =	vand.u32 $0xFFFFFC00, v14  }
0x863: {  	v56 =	vand.u32 $0x7F, v12;
	v14 =	vadd.s32 v8, v14  }
0x864: {  	vm4 =	vlt.s32 v12, $0x300;
	v57 =	vor.u32 v56, v14  }
0x865: {  	v12 =	vor.u32 v3, v57  }
0x866: {  	v13 =	vor.u32 v11, v54;
	_ =	sdelay $0x3  }
0x867: {  	[tilespmem:v12+s11+$0x0] =	vst.idx.add.s32.msk vm4, v5  }
0x868: {  	v12 =	vld.idx.msk [tilespmem:v13+s2+$0x0], $0xffff;
	_ =	sdelay $0x4  }
0x869: {  	v13 =	vshll.u32 v12, $0x3  }
0x86a: {  	v13 =	vand.u32 $0xFFFFFC00, v13  }
0x86b: {  	v58 =	vand.u32 $0x7F, v12;
	v13 =	vadd.s32 v8, v13  }
0x86c: {  	vm5 =	vlt.s32 v12, $0x300;
	v59 =	vor.u32 v58, v13  }
0x86d: {  	v60 =	vadd.s32 $0x2180, v10;
	v12 =	vor.u32 v3, v59  }
0x86e: {  	v61 =	vor.u32 v9, v60;
	_ =	sdelay $0x3  }
0x86f: {  	[tilespmem:v12+s11+$0x0] =	vst.idx.add.s32.msk vm5, v6  }
0x870: {  	v12 =	vld.idx.msk [tilespmem:v61+s2+$0x0], $0xffff;
	_ =	sdelay $0x4  }
0x871: {  	v14 =	vshll.u32 v12, $0x3  }
0x872: {  	v14 =	vand.u32 $0xFFFFFC00, v14  }
0x873: {  	v62 =	vand.u32 $0x7F, v12;
	v14 =	vadd.s32 v8, v14  }
0x874: {  	vm6 =	vlt.s32 v12, $0x300;
	v63 =	vor.u32 v62, v14  }
0x875: {  	v12 =	vor.u32 v3, v63  }
0x876: {  	v13 =	vor.u32 v11, v60;
	_ =	sdelay $0x3  }
0x877: {  	[tilespmem:v12+s11+$0x0] =	vst.idx.add.s32.msk vm6, v5  }
0x878: {  	v12 =	vld.idx.msk [tilespmem:v13+s2+$0x0], $0xffff;
	_ =	sdelay $0x4  }
0x879: {  	v13 =	vshll.u32 v12, $0x3  }
0x87a: {  	v13 =	vand.u32 $0xFFFFFC00, v13  }
0x87b: {  	v16 =	vand.u32 $0x7F, v12;
	v13 =	vadd.s32 v8, v13  }
0x87c: {  	vm7 =	vlt.s32 v12, $0x300;
	v17 =	vor.u32 v16, v13  }
0x87d: {  	v18 =	vadd.s32 $0x2200, v10;
	v12 =	vor.u32 v3, v17  }
0x87e: {  	v19 =	vor.u32 v9, v18;
	_ =	sdelay $0x3  }
0x87f: {  	[tilespmem:v12+s11+$0x0] =	vst.idx.add.s32.msk vm7, v6  }
0x880: {  	v12 =	vld.idx.msk [tilespmem:v19+s2+$0x0], $0xffff;
	_ =	sdelay $0x4  }
0x881: {  	v14 =	vshll.u32 v12, $0x3  }
0x882: {  	v14 =	vand.u32 $0xFFFFFC00, v14  }
0x883: {  	v20 =	vand.u32 $0x7F, v12;
	v14 =	vadd.s32 v8, v14  }
0x884: {  	vm8 =	vlt.s32 v12, $0x300;
	v21 =	vor.u32 v20, v14  }
0x885: {  	v12 =	vor.u32 v3, v21  }
0x886: {  	v13 =	vor.u32 v11, v18;
	_ =	sdelay $0x3  }
0x887: {  	[tilespmem:v12+s11+$0x0] =	vst.idx.add.s32.msk vm8, v5  }
0x888: {  	v12 =	vld.idx.msk [tilespmem:v13+s2+$0x0], $0xffff;
	_ =	sdelay $0x4  }
0x889: {  	v13 =	vshll.u32 v12, $0x3  }
0x88a: {  	v13 =	vand.u32 $0xFFFFFC00, v13  }
0x88b: {  	v22 =	vand.u32 $0x7F, v12;
	v13 =	vadd.s32 v8, v13  }
0x88c: {  	vm9 =	vlt.s32 v12, $0x300;
	v23 =	vor.u32 v22, v13  }
0x88d: {  	v24 =	vadd.s32 $0x2280, v10;
	v12 =	vor.u32 v3, v23  }
0x88e: {  	v25 =	vor.u32 v9, v24;
	_ =	sdelay $0x3  }
0x88f: {  	[tilespmem:v12+s11+$0x0] =	vst.idx.add.s32.msk vm9, v6  }
0x890: {  	v12 =	vld.idx.msk [tilespmem:v25+s2+$0x0], $0xffff;
	_ =	sdelay $0x4  }
0x891: {  	v14 =	vshll.u32 v12, $0x3  }
0x892: {  	v14 =	vand.u32 $0xFFFFFC00, v14  }
0x893: {  	v26 =	vand.u32 $0x7F, v12;
	v14 =	vadd.s32 v8, v14  }
0x894: {  	vm10 =	vlt.s32 v12, $0x300;
	v27 =	vor.u32 v26, v14  }
0x895: {  	v12 =	vor.u32 v3, v27  }
0x896: {  	v13 =	vor.u32 v11, v24;
	_ =	sdelay $0x3  }
0x897: {  	[tilespmem:v12+s11+$0x0] =	vst.idx.add.s32.msk vm10, v5  }
0x898: {  	v12 =	vld.idx.msk [tilespmem:v13+s2+$0x0], $0xffff;
	_ =	sdelay $0x4  }
0x899: {  	v13 =	vshll.u32 v12, $0x3  }
0x89a: {  	v13 =	vand.u32 $0xFFFFFC00, v13  }
0x89b: {  	v28 =	vand.u32 $0x7F, v12;
	v13 =	vadd.s32 v8, v13  }
0x89c: {  	vm11 =	vlt.s32 v12, $0x300;
	v29 =	vor.u32 v28, v13  }
0x89d: {  	v30 =	vadd.s32 $0x2300, v10;
	v12 =	vor.u32 v3, v29  }
0x89e: {  	v31 =	vor.u32 v9, v30;
	_ =	sdelay $0x3  }
0x89f: {  	[tilespmem:v12+s11+$0x0] =	vst.idx.add.s32.msk vm11, v6  }
0x8a0: {  	v12 =	vld.idx.msk [tilespmem:v31+s2+$0x0], $0xffff;
	_ =	sdelay $0x4  }
0x8a1: {  	v14 =	vshll.u32 v12, $0x3  }
0x8a2: {  	v14 =	vand.u32 $0xFFFFFC00, v14  }
0x8a3: {  	v32 =	vand.u32 $0x7F, v12;
	v14 =	vadd.s32 v8, v14  }
0x8a4: {  	vm12 =	vlt.s32 v12, $0x300;
	v33 =	vor.u32 v32, v14  }
0x8a5: {  	v12 =	vor.u32 v3, v33  }
0x8a6: {  	v13 =	vor.u32 v11, v30;
	_ =	sdelay $0x3  }
0x8a7: {  	[tilespmem:v12+s11+$0x0] =	vst.idx.add.s32.msk vm12, v5  }
0x8a8: {  	v12 =	vld.idx.msk [tilespmem:v13+s2+$0x0], $0xffff;
	_ =	sdelay $0x4  }
0x8a9: {  	v13 =	vshll.u32 v12, $0x3  }
0x8aa: {  	v13 =	vand.u32 $0xFFFFFC00, v13  }
0x8ab: {  	v34 =	vand.u32 $0x7F, v12;
	v13 =	vadd.s32 v8, v13  }
0x8ac: {  	vm13 =	vlt.s32 v12, $0x300;
	v35 =	vor.u32 v34, v13  }
0x8ad: {  	v36 =	vadd.s32 $0x2380, v10;
	v12 =	vor.u32 v3, v35  }
0x8ae: {  	v37 =	vor.u32 v9, v36;
	_ =	sdelay $0x3  }
0x8af: {  	[tilespmem:v12+s11+$0x0] =	vst.idx.add.s32.msk vm13, v6  }
0x8b0: {  	v12 =	vld.idx.msk [tilespmem:v37+s2+$0x0], $0xffff;
	_ =	sdelay $0x4  }
0x8b1: {  	v14 =	vshll.u32 v12, $0x3  }
0x8b2: {  	v14 =	vand.u32 $0xFFFFFC00, v14  }
0x8b3: {  	v38 =	vand.u32 $0x7F, v12;
	v14 =	vadd.s32 v8, v14  }
0x8b4: {  	vm14 =	vlt.s32 v12, $0x300;
	v39 =	vor.u32 v38, v14  }
0x8b5: {  	v12 =	vor.u32 v3, v39  }
0x8b6: {  	v13 =	vor.u32 v11, v36;
	_ =	sdelay $0x3  }
0x8b7: {  	[tilespmem:v12+s11+$0x0] =	vst.idx.add.s32.msk vm14, v5  }
0x8b8: {  	v12 =	vld.idx.msk [tilespmem:v13+s2+$0x0], $0xffff;
	_ =	sdelay $0x4  }
0x8b9: {  	v13 =	vshll.u32 v12, $0x3  }
0x8ba: {  	v13 =	vand.u32 $0xFFFFFC00, v13  }
0x8bb: {  	v40 =	vand.u32 $0x7F, v12;
	v13 =	vadd.s32 v8, v13  }
0x8bc: {  	vm15 =	vlt.s32 v12, $0x300;
	v41 =	vor.u32 v40, v13  }
0x8bd: {  	v42 =	vadd.s32 $0x3000, v10;
	v12 =	vor.u32 v3, v41  }
0x8be: {  	v43 =	vor.u32 v9, v42;
	_ =	sdelay $0x3  }
0x8bf: {  	[tilespmem:v12+s11+$0x0] =	vst.idx.add.s32.msk vm15, v6  }
0x8c0: {  	v12 =	vld.idx.msk [tilespmem:v43+s2+$0x0], $0xffff;
	_ =	sdelay $0x4  }
0x8c1: {  	v14 =	vshll.u32 v12, $0x3  }
0x8c2: {  	v14 =	vand.u32 $0xFFFFFC00, v14  }
0x8c3: {  	v44 =	vand.u32 $0x7F, v12;
	v14 =	vadd.s32 v8, v14  }
0x8c4: {  	vm4 =	vlt.s32 v12, $0x300;
	v45 =	vor.u32 v44, v14  }
0x8c5: {  	v12 =	vor.u32 v3, v45  }
0x8c6: {  	v13 =	vor.u32 v11, v42;
	_ =	sdelay $0x3  }
0x8c7: {  	[tilespmem:v12+s11+$0x0] =	vst.idx.add.s32.msk vm4, v5  }
0x8c8: {  	v12 =	vld.idx.msk [tilespmem:v13+s2+$0x0], $0xffff;
	_ =	sdelay $0x4  }
0x8c9: {  	v13 =	vshll.u32 v12, $0x3  }
0x8ca: {  	v13 =	vand.u32 $0xFFFFFC00, v13  }
0x8cb: {  	v46 =	vand.u32 $0x7F, v12;
	v13 =	vadd.s32 v8, v13  }
0x8cc: {  	vm5 =	vlt.s32 v12, $0x300;
	v47 =	vor.u32 v46, v13  }
0x8cd: {  	v48 =	vadd.s32 $0x3080, v10;
	v12 =	vor.u32 v3, v47  }
0x8ce: {  	v49 =	vor.u32 v9, v48;
	_ =	sdelay $0x3  }
0x8cf: {  	[tilespmem:v12+s11+$0x0] =	vst.idx.add.s32.msk vm5, v6  }
0x8d0: {  	v12 =	vld.idx.msk [tilespmem:v49+s2+$0x0], $0xffff;
	_ =	sdelay $0x4  }
0x8d1: {  	v14 =	vshll.u32 v12, $0x3  }
0x8d2: {  	v14 =	vand.u32 $0xFFFFFC00, v14  }
0x8d3: {  	v50 =	vand.u32 $0x7F, v12;
	v14 =	vadd.s32 v8, v14  }
0x8d4: {  	vm6 =	vlt.s32 v12, $0x300;
	v51 =	vor.u32 v50, v14  }
0x8d5: {  	v12 =	vor.u32 v3, v51  }
0x8d6: {  	v13 =	vor.u32 v11, v48;
	_ =	sdelay $0x3  }
0x8d7: {  	[tilespmem:v12+s11+$0x0] =	vst.idx.add.s32.msk vm6, v5  }
0x8d8: {  	v12 =	vld.idx.msk [tilespmem:v13+s2+$0x0], $0xffff;
	_ =	sdelay $0x4  }
0x8d9: {  	v13 =	vshll.u32 v12, $0x3  }
0x8da: {  	v13 =	vand.u32 $0xFFFFFC00, v13  }
0x8db: {  	v52 =	vand.u32 $0x7F, v12;
	v13 =	vadd.s32 v8, v13  }
0x8dc: {  	vm7 =	vlt.s32 v12, $0x300;
	v53 =	vor.u32 v52, v13  }
0x8dd: {  	v54 =	vadd.s32 $0x3100, v10;
	v12 =	vor.u32 v3, v53  }
0x8de: {  	v55 =	vor.u32 v9, v54;
	_ =	sdelay $0x3  }
0x8df: {  	[tilespmem:v12+s11+$0x0] =	vst.idx.add.s32.msk vm7, v6  }
0x8e0: {  	v12 =	vld.idx.msk [tilespmem:v55+s2+$0x0], $0xffff;
	_ =	sdelay $0x4  }
0x8e1: {  	v14 =	vshll.u32 v12, $0x3  }
0x8e2: {  	v14 =	vand.u32 $0xFFFFFC00, v14  }
0x8e3: {  	v56 =	vand.u32 $0x7F, v12;
	v14 =	vadd.s32 v8, v14  }
0x8e4: {  	vm8 =	vlt.s32 v12, $0x300;
	v57 =	vor.u32 v56, v14  }
0x8e5: {  	v12 =	vor.u32 v3, v57  }
0x8e6: {  	v13 =	vor.u32 v11, v54;
	_ =	sdelay $0x3  }
0x8e7: {  	[tilespmem:v12+s11+$0x0] =	vst.idx.add.s32.msk vm8, v5  }
0x8e8: {  	v12 =	vld.idx.msk [tilespmem:v13+s2+$0x0], $0xffff;
	_ =	sdelay $0x4  }
0x8e9: {  	v13 =	vshll.u32 v12, $0x3  }
0x8ea: {  	v13 =	vand.u32 $0xFFFFFC00, v13  }
0x8eb: {  	v58 =	vand.u32 $0x7F, v12;
	v13 =	vadd.s32 v8, v13  }
0x8ec: {  	vm9 =	vlt.s32 v12, $0x300;
	v59 =	vor.u32 v58, v13  }
0x8ed: {  	v60 =	vadd.s32 $0x3180, v10;
	v12 =	vor.u32 v3, v59  }
0x8ee: {  	v61 =	vor.u32 v9, v60;
	_ =	sdelay $0x3  }
0x8ef: {  	[tilespmem:v12+s11+$0x0] =	vst.idx.add.s32.msk vm9, v6  }
0x8f0: {  	v12 =	vld.idx.msk [tilespmem:v61+s2+$0x0], $0xffff;
	_ =	sdelay $0x4  }
0x8f1: {  	v14 =	vshll.u32 v12, $0x3  }
0x8f2: {  	v14 =	vand.u32 $0xFFFFFC00, v14  }
0x8f3: {  	v62 =	vand.u32 $0x7F, v12;
	v14 =	vadd.s32 v8, v14  }
0x8f4: {  	vm10 =	vlt.s32 v12, $0x300;
	v63 =	vor.u32 v62, v14  }
0x8f5: {  	v12 =	vor.u32 v3, v63  }
0x8f6: {  	v13 =	vor.u32 v11, v60;
	_ =	sdelay $0x3  }
0x8f7: {  	[tilespmem:v12+s11+$0x0] =	vst.idx.add.s32.msk vm10, v5  }
0x8f8: {  	v12 =	vld.idx.msk [tilespmem:v13+s2+$0x0], $0xffff;
	_ =	sdelay $0x4  }
0x8f9: {  	v13 =	vshll.u32 v12, $0x3  }
0x8fa: {  	v13 =	vand.u32 $0xFFFFFC00, v13  }
0x8fb: {  	v16 =	vand.u32 $0x7F, v12;
	v13 =	vadd.s32 v8, v13  }
0x8fc: {  	vm11 =	vlt.s32 v12, $0x300;
	v17 =	vor.u32 v16, v13  }
0x8fd: {  	v18 =	vadd.s32 $0x3200, v10;
	v12 =	vor.u32 v3, v17  }
0x8fe: {  	v19 =	vor.u32 v9, v18;
	_ =	sdelay $0x3  }
0x8ff: {  	[tilespmem:v12+s11+$0x0] =	vst.idx.add.s32.msk vm11, v6  }
0x900: {  	v12 =	vld.idx.msk [tilespmem:v19+s2+$0x0], $0xffff;
	_ =	sdelay $0x4  }
0x901: {  	v14 =	vshll.u32 v12, $0x3  }
0x902: {  	v14 =	vand.u32 $0xFFFFFC00, v14  }
0x903: {  	v20 =	vand.u32 $0x7F, v12;
	v14 =	vadd.s32 v8, v14  }
0x904: {  	vm12 =	vlt.s32 v12, $0x300;
	v21 =	vor.u32 v20, v14  }
0x905: {  	v12 =	vor.u32 v3, v21  }
0x906: {  	v13 =	vor.u32 v11, v18;
	_ =	sdelay $0x3  }
0x907: {  	[tilespmem:v12+s11+$0x0] =	vst.idx.add.s32.msk vm12, v5  }
0x908: {  	v12 =	vld.idx.msk [tilespmem:v13+s2+$0x0], $0xffff;
	_ =	sdelay $0x4  }
0x909: {  	v13 =	vshll.u32 v12, $0x3  }
0x90a: {  	v13 =	vand.u32 $0xFFFFFC00, v13  }
0x90b: {  	v22 =	vand.u32 $0x7F, v12;
	v13 =	vadd.s32 v8, v13  }
0x90c: {  	vm13 =	vlt.s32 v12, $0x300;
	v23 =	vor.u32 v22, v13  }
0x90d: {  	v24 =	vadd.s32 $0x3280, v10;
	v12 =	vor.u32 v3, v23  }
0x90e: {  	v25 =	vor.u32 v9, v24;
	_ =	sdelay $0x3  }
0x90f: {  	[tilespmem:v12+s11+$0x0] =	vst.idx.add.s32.msk vm13, v6  }
0x910: {  	v12 =	vld.idx.msk [tilespmem:v25+s2+$0x0], $0xffff;
	_ =	sdelay $0x4  }
0x911: {  	v14 =	vshll.u32 v12, $0x3  }
0x912: {  	v14 =	vand.u32 $0xFFFFFC00, v14  }
0x913: {  	v26 =	vand.u32 $0x7F, v12;
	v14 =	vadd.s32 v8, v14  }
0x914: {  	vm14 =	vlt.s32 v12, $0x300;
	v27 =	vor.u32 v26, v14  }
0x915: {  	v12 =	vor.u32 v3, v27  }
0x916: {  	v13 =	vor.u32 v11, v24;
	_ =	sdelay $0x3  }
0x917: {  	[tilespmem:v12+s11+$0x0] =	vst.idx.add.s32.msk vm14, v5  }
0x918: {  	v12 =	vld.idx.msk [tilespmem:v13+s2+$0x0], $0xffff;
	_ =	sdelay $0x4  }
0x919: {  	v13 =	vshll.u32 v12, $0x3  }
0x91a: {  	v13 =	vand.u32 $0xFFFFFC00, v13  }
0x91b: {  	v28 =	vand.u32 $0x7F, v12;
	v13 =	vadd.s32 v8, v13  }
0x91c: {  	vm15 =	vlt.s32 v12, $0x300;
	v29 =	vor.u32 v28, v13  }
0x91d: {  	v30 =	vadd.s32 $0x3300, v10;
	v12 =	vor.u32 v3, v29  }
0x91e: {  	v31 =	vor.u32 v9, v30;
	_ =	sdelay $0x3  }
0x91f: {  	[tilespmem:v12+s11+$0x0] =	vst.idx.add.s32.msk vm15, v6  }
0x920: {  	v12 =	vld.idx.msk [tilespmem:v31+s2+$0x0], $0xffff;
	_ =	sdelay $0x4  }
0x921: {  	v14 =	vshll.u32 v12, $0x3  }
0x922: {  	v14 =	vand.u32 $0xFFFFFC00, v14  }
0x923: {  	v32 =	vand.u32 $0x7F, v12;
	v14 =	vadd.s32 v8, v14  }
0x924: {  	vm4 =	vlt.s32 v12, $0x300;
	v33 =	vor.u32 v32, v14  }
0x925: {  	v12 =	vor.u32 v3, v33  }
0x926: {  	v13 =	vor.u32 v11, v30;
	_ =	sdelay $0x3  }
0x927: {  	[tilespmem:v12+s11+$0x0] =	vst.idx.add.s32.msk vm4, v5  }
0x928: {  	v12 =	vld.idx.msk [tilespmem:v13+s2+$0x0], $0xffff;
	_ =	sdelay $0x4  }
0x929: {  	v13 =	vshll.u32 v12, $0x3  }
0x92a: {  	v13 =	vand.u32 $0xFFFFFC00, v13  }
0x92b: {  	v34 =	vand.u32 $0x7F, v12;
	v13 =	vadd.s32 v8, v13  }
0x92c: {  	vm5 =	vlt.s32 v12, $0x300;
	v35 =	vor.u32 v34, v13  }
0x92d: {  	v36 =	vadd.s32 $0x3380, v10;
	v12 =	vor.u32 v3, v35  }
0x92e: {  	v37 =	vor.u32 v9, v36;
	_ =	sdelay $0x3  }
0x92f: {  	[tilespmem:v12+s11+$0x0] =	vst.idx.add.s32.msk vm5, v6  }
0x930: {  	v12 =	vld.idx.msk [tilespmem:v37+s2+$0x0], $0xffff;
	_ =	sdelay $0x4  }
0x931: {  	v14 =	vshll.u32 v12, $0x3  }
0x932: {  	v14 =	vand.u32 $0xFFFFFC00, v14  }
0x933: {  	v38 =	vand.u32 $0x7F, v12;
	v14 =	vadd.s32 v8, v14  }
0x934: {  	vm6 =	vlt.s32 v12, $0x300;
	v39 =	vor.u32 v38, v14  }
0x935: {  	v12 =	vor.u32 v3, v39  }
0x936: {  	v13 =	vor.u32 v11, v36;
	_ =	sdelay $0x3  }
0x937: {  	[tilespmem:v12+s11+$0x0] =	vst.idx.add.s32.msk vm6, v5  }
0x938: {  	v12 =	vld.idx.msk [tilespmem:v13+s2+$0x0], $0xffff;
	_ =	sdelay $0x4  }
0x939: {  	v13 =	vshll.u32 v12, $0x3  }
0x93a: {  	v13 =	vand.u32 $0xFFFFFC00, v13  }
0x93b: {  	v40 =	vand.u32 $0x7F, v12;
	v13 =	vadd.s32 v8, v13  }
0x93c: {  	vm7 =	vlt.s32 v12, $0x300;
	v41 =	vor.u32 v40, v13  }
0x93d: {  	v42 =	vadd.s32 $0x4000, v10;
	v12 =	vor.u32 v3, v41  }
0x93e: {  	v43 =	vor.u32 v9, v42;
	_ =	sdelay $0x3  }
0x93f: {  	[tilespmem:v12+s11+$0x0] =	vst.idx.add.s32.msk vm7, v6  }
0x940: {  	v12 =	vld.idx.msk [tilespmem:v43+s2+$0x0], $0xffff;
	_ =	sdelay $0x4  }
0x941: {  	v14 =	vshll.u32 v12, $0x3  }
0x942: {  	v14 =	vand.u32 $0xFFFFFC00, v14  }
0x943: {  	v44 =	vand.u32 $0x7F, v12;
	v14 =	vadd.s32 v8, v14  }
0x944: {  	vm8 =	vlt.s32 v12, $0x300;
	v45 =	vor.u32 v44, v14  }
0x945: {  	v12 =	vor.u32 v3, v45  }
0x946: {  	v13 =	vor.u32 v11, v42;
	_ =	sdelay $0x3  }
0x947: {  	[tilespmem:v12+s11+$0x0] =	vst.idx.add.s32.msk vm8, v5  }
0x948: {  	v12 =	vld.idx.msk [tilespmem:v13+s2+$0x0], $0xffff;
	_ =	sdelay $0x4  }
0x949: {  	v13 =	vshll.u32 v12, $0x3  }
0x94a: {  	v13 =	vand.u32 $0xFFFFFC00, v13  }
0x94b: {  	v46 =	vand.u32 $0x7F, v12;
	v13 =	vadd.s32 v8, v13  }
0x94c: {  	vm9 =	vlt.s32 v12, $0x300;
	v47 =	vor.u32 v46, v13  }
0x94d: {  	v48 =	vadd.s32 $0x4080, v10;
	v12 =	vor.u32 v3, v47  }
0x94e: {  	v49 =	vor.u32 v9, v48;
	_ =	sdelay $0x3  }
0x94f: {  	[tilespmem:v12+s11+$0x0] =	vst.idx.add.s32.msk vm9, v6  }
0x950: {  	v12 =	vld.idx.msk [tilespmem:v49+s2+$0x0], $0xffff;
	_ =	sdelay $0x4  }
0x951: {  	v14 =	vshll.u32 v12, $0x3  }
0x952: {  	v14 =	vand.u32 $0xFFFFFC00, v14  }
0x953: {  	v50 =	vand.u32 $0x7F, v12;
	v14 =	vadd.s32 v8, v14  }
0x954: {  	vm10 =	vlt.s32 v12, $0x300;
	v51 =	vor.u32 v50, v14  }
0x955: {  	v12 =	vor.u32 v3, v51  }
0x956: {  	v13 =	vor.u32 v11, v48;
	_ =	sdelay $0x3  }
0x957: {  	[tilespmem:v12+s11+$0x0] =	vst.idx.add.s32.msk vm10, v5  }
0x958: {  	v12 =	vld.idx.msk [tilespmem:v13+s2+$0x0], $0xffff;
	_ =	sdelay $0x4  }
0x959: {  	v13 =	vshll.u32 v12, $0x3  }
0x95a: {  	v13 =	vand.u32 $0xFFFFFC00, v13  }
0x95b: {  	v52 =	vand.u32 $0x7F, v12;
	v13 =	vadd.s32 v8, v13  }
0x95c: {  	vm11 =	vlt.s32 v12, $0x300;
	v53 =	vor.u32 v52, v13  }
0x95d: {  	v54 =	vadd.s32 $0x4100, v10;
	v12 =	vor.u32 v3, v53  }
0x95e: {  	v55 =	vor.u32 v9, v54;
	_ =	sdelay $0x3  }
0x95f: {  	[tilespmem:v12+s11+$0x0] =	vst.idx.add.s32.msk vm11, v6  }
0x960: {  	v12 =	vld.idx.msk [tilespmem:v55+s2+$0x0], $0xffff;
	_ =	sdelay $0x4  }
0x961: {  	v14 =	vshll.u32 v12, $0x3  }
0x962: {  	v14 =	vand.u32 $0xFFFFFC00, v14  }
0x963: {  	v56 =	vand.u32 $0x7F, v12;
	v14 =	vadd.s32 v8, v14  }
0x964: {  	vm12 =	vlt.s32 v12, $0x300;
	v57 =	vor.u32 v56, v14  }
0x965: {  	v12 =	vor.u32 v3, v57  }
0x966: {  	v13 =	vor.u32 v11, v54;
	_ =	sdelay $0x3  }
0x967: {  	[tilespmem:v12+s11+$0x0] =	vst.idx.add.s32.msk vm12, v5  }
0x968: {  	v12 =	vld.idx.msk [tilespmem:v13+s2+$0x0], $0xffff;
	_ =	sdelay $0x4  }
0x969: {  	v13 =	vshll.u32 v12, $0x3  }
0x96a: {  	v13 =	vand.u32 $0xFFFFFC00, v13  }
0x96b: {  	v58 =	vand.u32 $0x7F, v12;
	v13 =	vadd.s32 v8, v13  }
0x96c: {  	vm13 =	vlt.s32 v12, $0x300;
	v59 =	vor.u32 v58, v13  }
0x96d: {  	v10 =	vadd.s32 $0x4180, v10;
	v12 =	vor.u32 v3, v59  }
0x96e: {  	v9 =	vor.u32 v9, v10;
	_ =	sdelay $0x3  }
0x96f: {  	[tilespmem:v12+s11+$0x0] =	vst.idx.add.s32.msk vm13, v6  }
0x970: {  	v9 =	vld.idx.msk [tilespmem:v9+s2+$0x0], $0xffff;
	_ =	sdelay $0x4  }
0x971: {  	v60 =	vshll.u32 v9, $0x3  }
0x972: {  	v12 =	vand.u32 $0xFFFFFC00, v60  }
0x973: {  	v61 =	vand.u32 $0x7F, v9;
	v12 =	vadd.s32 v8, v12  }
0x974: {  	vm14 =	vlt.s32 v9, $0x300;
	v62 =	vor.u32 v61, v12  }
0x975: {  	v9 =	vor.u32 v3, v62  }
0x976: {  	v10 =	vor.u32 v11, v10;
	_ =	sdelay $0x3  }
0x977: {  	[tilespmem:v9+s11+$0x0] =	vst.idx.add.s32.msk vm14, v5  }
0x978: {  	v9 =	vld.idx.msk [tilespmem:v10+s2+$0x0], $0xffff;
	_ =	sdelay $0x4  }
0x979: {  	v10 =	vshll.u32 v9, $0x3  }
0x97a: {  	v10 =	vand.u32 $0xFFFFFC00, v10  }
0x97b: {  	v63 =	vand.u32 $0x7F, v9;
	v8 =	vadd.s32 v8, v10  }
0x97c: {  	vm15 =	vlt.s32 v9, $0x300;
	v8 =	vor.u32 v63, v8  }
0x97d: {  	p1 =	sne.s32 s15, $0x30;
	v8 =	vor.u32 v3, v8  }
.Ltmp4:
0x97e: {  	_ = 	snop;
	(pc) =	sbr.rel @p1 .LBB2_11-.Ltmp4, $2  }
0x97f: {  	_ =	sdelay $0x2  }
0x980: {  	s15 =	sadd.s32 $0x10, s15;
	[tilespmem:v8+s11+$0x0] =	vst.idx.add.s32.msk vm15, v6  }
.Ltmp5:
0x981: {  	(pc) =	sbr.rel @p0 .LBB2_4-.Ltmp5, $2  }
0x982: {  	_ =	sdelay $0x2  }
0x983: {  	s15 =	simm.s32 $0x80;
	p1 =	por $0x0, $0x0  }
0x984: {  	s14 =	sadd.s32 $0x1, s14  }
0x985: {  	p0 =	sne.s32 s14, s6  }
.Ltmp6:
0x986: {  	_ = 	snop;
	(pc) =	sbr.rel @p0 .LBB2_1-.Ltmp6, $1  }
0x987: {  	_ =	sdelay $0x3  }
0x988: {  	_ =	sfence.sel $0x180000  }
0x989: {  	[bflag:$0x0] =	sbarrier.arrive $0xFFFF  }
0x98a: {  	p0 =	sne.s32 s1, $0x0;
	_ =	strace $0x90000047  }
0x98b: {  	s0 =	sadd.s32 @!p0 $0x100000, s0;
	[bflag:$0x2] =	sbarrier.arrive $0xFFFF  }
0x98c: {  	[sflag:s0] =	ssyncadd.tile.s32 @!p0 $0x1;
	_ =	shalt  }
.Lfunc_end2:
_tile_overlayer_lowered:
.L_overlay_start_2:
0x98d: {  	(tag) =	ssettag $0x2  }
0x98e: {  	s0 =	rddreg [dreg:$0x0];
	s2 =	stileid.u32  }
0x98f: {  	s1 =	rddreg [dreg:$0x1];
	p0 =	sne.s32 s2, $0x0  }
0x990: {  	s3 =	rddreg [dreg:$0x2];
	[bflag:$0x3] =	sbarrier.arrive $0xFFFF;
	s2 =	simm.s32 @!p0 $0x1C03  }
0x991: {  	[timem:s3], [sflag:s2] =	dma.local @!p0 [hbm:s0], s1  }
0x992: {  	s0 =	simm.s32 @!p0 $0x3  }
0x993: {  	_ =	swait.ge @!p0 [sflag:s0], s1  }
0x994: {  	s1 =	ssub.s32 @!p0 $0x0, s1;
	[sflag:s0] =	ssyncset.done @!p0 $0x0  }
0x995: {  	[sflag:s0] =	ssyncadd.s32 @!p0 s1  }
0x996: {  	[bflag:$0x3] =	sbarrier.arrive $0xFFFF  }
0x997: {  	_ =	shalt  }

</sc_bundles>
